<compile_context>
chip_gen: v7x
topology: tpu7x:2x2x1
jax: 0.10.2.dev20260603
libtpu: 0.0.44.dev20260713+nightly
codegen_flags: <defaults>
</compile_context>

<pallas_src>
import functools

import jax
import jax.numpy as jnp
from jax import lax
from jax.experimental import pallas as pl
from jax.experimental.pallas import tpu as pltpu
from jax.experimental.pallas import tpu_sc as plsc

NC = 2
NS = 16
LB = 128



def _mm1_body(x_ref, w_ref, o_ref):
    c = pl.program_id(1)
    w = w_ref[:, pl.ds(c * 128, 128)]
    o_ref[...] = jnp.dot(x_ref[...], w, preferred_element_type=jnp.float32)


def _mm1(x, W1, bm):
    n, f = x.shape
    grid = (n // bm, 2)
    return pl.pallas_call(
        _mm1_body,
        grid=grid,
        in_specs=[
            pl.BlockSpec((bm, f), lambda i, c: (i, 0)),
            pl.BlockSpec((f, 256), lambda i, c: (0, 0)),
        ],
        out_specs=pl.BlockSpec((bm, 128), lambda i, c: (c * (n // bm) + i, 0)),
        out_shape=jax.ShapeDtypeStruct((2 * n, 128), jnp.float32),
    )(x, W1)


def _mm2_body(h_ref, w_ref, o_ref):
    h = jnp.maximum(h_ref[...], 0.0)
    o_ref[...] = jnp.dot(h, w_ref[...], preferred_element_type=jnp.float32)


def _mm2(h, W2p, bm):
    n, hdim = h.shape
    cp = W2p.shape[1]
    return pl.pallas_call(
        _mm2_body,
        grid=(n // bm,),
        in_specs=[
            pl.BlockSpec((bm, hdim), lambda i: (i, 0)),
            pl.BlockSpec((hdim, cp), lambda i: (0, 0)),
        ],
        out_specs=pl.BlockSpec((bm, cp), lambda i: (i, 0)),
        out_shape=jax.ShapeDtypeStruct((n, cp), jnp.float32),
    )(h, W2p)


def _final_body(a0_ref, a1_ref, b_ref, o_ref):
    h = a0_ref[...] + a1_ref[...] + b_ref[...]
    m = jnp.max(h, axis=1, keepdims=True)
    lse = jnp.log(jnp.sum(jnp.exp(h - m), axis=1, keepdims=True))
    o_ref[...] = h - m - lse



def _final(a0, a1, b2p, bm):
    n, cp = a0.shape
    return pl.pallas_call(
        _final_body,
        grid=(n // bm,),
        in_specs=[
            pl.BlockSpec((bm, cp), lambda i: (i, 0)),
            pl.BlockSpec((bm, cp), lambda i: (i, 0)),
            pl.BlockSpec((1, cp), lambda i: (0, 0)),
        ],
        out_specs=pl.BlockSpec((bm, cp), lambda i: (i, 0)),
        out_shape=jax.ShapeDtypeStruct((n, cp), jnp.float32),
    )(a0, a1, b2p.reshape(1, cp))



GB = 16


def _make_agg(*, d, nr, g_sub, src_stride, dst_stride, tc_tiling, gq, gb=GB):
    nrow_sub = nr // NS
    mesh = plsc.VectorSubcoreMesh(
        core_axis_name="c", subcore_axis_name="s", num_cores=NC,
        num_subcores=NS)
    scratch = [
        pltpu.VMEM_SHARED((nr, d), jnp.float32),
        pltpu.VMEM((gq, LB, d), jnp.float32),
        pltpu.VMEM((gb, LB), jnp.int32),
        pltpu.VMEM((gb, LB), jnp.int32),
        pltpu.VMEM((gb, LB), jnp.int32),
        pltpu.VMEM((gb, LB), jnp.int32),
    ] + [pltpu.SemaphoreType.DMA] * (gq + 2)

    def build(out_type):
        @functools.partial(
            pl.kernel, out_type=out_type, mesh=mesh,
            compiler_params=pltpu.CompilerParams(
                use_tc_tiling_on_sc=tc_tiling),
            scratch_types=scratch,
        )
        def k(sup, srcI, dstI, initI, out_hbm,
              agg_sh, ring, srcA, dstA, srcB, dstB, *sems):
            gsem = sems[:gq]
            isem = sems[gq:]
            c = lax.axis_index("c")
            s = lax.axis_index("s")
            r0 = s * nrow_sub
            pltpu.sync_copy(initI.at[pl.ds(c * nr + r0, nrow_sub)],
                            agg_sh.at[pl.ds(r0, nrow_sub)])
            plsc.subcore_barrier()
            sbase = c * src_stride + s * g_sub
            dbase = c * dst_stride + s * g_sub
            bufs = [(srcA, dstA, isem[0]), (srcB, dstB, isem[1])]

            def fetch_idx(g_off, parity):
                sb, db, sm = bufs[parity]
                pltpu.async_copy(srcI.at[sbase + g_off], sb, sm)
                pltpu.async_copy(dstI.at[dbase + g_off], db, sm)

            def process_group(g_off, parity, pre_off, pre_ok):
                sb, db, sm = bufs[parity]
                pltpu.make_async_copy(srcI.at[sbase], sb, sm).wait()
                pltpu.make_async_copy(dstI.at[dbase], db, sm).wait()
                ds = []
                for i in range(gq):
                    ds.append(pltpu.async_copy(
                        sup.at[sb.at[i]], ring.at[i % gq], gsem[i % gq]))
                for i in range(gb):
                    ds[i].wait()
                    if i + gq < gb:
                        ds.append(pltpu.async_copy(
                            sup.at[sb.at[i + gq]], ring.at[(i + gq) % gq],
                            gsem[(i + gq) % gq]))
                    if d != 128:
                        pltpu.sync_copy(ring.at[i % gq], agg_sh.at[db.at[i]],
                                        add=True)

                @pl.when(pre_ok)
                def _():
                    fetch_idx(pre_off, parity)

            fetch_idx(0, 0)
            fetch_idx(1, 1)

            def body(u, carry):
                j = 2 * u
                process_group(j, 0, j + 2, j + 2 < g_sub)
                process_group(j + 1, 1, j + 3, j + 3 < g_sub)
                return carry

            lax.fori_loop(0, g_sub // 2, body, 0)
            plsc.subcore_barrier()
            pltpu.sync_copy(agg_sh.at[pl.ds(r0, nrow_sub)],
                            out_hbm.at[pl.ds(c * nr + r0, nrow_sub)])

        return k

    return build


def _agg1(sup_flat, src_all, dst3d, init1, grp32, nr):
    build = _make_agg(d=128, nr=nr, g_sub=grp32 // NS,
                      src_stride=grp32, dst_stride=0, tc_tiling=True,
                      gq=2, gb=32)
    k = build(jax.ShapeDtypeStruct((NC * nr, 128), jnp.float32))
    return k(sup_flat, src_all, dst3d, init1)


def _agg2(sup2, src3d, dst3d, zeros2, grp_total, nr, cp):
    build = _make_agg(d=cp, nr=nr, g_sub=grp_total // (NC * NS),
                      src_stride=grp_total // NC,
                      dst_stride=grp_total // NC, tc_tiling=False, gq=6)
    k = build(jax.ShapeDtypeStruct((NC * nr, cp), jnp.float32))
    return k(sup2, src3d, dst3d, zeros2)



def kernel(x, edge_index, W1, b1, W2, b2):
    n, f = x.shape
    h = W1.shape[1]
    c_out = W2.shape[1]
    e = edge_index.shape[1]
    cp = 16
    unit = LB * GB * NC * NS * 2
    ep = -(-e // unit) * unit
    grp_total = ep // (LB * GB)
    nr = -(-(n + 1) // (8 * NS)) * (8 * NS)

    src = edge_index[0].astype(jnp.int32)
    dst = edge_index[1].astype(jnp.int32)
    pad = ep - e
    srcp = jnp.concatenate([src, jnp.zeros((pad,), jnp.int32)])
    dstp = jnp.concatenate([dst, jnp.full((pad,), n, jnp.int32)])
    src3d = srcp.reshape(grp_total, GB, LB)
    dst3d = dstp.reshape(grp_total, GB, LB)
    grp32 = ep // (LB * 32)
    src32 = srcp.reshape(grp32, 32, LB)
    src_all = jnp.concatenate([src32, src32 + n], axis=0)
    dst32 = dstp.reshape(grp32, 32, LB)
    init1 = jnp.broadcast_to(b1.reshape(NC, 1, 128), (NC, nr, 128))
    init1 = init1.reshape(NC * nr, 128)
    zeros2 = jnp.zeros((NC * nr, cp), jnp.float32)
    W2p = jnp.pad(W2, ((0, 0), (0, cp - c_out)))
    b2p = jnp.pad(b2, (0, cp - c_out), constant_values=-1e30)

    bm = 1000
    sup1 = _mm1(x, W1, bm)
    agg1 = _agg1(sup1, src_all, dst32, init1, grp32, nr)
    h1 = jnp.concatenate([agg1[:n], agg1[nr:nr + n]], axis=1)
    sup2 = _mm2(h1, W2p, bm)
    agg2 = _agg2(sup2, src3d, dst3d, zeros2, grp_total, nr, cp)
    out = _final(agg2[:n], agg2[nr:nr + n], b2p, bm)
    return out[:, :c_out]

# --- scband reference (transcript-rebuilt; emitter-appended) ---
"""Pipeline reference for scband-method-gnn-34746285425024 (READ-ONLY COPY).

The authoritative reference and input builder live on the scoring server;
editing this copy changes nothing except your own understanding.
"""

import jax, jax.numpy as jnp
import numpy as np

N = 10000
E = 640000
F_IN = 1433
H = 256
C = 7


def setup_inputs(seed: int = 0) -> dict:
    key = jax.random.key(seed)
    k1, k2, k3, k4 = jax.random.split(key, 4)
    x = jax.random.normal(k1, (N, F_IN), dtype=jnp.float32)
    edge_index = jax.random.randint(k2, (2, E), 0, N)
    # learned parameters (GraphConvolution weight/bias for both layers);
    # random init instead of zeros/ones so the computation is non-degenerate
    W1 = jax.random.normal(k3, (F_IN, H), dtype=jnp.float32) * 0.05
    b1 = jnp.ones((H,), dtype=jnp.float32)
    W2 = jax.random.normal(k4, (H, C), dtype=jnp.float32) * 0.05
    b2 = jnp.ones((C,), dtype=jnp.float32)
    return {"x": x, "edge_index": edge_index, "W1": W1, "b1": b1, "W2": W2, "b2": b2}


def reference(x, edge_index, W1, b1, W2, b2):
    # GraphConvolution layer 1: support = x @ W ; out = spmm(adj, support) + b
    # spmm with binary COO adj == gather rows at src, scatter-add at dst
    src = edge_index[0]
    dst = edge_index[1]
    n = x.shape[0]
    support1 = x @ W1
    agg1 = jax.ops.segment_sum(jnp.take(support1, src, axis=0), dst, num_segments=n)
    h1 = jax.nn.relu(agg1 + b1)
    # GraphConvolution layer 2
    support2 = h1 @ W2
    agg2 = jax.ops.segment_sum(jnp.take(support2, src, axis=0), dst, num_segments=n)
    h2 = agg2 + b2
    return jax.nn.log_softmax(h2, axis=1)

if __name__ == "__main__":
    import jax
    _d = setup_inputs()
    print(jax.jit(kernel)(*tuple(_d.values())))

</pallas_src>

<mosaic_0001>
#map = affine_map<(d0, d1) -> (0, 0)>
#map1 = affine_map<(d0, d1) -> (0, 0, 0)>
module attributes {stable_mosaic.version = 14 : i64} {
  func.func @k(%arg0: i32, %arg1: i32, %arg2: memref<20000x128xf32, #tpu.memory_space<hbm>>, %arg3: memref<320x32x128xi32, #tpu.memory_space<hbm>>, %arg4: memref<160x32x128xi32, #tpu.memory_space<hbm>>, %arg5: memref<20224x128xf32, #tpu.memory_space<hbm>>, %arg6: memref<20224x128xf32, #tpu.memory_space<hbm>>, %arg7: memref<10112x128xf32, #tpu.memory_space<vmem_shared>>, %arg8: memref<2x128x128xf32, #tpu.memory_space<vmem>>, %arg9: memref<32x128xi32, #tpu.memory_space<vmem>>, %arg10: memref<32x128xi32, #tpu.memory_space<vmem>>, %arg11: memref<32x128xi32, #tpu.memory_space<vmem>>, %arg12: memref<32x128xi32, #tpu.memory_space<vmem>>, %arg13: memref<!tpu.dma_semaphore, #tpu.memory_space<semaphore_mem>>, %arg14: memref<!tpu.dma_semaphore, #tpu.memory_space<semaphore_mem>>, %arg15: memref<!tpu.dma_semaphore, #tpu.memory_space<semaphore_mem>>, %arg16: memref<!tpu.dma_semaphore, #tpu.memory_space<semaphore_mem>>) attributes {dimension_semantics = [#tpu.dimension_semantics<core_parallel>, #tpu.dimension_semantics<subcore_parallel>], iteration_bounds = array<i64: 2, 16>, scalar_prefetch = 0 : i64, scratch_operands = 10 : i64, tpu.core_type = #tpu.core_type<sc_vector_subcore>, window_params = [{transform_indices = #map}, {transform_indices = #map1}, {transform_indices = #map1}, {transform_indices = #map}, {transform_indices = #map}]} {
    %mul3A = arith.constant 632 : i32
    %mul3A_0 = arith.muli %arg1, %mul3A : i32
    %mul3A_1 = arith.constant 10112 : i32
    %mul3A_2 = arith.muli %arg0, %mul3A_1 : i32
    %add3A = arith.addi %mul3A_2, %mul3A_0 : i32
    "tpu.region"() ({
      %run_scoped3A = tpu.sem_alloc : memref<!tpu.dma_semaphore, #tpu.memory_space<semaphore_mem>>
      %dma_start3A_61 = arith.constant 0 : i32
      %dma_start3A_62 = tpu.memref_slice %arg7[%mul3A_0, %dma_start3A_61] : memref<10112x128xf32, #tpu.memory_space<vmem_shared>> -> memref<632x128xf32, #tpu.memory_space<vmem_shared>>
      %dma_start3A_63 = arith.constant 0 : i32
      %dma_start3A_64 = tpu.memref_slice %arg5[%add3A, %dma_start3A_63] : memref<20224x128xf32, #tpu.memory_space<hbm>> -> memref<632x128xf32, #tpu.memory_space<hbm>>
      tpu.enqueue_dma source(%dma_start3A_64 : memref<632x128xf32, #tpu.memory_space<hbm>>) target(%dma_start3A_62 : memref<632x128xf32, #tpu.memory_space<vmem_shared>>) target_semaphore(%run_scoped3A : memref<!tpu.dma_semaphore, #tpu.memory_space<semaphore_mem>>)
      %dma_wait3A = arith.constant 0 : i32
      %dma_wait3A_65 = tpu.memref_slice %arg7[%mul3A_0, %dma_wait3A] : memref<10112x128xf32, #tpu.memory_space<vmem_shared>> -> memref<632x128xf32, #tpu.memory_space<vmem_shared>>
      %dma_wait3A_66 = arith.constant 0 : i32
      %dma_wait3A_67 = tpu.memref_slice %arg5[%add3A, %dma_wait3A_66] : memref<20224x128xf32, #tpu.memory_space<hbm>> -> memref<632x128xf32, #tpu.memory_space<hbm>>
      tpu.wait_dma2 semaphore(%run_scoped3A : memref<!tpu.dma_semaphore, #tpu.memory_space<semaphore_mem>>) src(%dma_wait3A_67 : memref<632x128xf32, #tpu.memory_space<hbm>>) dst(%dma_wait3A_65 : memref<632x128xf32, #tpu.memory_space<vmem_shared>>)
      tpu.yield
    }) : () -> ()
    %barrier3A = arith.constant 0 : index
    tpu.barrier barrier_id(%barrier3A)
    %mul3A_3 = arith.constant 160 : i32
    %mul3A_4 = arith.muli %arg0, %mul3A_3 : i32
    %mul3A_5 = arith.constant 10 : i32
    %mul3A_6 = arith.muli %arg1, %mul3A_5 : i32
    %add3A_7 = arith.addi %mul3A_4, %mul3A_6 : i32
    %mul3A_8 = arith.constant 0 : i32
    %mul3A_9 = arith.muli %arg0, %mul3A_8 : i32
    %mul3A_10 = arith.constant 10 : i32
    %mul3A_11 = arith.muli %arg1, %mul3A_10 : i32
    %add3A_12 = arith.addi %mul3A_9, %mul3A_11 : i32
    %add3A_13 = arith.constant 0 : i32
    %add3A_14 = arith.addi %add3A_7, %add3A_13 : i32
    %dma_start3A = arith.constant 0 : i32
    %dma_start3A_15 = arith.constant 0 : i32
    %dma_start3A_16 = tpu.memref_slice %arg3[%add3A_14, %dma_start3A, %dma_start3A_15] : memref<320x32x128xi32, #tpu.memory_space<hbm>> -> memref<1x32x128xi32, #tpu.memory_space<hbm>>
    %dma_start3A_17 = tpu.memref_squeeze %dma_start3A_16 : memref<1x32x128xi32, #tpu.memory_space<hbm>> -> memref<32x128xi32, #tpu.memory_space<hbm>>
    %dma_start3A_18 = arith.constant 0 : i32
    %dma_start3A_19 = arith.constant 0 : i32
    %dma_start3A_20 = tpu.memref_slice %arg3[%add3A_14, %dma_start3A_18, %dma_start3A_19] : memref<320x32x128xi32, #tpu.memory_space<hbm>> -> memref<1x32x128xi32, #tpu.memory_space<hbm>>
    %dma_start3A_21 = tpu.memref_squeeze %dma_start3A_20 : memref<1x32x128xi32, #tpu.memory_space<hbm>> -> memref<32x128xi32, #tpu.memory_space<hbm>>
    tpu.enqueue_dma source(%dma_start3A_21 : memref<32x128xi32, #tpu.memory_space<hbm>>) target(%arg9 : memref<32x128xi32, #tpu.memory_space<vmem>>) target_semaphore(%arg15 : memref<!tpu.dma_semaphore, #tpu.memory_space<semaphore_mem>>)
    %add3A_22 = arith.constant 0 : i32
    %add3A_23 = arith.addi %add3A_12, %add3A_22 : i32
    %dma_start3A_24 = arith.constant 0 : i32
    %dma_start3A_25 = arith.constant 0 : i32
    %dma_start3A_26 = tpu.memref_slice %arg4[%add3A_23, %dma_start3A_24, %dma_start3A_25] : memref<160x32x128xi32, #tpu.memory_space<hbm>> -> memref<1x32x128xi32, #tpu.memory_space<hbm>>
    %dma_start3A_27 = tpu.memref_squeeze %dma_start3A_26 : memref<1x32x128xi32, #tpu.memory_space<hbm>> -> memref<32x128xi32, #tpu.memory_space<hbm>>
    %dma_start3A_28 = arith.constant 0 : i32
    %dma_start3A_29 = arith.constant 0 : i32
    %dma_start3A_30 = tpu.memref_slice %arg4[%add3A_23, %dma_start3A_28, %dma_start3A_29] : memref<160x32x128xi32, #tpu.memory_space<hbm>> -> memref<1x32x128xi32, #tpu.memory_space<hbm>>
    %dma_start3A_31 = tpu.memref_squeeze %dma_start3A_30 : memref<1x32x128xi32, #tpu.memory_space<hbm>> -> memref<32x128xi32, #tpu.memory_space<hbm>>
    tpu.enqueue_dma source(%dma_start3A_31 : memref<32x128xi32, #tpu.memory_space<hbm>>) target(%arg10 : memref<32x128xi32, #tpu.memory_space<vmem>>) target_semaphore(%arg15 : memref<!tpu.dma_semaphore, #tpu.memory_space<semaphore_mem>>)
    %add3A_32 = arith.constant 1 : i32
    %add3A_33 = arith.addi %add3A_7, %add3A_32 : i32
    %dma_start3A_34 = arith.constant 0 : i32
    %dma_start3A_35 = arith.constant 0 : i32
    %dma_start3A_36 = tpu.memref_slice %arg3[%add3A_33, %dma_start3A_34, %dma_start3A_35] : memref<320x32x128xi32, #tpu.memory_space<hbm>> -> memref<1x32x128xi32, #tpu.memory_space<hbm>>
    %dma_start3A_37 = tpu.memref_squeeze %dma_start3A_36 : memref<1x32x128xi32, #tpu.memory_space<hbm>> -> memref<32x128xi32, #tpu.memory_space<hbm>>
    %dma_start3A_38 = arith.constant 0 : i32
    %dma_start3A_39 = arith.constant 0 : i32
    %dma_start3A_40 = tpu.memref_slice %arg3[%add3A_33, %dma_start3A_38, %dma_start3A_39] : memref<320x32x128xi32, #tpu.memory_space<hbm>> -> memref<1x32x128xi32, #tpu.memory_space<hbm>>
    %dma_start3A_41 = tpu.memref_squeeze %dma_start3A_40 : memref<1x32x128xi32, #tpu.memory_space<hbm>> -> memref<32x128xi32, #tpu.memory_space<hbm>>
    tpu.enqueue_dma source(%dma_start3A_41 : memref<32x128xi32, #tpu.memory_space<hbm>>) target(%arg11 : memref<32x128xi32, #tpu.memory_space<vmem>>) target_semaphore(%arg16 : memref<!tpu.dma_semaphore, #tpu.memory_space<semaphore_mem>>)
    %add3A_42 = arith.constant 1 : i32
    %add3A_43 = arith.addi %add3A_12, %add3A_42 : i32
    %dma_start3A_44 = arith.constant 0 : i32
    %dma_start3A_45 = arith.constant 0 : i32
    %dma_start3A_46 = tpu.memref_slice %arg4[%add3A_43, %dma_start3A_44, %dma_start3A_45] : memref<160x32x128xi32, #tpu.memory_space<hbm>> -> memref<1x32x128xi32, #tpu.memory_space<hbm>>
    %dma_start3A_47 = tpu.memref_squeeze %dma_start3A_46 : memref<1x32x128xi32, #tpu.memory_space<hbm>> -> memref<32x128xi32, #tpu.memory_space<hbm>>
    %dma_start3A_48 = arith.constant 0 : i32
    %dma_start3A_49 = arith.constant 0 : i32
    %dma_start3A_50 = tpu.memref_slice %arg4[%add3A_43, %dma_start3A_48, %dma_start3A_49] : memref<160x32x128xi32, #tpu.memory_space<hbm>> -> memref<1x32x128xi32, #tpu.memory_space<hbm>>
    %dma_start3A_51 = tpu.memref_squeeze %dma_start3A_50 : memref<1x32x128xi32, #tpu.memory_space<hbm>> -> memref<32x128xi32, #tpu.memory_space<hbm>>
    tpu.enqueue_dma source(%dma_start3A_51 : memref<32x128xi32, #tpu.memory_space<hbm>>) target(%arg12 : memref<32x128xi32, #tpu.memory_space<vmem>>) target_semaphore(%arg16 : memref<!tpu.dma_semaphore, #tpu.memory_space<semaphore_mem>>)
    %scan3A = arith.constant 0 : i32
    %scan3A_52 = arith.constant 0 : i32
    %scan3A_53 = arith.constant 5 : i32
    %scan3A_54 = arith.addi %scan3A_52, %scan3A_53 : i32
    %scan3A_55 = arith.constant 1 : i32
    scf.for %scan3A_61 = %scan3A_52 to %scan3A_54 step %scan3A_55  : i32 {
      %mul3A_62 = arith.constant 2 : i32
      %mul3A_63 = arith.muli %mul3A_62, %scan3A_61 : i32
      %add3A_64 = arith.constant 2 : i32
      %add3A_65 = arith.addi %mul3A_63, %add3A_64 : i32
      %add3A_66 = arith.constant 2 : i32
      %add3A_67 = arith.addi %mul3A_63, %add3A_66 : i32
      %lt3A = arith.constant 10 : i32
      %lt3A_68 = arith.cmpi slt, %add3A_67, %lt3A : i32
      %dma_wait3A = arith.constant 0 : i32
      %dma_wait3A_69 = arith.constant 0 : i32
      %dma_wait3A_70 = tpu.memref_slice %arg3[%add3A_7, %dma_wait3A, %dma_wait3A_69] : memref<320x32x128xi32, #tpu.memory_space<hbm>> -> memref<1x32x128xi32, #tpu.memory_space<hbm>>
      %dma_wait3A_71 = tpu.memref_squeeze %dma_wait3A_70 : memref<1x32x128xi32, #tpu.memory_space<hbm>> -> memref<32x128xi32, #tpu.memory_space<hbm>>
      %dma_wait3A_72 = arith.constant 0 : i32
      %dma_wait3A_73 = arith.constant 0 : i32
      %dma_wait3A_74 = tpu.memref_slice %arg3[%add3A_7, %dma_wait3A_72, %dma_wait3A_73] : memref<320x32x128xi32, #tpu.memory_space<hbm>> -> memref<1x32x128xi32, #tpu.memory_space<hbm>>
      %dma_wait3A_75 = tpu.memref_squeeze %dma_wait3A_74 : memref<1x32x128xi32, #tpu.memory_space<hbm>> -> memref<32x128xi32, #tpu.memory_space<hbm>>
      tpu.wait_dma2 semaphore(%arg15 : memref<!tpu.dma_semaphore, #tpu.memory_space<semaphore_mem>>) src(%dma_wait3A_75 : memref<32x128xi32, #tpu.memory_space<hbm>>) dst(%arg9 : memref<32x128xi32, #tpu.memory_space<vmem>>)
      %dma_wait3A_76 = arith.constant 0 : i32
      %dma_wait3A_77 = arith.constant 0 : i32
      %dma_wait3A_78 = tpu.memref_slice %arg4[%add3A_12, %dma_wait3A_76, %dma_wait3A_77] : memref<160x32x128xi32, #tpu.memory_space<hbm>> -> memref<1x32x128xi32, #tpu.memory_space<hbm>>
      %dma_wait3A_79 = tpu.memref_squeeze %dma_wait3A_78 : memref<1x32x128xi32, #tpu.memory_space<hbm>> -> memref<32x128xi32, #tpu.memory_space<hbm>>
      %dma_wait3A_80 = arith.constant 0 : i32
      %dma_wait3A_81 = arith.constant 0 : i32
      %dma_wait3A_82 = tpu.memref_slice %arg4[%add3A_12, %dma_wait3A_80, %dma_wait3A_81] : memref<160x32x128xi32, #tpu.memory_space<hbm>> -> memref<1x32x128xi32, #tpu.memory_space<hbm>>
      %dma_wait3A_83 = tpu.memref_squeeze %dma_wait3A_82 : memref<1x32x128xi32, #tpu.memory_space<hbm>> -> memref<32x128xi32, #tpu.memory_space<hbm>>
      tpu.wait_dma2 semaphore(%arg15 : memref<!tpu.dma_semaphore, #tpu.memory_space<semaphore_mem>>) src(%dma_wait3A_83 : memref<32x128xi32, #tpu.memory_space<hbm>>) dst(%arg10 : memref<32x128xi32, #tpu.memory_space<vmem>>)
      %dma_start3A_84 = arith.constant 0 : i32
      %dma_start3A_85 = arith.constant 0 : i32
      %dma_start3A_86 = arith.constant 0 : i32
      %dma_start3A_87 = arith.constant 0 : i32
      %dma_start3A_88 = tpu.memref_slice %arg8[%dma_start3A_85, %dma_start3A_86, %dma_start3A_87] : memref<2x128x128xf32, #tpu.memory_space<vmem>> -> memref<1x128x128xf32, #tpu.memory_space<vmem>>
      %dma_start3A_89 = tpu.memref_squeeze %dma_start3A_88 : memref<1x128x128xf32, #tpu.memory_space<vmem>> -> memref<128x128xf32, #tpu.memory_space<vmem>>
      %dma_start3A_90 = arith.constant 0 : i32
      %dma_start3A_91 = tpu.memref_slice %arg9[%dma_start3A_84, %dma_start3A_90] : memref<32x128xi32, #tpu.memory_space<vmem>> -> memref<1x128xi32, #tpu.memory_space<vmem>>
      %dma_start3A_92 = tpu.memref_squeeze %dma_start3A_91 : memref<1x128xi32, #tpu.memory_space<vmem>> -> memref<128xi32, #tpu.memory_space<vmem>>
      %dma_start3A_93 = arith.constant 0 : i32
      %dma_start3A_94 = arith.constant 0 : i32
      %dma_start3A_95 = tpu.memref_slice %arg2[%dma_start3A_93, %dma_start3A_94] : memref<20000x128xf32, #tpu.memory_space<hbm>> -> memref<20000x128xf32, #tpu.memory_space<hbm>>
      tpu.enqueue_indirect_dma source(%dma_start3A_95 : memref<20000x128xf32, #tpu.memory_space<hbm>>) target(%dma_start3A_89 : memref<128x128xf32, #tpu.memory_space<vmem>>) offsets(%dma_start3A_92 : memref<128xi32, #tpu.memory_space<vmem>>) semaphore(%arg13 : memref<!tpu.dma_semaphore, #tpu.memory_space<semaphore_mem>>)
      %dma_start3A_96 = arith.constant 1 : i32
      %dma_start3A_97 = arith.constant 1 : i32
      %dma_start3A_98 = arith.constant 0 : i32
      %dma_start3A_99 = arith.constant 0 : i32
      %dma_start3A_100 = tpu.memref_slice %arg8[%dma_start3A_97, %dma_start3A_98, %dma_start3A_99] : memref<2x128x128xf32, #tpu.memory_space<vmem>> -> memref<1x128x128xf32, #tpu.memory_space<vmem>>
      %dma_start3A_101 = tpu.memref_squeeze %dma_start3A_100 : memref<1x128x128xf32, #tpu.memory_space<vmem>> -> memref<128x128xf32, #tpu.memory_space<vmem>>
      %dma_start3A_102 = arith.constant 0 : i32
      %dma_start3A_103 = tpu.memref_slice %arg9[%dma_start3A_96, %dma_start3A_102] : memref<32x128xi32, #tpu.memory_space<vmem>> -> memref<1x128xi32, #tpu.memory_space<vmem>>
      %dma_start3A_104 = tpu.memref_squeeze %dma_start3A_103 : memref<1x128xi32, #tpu.memory_space<vmem>> -> memref<128xi32, #tpu.memory_space<vmem>>
      %dma_start3A_105 = arith.constant 0 : i32
      %dma_start3A_106 = arith.constant 0 : i32
      %dma_start3A_107 = tpu.memref_slice %arg2[%dma_start3A_105, %dma_start3A_106] : memref<20000x128xf32, #tpu.memory_space<hbm>> -> memref<20000x128xf32, #tpu.memory_space<hbm>>
      tpu.enqueue_indirect_dma source(%dma_start3A_107 : memref<20000x128xf32, #tpu.memory_space<hbm>>) target(%dma_start3A_101 : memref<128x128xf32, #tpu.memory_space<vmem>>) offsets(%dma_start3A_104 : memref<128xi32, #tpu.memory_space<vmem>>) semaphore(%arg14 : memref<!tpu.dma_semaphore, #tpu.memory_space<semaphore_mem>>)
      %dma_wait3A_108 = arith.constant 0 : i32
      %dma_wait3A_109 = arith.constant 0 : i32
      %dma_wait3A_110 = arith.constant 0 : i32
      %dma_wait3A_111 = arith.constant 0 : i32
      %dma_wait3A_112 = tpu.memref_slice %arg8[%dma_wait3A_109, %dma_wait3A_110, %dma_wait3A_111] : memref<2x128x128xf32, #tpu.memory_space<vmem>> -> memref<1x128x128xf32, #tpu.memory_space<vmem>>
      %dma_wait3A_113 = tpu.memref_squeeze %dma_wait3A_112 : memref<1x128x128xf32, #tpu.memory_space<vmem>> -> memref<128x128xf32, #tpu.memory_space<vmem>>
      %dma_wait3A_114 = arith.constant 0 : i32
      %dma_wait3A_115 = tpu.memref_slice %arg9[%dma_wait3A_108, %dma_wait3A_114] : memref<32x128xi32, #tpu.memory_space<vmem>> -> memref<1x128xi32, #tpu.memory_space<vmem>>
      %dma_wait3A_116 = tpu.memref_squeeze %dma_wait3A_115 : memref<1x128xi32, #tpu.memory_space<vmem>> -> memref<128xi32, #tpu.memory_space<vmem>>
      %dma_wait3A_117 = arith.constant 0 : i32
      %dma_wait3A_118 = arith.constant 0 : i32
      %dma_wait3A_119 = tpu.memref_slice %arg2[%dma_wait3A_117, %dma_wait3A_118] : memref<20000x128xf32, #tpu.memory_space<hbm>> -> memref<20000x128xf32, #tpu.memory_space<hbm>>
      tpu.wait_indirect_dma semaphore(%arg13 : memref<!tpu.dma_semaphore, #tpu.memory_space<semaphore_mem>>) src(%dma_wait3A_119 : memref<20000x128xf32, #tpu.memory_space<hbm>>) dst(%dma_wait3A_113 : memref<128x128xf32, #tpu.memory_space<vmem>>)
      %dma_start3A_120 = arith.constant 2 : i32
      %dma_start3A_121 = arith.constant 0 : i32
      %dma_start3A_122 = arith.constant 0 : i32
      %dma_start3A_123 = arith.constant 0 : i32
      %dma_start3A_124 = tpu.memref_slice %arg8[%dma_start3A_121, %dma_start3A_122, %dma_start3A_123] : memref<2x128x128xf32, #tpu.memory_space<vmem>> -> memref<1x128x128xf32, #tpu.memory_space<vmem>>
      %dma_start3A_125 = tpu.memref_squeeze %dma_start3A_124 : memref<1x128x128xf32, #tpu.memory_space<vmem>> -> memref<128x128xf32, #tpu.memory_space<vmem>>
      %dma_start3A_126 = arith.constant 0 : i32
      %dma_start3A_127 = tpu.memref_slice %arg9[%dma_start3A_120, %dma_start3A_126] : memref<32x128xi32, #tpu.memory_space<vmem>> -> memref<1x128xi32, #tpu.memory_space<vmem>>
      %dma_start3A_128 = tpu.memref_squeeze %dma_start3A_127 : memref<1x128xi32, #tpu.memory_space<vmem>> -> memref<128xi32, #tpu.memory_space<vmem>>
      %dma_start3A_129 = arith.constant 0 : i32
      %dma_start3A_130 = arith.constant 0 : i32
      %dma_start3A_131 = tpu.memref_slice %arg2[%dma_start3A_129, %dma_start3A_130] : memref<20000x128xf32, #tpu.memory_space<hbm>> -> memref<20000x128xf32, #tpu.memory_space<hbm>>
      tpu.enqueue_indirect_dma source(%dma_start3A_131 : memref<20000x128xf32, #tpu.memory_space<hbm>>) target(%dma_start3A_125 : memref<128x128xf32, #tpu.memory_space<vmem>>) offsets(%dma_start3A_128 : memref<128xi32, #tpu.memory_space<vmem>>) semaphore(%arg13 : memref<!tpu.dma_semaphore, #tpu.memory_space<semaphore_mem>>)
      %dma_wait3A_132 = arith.constant 1 : i32
      %dma_wait3A_133 = arith.constant 1 : i32
      %dma_wait3A_134 = arith.constant 0 : i32
      %dma_wait3A_135 = arith.constant 0 : i32
      %dma_wait3A_136 = tpu.memref_slice %arg8[%dma_wait3A_133, %dma_wait3A_134, %dma_wait3A_135] : memref<2x128x128xf32, #tpu.memory_space<vmem>> -> memref<1x128x128xf32, #tpu.memory_space<vmem>>
      %dma_wait3A_137 = tpu.memref_squeeze %dma_wait3A_136 : memref<1x128x128xf32, #tpu.memory_space<vmem>> -> memref<128x128xf32, #tpu.memory_space<vmem>>
      %dma_wait3A_138 = arith.constant 0 : i32
      %dma_wait3A_139 = tpu.memref_slice %arg9[%dma_wait3A_132, %dma_wait3A_138] : memref<32x128xi32, #tpu.memory_space<vmem>> -> memref<1x128xi32, #tpu.memory_space<vmem>>
      %dma_wait3A_140 = tpu.memref_squeeze %dma_wait3A_139 : memref<1x128xi32, #tpu.memory_space<vmem>> -> memref<128xi32, #tpu.memory_space<vmem>>
      %dma_wait3A_141 = arith.constant 0 : i32
      %dma_wait3A_142 = arith.constant 0 : i32
      %dma_wait3A_143 = tpu.memref_slice %arg2[%dma_wait3A_141, %dma_wait3A_142] : memref<20000x128xf32, #tpu.memory_space<hbm>> -> memref<20000x128xf32, #tpu.memory_space<hbm>>
      tpu.wait_indirect_dma semaphore(%arg14 : memref<!tpu.dma_semaphore, #tpu.memory_space<semaphore_mem>>) src(%dma_wait3A_143 : memref<20000x128xf32, #tpu.memory_space<hbm>>) dst(%dma_wait3A_137 : memref<128x128xf32, #tpu.memory_space<vmem>>)
      %dma_start3A_144 = arith.constant 3 : i32
      %dma_start3A_145 = arith.constant 1 : i32
      %dma_start3A_146 = arith.constant 0 : i32
      %dma_start3A_147 = arith.constant 0 : i32
      %dma_start3A_148 = tpu.memref_slice %arg8[%dma_start3A_145, %dma_start3A_146, %dma_start3A_147] : memref<2x128x128xf32, #tpu.memory_space<vmem>> -> memref<1x128x128xf32, #tpu.memory_space<vmem>>
      %dma_start3A_149 = tpu.memref_squeeze %dma_start3A_148 : memref<1x128x128xf32, #tpu.memory_space<vmem>> -> memref<128x128xf32, #tpu.memory_space<vmem>>
      %dma_start3A_150 = arith.constant 0 : i32
      %dma_start3A_151 = tpu.memref_slice %arg9[%dma_start3A_144, %dma_start3A_150] : memref<32x128xi32, #tpu.memory_space<vmem>> -> memref<1x128xi32, #tpu.memory_space<vmem>>
      %dma_start3A_152 = tpu.memref_squeeze %dma_start3A_151 : memref<1x128xi32, #tpu.memory_space<vmem>> -> memref<128xi32, #tpu.memory_space<vmem>>
      %dma_start3A_153 = arith.constant 0 : i32
      %dma_start3A_154 = arith.constant 0 : i32
      %dma_start3A_155 = tpu.memref_slice %arg2[%dma_start3A_153, %dma_start3A_154] : memref<20000x128xf32, #tpu.memory_space<hbm>> -> memref<20000x128xf32, #tpu.memory_space<hbm>>
      tpu.enqueue_indirect_dma source(%dma_start3A_155 : memref<20000x128xf32, #tpu.memory_space<hbm>>) target(%dma_start3A_149 : memref<128x128xf32, #tpu.memory_space<vmem>>) offsets(%dma_start3A_152 : memref<128xi32, #tpu.memory_space<vmem>>) semaphore(%arg14 : memref<!tpu.dma_semaphore, #tpu.memory_space<semaphore_mem>>)
      %dma_wait3A_156 = arith.constant 2 : i32
      %dma_wait3A_157 = arith.constant 0 : i32
      %dma_wait3A_158 = arith.constant 0 : i32
      %dma_wait3A_159 = arith.constant 0 : i32
      %dma_wait3A_160 = tpu.memref_slice %arg8[%dma_wait3A_157, %dma_wait3A_158, %dma_wait3A_159] : memref<2x128x128xf32, #tpu.memory_space<vmem>> -> memref<1x128x128xf32, #tpu.memory_space<vmem>>
      %dma_wait3A_161 = tpu.memref_squeeze %dma_wait3A_160 : memref<1x128x128xf32, #tpu.memory_space<vmem>> -> memref<128x128xf32, #tpu.memory_space<vmem>>
      %dma_wait3A_162 = arith.constant 0 : i32
      %dma_wait3A_163 = tpu.memref_slice %arg9[%dma_wait3A_156, %dma_wait3A_162] : memref<32x128xi32, #tpu.memory_space<vmem>> -> memref<1x128xi32, #tpu.memory_space<vmem>>
      %dma_wait3A_164 = tpu.memref_squeeze %dma_wait3A_163 : memref<1x128xi32, #tpu.memory_space<vmem>> -> memref<128xi32, #tpu.memory_space<vmem>>
      %dma_wait3A_165 = arith.constant 0 : i32
      %dma_wait3A_166 = arith.constant 0 : i32
      %dma_wait3A_167 = tpu.memref_slice %arg2[%dma_wait3A_165, %dma_wait3A_166] : memref<20000x128xf32, #tpu.memory_space<hbm>> -> memref<20000x128xf32, #tpu.memory_space<hbm>>
      tpu.wait_indirect_dma semaphore(%arg13 : memref<!tpu.dma_semaphore, #tpu.memory_space<semaphore_mem>>) src(%dma_wait3A_167 : memref<20000x128xf32, #tpu.memory_space<hbm>>) dst(%dma_wait3A_161 : memref<128x128xf32, #tpu.memory_space<vmem>>)
      %dma_start3A_168 = arith.constant 4 : i32
      %dma_start3A_169 = arith.constant 0 : i32
      %dma_start3A_170 = arith.constant 0 : i32
      %dma_start3A_171 = arith.constant 0 : i32
      %dma_start3A_172 = tpu.memref_slice %arg8[%dma_start3A_169, %dma_start3A_170, %dma_start3A_171] : memref<2x128x128xf32, #tpu.memory_space<vmem>> -> memref<1x128x128xf32, #tpu.memory_space<vmem>>
      %dma_start3A_173 = tpu.memref_squeeze %dma_start3A_172 : memref<1x128x128xf32, #tpu.memory_space<vmem>> -> memref<128x128xf32, #tpu.memory_space<vmem>>
      %dma_start3A_174 = arith.constant 0 : i32
      %dma_start3A_175 = tpu.memref_slice %arg9[%dma_start3A_168, %dma_start3A_174] : memref<32x128xi32, #tpu.memory_space<vmem>> -> memref<1x128xi32, #tpu.memory_space<vmem>>
      %dma_start3A_176 = tpu.memref_squeeze %dma_start3A_175 : memref<1x128xi32, #tpu.memory_space<vmem>> -> memref<128xi32, #tpu.memory_space<vmem>>
      %dma_start3A_177 = arith.constant 0 : i32
      %dma_start3A_178 = arith.constant 0 : i32
      %dma_start3A_179 = tpu.memref_slice %arg2[%dma_start3A_177, %dma_start3A_178] : memref<20000x128xf32, #tpu.memory_space<hbm>> -> memref<20000x128xf32, #tpu.memory_space<hbm>>
      tpu.enqueue_indirect_dma source(%dma_start3A_179 : memref<20000x128xf32, #tpu.memory_space<hbm>>) target(%dma_start3A_173 : memref<128x128xf32, #tpu.memory_space<vmem>>) offsets(%dma_start3A_176 : memref<128xi32, #tpu.memory_space<vmem>>) semaphore(%arg13 : memref<!tpu.dma_semaphore, #tpu.memory_space<semaphore_mem>>)
      %dma_wait3A_180 = arith.constant 3 : i32
      %dma_wait3A_181 = arith.constant 1 : i32
      %dma_wait3A_182 = arith.constant 0 : i32
      %dma_wait3A_183 = arith.constant 0 : i32
      %dma_wait3A_184 = tpu.memref_slice %arg8[%dma_wait3A_181, %dma_wait3A_182, %dma_wait3A_183] : memref<2x128x128xf32, #tpu.memory_space<vmem>> -> memref<1x128x128xf32, #tpu.memory_space<vmem>>
      %dma_wait3A_185 = tpu.memref_squeeze %dma_wait3A_184 : memref<1x128x128xf32, #tpu.memory_space<vmem>> -> memref<128x128xf32, #tpu.memory_space<vmem>>
      %dma_wait3A_186 = arith.constant 0 : i32
      %dma_wait3A_187 = tpu.memref_slice %arg9[%dma_wait3A_180, %dma_wait3A_186] : memref<32x128xi32, #tpu.memory_space<vmem>> -> memref<1x128xi32, #tpu.memory_space<vmem>>
      %dma_wait3A_188 = tpu.memref_squeeze %dma_wait3A_187 : memref<1x128xi32, #tpu.memory_space<vmem>> -> memref<128xi32, #tpu.memory_space<vmem>>
      %dma_wait3A_189 = arith.constant 0 : i32
      %dma_wait3A_190 = arith.constant 0 : i32
      %dma_wait3A_191 = tpu.memref_slice %arg2[%dma_wait3A_189, %dma_wait3A_190] : memref<20000x128xf32, #tpu.memory_space<hbm>> -> memref<20000x128xf32, #tpu.memory_space<hbm>>
      tpu.wait_indirect_dma semaphore(%arg14 : memref<!tpu.dma_semaphore, #tpu.memory_space<semaphore_mem>>) src(%dma_wait3A_191 : memref<20000x128xf32, #tpu.memory_space<hbm>>) dst(%dma_wait3A_185 : memref<128x128xf32, #tpu.memory_space<vmem>>)
      %dma_start3A_192 = arith.constant 5 : i32
      %dma_start3A_193 = arith.constant 1 : i32
      %dma_start3A_194 = arith.constant 0 : i32
      %dma_start3A_195 = arith.constant 0 : i32
      %dma_start3A_196 = tpu.memref_slice %arg8[%dma_start3A_193, %dma_start3A_194, %dma_start3A_195] : memref<2x128x128xf32, #tpu.memory_space<vmem>> -> memref<1x128x128xf32, #tpu.memory_space<vmem>>
      %dma_start3A_197 = tpu.memref_squeeze %dma_start3A_196 : memref<1x128x128xf32, #tpu.memory_space<vmem>> -> memref<128x128xf32, #tpu.memory_space<vmem>>
      %dma_start3A_198 = arith.constant 0 : i32
      %dma_start3A_199 = tpu.memref_slice %arg9[%dma_start3A_192, %dma_start3A_198] : memref<32x128xi32, #tpu.memory_space<vmem>> -> memref<1x128xi32, #tpu.memory_space<vmem>>
      %dma_start3A_200 = tpu.memref_squeeze %dma_start3A_199 : memref<1x128xi32, #tpu.memory_space<vmem>> -> memref<128xi32, #tpu.memory_space<vmem>>
      %dma_start3A_201 = arith.constant 0 : i32
      %dma_start3A_202 = arith.constant 0 : i32
      %dma_start3A_203 = tpu.memref_slice %arg2[%dma_start3A_201, %dma_start3A_202] : memref<20000x128xf32, #tpu.memory_space<hbm>> -> memref<20000x128xf32, #tpu.memory_space<hbm>>
      tpu.enqueue_indirect_dma source(%dma_start3A_203 : memref<20000x128xf32, #tpu.memory_space<hbm>>) target(%dma_start3A_197 : memref<128x128xf32, #tpu.memory_space<vmem>>) offsets(%dma_start3A_200 : memref<128xi32, #tpu.memory_space<vmem>>) semaphore(%arg14 : memref<!tpu.dma_semaphore, #tpu.memory_space<semaphore_mem>>)
      %dma_wait3A_204 = arith.constant 4 : i32
      %dma_wait3A_205 = arith.constant 0 : i32
      %dma_wait3A_206 = arith.constant 0 : i32
      %dma_wait3A_207 = arith.constant 0 : i32
      %dma_wait3A_208 = tpu.memref_slice %arg8[%dma_wait3A_205, %dma_wait3A_206, %dma_wait3A_207] : memref<2x128x128xf32, #tpu.memory_space<vmem>> -> memref<1x128x128xf32, #tpu.memory_space<vmem>>
      %dma_wait3A_209 = tpu.memref_squeeze %dma_wait3A_208 : memref<1x128x128xf32, #tpu.memory_space<vmem>> -> memref<128x128xf32, #tpu.memory_space<vmem>>
      %dma_wait3A_210 = arith.constant 0 : i32
      %dma_wait3A_211 = tpu.memref_slice %arg9[%dma_wait3A_204, %dma_wait3A_210] : memref<32x128xi32, #tpu.memory_space<vmem>> -> memref<1x128xi32, #tpu.memory_space<vmem>>
      %dma_wait3A_212 = tpu.memref_squeeze %dma_wait3A_211 : memref<1x128xi32, #tpu.memory_space<vmem>> -> memref<128xi32, #tpu.memory_space<vmem>>
      %dma_wait3A_213 = arith.constant 0 : i32
      %dma_wait3A_214 = arith.constant 0 : i32
      %dma_wait3A_215 = tpu.memref_slice %arg2[%dma_wait3A_213, %dma_wait3A_214] : memref<20000x128xf32, #tpu.memory_space<hbm>> -> memref<20000x128xf32, #tpu.memory_space<hbm>>
      tpu.wait_indirect_dma semaphore(%arg13 : memref<!tpu.dma_semaphore, #tpu.memory_space<semaphore_mem>>) src(%dma_wait3A_215 : memref<20000x128xf32, #tpu.memory_space<hbm>>) dst(%dma_wait3A_209 : memref<128x128xf32, #tpu.memory_space<vmem>>)
      %dma_start3A_216 = arith.constant 6 : i32
      %dma_start3A_217 = arith.constant 0 : i32
      %dma_start3A_218 = arith.constant 0 : i32
      %dma_start3A_219 = arith.constant 0 : i32
      %dma_start3A_220 = tpu.memref_slice %arg8[%dma_start3A_217, %dma_start3A_218, %dma_start3A_219] : memref<2x128x128xf32, #tpu.memory_space<vmem>> -> memref<1x128x128xf32, #tpu.memory_space<vmem>>
      %dma_start3A_221 = tpu.memref_squeeze %dma_start3A_220 : memref<1x128x128xf32, #tpu.memory_space<vmem>> -> memref<128x128xf32, #tpu.memory_space<vmem>>
      %dma_start3A_222 = arith.constant 0 : i32
      %dma_start3A_223 = tpu.memref_slice %arg9[%dma_start3A_216, %dma_start3A_222] : memref<32x128xi32, #tpu.memory_space<vmem>> -> memref<1x128xi32, #tpu.memory_space<vmem>>
      %dma_start3A_224 = tpu.memref_squeeze %dma_start3A_223 : memref<1x128xi32, #tpu.memory_space<vmem>> -> memref<128xi32, #tpu.memory_space<vmem>>
      %dma_start3A_225 = arith.constant 0 : i32
      %dma_start3A_226 = arith.constant 0 : i32
      %dma_start3A_227 = tpu.memref_slice %arg2[%dma_start3A_225, %dma_start3A_226] : memref<20000x128xf32, #tpu.memory_space<hbm>> -> memref<20000x128xf32, #tpu.memory_space<hbm>>
      tpu.enqueue_indirect_dma source(%dma_start3A_227 : memref<20000x128xf32, #tpu.memory_space<hbm>>) target(%dma_start3A_221 : memref<128x128xf32, #tpu.memory_space<vmem>>) offsets(%dma_start3A_224 : memref<128xi32, #tpu.memory_space<vmem>>) semaphore(%arg13 : memref<!tpu.dma_semaphore, #tpu.memory_space<semaphore_mem>>)
      %dma_wait3A_228 = arith.constant 5 : i32
      %dma_wait3A_229 = arith.constant 1 : i32
      %dma_wait3A_230 = arith.constant 0 : i32
      %dma_wait3A_231 = arith.constant 0 : i32
      %dma_wait3A_232 = tpu.memref_slice %arg8[%dma_wait3A_229, %dma_wait3A_230, %dma_wait3A_231] : memref<2x128x128xf32, #tpu.memory_space<vmem>> -> memref<1x128x128xf32, #tpu.memory_space<vmem>>
      %dma_wait3A_233 = tpu.memref_squeeze %dma_wait3A_232 : memref<1x128x128xf32, #tpu.memory_space<vmem>> -> memref<128x128xf32, #tpu.memory_space<vmem>>
      %dma_wait3A_234 = arith.constant 0 : i32
      %dma_wait3A_235 = tpu.memref_slice %arg9[%dma_wait3A_228, %dma_wait3A_234] : memref<32x128xi32, #tpu.memory_space<vmem>> -> memref<1x128xi32, #tpu.memory_space<vmem>>
      %dma_wait3A_236 = tpu.memref_squeeze %dma_wait3A_235 : memref<1x128xi32, #tpu.memory_space<vmem>> -> memref<128xi32, #tpu.memory_space<vmem>>
      %dma_wait3A_237 = arith.constant 0 : i32
      %dma_wait3A_238 = arith.constant 0 : i32
      %dma_wait3A_239 = tpu.memref_slice %arg2[%dma_wait3A_237, %dma_wait3A_238] : memref<20000x128xf32, #tpu.memory_space<hbm>> -> memref<20000x128xf32, #tpu.memory_space<hbm>>
      tpu.wait_indirect_dma semaphore(%arg14 : memref<!tpu.dma_semaphore, #tpu.memory_space<semaphore_mem>>) src(%dma_wait3A_239 : memref<20000x128xf32, #tpu.memory_space<hbm>>) dst(%dma_wait3A_233 : memref<128x128xf32, #tpu.memory_space<vmem>>)
      %dma_start3A_240 = arith.constant 7 : i32
      %dma_start3A_241 = arith.constant 1 : i32
      %dma_start3A_242 = arith.constant 0 : i32
      %dma_start3A_243 = arith.constant 0 : i32
      %dma_start3A_244 = tpu.memref_slice %arg8[%dma_start3A_241, %dma_start3A_242, %dma_start3A_243] : memref<2x128x128xf32, #tpu.memory_space<vmem>> -> memref<1x128x128xf32, #tpu.memory_space<vmem>>
      %dma_start3A_245 = tpu.memref_squeeze %dma_start3A_244 : memref<1x128x128xf32, #tpu.memory_space<vmem>> -> memref<128x128xf32, #tpu.memory_space<vmem>>
      %dma_start3A_246 = arith.constant 0 : i32
      %dma_start3A_247 = tpu.memref_slice %arg9[%dma_start3A_240, %dma_start3A_246] : memref<32x128xi32, #tpu.memory_space<vmem>> -> memref<1x128xi32, #tpu.memory_space<vmem>>
      %dma_start3A_248 = tpu.memref_squeeze %dma_start3A_247 : memref<1x128xi32, #tpu.memory_space<vmem>> -> memref<128xi32, #tpu.memory_space<vmem>>
      %dma_start3A_249 = arith.constant 0 : i32
      %dma_start3A_250 = arith.constant 0 : i32
      %dma_start3A_251 = tpu.memref_slice %arg2[%dma_start3A_249, %dma_start3A_250] : memref<20000x128xf32, #tpu.memory_space<hbm>> -> memref<20000x128xf32, #tpu.memory_space<hbm>>
      tpu.enqueue_indirect_dma source(%dma_start3A_251 : memref<20000x128xf32, #tpu.memory_space<hbm>>) target(%dma_start3A_245 : memref<128x128xf32, #tpu.memory_space<vmem>>) offsets(%dma_start3A_248 : memref<128xi32, #tpu.memory_space<vmem>>) semaphore(%arg14 : memref<!tpu.dma_semaphore, #tpu.memory_space<semaphore_mem>>)
      %dma_wait3A_252 = arith.constant 6 : i32
      %dma_wait3A_253 = arith.constant 0 : i32
      %dma_wait3A_254 = arith.constant 0 : i32
      %dma_wait3A_255 = arith.constant 0 : i32
      %dma_wait3A_256 = tpu.memref_slice %arg8[%dma_wait3A_253, %dma_wait3A_254, %dma_wait3A_255] : memref<2x128x128xf32, #tpu.memory_space<vmem>> -> memref<1x128x128xf32, #tpu.memory_space<vmem>>
      %dma_wait3A_257 = tpu.memref_squeeze %dma_wait3A_256 : memref<1x128x128xf32, #tpu.memory_space<vmem>> -> memref<128x128xf32, #tpu.memory_space<vmem>>
      %dma_wait3A_258 = arith.constant 0 : i32
      %dma_wait3A_259 = tpu.memref_slice %arg9[%dma_wait3A_252, %dma_wait3A_258] : memref<32x128xi32, #tpu.memory_space<vmem>> -> memref<1x128xi32, #tpu.memory_space<vmem>>
      %dma_wait3A_260 = tpu.memref_squeeze %dma_wait3A_259 : memref<1x128xi32, #tpu.memory_space<vmem>> -> memref<128xi32, #tpu.memory_space<vmem>>
      %dma_wait3A_261 = arith.constant 0 : i32
      %dma_wait3A_262 = arith.constant 0 : i32
      %dma_wait3A_263 = tpu.memref_slice %arg2[%dma_wait3A_261, %dma_wait3A_262] : memref<20000x128xf32, #tpu.memory_space<hbm>> -> memref<20000x128xf32, #tpu.memory_space<hbm>>
      tpu.wait_indirect_dma semaphore(%arg13 : memref<!tpu.dma_semaphore, #tpu.memory_space<semaphore_mem>>) src(%dma_wait3A_263 : memref<20000x128xf32, #tpu.memory_space<hbm>>) dst(%dma_wait3A_257 : memref<128x128xf32, #tpu.memory_space<vmem>>)
      %dma_start3A_264 = arith.constant 8 : i32
      %dma_start3A_265 = arith.constant 0 : i32
      %dma_start3A_266 = arith.constant 0 : i32
      %dma_start3A_267 = arith.constant 0 : i32
      %dma_start3A_268 = tpu.memref_slice %arg8[%dma_start3A_265, %dma_start3A_266, %dma_start3A_267] : memref<2x128x128xf32, #tpu.memory_space<vmem>> -> memref<1x128x128xf32, #tpu.memory_space<vmem>>
      %dma_start3A_269 = tpu.memref_squeeze %dma_start3A_268 : memref<1x128x128xf32, #tpu.memory_space<vmem>> -> memref<128x128xf32, #tpu.memory_space<vmem>>
      %dma_start3A_270 = arith.constant 0 : i32
      %dma_start3A_271 = tpu.memref_slice %arg9[%dma_start3A_264, %dma_start3A_270] : memref<32x128xi32, #tpu.memory_space<vmem>> -> memref<1x128xi32, #tpu.memory_space<vmem>>
      %dma_start3A_272 = tpu.memref_squeeze %dma_start3A_271 : memref<1x128xi32, #tpu.memory_space<vmem>> -> memref<128xi32, #tpu.memory_space<vmem>>
      %dma_start3A_273 = arith.constant 0 : i32
      %dma_start3A_274 = arith.constant 0 : i32
      %dma_start3A_275 = tpu.memref_slice %arg2[%dma_start3A_273, %dma_start3A_274] : memref<20000x128xf32, #tpu.memory_space<hbm>> -> memref<20000x128xf32, #tpu.memory_space<hbm>>
      tpu.enqueue_indirect_dma source(%dma_start3A_275 : memref<20000x128xf32, #tpu.memory_space<hbm>>) target(%dma_start3A_269 : memref<128x128xf32, #tpu.memory_space<vmem>>) offsets(%dma_start3A_272 : memref<128xi32, #tpu.memory_space<vmem>>) semaphore(%arg13 : memref<!tpu.dma_semaphore, #tpu.memory_space<semaphore_mem>>)
      %dma_wait3A_276 = arith.constant 7 : i32
      %dma_wait3A_277 = arith.constant 1 : i32
      %dma_wait3A_278 = arith.constant 0 : i32
      %dma_wait3A_279 = arith.constant 0 : i32
      %dma_wait3A_280 = tpu.memref_slice %arg8[%dma_wait3A_277, %dma_wait3A_278, %dma_wait3A_279] : memref<2x128x128xf32, #tpu.memory_space<vmem>> -> memref<1x128x128xf32, #tpu.memory_space<vmem>>
      %dma_wait3A_281 = tpu.memref_squeeze %dma_wait3A_280 : memref<1x128x128xf32, #tpu.memory_space<vmem>> -> memref<128x128xf32, #tpu.memory_space<vmem>>
      %dma_wait3A_282 = arith.constant 0 : i32
      %dma_wait3A_283 = tpu.memref_slice %arg9[%dma_wait3A_276, %dma_wait3A_282] : memref<32x128xi32, #tpu.memory_space<vmem>> -> memref<1x128xi32, #tpu.memory_space<vmem>>
      %dma_wait3A_284 = tpu.memref_squeeze %dma_wait3A_283 : memref<1x128xi32, #tpu.memory_space<vmem>> -> memref<128xi32, #tpu.memory_space<vmem>>
      %dma_wait3A_285 = arith.constant 0 : i32
      %dma_wait3A_286 = arith.constant 0 : i32
      %dma_wait3A_287 = tpu.memref_slice %arg2[%dma_wait3A_285, %dma_wait3A_286] : memref<20000x128xf32, #tpu.memory_space<hbm>> -> memref<20000x128xf32, #tpu.memory_space<hbm>>
      tpu.wait_indirect_dma semaphore(%arg14 : memref<!tpu.dma_semaphore, #tpu.memory_space<semaphore_mem>>) src(%dma_wait3A_287 : memref<20000x128xf32, #tpu.memory_space<hbm>>) dst(%dma_wait3A_281 : memref<128x128xf32, #tpu.memory_space<vmem>>)
      %dma_start3A_288 = arith.constant 9 : i32
      %dma_start3A_289 = arith.constant 1 : i32
      %dma_start3A_290 = arith.constant 0 : i32
      %dma_start3A_291 = arith.constant 0 : i32
      %dma_start3A_292 = tpu.memref_slice %arg8[%dma_start3A_289, %dma_start3A_290, %dma_start3A_291] : memref<2x128x128xf32, #tpu.memory_space<vmem>> -> memref<1x128x128xf32, #tpu.memory_space<vmem>>
      %dma_start3A_293 = tpu.memref_squeeze %dma_start3A_292 : memref<1x128x128xf32, #tpu.memory_space<vmem>> -> memref<128x128xf32, #tpu.memory_space<vmem>>
      %dma_start3A_294 = arith.constant 0 : i32
      %dma_start3A_295 = tpu.memref_slice %arg9[%dma_start3A_288, %dma_start3A_294] : memref<32x128xi32, #tpu.memory_space<vmem>> -> memref<1x128xi32, #tpu.memory_space<vmem>>
      %dma_start3A_296 = tpu.memref_squeeze %dma_start3A_295 : memref<1x128xi32, #tpu.memory_space<vmem>> -> memref<128xi32, #tpu.memory_space<vmem>>
      %dma_start3A_297 = arith.constant 0 : i32
      %dma_start3A_298 = arith.constant 0 : i32
      %dma_start3A_299 = tpu.memref_slice %arg2[%dma_start3A_297, %dma_start3A_298] : memref<20000x128xf32, #tpu.memory_space<hbm>> -> memref<20000x128xf32, #tpu.memory_space<hbm>>
      tpu.enqueue_indirect_dma source(%dma_start3A_299 : memref<20000x128xf32, #tpu.memory_space<hbm>>) target(%dma_start3A_293 : memref<128x128xf32, #tpu.memory_space<vmem>>) offsets(%dma_start3A_296 : memref<128xi32, #tpu.memory_space<vmem>>) semaphore(%arg14 : memref<!tpu.dma_semaphore, #tpu.memory_space<semaphore_mem>>)
      %dma_wait3A_300 = arith.constant 8 : i32
      %dma_wait3A_301 = arith.constant 0 : i32
      %dma_wait3A_302 = arith.constant 0 : i32
      %dma_wait3A_303 = arith.constant 0 : i32
      %dma_wait3A_304 = tpu.memref_slice %arg8[%dma_wait3A_301, %dma_wait3A_302, %dma_wait3A_303] : memref<2x128x128xf32, #tpu.memory_space<vmem>> -> memref<1x128x128xf32, #tpu.memory_space<vmem>>
      %dma_wait3A_305 = tpu.memref_squeeze %dma_wait3A_304 : memref<1x128x128xf32, #tpu.memory_space<vmem>> -> memref<128x128xf32, #tpu.memory_space<vmem>>
      %dma_wait3A_306 = arith.constant 0 : i32
      %dma_wait3A_307 = tpu.memref_slice %arg9[%dma_wait3A_300, %dma_wait3A_306] : memref<32x128xi32, #tpu.memory_space<vmem>> -> memref<1x128xi32, #tpu.memory_space<vmem>>
      %dma_wait3A_308 = tpu.memref_squeeze %dma_wait3A_307 : memref<1x128xi32, #tpu.memory_space<vmem>> -> memref<128xi32, #tpu.memory_space<vmem>>
      %dma_wait3A_309 = arith.constant 0 : i32
      %dma_wait3A_310 = arith.constant 0 : i32
      %dma_wait3A_311 = tpu.memref_slice %arg2[%dma_wait3A_309, %dma_wait3A_310] : memref<20000x128xf32, #tpu.memory_space<hbm>> -> memref<20000x128xf32, #tpu.memory_space<hbm>>
      tpu.wait_indirect_dma semaphore(%arg13 : memref<!tpu.dma_semaphore, #tpu.memory_space<semaphore_mem>>) src(%dma_wait3A_311 : memref<20000x128xf32, #tpu.memory_space<hbm>>) dst(%dma_wait3A_305 : memref<128x128xf32, #tpu.memory_space<vmem>>)
      %dma_start3A_312 = arith.constant 10 : i32
      %dma_start3A_313 = arith.constant 0 : i32
      %dma_start3A_314 = arith.constant 0 : i32
      %dma_start3A_315 = arith.constant 0 : i32
      %dma_start3A_316 = tpu.memref_slice %arg8[%dma_start3A_313, %dma_start3A_314, %dma_start3A_315] : memref<2x128x128xf32, #tpu.memory_space<vmem>> -> memref<1x128x128xf32, #tpu.memory_space<vmem>>
      %dma_start3A_317 = tpu.memref_squeeze %dma_start3A_316 : memref<1x128x128xf32, #tpu.memory_space<vmem>> -> memref<128x128xf32, #tpu.memory_space<vmem>>
      %dma_start3A_318 = arith.constant 0 : i32
      %dma_start3A_319 = tpu.memref_slice %arg9[%dma_start3A_312, %dma_start3A_318] : memref<32x128xi32, #tpu.memory_space<vmem>> -> memref<1x128xi32, #tpu.memory_space<vmem>>
      %dma_start3A_320 = tpu.memref_squeeze %dma_start3A_319 : memref<1x128xi32, #tpu.memory_space<vmem>> -> memref<128xi32, #tpu.memory_space<vmem>>
      %dma_start3A_321 = arith.constant 0 : i32
      %dma_start3A_322 = arith.constant 0 : i32
      %dma_start3A_323 = tpu.memref_slice %arg2[%dma_start3A_321, %dma_start3A_322] : memref<20000x128xf32, #tpu.memory_space<hbm>> -> memref<20000x128xf32, #tpu.memory_space<hbm>>
      tpu.enqueue_indirect_dma source(%dma_start3A_323 : memref<20000x128xf32, #tpu.memory_space<hbm>>) target(%dma_start3A_317 : memref<128x128xf32, #tpu.memory_space<vmem>>) offsets(%dma_start3A_320 : memref<128xi32, #tpu.memory_space<vmem>>) semaphore(%arg13 : memref<!tpu.dma_semaphore, #tpu.memory_space<semaphore_mem>>)
      %dma_wait3A_324 = arith.constant 9 : i32
      %dma_wait3A_325 = arith.constant 1 : i32
      %dma_wait3A_326 = arith.constant 0 : i32
      %dma_wait3A_327 = arith.constant 0 : i32
      %dma_wait3A_328 = tpu.memref_slice %arg8[%dma_wait3A_325, %dma_wait3A_326, %dma_wait3A_327] : memref<2x128x128xf32, #tpu.memory_space<vmem>> -> memref<1x128x128xf32, #tpu.memory_space<vmem>>
      %dma_wait3A_329 = tpu.memref_squeeze %dma_wait3A_328 : memref<1x128x128xf32, #tpu.memory_space<vmem>> -> memref<128x128xf32, #tpu.memory_space<vmem>>
      %dma_wait3A_330 = arith.constant 0 : i32
      %dma_wait3A_331 = tpu.memref_slice %arg9[%dma_wait3A_324, %dma_wait3A_330] : memref<32x128xi32, #tpu.memory_space<vmem>> -> memref<1x128xi32, #tpu.memory_space<vmem>>
      %dma_wait3A_332 = tpu.memref_squeeze %dma_wait3A_331 : memref<1x128xi32, #tpu.memory_space<vmem>> -> memref<128xi32, #tpu.memory_space<vmem>>
      %dma_wait3A_333 = arith.constant 0 : i32
      %dma_wait3A_334 = arith.constant 0 : i32
      %dma_wait3A_335 = tpu.memref_slice %arg2[%dma_wait3A_333, %dma_wait3A_334] : memref<20000x128xf32, #tpu.memory_space<hbm>> -> memref<20000x128xf32, #tpu.memory_space<hbm>>
      tpu.wait_indirect_dma semaphore(%arg14 : memref<!tpu.dma_semaphore, #tpu.memory_space<semaphore_mem>>) src(%dma_wait3A_335 : memref<20000x128xf32, #tpu.memory_space<hbm>>) dst(%dma_wait3A_329 : memref<128x128xf32, #tpu.memory_space<vmem>>)
      %dma_start3A_336 = arith.constant 11 : i32
      %dma_start3A_337 = arith.constant 1 : i32
      %dma_start3A_338 = arith.constant 0 : i32
      %dma_start3A_339 = arith.constant 0 : i32
      %dma_start3A_340 = tpu.memref_slice %arg8[%dma_start3A_337, %dma_start3A_338, %dma_start3A_339] : memref<2x128x128xf32, #tpu.memory_space<vmem>> -> memref<1x128x128xf32, #tpu.memory_space<vmem>>
      %dma_start3A_341 = tpu.memref_squeeze %dma_start3A_340 : memref<1x128x128xf32, #tpu.memory_space<vmem>> -> memref<128x128xf32, #tpu.memory_space<vmem>>
      %dma_start3A_342 = arith.constant 0 : i32
      %dma_start3A_343 = tpu.memref_slice %arg9[%dma_start3A_336, %dma_start3A_342] : memref<32x128xi32, #tpu.memory_space<vmem>> -> memref<1x128xi32, #tpu.memory_space<vmem>>
      %dma_start3A_344 = tpu.memref_squeeze %dma_start3A_343 : memref<1x128xi32, #tpu.memory_space<vmem>> -> memref<128xi32, #tpu.memory_space<vmem>>
      %dma_start3A_345 = arith.constant 0 : i32
      %dma_start3A_346 = arith.constant 0 : i32
      %dma_start3A_347 = tpu.memref_slice %arg2[%dma_start3A_345, %dma_start3A_346] : memref<20000x128xf32, #tpu.memory_space<hbm>> -> memref<20000x128xf32, #tpu.memory_space<hbm>>
      tpu.enqueue_indirect_dma source(%dma_start3A_347 : memref<20000x128xf32, #tpu.memory_space<hbm>>) target(%dma_start3A_341 : memref<128x128xf32, #tpu.memory_space<vmem>>) offsets(%dma_start3A_344 : memref<128xi32, #tpu.memory_space<vmem>>) semaphore(%arg14 : memref<!tpu.dma_semaphore, #tpu.memory_space<semaphore_mem>>)
      %dma_wait3A_348 = arith.constant 10 : i32
      %dma_wait3A_349 = arith.constant 0 : i32
      %dma_wait3A_350 = arith.constant 0 : i32
      %dma_wait3A_351 = arith.constant 0 : i32
      %dma_wait3A_352 = tpu.memref_slice %arg8[%dma_wait3A_349, %dma_wait3A_350, %dma_wait3A_351] : memref<2x128x128xf32, #tpu.memory_space<vmem>> -> memref<1x128x128xf32, #tpu.memory_space<vmem>>
      %dma_wait3A_353 = tpu.memref_squeeze %dma_wait3A_352 : memref<1x128x128xf32, #tpu.memory_space<vmem>> -> memref<128x128xf32, #tpu.memory_space<vmem>>
      %dma_wait3A_354 = arith.constant 0 : i32
      %dma_wait3A_355 = tpu.memref_slice %arg9[%dma_wait3A_348, %dma_wait3A_354] : memref<32x128xi32, #tpu.memory_space<vmem>> -> memref<1x128xi32, #tpu.memory_space<vmem>>
      %dma_wait3A_356 = tpu.memref_squeeze %dma_wait3A_355 : memref<1x128xi32, #tpu.memory_space<vmem>> -> memref<128xi32, #tpu.memory_space<vmem>>
      %dma_wait3A_357 = arith.constant 0 : i32
      %dma_wait3A_358 = arith.constant 0 : i32
      %dma_wait3A_359 = tpu.memref_slice %arg2[%dma_wait3A_357, %dma_wait3A_358] : memref<20000x128xf32, #tpu.memory_space<hbm>> -> memref<20000x128xf32, #tpu.memory_space<hbm>>
      tpu.wait_indirect_dma semaphore(%arg13 : memref<!tpu.dma_semaphore, #tpu.memory_space<semaphore_mem>>) src(%dma_wait3A_359 : memref<20000x128xf32, #tpu.memory_space<hbm>>) dst(%dma_wait3A_353 : memref<128x128xf32, #tpu.memory_space<vmem>>)
      %dma_start3A_360 = arith.constant 12 : i32
      %dma_start3A_361 = arith.constant 0 : i32
      %dma_start3A_362 = arith.constant 0 : i32
      %dma_start3A_363 = arith.constant 0 : i32
      %dma_start3A_364 = tpu.memref_slice %arg8[%dma_start3A_361, %dma_start3A_362, %dma_start3A_363] : memref<2x128x128xf32, #tpu.memory_space<vmem>> -> memref<1x128x128xf32, #tpu.memory_space<vmem>>
      %dma_start3A_365 = tpu.memref_squeeze %dma_start3A_364 : memref<1x128x128xf32, #tpu.memory_space<vmem>> -> memref<128x128xf32, #tpu.memory_space<vmem>>
      %dma_start3A_366 = arith.constant 0 : i32
      %dma_start3A_367 = tpu.memref_slice %arg9[%dma_start3A_360, %dma_start3A_366] : memref<32x128xi32, #tpu.memory_space<vmem>> -> memref<1x128xi32, #tpu.memory_space<vmem>>
      %dma_start3A_368 = tpu.memref_squeeze %dma_start3A_367 : memref<1x128xi32, #tpu.memory_space<vmem>> -> memref<128xi32, #tpu.memory_space<vmem>>
      %dma_start3A_369 = arith.constant 0 : i32
      %dma_start3A_370 = arith.constant 0 : i32
      %dma_start3A_371 = tpu.memref_slice %arg2[%dma_start3A_369, %dma_start3A_370] : memref<20000x128xf32, #tpu.memory_space<hbm>> -> memref<20000x128xf32, #tpu.memory_space<hbm>>
      tpu.enqueue_indirect_dma source(%dma_start3A_371 : memref<20000x128xf32, #tpu.memory_space<hbm>>) target(%dma_start3A_365 : memref<128x128xf32, #tpu.memory_space<vmem>>) offsets(%dma_start3A_368 : memref<128xi32, #tpu.memory_space<vmem>>) semaphore(%arg13 : memref<!tpu.dma_semaphore, #tpu.memory_space<semaphore_mem>>)
      %dma_wait3A_372 = arith.constant 11 : i32
      %dma_wait3A_373 = arith.constant 1 : i32
      %dma_wait3A_374 = arith.constant 0 : i32
      %dma_wait3A_375 = arith.constant 0 : i32
      %dma_wait3A_376 = tpu.memref_slice %arg8[%dma_wait3A_373, %dma_wait3A_374, %dma_wait3A_375] : memref<2x128x128xf32, #tpu.memory_space<vmem>> -> memref<1x128x128xf32, #tpu.memory_space<vmem>>
      %dma_wait3A_377 = tpu.memref_squeeze %dma_wait3A_376 : memref<1x128x128xf32, #tpu.memory_space<vmem>> -> memref<128x128xf32, #tpu.memory_space<vmem>>
      %dma_wait3A_378 = arith.constant 0 : i32
      %dma_wait3A_379 = tpu.memref_slice %arg9[%dma_wait3A_372, %dma_wait3A_378] : memref<32x128xi32, #tpu.memory_space<vmem>> -> memref<1x128xi32, #tpu.memory_space<vmem>>
      %dma_wait3A_380 = tpu.memref_squeeze %dma_wait3A_379 : memref<1x128xi32, #tpu.memory_space<vmem>> -> memref<128xi32, #tpu.memory_space<vmem>>
      %dma_wait3A_381 = arith.constant 0 : i32
      %dma_wait3A_382 = arith.constant 0 : i32
      %dma_wait3A_383 = tpu.memref_slice %arg2[%dma_wait3A_381, %dma_wait3A_382] : memref<20000x128xf32, #tpu.memory_space<hbm>> -> memref<20000x128xf32, #tpu.memory_space<hbm>>
      tpu.wait_indirect_dma semaphore(%arg14 : memref<!tpu.dma_semaphore, #tpu.memory_space<semaphore_mem>>) src(%dma_wait3A_383 : memref<20000x128xf32, #tpu.memory_space<hbm>>) dst(%dma_wait3A_377 : memref<128x128xf32, #tpu.memory_space<vmem>>)
      %dma_start3A_384 = arith.constant 13 : i32
      %dma_start3A_385 = arith.constant 1 : i32
      %dma_start3A_386 = arith.constant 0 : i32
      %dma_start3A_387 = arith.constant 0 : i32
      %dma_start3A_388 = tpu.memref_slice %arg8[%dma_start3A_385, %dma_start3A_386, %dma_start3A_387] : memref<2x128x128xf32, #tpu.memory_space<vmem>> -> memref<1x128x128xf32, #tpu.memory_space<vmem>>
      %dma_start3A_389 = tpu.memref_squeeze %dma_start3A_388 : memref<1x128x128xf32, #tpu.memory_space<vmem>> -> memref<128x128xf32, #tpu.memory_space<vmem>>
      %dma_start3A_390 = arith.constant 0 : i32
      %dma_start3A_391 = tpu.memref_slice %arg9[%dma_start3A_384, %dma_start3A_390] : memref<32x128xi32, #tpu.memory_space<vmem>> -> memref<1x128xi32, #tpu.memory_space<vmem>>
      %dma_start3A_392 = tpu.memref_squeeze %dma_start3A_391 : memref<1x128xi32, #tpu.memory_space<vmem>> -> memref<128xi32, #tpu.memory_space<vmem>>
      %dma_start3A_393 = arith.constant 0 : i32
      %dma_start3A_394 = arith.constant 0 : i32
      %dma_start3A_395 = tpu.memref_slice %arg2[%dma_start3A_393, %dma_start3A_394] : memref<20000x128xf32, #tpu.memory_space<hbm>> -> memref<20000x128xf32, #tpu.memory_space<hbm>>
      tpu.enqueue_indirect_dma source(%dma_start3A_395 : memref<20000x128xf32, #tpu.memory_space<hbm>>) target(%dma_start3A_389 : memref<128x128xf32, #tpu.memory_space<vmem>>) offsets(%dma_start3A_392 : memref<128xi32, #tpu.memory_space<vmem>>) semaphore(%arg14 : memref<!tpu.dma_semaphore, #tpu.memory_space<semaphore_mem>>)
      %dma_wait3A_396 = arith.constant 12 : i32
      %dma_wait3A_397 = arith.constant 0 : i32
      %dma_wait3A_398 = arith.constant 0 : i32
      %dma_wait3A_399 = arith.constant 0 : i32
      %dma_wait3A_400 = tpu.memref_slice %arg8[%dma_wait3A_397, %dma_wait3A_398, %dma_wait3A_399] : memref<2x128x128xf32, #tpu.memory_space<vmem>> -> memref<1x128x128xf32, #tpu.memory_space<vmem>>
      %dma_wait3A_401 = tpu.memref_squeeze %dma_wait3A_400 : memref<1x128x128xf32, #tpu.memory_space<vmem>> -> memref<128x128xf32, #tpu.memory_space<vmem>>
      %dma_wait3A_402 = arith.constant 0 : i32
      %dma_wait3A_403 = tpu.memref_slice %arg9[%dma_wait3A_396, %dma_wait3A_402] : memref<32x128xi32, #tpu.memory_space<vmem>> -> memref<1x128xi32, #tpu.memory_space<vmem>>
      %dma_wait3A_404 = tpu.memref_squeeze %dma_wait3A_403 : memref<1x128xi32, #tpu.memory_space<vmem>> -> memref<128xi32, #tpu.memory_space<vmem>>
      %dma_wait3A_405 = arith.constant 0 : i32
      %dma_wait3A_406 = arith.constant 0 : i32
      %dma_wait3A_407 = tpu.memref_slice %arg2[%dma_wait3A_405, %dma_wait3A_406] : memref<20000x128xf32, #tpu.memory_space<hbm>> -> memref<20000x128xf32, #tpu.memory_space<hbm>>
      tpu.wait_indirect_dma semaphore(%arg13 : memref<!tpu.dma_semaphore, #tpu.memory_space<semaphore_mem>>) src(%dma_wait3A_407 : memref<20000x128xf32, #tpu.memory_space<hbm>>) dst(%dma_wait3A_401 : memref<128x128xf32, #tpu.memory_space<vmem>>)
      %dma_start3A_408 = arith.constant 14 : i32
      %dma_start3A_409 = arith.constant 0 : i32
      %dma_start3A_410 = arith.constant 0 : i32
      %dma_start3A_411 = arith.constant 0 : i32
      %dma_start3A_412 = tpu.memref_slice %arg8[%dma_start3A_409, %dma_start3A_410, %dma_start3A_411] : memref<2x128x128xf32, #tpu.memory_space<vmem>> -> memref<1x128x128xf32, #tpu.memory_space<vmem>>
      %dma_start3A_413 = tpu.memref_squeeze %dma_start3A_412 : memref<1x128x128xf32, #tpu.memory_space<vmem>> -> memref<128x128xf32, #tpu.memory_space<vmem>>
      %dma_start3A_414 = arith.constant 0 : i32
      %dma_start3A_415 = tpu.memref_slice %arg9[%dma_start3A_408, %dma_start3A_414] : memref<32x128xi32, #tpu.memory_space<vmem>> -> memref<1x128xi32, #tpu.memory_space<vmem>>
      %dma_start3A_416 = tpu.memref_squeeze %dma_start3A_415 : memref<1x128xi32, #tpu.memory_space<vmem>> -> memref<128xi32, #tpu.memory_space<vmem>>
      %dma_start3A_417 = arith.constant 0 : i32
      %dma_start3A_418 = arith.constant 0 : i32
      %dma_start3A_419 = tpu.memref_slice %arg2[%dma_start3A_417, %dma_start3A_418] : memref<20000x128xf32, #tpu.memory_space<hbm>> -> memref<20000x128xf32, #tpu.memory_space<hbm>>
      tpu.enqueue_indirect_dma source(%dma_start3A_419 : memref<20000x128xf32, #tpu.memory_space<hbm>>) target(%dma_start3A_413 : memref<128x128xf32, #tpu.memory_space<vmem>>) offsets(%dma_start3A_416 : memref<128xi32, #tpu.memory_space<vmem>>) semaphore(%arg13 : memref<!tpu.dma_semaphore, #tpu.memory_space<semaphore_mem>>)
      %dma_wait3A_420 = arith.constant 13 : i32
      %dma_wait3A_421 = arith.constant 1 : i32
      %dma_wait3A_422 = arith.constant 0 : i32
      %dma_wait3A_423 = arith.constant 0 : i32
      %dma_wait3A_424 = tpu.memref_slice %arg8[%dma_wait3A_421, %dma_wait3A_422, %dma_wait3A_423] : memref<2x128x128xf32, #tpu.memory_space<vmem>> -> memref<1x128x128xf32, #tpu.memory_space<vmem>>
      %dma_wait3A_425 = tpu.memref_squeeze %dma_wait3A_424 : memref<1x128x128xf32, #tpu.memory_space<vmem>> -> memref<128x128xf32, #tpu.memory_space<vmem>>
      %dma_wait3A_426 = arith.constant 0 : i32
      %dma_wait3A_427 = tpu.memref_slice %arg9[%dma_wait3A_420, %dma_wait3A_426] : memref<32x128xi32, #tpu.memory_space<vmem>> -> memref<1x128xi32, #tpu.memory_space<vmem>>
      %dma_wait3A_428 = tpu.memref_squeeze %dma_wait3A_427 : memref<1x128xi32, #tpu.memory_space<vmem>> -> memref<128xi32, #tpu.memory_space<vmem>>
      %dma_wait3A_429 = arith.constant 0 : i32
      %dma_wait3A_430 = arith.constant 0 : i32
      %dma_wait3A_431 = tpu.memref_slice %arg2[%dma_wait3A_429, %dma_wait3A_430] : memref<20000x128xf32, #tpu.memory_space<hbm>> -> memref<20000x128xf32, #tpu.memory_space<hbm>>
      tpu.wait_indirect_dma semaphore(%arg14 : memref<!tpu.dma_semaphore, #tpu.memory_space<semaphore_mem>>) src(%dma_wait3A_431 : memref<20000x128xf32, #tpu.memory_space<hbm>>) dst(%dma_wait3A_425 : memref<128x128xf32, #tpu.memory_space<vmem>>)
      %dma_start3A_432 = arith.constant 15 : i32
      %dma_start3A_433 = arith.constant 1 : i32
      %dma_start3A_434 = arith.constant 0 : i32
      %dma_start3A_435 = arith.constant 0 : i32
      %dma_start3A_436 = tpu.memref_slice %arg8[%dma_start3A_433, %dma_start3A_434, %dma_start3A_435] : memref<2x128x128xf32, #tpu.memory_space<vmem>> -> memref<1x128x128xf32, #tpu.memory_space<vmem>>
      %dma_start3A_437 = tpu.memref_squeeze %dma_start3A_436 : memref<1x128x128xf32, #tpu.memory_space<vmem>> -> memref<128x128xf32, #tpu.memory_space<vmem>>
      %dma_start3A_438 = arith.constant 0 : i32
      %dma_start3A_439 = tpu.memref_slice %arg9[%dma_start3A_432, %dma_start3A_438] : memref<32x128xi32, #tpu.memory_space<vmem>> -> memref<1x128xi32, #tpu.memory_space<vmem>>
      %dma_start3A_440 = tpu.memref_squeeze %dma_start3A_439 : memref<1x128xi32, #tpu.memory_space<vmem>> -> memref<128xi32, #tpu.memory_space<vmem>>
      %dma_start3A_441 = arith.constant 0 : i32
      %dma_start3A_442 = arith.constant 0 : i32
      %dma_start3A_443 = tpu.memref_slice %arg2[%dma_start3A_441, %dma_start3A_442] : memref<20000x128xf32, #tpu.memory_space<hbm>> -> memref<20000x128xf32, #tpu.memory_space<hbm>>
      tpu.enqueue_indirect_dma source(%dma_start3A_443 : memref<20000x128xf32, #tpu.memory_space<hbm>>) target(%dma_start3A_437 : memref<128x128xf32, #tpu.memory_space<vmem>>) offsets(%dma_start3A_440 : memref<128xi32, #tpu.memory_space<vmem>>) semaphore(%arg14 : memref<!tpu.dma_semaphore, #tpu.memory_space<semaphore_mem>>)
      %dma_wait3A_444 = arith.constant 14 : i32
      %dma_wait3A_445 = arith.constant 0 : i32
      %dma_wait3A_446 = arith.constant 0 : i32
      %dma_wait3A_447 = arith.constant 0 : i32
      %dma_wait3A_448 = tpu.memref_slice %arg8[%dma_wait3A_445, %dma_wait3A_446, %dma_wait3A_447] : memref<2x128x128xf32, #tpu.memory_space<vmem>> -> memref<1x128x128xf32, #tpu.memory_space<vmem>>
      %dma_wait3A_449 = tpu.memref_squeeze %dma_wait3A_448 : memref<1x128x128xf32, #tpu.memory_space<vmem>> -> memref<128x128xf32, #tpu.memory_space<vmem>>
      %dma_wait3A_450 = arith.constant 0 : i32
      %dma_wait3A_451 = tpu.memref_slice %arg9[%dma_wait3A_444, %dma_wait3A_450] : memref<32x128xi32, #tpu.memory_space<vmem>> -> memref<1x128xi32, #tpu.memory_space<vmem>>
      %dma_wait3A_452 = tpu.memref_squeeze %dma_wait3A_451 : memref<1x128xi32, #tpu.memory_space<vmem>> -> memref<128xi32, #tpu.memory_space<vmem>>
      %dma_wait3A_453 = arith.constant 0 : i32
      %dma_wait3A_454 = arith.constant 0 : i32
      %dma_wait3A_455 = tpu.memref_slice %arg2[%dma_wait3A_453, %dma_wait3A_454] : memref<20000x128xf32, #tpu.memory_space<hbm>> -> memref<20000x128xf32, #tpu.memory_space<hbm>>
      tpu.wait_indirect_dma semaphore(%arg13 : memref<!tpu.dma_semaphore, #tpu.memory_space<semaphore_mem>>) src(%dma_wait3A_455 : memref<20000x128xf32, #tpu.memory_space<hbm>>) dst(%dma_wait3A_449 : memref<128x128xf32, #tpu.memory_space<vmem>>)
      %dma_start3A_456 = arith.constant 16 : i32
      %dma_start3A_457 = arith.constant 0 : i32
      %dma_start3A_458 = arith.constant 0 : i32
      %dma_start3A_459 = arith.constant 0 : i32
      %dma_start3A_460 = tpu.memref_slice %arg8[%dma_start3A_457, %dma_start3A_458, %dma_start3A_459] : memref<2x128x128xf32, #tpu.memory_space<vmem>> -> memref<1x128x128xf32, #tpu.memory_space<vmem>>
      %dma_start3A_461 = tpu.memref_squeeze %dma_start3A_460 : memref<1x128x128xf32, #tpu.memory_space<vmem>> -> memref<128x128xf32, #tpu.memory_space<vmem>>
      %dma_start3A_462 = arith.constant 0 : i32
      %dma_start3A_463 = tpu.memref_slice %arg9[%dma_start3A_456, %dma_start3A_462] : memref<32x128xi32, #tpu.memory_space<vmem>> -> memref<1x128xi32, #tpu.memory_space<vmem>>
      %dma_start3A_464 = tpu.memref_squeeze %dma_start3A_463 : memref<1x128xi32, #tpu.memory_space<vmem>> -> memref<128xi32, #tpu.memory_space<vmem>>
      %dma_start3A_465 = arith.constant 0 : i32
      %dma_start3A_466 = arith.constant 0 : i32
      %dma_start3A_467 = tpu.memref_slice %arg2[%dma_start3A_465, %dma_start3A_466] : memref<20000x128xf32, #tpu.memory_space<hbm>> -> memref<20000x128xf32, #tpu.memory_space<hbm>>
      tpu.enqueue_indirect_dma source(%dma_start3A_467 : memref<20000x128xf32, #tpu.memory_space<hbm>>) target(%dma_start3A_461 : memref<128x128xf32, #tpu.memory_space<vmem>>) offsets(%dma_start3A_464 : memref<128xi32, #tpu.memory_space<vmem>>) semaphore(%arg13 : memref<!tpu.dma_semaphore, #tpu.memory_space<semaphore_mem>>)
      %dma_wait3A_468 = arith.constant 15 : i32
      %dma_wait3A_469 = arith.constant 1 : i32
      %dma_wait3A_470 = arith.constant 0 : i32
      %dma_wait3A_471 = arith.constant 0 : i32
      %dma_wait3A_472 = tpu.memref_slice %arg8[%dma_wait3A_469, %dma_wait3A_470, %dma_wait3A_471] : memref<2x128x128xf32, #tpu.memory_space<vmem>> -> memref<1x128x128xf32, #tpu.memory_space<vmem>>
      %dma_wait3A_473 = tpu.memref_squeeze %dma_wait3A_472 : memref<1x128x128xf32, #tpu.memory_space<vmem>> -> memref<128x128xf32, #tpu.memory_space<vmem>>
      %dma_wait3A_474 = arith.constant 0 : i32
      %dma_wait3A_475 = tpu.memref_slice %arg9[%dma_wait3A_468, %dma_wait3A_474] : memref<32x128xi32, #tpu.memory_space<vmem>> -> memref<1x128xi32, #tpu.memory_space<vmem>>
      %dma_wait3A_476 = tpu.memref_squeeze %dma_wait3A_475 : memref<1x128xi32, #tpu.memory_space<vmem>> -> memref<128xi32, #tpu.memory_space<vmem>>
      %dma_wait3A_477 = arith.constant 0 : i32
      %dma_wait3A_478 = arith.constant 0 : i32
      %dma_wait3A_479 = tpu.memref_slice %arg2[%dma_wait3A_477, %dma_wait3A_478] : memref<20000x128xf32, #tpu.memory_space<hbm>> -> memref<20000x128xf32, #tpu.memory_space<hbm>>
      tpu.wait_indirect_dma semaphore(%arg14 : memref<!tpu.dma_semaphore, #tpu.memory_space<semaphore_mem>>) src(%dma_wait3A_479 : memref<20000x128xf32, #tpu.memory_space<hbm>>) dst(%dma_wait3A_473 : memref<128x128xf32, #tpu.memory_space<vmem>>)
      %dma_start3A_480 = arith.constant 17 : i32
      %dma_start3A_481 = arith.constant 1 : i32
      %dma_start3A_482 = arith.constant 0 : i32
      %dma_start3A_483 = arith.constant 0 : i32
      %dma_start3A_484 = tpu.memref_slice %arg8[%dma_start3A_481, %dma_start3A_482, %dma_start3A_483] : memref<2x128x128xf32, #tpu.memory_space<vmem>> -> memref<1x128x128xf32, #tpu.memory_space<vmem>>
      %dma_start3A_485 = tpu.memref_squeeze %dma_start3A_484 : memref<1x128x128xf32, #tpu.memory_space<vmem>> -> memref<128x128xf32, #tpu.memory_space<vmem>>
      %dma_start3A_486 = arith.constant 0 : i32
      %dma_start3A_487 = tpu.memref_slice %arg9[%dma_start3A_480, %dma_start3A_486] : memref<32x128xi32, #tpu.memory_space<vmem>> -> memref<1x128xi32, #tpu.memory_space<vmem>>
      %dma_start3A_488 = tpu.memref_squeeze %dma_start3A_487 : memref<1x128xi32, #tpu.memory_space<vmem>> -> memref<128xi32, #tpu.memory_space<vmem>>
      %dma_start3A_489 = arith.constant 0 : i32
      %dma_start3A_490 = arith.constant 0 : i32
      %dma_start3A_491 = tpu.memref_slice %arg2[%dma_start3A_489, %dma_start3A_490] : memref<20000x128xf32, #tpu.memory_space<hbm>> -> memref<20000x128xf32, #tpu.memory_space<hbm>>
      tpu.enqueue_indirect_dma source(%dma_start3A_491 : memref<20000x128xf32, #tpu.memory_space<hbm>>) target(%dma_start3A_485 : memref<128x128xf32, #tpu.memory_space<vmem>>) offsets(%dma_start3A_488 : memref<128xi32, #tpu.memory_space<vmem>>) semaphore(%arg14 : memref<!tpu.dma_semaphore, #tpu.memory_space<semaphore_mem>>)
      %dma_wait3A_492 = arith.constant 16 : i32
      %dma_wait3A_493 = arith.constant 0 : i32
      %dma_wait3A_494 = arith.constant 0 : i32
      %dma_wait3A_495 = arith.constant 0 : i32
      %dma_wait3A_496 = tpu.memref_slice %arg8[%dma_wait3A_493, %dma_wait3A_494, %dma_wait3A_495] : memref<2x128x128xf32, #tpu.memory_space<vmem>> -> memref<1x128x128xf32, #tpu.memory_space<vmem>>
      %dma_wait3A_497 = tpu.memref_squeeze %dma_wait3A_496 : memref<1x128x128xf32, #tpu.memory_space<vmem>> -> memref<128x128xf32, #tpu.memory_space<vmem>>
      %dma_wait3A_498 = arith.constant 0 : i32
      %dma_wait3A_499 = tpu.memref_slice %arg9[%dma_wait3A_492, %dma_wait3A_498] : memref<32x128xi32, #tpu.memory_space<vmem>> -> memref<1x128xi32, #tpu.memory_space<vmem>>
      %dma_wait3A_500 = tpu.memref_squeeze %dma_wait3A_499 : memref<1x128xi32, #tpu.memory_space<vmem>> -> memref<128xi32, #tpu.memory_space<vmem>>
      %dma_wait3A_501 = arith.constant 0 : i32
      %dma_wait3A_502 = arith.constant 0 : i32
      %dma_wait3A_503 = tpu.memref_slice %arg2[%dma_wait3A_501, %dma_wait3A_502] : memref<20000x128xf32, #tpu.memory_space<hbm>> -> memref<20000x128xf32, #tpu.memory_space<hbm>>
      tpu.wait_indirect_dma semaphore(%arg13 : memref<!tpu.dma_semaphore, #tpu.memory_space<semaphore_mem>>) src(%dma_wait3A_503 : memref<20000x128xf32, #tpu.memory_space<hbm>>) dst(%dma_wait3A_497 : memref<128x128xf32, #tpu.memory_space<vmem>>)
      %dma_start3A_504 = arith.constant 18 : i32
      %dma_start3A_505 = arith.constant 0 : i32
      %dma_start3A_506 = arith.constant 0 : i32
      %dma_start3A_507 = arith.constant 0 : i32
      %dma_start3A_508 = tpu.memref_slice %arg8[%dma_start3A_505, %dma_start3A_506, %dma_start3A_507] : memref<2x128x128xf32, #tpu.memory_space<vmem>> -> memref<1x128x128xf32, #tpu.memory_space<vmem>>
      %dma_start3A_509 = tpu.memref_squeeze %dma_start3A_508 : memref<1x128x128xf32, #tpu.memory_space<vmem>> -> memref<128x128xf32, #tpu.memory_space<vmem>>
      %dma_start3A_510 = arith.constant 0 : i32
      %dma_start3A_511 = tpu.memref_slice %arg9[%dma_start3A_504, %dma_start3A_510] : memref<32x128xi32, #tpu.memory_space<vmem>> -> memref<1x128xi32, #tpu.memory_space<vmem>>
      %dma_start3A_512 = tpu.memref_squeeze %dma_start3A_511 : memref<1x128xi32, #tpu.memory_space<vmem>> -> memref<128xi32, #tpu.memory_space<vmem>>
      %dma_start3A_513 = arith.constant 0 : i32
      %dma_start3A_514 = arith.constant 0 : i32
      %dma_start3A_515 = tpu.memref_slice %arg2[%dma_start3A_513, %dma_start3A_514] : memref<20000x128xf32, #tpu.memory_space<hbm>> -> memref<20000x128xf32, #tpu.memory_space<hbm>>
      tpu.enqueue_indirect_dma source(%dma_start3A_515 : memref<20000x128xf32, #tpu.memory_space<hbm>>) target(%dma_start3A_509 : memref<128x128xf32, #tpu.memory_space<vmem>>) offsets(%dma_start3A_512 : memref<128xi32, #tpu.memory_space<vmem>>) semaphore(%arg13 : memref<!tpu.dma_semaphore, #tpu.memory_space<semaphore_mem>>)
      %dma_wait3A_516 = arith.constant 17 : i32
      %dma_wait3A_517 = arith.constant 1 : i32
      %dma_wait3A_518 = arith.constant 0 : i32
      %dma_wait3A_519 = arith.constant 0 : i32
      %dma_wait3A_520 = tpu.memref_slice %arg8[%dma_wait3A_517, %dma_wait3A_518, %dma_wait3A_519] : memref<2x128x128xf32, #tpu.memory_space<vmem>> -> memref<1x128x128xf32, #tpu.memory_space<vmem>>
      %dma_wait3A_521 = tpu.memref_squeeze %dma_wait3A_520 : memref<1x128x128xf32, #tpu.memory_space<vmem>> -> memref<128x128xf32, #tpu.memory_space<vmem>>
      %dma_wait3A_522 = arith.constant 0 : i32
      %dma_wait3A_523 = tpu.memref_slice %arg9[%dma_wait3A_516, %dma_wait3A_522] : memref<32x128xi32, #tpu.memory_space<vmem>> -> memref<1x128xi32, #tpu.memory_space<vmem>>
      %dma_wait3A_524 = tpu.memref_squeeze %dma_wait3A_523 : memref<1x128xi32, #tpu.memory_space<vmem>> -> memref<128xi32, #tpu.memory_space<vmem>>
      %dma_wait3A_525 = arith.constant 0 : i32
      %dma_wait3A_526 = arith.constant 0 : i32
      %dma_wait3A_527 = tpu.memref_slice %arg2[%dma_wait3A_525, %dma_wait3A_526] : memref<20000x128xf32, #tpu.memory_space<hbm>> -> memref<20000x128xf32, #tpu.memory_space<hbm>>
      tpu.wait_indirect_dma semaphore(%arg14 : memref<!tpu.dma_semaphore, #tpu.memory_space<semaphore_mem>>) src(%dma_wait3A_527 : memref<20000x128xf32, #tpu.memory_space<hbm>>) dst(%dma_wait3A_521 : memref<128x128xf32, #tpu.memory_space<vmem>>)
      %dma_start3A_528 = arith.constant 19 : i32
      %dma_start3A_529 = arith.constant 1 : i32
      %dma_start3A_530 = arith.constant 0 : i32
      %dma_start3A_531 = arith.constant 0 : i32
      %dma_start3A_532 = tpu.memref_slice %arg8[%dma_start3A_529, %dma_start3A_530, %dma_start3A_531] : memref<2x128x128xf32, #tpu.memory_space<vmem>> -> memref<1x128x128xf32, #tpu.memory_space<vmem>>
      %dma_start3A_533 = tpu.memref_squeeze %dma_start3A_532 : memref<1x128x128xf32, #tpu.memory_space<vmem>> -> memref<128x128xf32, #tpu.memory_space<vmem>>
      %dma_start3A_534 = arith.constant 0 : i32
      %dma_start3A_535 = tpu.memref_slice %arg9[%dma_start3A_528, %dma_start3A_534] : memref<32x128xi32, #tpu.memory_space<vmem>> -> memref<1x128xi32, #tpu.memory_space<vmem>>
      %dma_start3A_536 = tpu.memref_squeeze %dma_start3A_535 : memref<1x128xi32, #tpu.memory_space<vmem>> -> memref<128xi32, #tpu.memory_space<vmem>>
      %dma_start3A_537 = arith.constant 0 : i32
      %dma_start3A_538 = arith.constant 0 : i32
      %dma_start3A_539 = tpu.memref_slice %arg2[%dma_start3A_537, %dma_start3A_538] : memref<20000x128xf32, #tpu.memory_space<hbm>> -> memref<20000x128xf32, #tpu.memory_space<hbm>>
      tpu.enqueue_indirect_dma source(%dma_start3A_539 : memref<20000x128xf32, #tpu.memory_space<hbm>>) target(%dma_start3A_533 : memref<128x128xf32, #tpu.memory_space<vmem>>) offsets(%dma_start3A_536 : memref<128xi32, #tpu.memory_space<vmem>>) semaphore(%arg14 : memref<!tpu.dma_semaphore, #tpu.memory_space<semaphore_mem>>)
      %dma_wait3A_540 = arith.constant 18 : i32
      %dma_wait3A_541 = arith.constant 0 : i32
      %dma_wait3A_542 = arith.constant 0 : i32
      %dma_wait3A_543 = arith.constant 0 : i32
      %dma_wait3A_544 = tpu.memref_slice %arg8[%dma_wait3A_541, %dma_wait3A_542, %dma_wait3A_543] : memref<2x128x128xf32, #tpu.memory_space<vmem>> -> memref<1x128x128xf32, #tpu.memory_space<vmem>>
      %dma_wait3A_545 = tpu.memref_squeeze %dma_wait3A_544 : memref<1x128x128xf32, #tpu.memory_space<vmem>> -> memref<128x128xf32, #tpu.memory_space<vmem>>
      %dma_wait3A_546 = arith.constant 0 : i32
      %dma_wait3A_547 = tpu.memref_slice %arg9[%dma_wait3A_540, %dma_wait3A_546] : memref<32x128xi32, #tpu.memory_space<vmem>> -> memref<1x128xi32, #tpu.memory_space<vmem>>
      %dma_wait3A_548 = tpu.memref_squeeze %dma_wait3A_547 : memref<1x128xi32, #tpu.memory_space<vmem>> -> memref<128xi32, #tpu.memory_space<vmem>>
      %dma_wait3A_549 = arith.constant 0 : i32
      %dma_wait3A_550 = arith.constant 0 : i32
      %dma_wait3A_551 = tpu.memref_slice %arg2[%dma_wait3A_549, %dma_wait3A_550] : memref<20000x128xf32, #tpu.memory_space<hbm>> -> memref<20000x128xf32, #tpu.memory_space<hbm>>
      tpu.wait_indirect_dma semaphore(%arg13 : memref<!tpu.dma_semaphore, #tpu.memory_space<semaphore_mem>>) src(%dma_wait3A_551 : memref<20000x128xf32, #tpu.memory_space<hbm>>) dst(%dma_wait3A_545 : memref<128x128xf32, #tpu.memory_space<vmem>>)
      %dma_start3A_552 = arith.constant 20 : i32
      %dma_start3A_553 = arith.constant 0 : i32
      %dma_start3A_554 = arith.constant 0 : i32
      %dma_start3A_555 = arith.constant 0 : i32
      %dma_start3A_556 = tpu.memref_slice %arg8[%dma_start3A_553, %dma_start3A_554, %dma_start3A_555] : memref<2x128x128xf32, #tpu.memory_space<vmem>> -> memref<1x128x128xf32, #tpu.memory_space<vmem>>
      %dma_start3A_557 = tpu.memref_squeeze %dma_start3A_556 : memref<1x128x128xf32, #tpu.memory_space<vmem>> -> memref<128x128xf32, #tpu.memory_space<vmem>>
      %dma_start3A_558 = arith.constant 0 : i32
      %dma_start3A_559 = tpu.memref_slice %arg9[%dma_start3A_552, %dma_start3A_558] : memref<32x128xi32, #tpu.memory_space<vmem>> -> memref<1x128xi32, #tpu.memory_space<vmem>>
      %dma_start3A_560 = tpu.memref_squeeze %dma_start3A_559 : memref<1x128xi32, #tpu.memory_space<vmem>> -> memref<128xi32, #tpu.memory_space<vmem>>
      %dma_start3A_561 = arith.constant 0 : i32
      %dma_start3A_562 = arith.constant 0 : i32
      %dma_start3A_563 = tpu.memref_slice %arg2[%dma_start3A_561, %dma_start3A_562] : memref<20000x128xf32, #tpu.memory_space<hbm>> -> memref<20000x128xf32, #tpu.memory_space<hbm>>
      tpu.enqueue_indirect_dma source(%dma_start3A_563 : memref<20000x128xf32, #tpu.memory_space<hbm>>) target(%dma_start3A_557 : memref<128x128xf32, #tpu.memory_space<vmem>>) offsets(%dma_start3A_560 : memref<128xi32, #tpu.memory_space<vmem>>) semaphore(%arg13 : memref<!tpu.dma_semaphore, #tpu.memory_space<semaphore_mem>>)
      %dma_wait3A_564 = arith.constant 19 : i32
      %dma_wait3A_565 = arith.constant 1 : i32
      %dma_wait3A_566 = arith.constant 0 : i32
      %dma_wait3A_567 = arith.constant 0 : i32
      %dma_wait3A_568 = tpu.memref_slice %arg8[%dma_wait3A_565, %dma_wait3A_566, %dma_wait3A_567] : memref<2x128x128xf32, #tpu.memory_space<vmem>> -> memref<1x128x128xf32, #tpu.memory_space<vmem>>
      %dma_wait3A_569 = tpu.memref_squeeze %dma_wait3A_568 : memref<1x128x128xf32, #tpu.memory_space<vmem>> -> memref<128x128xf32, #tpu.memory_space<vmem>>
      %dma_wait3A_570 = arith.constant 0 : i32
      %dma_wait3A_571 = tpu.memref_slice %arg9[%dma_wait3A_564, %dma_wait3A_570] : memref<32x128xi32, #tpu.memory_space<vmem>> -> memref<1x128xi32, #tpu.memory_space<vmem>>
      %dma_wait3A_572 = tpu.memref_squeeze %dma_wait3A_571 : memref<1x128xi32, #tpu.memory_space<vmem>> -> memref<128xi32, #tpu.memory_space<vmem>>
      %dma_wait3A_573 = arith.constant 0 : i32
      %dma_wait3A_574 = arith.constant 0 : i32
      %dma_wait3A_575 = tpu.memref_slice %arg2[%dma_wait3A_573, %dma_wait3A_574] : memref<20000x128xf32, #tpu.memory_space<hbm>> -> memref<20000x128xf32, #tpu.memory_space<hbm>>
      tpu.wait_indirect_dma semaphore(%arg14 : memref<!tpu.dma_semaphore, #tpu.memory_space<semaphore_mem>>) src(%dma_wait3A_575 : memref<20000x128xf32, #tpu.memory_space<hbm>>) dst(%dma_wait3A_569 : memref<128x128xf32, #tpu.memory_space<vmem>>)
      %dma_start3A_576 = arith.constant 21 : i32
      %dma_start3A_577 = arith.constant 1 : i32
      %dma_start3A_578 = arith.constant 0 : i32
      %dma_start3A_579 = arith.constant 0 : i32
      %dma_start3A_580 = tpu.memref_slice %arg8[%dma_start3A_577, %dma_start3A_578, %dma_start3A_579] : memref<2x128x128xf32, #tpu.memory_space<vmem>> -> memref<1x128x128xf32, #tpu.memory_space<vmem>>
      %dma_start3A_581 = tpu.memref_squeeze %dma_start3A_580 : memref<1x128x128xf32, #tpu.memory_space<vmem>> -> memref<128x128xf32, #tpu.memory_space<vmem>>
      %dma_start3A_582 = arith.constant 0 : i32
      %dma_start3A_583 = tpu.memref_slice %arg9[%dma_start3A_576, %dma_start3A_582] : memref<32x128xi32, #tpu.memory_space<vmem>> -> memref<1x128xi32, #tpu.memory_space<vmem>>
      %dma_start3A_584 = tpu.memref_squeeze %dma_start3A_583 : memref<1x128xi32, #tpu.memory_space<vmem>> -> memref<128xi32, #tpu.memory_space<vmem>>
      %dma_start3A_585 = arith.constant 0 : i32
      %dma_start3A_586 = arith.constant 0 : i32
      %dma_start3A_587 = tpu.memref_slice %arg2[%dma_start3A_585, %dma_start3A_586] : memref<20000x128xf32, #tpu.memory_space<hbm>> -> memref<20000x128xf32, #tpu.memory_space<hbm>>
      tpu.enqueue_indirect_dma source(%dma_start3A_587 : memref<20000x128xf32, #tpu.memory_space<hbm>>) target(%dma_start3A_581 : memref<128x128xf32, #tpu.memory_space<vmem>>) offsets(%dma_start3A_584 : memref<128xi32, #tpu.memory_space<vmem>>) semaphore(%arg14 : memref<!tpu.dma_semaphore, #tpu.memory_space<semaphore_mem>>)
      %dma_wait3A_588 = arith.constant 20 : i32
      %dma_wait3A_589 = arith.constant 0 : i32
      %dma_wait3A_590 = arith.constant 0 : i32
      %dma_wait3A_591 = arith.constant 0 : i32
      %dma_wait3A_592 = tpu.memref_slice %arg8[%dma_wait3A_589, %dma_wait3A_590, %dma_wait3A_591] : memref<2x128x128xf32, #tpu.memory_space<vmem>> -> memref<1x128x128xf32, #tpu.memory_space<vmem>>
      %dma_wait3A_593 = tpu.memref_squeeze %dma_wait3A_592 : memref<1x128x128xf32, #tpu.memory_space<vmem>> -> memref<128x128xf32, #tpu.memory_space<vmem>>
      %dma_wait3A_594 = arith.constant 0 : i32
      %dma_wait3A_595 = tpu.memref_slice %arg9[%dma_wait3A_588, %dma_wait3A_594] : memref<32x128xi32, #tpu.memory_space<vmem>> -> memref<1x128xi32, #tpu.memory_space<vmem>>
      %dma_wait3A_596 = tpu.memref_squeeze %dma_wait3A_595 : memref<1x128xi32, #tpu.memory_space<vmem>> -> memref<128xi32, #tpu.memory_space<vmem>>
      %dma_wait3A_597 = arith.constant 0 : i32
      %dma_wait3A_598 = arith.constant 0 : i32
      %dma_wait3A_599 = tpu.memref_slice %arg2[%dma_wait3A_597, %dma_wait3A_598] : memref<20000x128xf32, #tpu.memory_space<hbm>> -> memref<20000x128xf32, #tpu.memory_space<hbm>>
      tpu.wait_indirect_dma semaphore(%arg13 : memref<!tpu.dma_semaphore, #tpu.memory_space<semaphore_mem>>) src(%dma_wait3A_599 : memref<20000x128xf32, #tpu.memory_space<hbm>>) dst(%dma_wait3A_593 : memref<128x128xf32, #tpu.memory_space<vmem>>)
      %dma_start3A_600 = arith.constant 22 : i32
      %dma_start3A_601 = arith.constant 0 : i32
      %dma_start3A_602 = arith.constant 0 : i32
      %dma_start3A_603 = arith.constant 0 : i32
      %dma_start3A_604 = tpu.memref_slice %arg8[%dma_start3A_601, %dma_start3A_602, %dma_start3A_603] : memref<2x128x128xf32, #tpu.memory_space<vmem>> -> memref<1x128x128xf32, #tpu.memory_space<vmem>>
      %dma_start3A_605 = tpu.memref_squeeze %dma_start3A_604 : memref<1x128x128xf32, #tpu.memory_space<vmem>> -> memref<128x128xf32, #tpu.memory_space<vmem>>
      %dma_start3A_606 = arith.constant 0 : i32
      %dma_start3A_607 = tpu.memref_slice %arg9[%dma_start3A_600, %dma_start3A_606] : memref<32x128xi32, #tpu.memory_space<vmem>> -> memref<1x128xi32, #tpu.memory_space<vmem>>
      %dma_start3A_608 = tpu.memref_squeeze %dma_start3A_607 : memref<1x128xi32, #tpu.memory_space<vmem>> -> memref<128xi32, #tpu.memory_space<vmem>>
      %dma_start3A_609 = arith.constant 0 : i32
      %dma_start3A_610 = arith.constant 0 : i32
      %dma_start3A_611 = tpu.memref_slice %arg2[%dma_start3A_609, %dma_start3A_610] : memref<20000x128xf32, #tpu.memory_space<hbm>> -> memref<20000x128xf32, #tpu.memory_space<hbm>>
      tpu.enqueue_indirect_dma source(%dma_start3A_611 : memref<20000x128xf32, #tpu.memory_space<hbm>>) target(%dma_start3A_605 : memref<128x128xf32, #tpu.memory_space<vmem>>) offsets(%dma_start3A_608 : memref<128xi32, #tpu.memory_space<vmem>>) semaphore(%arg13 : memref<!tpu.dma_semaphore, #tpu.memory_space<semaphore_mem>>)
      %dma_wait3A_612 = arith.constant 21 : i32
      %dma_wait3A_613 = arith.constant 1 : i32
      %dma_wait3A_614 = arith.constant 0 : i32
      %dma_wait3A_615 = arith.constant 0 : i32
      %dma_wait3A_616 = tpu.memref_slice %arg8[%dma_wait3A_613, %dma_wait3A_614, %dma_wait3A_615] : memref<2x128x128xf32, #tpu.memory_space<vmem>> -> memref<1x128x128xf32, #tpu.memory_space<vmem>>
      %dma_wait3A_617 = tpu.memref_squeeze %dma_wait3A_616 : memref<1x128x128xf32, #tpu.memory_space<vmem>> -> memref<128x128xf32, #tpu.memory_space<vmem>>
      %dma_wait3A_618 = arith.constant 0 : i32
      %dma_wait3A_619 = tpu.memref_slice %arg9[%dma_wait3A_612, %dma_wait3A_618] : memref<32x128xi32, #tpu.memory_space<vmem>> -> memref<1x128xi32, #tpu.memory_space<vmem>>
      %dma_wait3A_620 = tpu.memref_squeeze %dma_wait3A_619 : memref<1x128xi32, #tpu.memory_space<vmem>> -> memref<128xi32, #tpu.memory_space<vmem>>
      %dma_wait3A_621 = arith.constant 0 : i32
      %dma_wait3A_622 = arith.constant 0 : i32
      %dma_wait3A_623 = tpu.memref_slice %arg2[%dma_wait3A_621, %dma_wait3A_622] : memref<20000x128xf32, #tpu.memory_space<hbm>> -> memref<20000x128xf32, #tpu.memory_space<hbm>>
      tpu.wait_indirect_dma semaphore(%arg14 : memref<!tpu.dma_semaphore, #tpu.memory_space<semaphore_mem>>) src(%dma_wait3A_623 : memref<20000x128xf32, #tpu.memory_space<hbm>>) dst(%dma_wait3A_617 : memref<128x128xf32, #tpu.memory_space<vmem>>)
      %dma_start3A_624 = arith.constant 23 : i32
      %dma_start3A_625 = arith.constant 1 : i32
      %dma_start3A_626 = arith.constant 0 : i32
      %dma_start3A_627 = arith.constant 0 : i32
      %dma_start3A_628 = tpu.memref_slice %arg8[%dma_start3A_625, %dma_start3A_626, %dma_start3A_627] : memref<2x128x128xf32, #tpu.memory_space<vmem>> -> memref<1x128x128xf32, #tpu.memory_space<vmem>>
      %dma_start3A_629 = tpu.memref_squeeze %dma_start3A_628 : memref<1x128x128xf32, #tpu.memory_space<vmem>> -> memref<128x128xf32, #tpu.memory_space<vmem>>
      %dma_start3A_630 = arith.constant 0 : i32
      %dma_start3A_631 = tpu.memref_slice %arg9[%dma_start3A_624, %dma_start3A_630] : memref<32x128xi32, #tpu.memory_space<vmem>> -> memref<1x128xi32, #tpu.memory_space<vmem>>
      %dma_start3A_632 = tpu.memref_squeeze %dma_start3A_631 : memref<1x128xi32, #tpu.memory_space<vmem>> -> memref<128xi32, #tpu.memory_space<vmem>>
      %dma_start3A_633 = arith.constant 0 : i32
      %dma_start3A_634 = arith.constant 0 : i32
      %dma_start3A_635 = tpu.memref_slice %arg2[%dma_start3A_633, %dma_start3A_634] : memref<20000x128xf32, #tpu.memory_space<hbm>> -> memref<20000x128xf32, #tpu.memory_space<hbm>>
      tpu.enqueue_indirect_dma source(%dma_start3A_635 : memref<20000x128xf32, #tpu.memory_space<hbm>>) target(%dma_start3A_629 : memref<128x128xf32, #tpu.memory_space<vmem>>) offsets(%dma_start3A_632 : memref<128xi32, #tpu.memory_space<vmem>>) semaphore(%arg14 : memref<!tpu.dma_semaphore, #tpu.memory_space<semaphore_mem>>)
      %dma_wait3A_636 = arith.constant 22 : i32
      %dma_wait3A_637 = arith.constant 0 : i32
      %dma_wait3A_638 = arith.constant 0 : i32
      %dma_wait3A_639 = arith.constant 0 : i32
      %dma_wait3A_640 = tpu.memref_slice %arg8[%dma_wait3A_637, %dma_wait3A_638, %dma_wait3A_639] : memref<2x128x128xf32, #tpu.memory_space<vmem>> -> memref<1x128x128xf32, #tpu.memory_space<vmem>>
      %dma_wait3A_641 = tpu.memref_squeeze %dma_wait3A_640 : memref<1x128x128xf32, #tpu.memory_space<vmem>> -> memref<128x128xf32, #tpu.memory_space<vmem>>
      %dma_wait3A_642 = arith.constant 0 : i32
      %dma_wait3A_643 = tpu.memref_slice %arg9[%dma_wait3A_636, %dma_wait3A_642] : memref<32x128xi32, #tpu.memory_space<vmem>> -> memref<1x128xi32, #tpu.memory_space<vmem>>
      %dma_wait3A_644 = tpu.memref_squeeze %dma_wait3A_643 : memref<1x128xi32, #tpu.memory_space<vmem>> -> memref<128xi32, #tpu.memory_space<vmem>>
      %dma_wait3A_645 = arith.constant 0 : i32
      %dma_wait3A_646 = arith.constant 0 : i32
      %dma_wait3A_647 = tpu.memref_slice %arg2[%dma_wait3A_645, %dma_wait3A_646] : memref<20000x128xf32, #tpu.memory_space<hbm>> -> memref<20000x128xf32, #tpu.memory_space<hbm>>
      tpu.wait_indirect_dma semaphore(%arg13 : memref<!tpu.dma_semaphore, #tpu.memory_space<semaphore_mem>>) src(%dma_wait3A_647 : memref<20000x128xf32, #tpu.memory_space<hbm>>) dst(%dma_wait3A_641 : memref<128x128xf32, #tpu.memory_space<vmem>>)
      %dma_start3A_648 = arith.constant 24 : i32
      %dma_start3A_649 = arith.constant 0 : i32
      %dma_start3A_650 = arith.constant 0 : i32
      %dma_start3A_651 = arith.constant 0 : i32
      %dma_start3A_652 = tpu.memref_slice %arg8[%dma_start3A_649, %dma_start3A_650, %dma_start3A_651] : memref<2x128x128xf32, #tpu.memory_space<vmem>> -> memref<1x128x128xf32, #tpu.memory_space<vmem>>
      %dma_start3A_653 = tpu.memref_squeeze %dma_start3A_652 : memref<1x128x128xf32, #tpu.memory_space<vmem>> -> memref<128x128xf32, #tpu.memory_space<vmem>>
      %dma_start3A_654 = arith.constant 0 : i32
      %dma_start3A_655 = tpu.memref_slice %arg9[%dma_start3A_648, %dma_start3A_654] : memref<32x128xi32, #tpu.memory_space<vmem>> -> memref<1x128xi32, #tpu.memory_space<vmem>>
      %dma_start3A_656 = tpu.memref_squeeze %dma_start3A_655 : memref<1x128xi32, #tpu.memory_space<vmem>> -> memref<128xi32, #tpu.memory_space<vmem>>
      %dma_start3A_657 = arith.constant 0 : i32
      %dma_start3A_658 = arith.constant 0 : i32
      %dma_start3A_659 = tpu.memref_slice %arg2[%dma_start3A_657, %dma_start3A_658] : memref<20000x128xf32, #tpu.memory_space<hbm>> -> memref<20000x128xf32, #tpu.memory_space<hbm>>
      tpu.enqueue_indirect_dma source(%dma_start3A_659 : memref<20000x128xf32, #tpu.memory_space<hbm>>) target(%dma_start3A_653 : memref<128x128xf32, #tpu.memory_space<vmem>>) offsets(%dma_start3A_656 : memref<128xi32, #tpu.memory_space<vmem>>) semaphore(%arg13 : memref<!tpu.dma_semaphore, #tpu.memory_space<semaphore_mem>>)
      %dma_wait3A_660 = arith.constant 23 : i32
      %dma_wait3A_661 = arith.constant 1 : i32
      %dma_wait3A_662 = arith.constant 0 : i32
      %dma_wait3A_663 = arith.constant 0 : i32
      %dma_wait3A_664 = tpu.memref_slice %arg8[%dma_wait3A_661, %dma_wait3A_662, %dma_wait3A_663] : memref<2x128x128xf32, #tpu.memory_space<vmem>> -> memref<1x128x128xf32, #tpu.memory_space<vmem>>
      %dma_wait3A_665 = tpu.memref_squeeze %dma_wait3A_664 : memref<1x128x128xf32, #tpu.memory_space<vmem>> -> memref<128x128xf32, #tpu.memory_space<vmem>>
      %dma_wait3A_666 = arith.constant 0 : i32
      %dma_wait3A_667 = tpu.memref_slice %arg9[%dma_wait3A_660, %dma_wait3A_666] : memref<32x128xi32, #tpu.memory_space<vmem>> -> memref<1x128xi32, #tpu.memory_space<vmem>>
      %dma_wait3A_668 = tpu.memref_squeeze %dma_wait3A_667 : memref<1x128xi32, #tpu.memory_space<vmem>> -> memref<128xi32, #tpu.memory_space<vmem>>
      %dma_wait3A_669 = arith.constant 0 : i32
      %dma_wait3A_670 = arith.constant 0 : i32
      %dma_wait3A_671 = tpu.memref_slice %arg2[%dma_wait3A_669, %dma_wait3A_670] : memref<20000x128xf32, #tpu.memory_space<hbm>> -> memref<20000x128xf32, #tpu.memory_space<hbm>>
      tpu.wait_indirect_dma semaphore(%arg14 : memref<!tpu.dma_semaphore, #tpu.memory_space<semaphore_mem>>) src(%dma_wait3A_671 : memref<20000x128xf32, #tpu.memory_space<hbm>>) dst(%dma_wait3A_665 : memref<128x128xf32, #tpu.memory_space<vmem>>)
      %dma_start3A_672 = arith.constant 25 : i32
      %dma_start3A_673 = arith.constant 1 : i32
      %dma_start3A_674 = arith.constant 0 : i32
      %dma_start3A_675 = arith.constant 0 : i32
      %dma_start3A_676 = tpu.memref_slice %arg8[%dma_start3A_673, %dma_start3A_674, %dma_start3A_675] : memref<2x128x128xf32, #tpu.memory_space<vmem>> -> memref<1x128x128xf32, #tpu.memory_space<vmem>>
      %dma_start3A_677 = tpu.memref_squeeze %dma_start3A_676 : memref<1x128x128xf32, #tpu.memory_space<vmem>> -> memref<128x128xf32, #tpu.memory_space<vmem>>
      %dma_start3A_678 = arith.constant 0 : i32
      %dma_start3A_679 = tpu.memref_slice %arg9[%dma_start3A_672, %dma_start3A_678] : memref<32x128xi32, #tpu.memory_space<vmem>> -> memref<1x128xi32, #tpu.memory_space<vmem>>
      %dma_start3A_680 = tpu.memref_squeeze %dma_start3A_679 : memref<1x128xi32, #tpu.memory_space<vmem>> -> memref<128xi32, #tpu.memory_space<vmem>>
      %dma_start3A_681 = arith.constant 0 : i32
      %dma_start3A_682 = arith.constant 0 : i32
      %dma_start3A_683 = tpu.memref_slice %arg2[%dma_start3A_681, %dma_start3A_682] : memref<20000x128xf32, #tpu.memory_space<hbm>> -> memref<20000x128xf32, #tpu.memory_space<hbm>>
      tpu.enqueue_indirect_dma source(%dma_start3A_683 : memref<20000x128xf32, #tpu.memory_space<hbm>>) target(%dma_start3A_677 : memref<128x128xf32, #tpu.memory_space<vmem>>) offsets(%dma_start3A_680 : memref<128xi32, #tpu.memory_space<vmem>>) semaphore(%arg14 : memref<!tpu.dma_semaphore, #tpu.memory_space<semaphore_mem>>)
      %dma_wait3A_684 = arith.constant 24 : i32
      %dma_wait3A_685 = arith.constant 0 : i32
      %dma_wait3A_686 = arith.constant 0 : i32
      %dma_wait3A_687 = arith.constant 0 : i32
      %dma_wait3A_688 = tpu.memref_slice %arg8[%dma_wait3A_685, %dma_wait3A_686, %dma_wait3A_687] : memref<2x128x128xf32, #tpu.memory_space<vmem>> -> memref<1x128x128xf32, #tpu.memory_space<vmem>>
      %dma_wait3A_689 = tpu.memref_squeeze %dma_wait3A_688 : memref<1x128x128xf32, #tpu.memory_space<vmem>> -> memref<128x128xf32, #tpu.memory_space<vmem>>
      %dma_wait3A_690 = arith.constant 0 : i32
      %dma_wait3A_691 = tpu.memref_slice %arg9[%dma_wait3A_684, %dma_wait3A_690] : memref<32x128xi32, #tpu.memory_space<vmem>> -> memref<1x128xi32, #tpu.memory_space<vmem>>
      %dma_wait3A_692 = tpu.memref_squeeze %dma_wait3A_691 : memref<1x128xi32, #tpu.memory_space<vmem>> -> memref<128xi32, #tpu.memory_space<vmem>>
      %dma_wait3A_693 = arith.constant 0 : i32
      %dma_wait3A_694 = arith.constant 0 : i32
      %dma_wait3A_695 = tpu.memref_slice %arg2[%dma_wait3A_693, %dma_wait3A_694] : memref<20000x128xf32, #tpu.memory_space<hbm>> -> memref<20000x128xf32, #tpu.memory_space<hbm>>
      tpu.wait_indirect_dma semaphore(%arg13 : memref<!tpu.dma_semaphore, #tpu.memory_space<semaphore_mem>>) src(%dma_wait3A_695 : memref<20000x128xf32, #tpu.memory_space<hbm>>) dst(%dma_wait3A_689 : memref<128x128xf32, #tpu.memory_space<vmem>>)
      %dma_start3A_696 = arith.constant 26 : i32
      %dma_start3A_697 = arith.constant 0 : i32
      %dma_start3A_698 = arith.constant 0 : i32
      %dma_start3A_699 = arith.constant 0 : i32
      %dma_start3A_700 = tpu.memref_slice %arg8[%dma_start3A_697, %dma_start3A_698, %dma_start3A_699] : memref<2x128x128xf32, #tpu.memory_space<vmem>> -> memref<1x128x128xf32, #tpu.memory_space<vmem>>
      %dma_start3A_701 = tpu.memref_squeeze %dma_start3A_700 : memref<1x128x128xf32, #tpu.memory_space<vmem>> -> memref<128x128xf32, #tpu.memory_space<vmem>>
      %dma_start3A_702 = arith.constant 0 : i32
      %dma_start3A_703 = tpu.memref_slice %arg9[%dma_start3A_696, %dma_start3A_702] : memref<32x128xi32, #tpu.memory_space<vmem>> -> memref<1x128xi32, #tpu.memory_space<vmem>>
      %dma_start3A_704 = tpu.memref_squeeze %dma_start3A_703 : memref<1x128xi32, #tpu.memory_space<vmem>> -> memref<128xi32, #tpu.memory_space<vmem>>
      %dma_start3A_705 = arith.constant 0 : i32
      %dma_start3A_706 = arith.constant 0 : i32
      %dma_start3A_707 = tpu.memref_slice %arg2[%dma_start3A_705, %dma_start3A_706] : memref<20000x128xf32, #tpu.memory_space<hbm>> -> memref<20000x128xf32, #tpu.memory_space<hbm>>
      tpu.enqueue_indirect_dma source(%dma_start3A_707 : memref<20000x128xf32, #tpu.memory_space<hbm>>) target(%dma_start3A_701 : memref<128x128xf32, #tpu.memory_space<vmem>>) offsets(%dma_start3A_704 : memref<128xi32, #tpu.memory_space<vmem>>) semaphore(%arg13 : memref<!tpu.dma_semaphore, #tpu.memory_space<semaphore_mem>>)
      %dma_wait3A_708 = arith.constant 25 : i32
      %dma_wait3A_709 = arith.constant 1 : i32
      %dma_wait3A_710 = arith.constant 0 : i32
      %dma_wait3A_711 = arith.constant 0 : i32
      %dma_wait3A_712 = tpu.memref_slice %arg8[%dma_wait3A_709, %dma_wait3A_710, %dma_wait3A_711] : memref<2x128x128xf32, #tpu.memory_space<vmem>> -> memref<1x128x128xf32, #tpu.memory_space<vmem>>
      %dma_wait3A_713 = tpu.memref_squeeze %dma_wait3A_712 : memref<1x128x128xf32, #tpu.memory_space<vmem>> -> memref<128x128xf32, #tpu.memory_space<vmem>>
      %dma_wait3A_714 = arith.constant 0 : i32
      %dma_wait3A_715 = tpu.memref_slice %arg9[%dma_wait3A_708, %dma_wait3A_714] : memref<32x128xi32, #tpu.memory_space<vmem>> -> memref<1x128xi32, #tpu.memory_space<vmem>>
      %dma_wait3A_716 = tpu.memref_squeeze %dma_wait3A_715 : memref<1x128xi32, #tpu.memory_space<vmem>> -> memref<128xi32, #tpu.memory_space<vmem>>
      %dma_wait3A_717 = arith.constant 0 : i32
      %dma_wait3A_718 = arith.constant 0 : i32
      %dma_wait3A_719 = tpu.memref_slice %arg2[%dma_wait3A_717, %dma_wait3A_718] : memref<20000x128xf32, #tpu.memory_space<hbm>> -> memref<20000x128xf32, #tpu.memory_space<hbm>>
      tpu.wait_indirect_dma semaphore(%arg14 : memref<!tpu.dma_semaphore, #tpu.memory_space<semaphore_mem>>) src(%dma_wait3A_719 : memref<20000x128xf32, #tpu.memory_space<hbm>>) dst(%dma_wait3A_713 : memref<128x128xf32, #tpu.memory_space<vmem>>)
      %dma_start3A_720 = arith.constant 27 : i32
      %dma_start3A_721 = arith.constant 1 : i32
      %dma_start3A_722 = arith.constant 0 : i32
      %dma_start3A_723 = arith.constant 0 : i32
      %dma_start3A_724 = tpu.memref_slice %arg8[%dma_start3A_721, %dma_start3A_722, %dma_start3A_723] : memref<2x128x128xf32, #tpu.memory_space<vmem>> -> memref<1x128x128xf32, #tpu.memory_space<vmem>>
      %dma_start3A_725 = tpu.memref_squeeze %dma_start3A_724 : memref<1x128x128xf32, #tpu.memory_space<vmem>> -> memref<128x128xf32, #tpu.memory_space<vmem>>
      %dma_start3A_726 = arith.constant 0 : i32
      %dma_start3A_727 = tpu.memref_slice %arg9[%dma_start3A_720, %dma_start3A_726] : memref<32x128xi32, #tpu.memory_space<vmem>> -> memref<1x128xi32, #tpu.memory_space<vmem>>
      %dma_start3A_728 = tpu.memref_squeeze %dma_start3A_727 : memref<1x128xi32, #tpu.memory_space<vmem>> -> memref<128xi32, #tpu.memory_space<vmem>>
      %dma_start3A_729 = arith.constant 0 : i32
      %dma_start3A_730 = arith.constant 0 : i32
      %dma_start3A_731 = tpu.memref_slice %arg2[%dma_start3A_729, %dma_start3A_730] : memref<20000x128xf32, #tpu.memory_space<hbm>> -> memref<20000x128xf32, #tpu.memory_space<hbm>>
      tpu.enqueue_indirect_dma source(%dma_start3A_731 : memref<20000x128xf32, #tpu.memory_space<hbm>>) target(%dma_start3A_725 : memref<128x128xf32, #tpu.memory_space<vmem>>) offsets(%dma_start3A_728 : memref<128xi32, #tpu.memory_space<vmem>>) semaphore(%arg14 : memref<!tpu.dma_semaphore, #tpu.memory_space<semaphore_mem>>)
      %dma_wait3A_732 = arith.constant 26 : i32
      %dma_wait3A_733 = arith.constant 0 : i32
      %dma_wait3A_734 = arith.constant 0 : i32
      %dma_wait3A_735 = arith.constant 0 : i32
      %dma_wait3A_736 = tpu.memref_slice %arg8[%dma_wait3A_733, %dma_wait3A_734, %dma_wait3A_735] : memref<2x128x128xf32, #tpu.memory_space<vmem>> -> memref<1x128x128xf32, #tpu.memory_space<vmem>>
      %dma_wait3A_737 = tpu.memref_squeeze %dma_wait3A_736 : memref<1x128x128xf32, #tpu.memory_space<vmem>> -> memref<128x128xf32, #tpu.memory_space<vmem>>
      %dma_wait3A_738 = arith.constant 0 : i32
      %dma_wait3A_739 = tpu.memref_slice %arg9[%dma_wait3A_732, %dma_wait3A_738] : memref<32x128xi32, #tpu.memory_space<vmem>> -> memref<1x128xi32, #tpu.memory_space<vmem>>
      %dma_wait3A_740 = tpu.memref_squeeze %dma_wait3A_739 : memref<1x128xi32, #tpu.memory_space<vmem>> -> memref<128xi32, #tpu.memory_space<vmem>>
      %dma_wait3A_741 = arith.constant 0 : i32
      %dma_wait3A_742 = arith.constant 0 : i32
      %dma_wait3A_743 = tpu.memref_slice %arg2[%dma_wait3A_741, %dma_wait3A_742] : memref<20000x128xf32, #tpu.memory_space<hbm>> -> memref<20000x128xf32, #tpu.memory_space<hbm>>
      tpu.wait_indirect_dma semaphore(%arg13 : memref<!tpu.dma_semaphore, #tpu.memory_space<semaphore_mem>>) src(%dma_wait3A_743 : memref<20000x128xf32, #tpu.memory_space<hbm>>) dst(%dma_wait3A_737 : memref<128x128xf32, #tpu.memory_space<vmem>>)
      %dma_start3A_744 = arith.constant 28 : i32
      %dma_start3A_745 = arith.constant 0 : i32
      %dma_start3A_746 = arith.constant 0 : i32
      %dma_start3A_747 = arith.constant 0 : i32
      %dma_start3A_748 = tpu.memref_slice %arg8[%dma_start3A_745, %dma_start3A_746, %dma_start3A_747] : memref<2x128x128xf32, #tpu.memory_space<vmem>> -> memref<1x128x128xf32, #tpu.memory_space<vmem>>
      %dma_start3A_749 = tpu.memref_squeeze %dma_start3A_748 : memref<1x128x128xf32, #tpu.memory_space<vmem>> -> memref<128x128xf32, #tpu.memory_space<vmem>>
      %dma_start3A_750 = arith.constant 0 : i32
      %dma_start3A_751 = tpu.memref_slice %arg9[%dma_start3A_744, %dma_start3A_750] : memref<32x128xi32, #tpu.memory_space<vmem>> -> memref<1x128xi32, #tpu.memory_space<vmem>>
      %dma_start3A_752 = tpu.memref_squeeze %dma_start3A_751 : memref<1x128xi32, #tpu.memory_space<vmem>> -> memref<128xi32, #tpu.memory_space<vmem>>
      %dma_start3A_753 = arith.constant 0 : i32
      %dma_start3A_754 = arith.constant 0 : i32
      %dma_start3A_755 = tpu.memref_slice %arg2[%dma_start3A_753, %dma_start3A_754] : memref<20000x128xf32, #tpu.memory_space<hbm>> -> memref<20000x128xf32, #tpu.memory_space<hbm>>
      tpu.enqueue_indirect_dma source(%dma_start3A_755 : memref<20000x128xf32, #tpu.memory_space<hbm>>) target(%dma_start3A_749 : memref<128x128xf32, #tpu.memory_space<vmem>>) offsets(%dma_start3A_752 : memref<128xi32, #tpu.memory_space<vmem>>) semaphore(%arg13 : memref<!tpu.dma_semaphore, #tpu.memory_space<semaphore_mem>>)
      %dma_wait3A_756 = arith.constant 27 : i32
      %dma_wait3A_757 = arith.constant 1 : i32
      %dma_wait3A_758 = arith.constant 0 : i32
      %dma_wait3A_759 = arith.constant 0 : i32
      %dma_wait3A_760 = tpu.memref_slice %arg8[%dma_wait3A_757, %dma_wait3A_758, %dma_wait3A_759] : memref<2x128x128xf32, #tpu.memory_space<vmem>> -> memref<1x128x128xf32, #tpu.memory_space<vmem>>
      %dma_wait3A_761 = tpu.memref_squeeze %dma_wait3A_760 : memref<1x128x128xf32, #tpu.memory_space<vmem>> -> memref<128x128xf32, #tpu.memory_space<vmem>>
      %dma_wait3A_762 = arith.constant 0 : i32
      %dma_wait3A_763 = tpu.memref_slice %arg9[%dma_wait3A_756, %dma_wait3A_762] : memref<32x128xi32, #tpu.memory_space<vmem>> -> memref<1x128xi32, #tpu.memory_space<vmem>>
      %dma_wait3A_764 = tpu.memref_squeeze %dma_wait3A_763 : memref<1x128xi32, #tpu.memory_space<vmem>> -> memref<128xi32, #tpu.memory_space<vmem>>
      %dma_wait3A_765 = arith.constant 0 : i32
      %dma_wait3A_766 = arith.constant 0 : i32
      %dma_wait3A_767 = tpu.memref_slice %arg2[%dma_wait3A_765, %dma_wait3A_766] : memref<20000x128xf32, #tpu.memory_space<hbm>> -> memref<20000x128xf32, #tpu.memory_space<hbm>>
      tpu.wait_indirect_dma semaphore(%arg14 : memref<!tpu.dma_semaphore, #tpu.memory_space<semaphore_mem>>) src(%dma_wait3A_767 : memref<20000x128xf32, #tpu.memory_space<hbm>>) dst(%dma_wait3A_761 : memref<128x128xf32, #tpu.memory_space<vmem>>)
      %dma_start3A_768 = arith.constant 29 : i32
      %dma_start3A_769 = arith.constant 1 : i32
      %dma_start3A_770 = arith.constant 0 : i32
      %dma_start3A_771 = arith.constant 0 : i32
      %dma_start3A_772 = tpu.memref_slice %arg8[%dma_start3A_769, %dma_start3A_770, %dma_start3A_771] : memref<2x128x128xf32, #tpu.memory_space<vmem>> -> memref<1x128x128xf32, #tpu.memory_space<vmem>>
      %dma_start3A_773 = tpu.memref_squeeze %dma_start3A_772 : memref<1x128x128xf32, #tpu.memory_space<vmem>> -> memref<128x128xf32, #tpu.memory_space<vmem>>
      %dma_start3A_774 = arith.constant 0 : i32
      %dma_start3A_775 = tpu.memref_slice %arg9[%dma_start3A_768, %dma_start3A_774] : memref<32x128xi32, #tpu.memory_space<vmem>> -> memref<1x128xi32, #tpu.memory_space<vmem>>
      %dma_start3A_776 = tpu.memref_squeeze %dma_start3A_775 : memref<1x128xi32, #tpu.memory_space<vmem>> -> memref<128xi32, #tpu.memory_space<vmem>>
      %dma_start3A_777 = arith.constant 0 : i32
      %dma_start3A_778 = arith.constant 0 : i32
      %dma_start3A_779 = tpu.memref_slice %arg2[%dma_start3A_777, %dma_start3A_778] : memref<20000x128xf32, #tpu.memory_space<hbm>> -> memref<20000x128xf32, #tpu.memory_space<hbm>>
      tpu.enqueue_indirect_dma source(%dma_start3A_779 : memref<20000x128xf32, #tpu.memory_space<hbm>>) target(%dma_start3A_773 : memref<128x128xf32, #tpu.memory_space<vmem>>) offsets(%dma_start3A_776 : memref<128xi32, #tpu.memory_space<vmem>>) semaphore(%arg14 : memref<!tpu.dma_semaphore, #tpu.memory_space<semaphore_mem>>)
      %dma_wait3A_780 = arith.constant 28 : i32
      %dma_wait3A_781 = arith.constant 0 : i32
      %dma_wait3A_782 = arith.constant 0 : i32
      %dma_wait3A_783 = arith.constant 0 : i32
      %dma_wait3A_784 = tpu.memref_slice %arg8[%dma_wait3A_781, %dma_wait3A_782, %dma_wait3A_783] : memref<2x128x128xf32, #tpu.memory_space<vmem>> -> memref<1x128x128xf32, #tpu.memory_space<vmem>>
      %dma_wait3A_785 = tpu.memref_squeeze %dma_wait3A_784 : memref<1x128x128xf32, #tpu.memory_space<vmem>> -> memref<128x128xf32, #tpu.memory_space<vmem>>
      %dma_wait3A_786 = arith.constant 0 : i32
      %dma_wait3A_787 = tpu.memref_slice %arg9[%dma_wait3A_780, %dma_wait3A_786] : memref<32x128xi32, #tpu.memory_space<vmem>> -> memref<1x128xi32, #tpu.memory_space<vmem>>
      %dma_wait3A_788 = tpu.memref_squeeze %dma_wait3A_787 : memref<1x128xi32, #tpu.memory_space<vmem>> -> memref<128xi32, #tpu.memory_space<vmem>>
      %dma_wait3A_789 = arith.constant 0 : i32
      %dma_wait3A_790 = arith.constant 0 : i32
      %dma_wait3A_791 = tpu.memref_slice %arg2[%dma_wait3A_789, %dma_wait3A_790] : memref<20000x128xf32, #tpu.memory_space<hbm>> -> memref<20000x128xf32, #tpu.memory_space<hbm>>
      tpu.wait_indirect_dma semaphore(%arg13 : memref<!tpu.dma_semaphore, #tpu.memory_space<semaphore_mem>>) src(%dma_wait3A_791 : memref<20000x128xf32, #tpu.memory_space<hbm>>) dst(%dma_wait3A_785 : memref<128x128xf32, #tpu.memory_space<vmem>>)
      %dma_start3A_792 = arith.constant 30 : i32
      %dma_start3A_793 = arith.constant 0 : i32
      %dma_start3A_794 = arith.constant 0 : i32
      %dma_start3A_795 = arith.constant 0 : i32
      %dma_start3A_796 = tpu.memref_slice %arg8[%dma_start3A_793, %dma_start3A_794, %dma_start3A_795] : memref<2x128x128xf32, #tpu.memory_space<vmem>> -> memref<1x128x128xf32, #tpu.memory_space<vmem>>
      %dma_start3A_797 = tpu.memref_squeeze %dma_start3A_796 : memref<1x128x128xf32, #tpu.memory_space<vmem>> -> memref<128x128xf32, #tpu.memory_space<vmem>>
      %dma_start3A_798 = arith.constant 0 : i32
      %dma_start3A_799 = tpu.memref_slice %arg9[%dma_start3A_792, %dma_start3A_798] : memref<32x128xi32, #tpu.memory_space<vmem>> -> memref<1x128xi32, #tpu.memory_space<vmem>>
      %dma_start3A_800 = tpu.memref_squeeze %dma_start3A_799 : memref<1x128xi32, #tpu.memory_space<vmem>> -> memref<128xi32, #tpu.memory_space<vmem>>
      %dma_start3A_801 = arith.constant 0 : i32
      %dma_start3A_802 = arith.constant 0 : i32
      %dma_start3A_803 = tpu.memref_slice %arg2[%dma_start3A_801, %dma_start3A_802] : memref<20000x128xf32, #tpu.memory_space<hbm>> -> memref<20000x128xf32, #tpu.memory_space<hbm>>
      tpu.enqueue_indirect_dma source(%dma_start3A_803 : memref<20000x128xf32, #tpu.memory_space<hbm>>) target(%dma_start3A_797 : memref<128x128xf32, #tpu.memory_space<vmem>>) offsets(%dma_start3A_800 : memref<128xi32, #tpu.memory_space<vmem>>) semaphore(%arg13 : memref<!tpu.dma_semaphore, #tpu.memory_space<semaphore_mem>>)
      %dma_wait3A_804 = arith.constant 29 : i32
      %dma_wait3A_805 = arith.constant 1 : i32
      %dma_wait3A_806 = arith.constant 0 : i32
      %dma_wait3A_807 = arith.constant 0 : i32
      %dma_wait3A_808 = tpu.memref_slice %arg8[%dma_wait3A_805, %dma_wait3A_806, %dma_wait3A_807] : memref<2x128x128xf32, #tpu.memory_space<vmem>> -> memref<1x128x128xf32, #tpu.memory_space<vmem>>
      %dma_wait3A_809 = tpu.memref_squeeze %dma_wait3A_808 : memref<1x128x128xf32, #tpu.memory_space<vmem>> -> memref<128x128xf32, #tpu.memory_space<vmem>>
      %dma_wait3A_810 = arith.constant 0 : i32
      %dma_wait3A_811 = tpu.memref_slice %arg9[%dma_wait3A_804, %dma_wait3A_810] : memref<32x128xi32, #tpu.memory_space<vmem>> -> memref<1x128xi32, #tpu.memory_space<vmem>>
      %dma_wait3A_812 = tpu.memref_squeeze %dma_wait3A_811 : memref<1x128xi32, #tpu.memory_space<vmem>> -> memref<128xi32, #tpu.memory_space<vmem>>
      %dma_wait3A_813 = arith.constant 0 : i32
      %dma_wait3A_814 = arith.constant 0 : i32
      %dma_wait3A_815 = tpu.memref_slice %arg2[%dma_wait3A_813, %dma_wait3A_814] : memref<20000x128xf32, #tpu.memory_space<hbm>> -> memref<20000x128xf32, #tpu.memory_space<hbm>>
      tpu.wait_indirect_dma semaphore(%arg14 : memref<!tpu.dma_semaphore, #tpu.memory_space<semaphore_mem>>) src(%dma_wait3A_815 : memref<20000x128xf32, #tpu.memory_space<hbm>>) dst(%dma_wait3A_809 : memref<128x128xf32, #tpu.memory_space<vmem>>)
      %dma_start3A_816 = arith.constant 31 : i32
      %dma_start3A_817 = arith.constant 1 : i32
      %dma_start3A_818 = arith.constant 0 : i32
      %dma_start3A_819 = arith.constant 0 : i32
      %dma_start3A_820 = tpu.memref_slice %arg8[%dma_start3A_817, %dma_start3A_818, %dma_start3A_819] : memref<2x128x128xf32, #tpu.memory_space<vmem>> -> memref<1x128x128xf32, #tpu.memory_space<vmem>>
      %dma_start3A_821 = tpu.memref_squeeze %dma_start3A_820 : memref<1x128x128xf32, #tpu.memory_space<vmem>> -> memref<128x128xf32, #tpu.memory_space<vmem>>
      %dma_start3A_822 = arith.constant 0 : i32
      %dma_start3A_823 = tpu.memref_slice %arg9[%dma_start3A_816, %dma_start3A_822] : memref<32x128xi32, #tpu.memory_space<vmem>> -> memref<1x128xi32, #tpu.memory_space<vmem>>
      %dma_start3A_824 = tpu.memref_squeeze %dma_start3A_823 : memref<1x128xi32, #tpu.memory_space<vmem>> -> memref<128xi32, #tpu.memory_space<vmem>>
      %dma_start3A_825 = arith.constant 0 : i32
      %dma_start3A_826 = arith.constant 0 : i32
      %dma_start3A_827 = tpu.memref_slice %arg2[%dma_start3A_825, %dma_start3A_826] : memref<20000x128xf32, #tpu.memory_space<hbm>> -> memref<20000x128xf32, #tpu.memory_space<hbm>>
      tpu.enqueue_indirect_dma source(%dma_start3A_827 : memref<20000x128xf32, #tpu.memory_space<hbm>>) target(%dma_start3A_821 : memref<128x128xf32, #tpu.memory_space<vmem>>) offsets(%dma_start3A_824 : memref<128xi32, #tpu.memory_space<vmem>>) semaphore(%arg14 : memref<!tpu.dma_semaphore, #tpu.memory_space<semaphore_mem>>)
      %dma_wait3A_828 = arith.constant 30 : i32
      %dma_wait3A_829 = arith.constant 0 : i32
      %dma_wait3A_830 = arith.constant 0 : i32
      %dma_wait3A_831 = arith.constant 0 : i32
      %dma_wait3A_832 = tpu.memref_slice %arg8[%dma_wait3A_829, %dma_wait3A_830, %dma_wait3A_831] : memref<2x128x128xf32, #tpu.memory_space<vmem>> -> memref<1x128x128xf32, #tpu.memory_space<vmem>>
      %dma_wait3A_833 = tpu.memref_squeeze %dma_wait3A_832 : memref<1x128x128xf32, #tpu.memory_space<vmem>> -> memref<128x128xf32, #tpu.memory_space<vmem>>
      %dma_wait3A_834 = arith.constant 0 : i32
      %dma_wait3A_835 = tpu.memref_slice %arg9[%dma_wait3A_828, %dma_wait3A_834] : memref<32x128xi32, #tpu.memory_space<vmem>> -> memref<1x128xi32, #tpu.memory_space<vmem>>
      %dma_wait3A_836 = tpu.memref_squeeze %dma_wait3A_835 : memref<1x128xi32, #tpu.memory_space<vmem>> -> memref<128xi32, #tpu.memory_space<vmem>>
      %dma_wait3A_837 = arith.constant 0 : i32
      %dma_wait3A_838 = arith.constant 0 : i32
      %dma_wait3A_839 = tpu.memref_slice %arg2[%dma_wait3A_837, %dma_wait3A_838] : memref<20000x128xf32, #tpu.memory_space<hbm>> -> memref<20000x128xf32, #tpu.memory_space<hbm>>
      tpu.wait_indirect_dma semaphore(%arg13 : memref<!tpu.dma_semaphore, #tpu.memory_space<semaphore_mem>>) src(%dma_wait3A_839 : memref<20000x128xf32, #tpu.memory_space<hbm>>) dst(%dma_wait3A_833 : memref<128x128xf32, #tpu.memory_space<vmem>>)
      %dma_wait3A_840 = arith.constant 31 : i32
      %dma_wait3A_841 = arith.constant 1 : i32
      %dma_wait3A_842 = arith.constant 0 : i32
      %dma_wait3A_843 = arith.constant 0 : i32
      %dma_wait3A_844 = tpu.memref_slice %arg8[%dma_wait3A_841, %dma_wait3A_842, %dma_wait3A_843] : memref<2x128x128xf32, #tpu.memory_space<vmem>> -> memref<1x128x128xf32, #tpu.memory_space<vmem>>
      %dma_wait3A_845 = tpu.memref_squeeze %dma_wait3A_844 : memref<1x128x128xf32, #tpu.memory_space<vmem>> -> memref<128x128xf32, #tpu.memory_space<vmem>>
      %dma_wait3A_846 = arith.constant 0 : i32
      %dma_wait3A_847 = tpu.memref_slice %arg9[%dma_wait3A_840, %dma_wait3A_846] : memref<32x128xi32, #tpu.memory_space<vmem>> -> memref<1x128xi32, #tpu.memory_space<vmem>>
      %dma_wait3A_848 = tpu.memref_squeeze %dma_wait3A_847 : memref<1x128xi32, #tpu.memory_space<vmem>> -> memref<128xi32, #tpu.memory_space<vmem>>
      %dma_wait3A_849 = arith.constant 0 : i32
      %dma_wait3A_850 = arith.constant 0 : i32
      %dma_wait3A_851 = tpu.memref_slice %arg2[%dma_wait3A_849, %dma_wait3A_850] : memref<20000x128xf32, #tpu.memory_space<hbm>> -> memref<20000x128xf32, #tpu.memory_space<hbm>>
      tpu.wait_indirect_dma semaphore(%arg14 : memref<!tpu.dma_semaphore, #tpu.memory_space<semaphore_mem>>) src(%dma_wait3A_851 : memref<20000x128xf32, #tpu.memory_space<hbm>>) dst(%dma_wait3A_845 : memref<128x128xf32, #tpu.memory_space<vmem>>)
      %convert_element_type3A = arith.extui %lt3A_68 : i1 to i32
      %cond3A = arith.constant 0 : i32
      %cond3A_852 = arith.cmpi ne, %convert_element_type3A, %cond3A : i32
      scf.if %cond3A_852 {
        %add3A_1648 = arith.addi %add3A_7, %add3A_65 : i32
        %dma_start3A_1649 = arith.constant 0 : i32
        %dma_start3A_1650 = arith.constant 0 : i32
        %dma_start3A_1651 = tpu.memref_slice %arg3[%add3A_1648, %dma_start3A_1649, %dma_start3A_1650] : memref<320x32x128xi32, #tpu.memory_space<hbm>> -> memref<1x32x128xi32, #tpu.memory_space<hbm>>
        %dma_start3A_1652 = tpu.memref_squeeze %dma_start3A_1651 : memref<1x32x128xi32, #tpu.memory_space<hbm>> -> memref<32x128xi32, #tpu.memory_space<hbm>>
        %dma_start3A_1653 = arith.constant 0 : i32
        %dma_start3A_1654 = arith.constant 0 : i32
        %dma_start3A_1655 = tpu.memref_slice %arg3[%add3A_1648, %dma_start3A_1653, %dma_start3A_1654] : memref<320x32x128xi32, #tpu.memory_space<hbm>> -> memref<1x32x128xi32, #tpu.memory_space<hbm>>
        %dma_start3A_1656 = tpu.memref_squeeze %dma_start3A_1655 : memref<1x32x128xi32, #tpu.memory_space<hbm>> -> memref<32x128xi32, #tpu.memory_space<hbm>>
        tpu.enqueue_dma source(%dma_start3A_1656 : memref<32x128xi32, #tpu.memory_space<hbm>>) target(%arg9 : memref<32x128xi32, #tpu.memory_space<vmem>>) target_semaphore(%arg15 : memref<!tpu.dma_semaphore, #tpu.memory_space<semaphore_mem>>)
        %add3A_1657 = arith.addi %add3A_12, %add3A_65 : i32
        %dma_start3A_1658 = arith.constant 0 : i32
        %dma_start3A_1659 = arith.constant 0 : i32
        %dma_start3A_1660 = tpu.memref_slice %arg4[%add3A_1657, %dma_start3A_1658, %dma_start3A_1659] : memref<160x32x128xi32, #tpu.memory_space<hbm>> -> memref<1x32x128xi32, #tpu.memory_space<hbm>>
        %dma_start3A_1661 = tpu.memref_squeeze %dma_start3A_1660 : memref<1x32x128xi32, #tpu.memory_space<hbm>> -> memref<32x128xi32, #tpu.memory_space<hbm>>
        %dma_start3A_1662 = arith.constant 0 : i32
        %dma_start3A_1663 = arith.constant 0 : i32
        %dma_start3A_1664 = tpu.memref_slice %arg4[%add3A_1657, %dma_start3A_1662, %dma_start3A_1663] : memref<160x32x128xi32, #tpu.memory_space<hbm>> -> memref<1x32x128xi32, #tpu.memory_space<hbm>>
        %dma_start3A_1665 = tpu.memref_squeeze %dma_start3A_1664 : memref<1x32x128xi32, #tpu.memory_space<hbm>> -> memref<32x128xi32, #tpu.memory_space<hbm>>
        tpu.enqueue_dma source(%dma_start3A_1665 : memref<32x128xi32, #tpu.memory_space<hbm>>) target(%arg10 : memref<32x128xi32, #tpu.memory_space<vmem>>) target_semaphore(%arg15 : memref<!tpu.dma_semaphore, #tpu.memory_space<semaphore_mem>>)
      } else {
      }
      %add3A_853 = arith.constant 1 : i32
      %add3A_854 = arith.addi %mul3A_63, %add3A_853 : i32
      %add3A_855 = arith.constant 3 : i32
      %add3A_856 = arith.addi %mul3A_63, %add3A_855 : i32
      %add3A_857 = arith.constant 3 : i32
      %add3A_858 = arith.addi %mul3A_63, %add3A_857 : i32
      %lt3A_859 = arith.constant 10 : i32
      %lt3A_860 = arith.cmpi slt, %add3A_858, %lt3A_859 : i32
      %dma_wait3A_861 = arith.constant 0 : i32
      %dma_wait3A_862 = arith.constant 0 : i32
      %dma_wait3A_863 = tpu.memref_slice %arg3[%add3A_7, %dma_wait3A_861, %dma_wait3A_862] : memref<320x32x128xi32, #tpu.memory_space<hbm>> -> memref<1x32x128xi32, #tpu.memory_space<hbm>>
      %dma_wait3A_864 = tpu.memref_squeeze %dma_wait3A_863 : memref<1x32x128xi32, #tpu.memory_space<hbm>> -> memref<32x128xi32, #tpu.memory_space<hbm>>
      %dma_wait3A_865 = arith.constant 0 : i32
      %dma_wait3A_866 = arith.constant 0 : i32
      %dma_wait3A_867 = tpu.memref_slice %arg3[%add3A_7, %dma_wait3A_865, %dma_wait3A_866] : memref<320x32x128xi32, #tpu.memory_space<hbm>> -> memref<1x32x128xi32, #tpu.memory_space<hbm>>
      %dma_wait3A_868 = tpu.memref_squeeze %dma_wait3A_867 : memref<1x32x128xi32, #tpu.memory_space<hbm>> -> memref<32x128xi32, #tpu.memory_space<hbm>>
      tpu.wait_dma2 semaphore(%arg16 : memref<!tpu.dma_semaphore, #tpu.memory_space<semaphore_mem>>) src(%dma_wait3A_868 : memref<32x128xi32, #tpu.memory_space<hbm>>) dst(%arg11 : memref<32x128xi32, #tpu.memory_space<vmem>>)
      %dma_wait3A_869 = arith.constant 0 : i32
      %dma_wait3A_870 = arith.constant 0 : i32
      %dma_wait3A_871 = tpu.memref_slice %arg4[%add3A_12, %dma_wait3A_869, %dma_wait3A_870] : memref<160x32x128xi32, #tpu.memory_space<hbm>> -> memref<1x32x128xi32, #tpu.memory_space<hbm>>
      %dma_wait3A_872 = tpu.memref_squeeze %dma_wait3A_871 : memref<1x32x128xi32, #tpu.memory_space<hbm>> -> memref<32x128xi32, #tpu.memory_space<hbm>>
      %dma_wait3A_873 = arith.constant 0 : i32
      %dma_wait3A_874 = arith.constant 0 : i32
      %dma_wait3A_875 = tpu.memref_slice %arg4[%add3A_12, %dma_wait3A_873, %dma_wait3A_874] : memref<160x32x128xi32, #tpu.memory_space<hbm>> -> memref<1x32x128xi32, #tpu.memory_space<hbm>>
      %dma_wait3A_876 = tpu.memref_squeeze %dma_wait3A_875 : memref<1x32x128xi32, #tpu.memory_space<hbm>> -> memref<32x128xi32, #tpu.memory_space<hbm>>
      tpu.wait_dma2 semaphore(%arg16 : memref<!tpu.dma_semaphore, #tpu.memory_space<semaphore_mem>>) src(%dma_wait3A_876 : memref<32x128xi32, #tpu.memory_space<hbm>>) dst(%arg12 : memref<32x128xi32, #tpu.memory_space<vmem>>)
      %dma_start3A_877 = arith.constant 0 : i32
      %dma_start3A_878 = arith.constant 0 : i32
      %dma_start3A_879 = arith.constant 0 : i32
      %dma_start3A_880 = arith.constant 0 : i32
      %dma_start3A_881 = tpu.memref_slice %arg8[%dma_start3A_878, %dma_start3A_879, %dma_start3A_880] : memref<2x128x128xf32, #tpu.memory_space<vmem>> -> memref<1x128x128xf32, #tpu.memory_space<vmem>>
      %dma_start3A_882 = tpu.memref_squeeze %dma_start3A_881 : memref<1x128x128xf32, #tpu.memory_space<vmem>> -> memref<128x128xf32, #tpu.memory_space<vmem>>
      %dma_start3A_883 = arith.constant 0 : i32
      %dma_start3A_884 = tpu.memref_slice %arg11[%dma_start3A_877, %dma_start3A_883] : memref<32x128xi32, #tpu.memory_space<vmem>> -> memref<1x128xi32, #tpu.memory_space<vmem>>
      %dma_start3A_885 = tpu.memref_squeeze %dma_start3A_884 : memref<1x128xi32, #tpu.memory_space<vmem>> -> memref<128xi32, #tpu.memory_space<vmem>>
      %dma_start3A_886 = arith.constant 0 : i32
      %dma_start3A_887 = arith.constant 0 : i32
      %dma_start3A_888 = tpu.memref_slice %arg2[%dma_start3A_886, %dma_start3A_887] : memref<20000x128xf32, #tpu.memory_space<hbm>> -> memref<20000x128xf32, #tpu.memory_space<hbm>>
      tpu.enqueue_indirect_dma source(%dma_start3A_888 : memref<20000x128xf32, #tpu.memory_space<hbm>>) target(%dma_start3A_882 : memref<128x128xf32, #tpu.memory_space<vmem>>) offsets(%dma_start3A_885 : memref<128xi32, #tpu.memory_space<vmem>>) semaphore(%arg13 : memref<!tpu.dma_semaphore, #tpu.memory_space<semaphore_mem>>)
      %dma_start3A_889 = arith.constant 1 : i32
      %dma_start3A_890 = arith.constant 1 : i32
      %dma_start3A_891 = arith.constant 0 : i32
      %dma_start3A_892 = arith.constant 0 : i32
      %dma_start3A_893 = tpu.memref_slice %arg8[%dma_start3A_890, %dma_start3A_891, %dma_start3A_892] : memref<2x128x128xf32, #tpu.memory_space<vmem>> -> memref<1x128x128xf32, #tpu.memory_space<vmem>>
      %dma_start3A_894 = tpu.memref_squeeze %dma_start3A_893 : memref<1x128x128xf32, #tpu.memory_space<vmem>> -> memref<128x128xf32, #tpu.memory_space<vmem>>
      %dma_start3A_895 = arith.constant 0 : i32
      %dma_start3A_896 = tpu.memref_slice %arg11[%dma_start3A_889, %dma_start3A_895] : memref<32x128xi32, #tpu.memory_space<vmem>> -> memref<1x128xi32, #tpu.memory_space<vmem>>
      %dma_start3A_897 = tpu.memref_squeeze %dma_start3A_896 : memref<1x128xi32, #tpu.memory_space<vmem>> -> memref<128xi32, #tpu.memory_space<vmem>>
      %dma_start3A_898 = arith.constant 0 : i32
      %dma_start3A_899 = arith.constant 0 : i32
      %dma_start3A_900 = tpu.memref_slice %arg2[%dma_start3A_898, %dma_start3A_899] : memref<20000x128xf32, #tpu.memory_space<hbm>> -> memref<20000x128xf32, #tpu.memory_space<hbm>>
      tpu.enqueue_indirect_dma source(%dma_start3A_900 : memref<20000x128xf32, #tpu.memory_space<hbm>>) target(%dma_start3A_894 : memref<128x128xf32, #tpu.memory_space<vmem>>) offsets(%dma_start3A_897 : memref<128xi32, #tpu.memory_space<vmem>>) semaphore(%arg14 : memref<!tpu.dma_semaphore, #tpu.memory_space<semaphore_mem>>)
      %dma_wait3A_901 = arith.constant 0 : i32
      %dma_wait3A_902 = arith.constant 0 : i32
      %dma_wait3A_903 = arith.constant 0 : i32
      %dma_wait3A_904 = arith.constant 0 : i32
      %dma_wait3A_905 = tpu.memref_slice %arg8[%dma_wait3A_902, %dma_wait3A_903, %dma_wait3A_904] : memref<2x128x128xf32, #tpu.memory_space<vmem>> -> memref<1x128x128xf32, #tpu.memory_space<vmem>>
      %dma_wait3A_906 = tpu.memref_squeeze %dma_wait3A_905 : memref<1x128x128xf32, #tpu.memory_space<vmem>> -> memref<128x128xf32, #tpu.memory_space<vmem>>
      %dma_wait3A_907 = arith.constant 0 : i32
      %dma_wait3A_908 = tpu.memref_slice %arg11[%dma_wait3A_901, %dma_wait3A_907] : memref<32x128xi32, #tpu.memory_space<vmem>> -> memref<1x128xi32, #tpu.memory_space<vmem>>
      %dma_wait3A_909 = tpu.memref_squeeze %dma_wait3A_908 : memref<1x128xi32, #tpu.memory_space<vmem>> -> memref<128xi32, #tpu.memory_space<vmem>>
      %dma_wait3A_910 = arith.constant 0 : i32
      %dma_wait3A_911 = arith.constant 0 : i32
      %dma_wait3A_912 = tpu.memref_slice %arg2[%dma_wait3A_910, %dma_wait3A_911] : memref<20000x128xf32, #tpu.memory_space<hbm>> -> memref<20000x128xf32, #tpu.memory_space<hbm>>
      tpu.wait_indirect_dma semaphore(%arg13 : memref<!tpu.dma_semaphore, #tpu.memory_space<semaphore_mem>>) src(%dma_wait3A_912 : memref<20000x128xf32, #tpu.memory_space<hbm>>) dst(%dma_wait3A_906 : memref<128x128xf32, #tpu.memory_space<vmem>>)
      %dma_start3A_913 = arith.constant 2 : i32
      %dma_start3A_914 = arith.constant 0 : i32
      %dma_start3A_915 = arith.constant 0 : i32
      %dma_start3A_916 = arith.constant 0 : i32
      %dma_start3A_917 = tpu.memref_slice %arg8[%dma_start3A_914, %dma_start3A_915, %dma_start3A_916] : memref<2x128x128xf32, #tpu.memory_space<vmem>> -> memref<1x128x128xf32, #tpu.memory_space<vmem>>
      %dma_start3A_918 = tpu.memref_squeeze %dma_start3A_917 : memref<1x128x128xf32, #tpu.memory_space<vmem>> -> memref<128x128xf32, #tpu.memory_space<vmem>>
      %dma_start3A_919 = arith.constant 0 : i32
      %dma_start3A_920 = tpu.memref_slice %arg11[%dma_start3A_913, %dma_start3A_919] : memref<32x128xi32, #tpu.memory_space<vmem>> -> memref<1x128xi32, #tpu.memory_space<vmem>>
      %dma_start3A_921 = tpu.memref_squeeze %dma_start3A_920 : memref<1x128xi32, #tpu.memory_space<vmem>> -> memref<128xi32, #tpu.memory_space<vmem>>
      %dma_start3A_922 = arith.constant 0 : i32
      %dma_start3A_923 = arith.constant 0 : i32
      %dma_start3A_924 = tpu.memref_slice %arg2[%dma_start3A_922, %dma_start3A_923] : memref<20000x128xf32, #tpu.memory_space<hbm>> -> memref<20000x128xf32, #tpu.memory_space<hbm>>
      tpu.enqueue_indirect_dma source(%dma_start3A_924 : memref<20000x128xf32, #tpu.memory_space<hbm>>) target(%dma_start3A_918 : memref<128x128xf32, #tpu.memory_space<vmem>>) offsets(%dma_start3A_921 : memref<128xi32, #tpu.memory_space<vmem>>) semaphore(%arg13 : memref<!tpu.dma_semaphore, #tpu.memory_space<semaphore_mem>>)
      %dma_wait3A_925 = arith.constant 1 : i32
      %dma_wait3A_926 = arith.constant 1 : i32
      %dma_wait3A_927 = arith.constant 0 : i32
      %dma_wait3A_928 = arith.constant 0 : i32
      %dma_wait3A_929 = tpu.memref_slice %arg8[%dma_wait3A_926, %dma_wait3A_927, %dma_wait3A_928] : memref<2x128x128xf32, #tpu.memory_space<vmem>> -> memref<1x128x128xf32, #tpu.memory_space<vmem>>
      %dma_wait3A_930 = tpu.memref_squeeze %dma_wait3A_929 : memref<1x128x128xf32, #tpu.memory_space<vmem>> -> memref<128x128xf32, #tpu.memory_space<vmem>>
      %dma_wait3A_931 = arith.constant 0 : i32
      %dma_wait3A_932 = tpu.memref_slice %arg11[%dma_wait3A_925, %dma_wait3A_931] : memref<32x128xi32, #tpu.memory_space<vmem>> -> memref<1x128xi32, #tpu.memory_space<vmem>>
      %dma_wait3A_933 = tpu.memref_squeeze %dma_wait3A_932 : memref<1x128xi32, #tpu.memory_space<vmem>> -> memref<128xi32, #tpu.memory_space<vmem>>
      %dma_wait3A_934 = arith.constant 0 : i32
      %dma_wait3A_935 = arith.constant 0 : i32
      %dma_wait3A_936 = tpu.memref_slice %arg2[%dma_wait3A_934, %dma_wait3A_935] : memref<20000x128xf32, #tpu.memory_space<hbm>> -> memref<20000x128xf32, #tpu.memory_space<hbm>>
      tpu.wait_indirect_dma semaphore(%arg14 : memref<!tpu.dma_semaphore, #tpu.memory_space<semaphore_mem>>) src(%dma_wait3A_936 : memref<20000x128xf32, #tpu.memory_space<hbm>>) dst(%dma_wait3A_930 : memref<128x128xf32, #tpu.memory_space<vmem>>)
      %dma_start3A_937 = arith.constant 3 : i32
      %dma_start3A_938 = arith.constant 1 : i32
      %dma_start3A_939 = arith.constant 0 : i32
      %dma_start3A_940 = arith.constant 0 : i32
      %dma_start3A_941 = tpu.memref_slice %arg8[%dma_start3A_938, %dma_start3A_939, %dma_start3A_940] : memref<2x128x128xf32, #tpu.memory_space<vmem>> -> memref<1x128x128xf32, #tpu.memory_space<vmem>>
      %dma_start3A_942 = tpu.memref_squeeze %dma_start3A_941 : memref<1x128x128xf32, #tpu.memory_space<vmem>> -> memref<128x128xf32, #tpu.memory_space<vmem>>
      %dma_start3A_943 = arith.constant 0 : i32
      %dma_start3A_944 = tpu.memref_slice %arg11[%dma_start3A_937, %dma_start3A_943] : memref<32x128xi32, #tpu.memory_space<vmem>> -> memref<1x128xi32, #tpu.memory_space<vmem>>
      %dma_start3A_945 = tpu.memref_squeeze %dma_start3A_944 : memref<1x128xi32, #tpu.memory_space<vmem>> -> memref<128xi32, #tpu.memory_space<vmem>>
      %dma_start3A_946 = arith.constant 0 : i32
      %dma_start3A_947 = arith.constant 0 : i32
      %dma_start3A_948 = tpu.memref_slice %arg2[%dma_start3A_946, %dma_start3A_947] : memref<20000x128xf32, #tpu.memory_space<hbm>> -> memref<20000x128xf32, #tpu.memory_space<hbm>>
      tpu.enqueue_indirect_dma source(%dma_start3A_948 : memref<20000x128xf32, #tpu.memory_space<hbm>>) target(%dma_start3A_942 : memref<128x128xf32, #tpu.memory_space<vmem>>) offsets(%dma_start3A_945 : memref<128xi32, #tpu.memory_space<vmem>>) semaphore(%arg14 : memref<!tpu.dma_semaphore, #tpu.memory_space<semaphore_mem>>)
      %dma_wait3A_949 = arith.constant 2 : i32
      %dma_wait3A_950 = arith.constant 0 : i32
      %dma_wait3A_951 = arith.constant 0 : i32
      %dma_wait3A_952 = arith.constant 0 : i32
      %dma_wait3A_953 = tpu.memref_slice %arg8[%dma_wait3A_950, %dma_wait3A_951, %dma_wait3A_952] : memref<2x128x128xf32, #tpu.memory_space<vmem>> -> memref<1x128x128xf32, #tpu.memory_space<vmem>>
      %dma_wait3A_954 = tpu.memref_squeeze %dma_wait3A_953 : memref<1x128x128xf32, #tpu.memory_space<vmem>> -> memref<128x128xf32, #tpu.memory_space<vmem>>
      %dma_wait3A_955 = arith.constant 0 : i32
      %dma_wait3A_956 = tpu.memref_slice %arg11[%dma_wait3A_949, %dma_wait3A_955] : memref<32x128xi32, #tpu.memory_space<vmem>> -> memref<1x128xi32, #tpu.memory_space<vmem>>
      %dma_wait3A_957 = tpu.memref_squeeze %dma_wait3A_956 : memref<1x128xi32, #tpu.memory_space<vmem>> -> memref<128xi32, #tpu.memory_space<vmem>>
      %dma_wait3A_958 = arith.constant 0 : i32
      %dma_wait3A_959 = arith.constant 0 : i32
      %dma_wait3A_960 = tpu.memref_slice %arg2[%dma_wait3A_958, %dma_wait3A_959] : memref<20000x128xf32, #tpu.memory_space<hbm>> -> memref<20000x128xf32, #tpu.memory_space<hbm>>
      tpu.wait_indirect_dma semaphore(%arg13 : memref<!tpu.dma_semaphore, #tpu.memory_space<semaphore_mem>>) src(%dma_wait3A_960 : memref<20000x128xf32, #tpu.memory_space<hbm>>) dst(%dma_wait3A_954 : memref<128x128xf32, #tpu.memory_space<vmem>>)
      %dma_start3A_961 = arith.constant 4 : i32
      %dma_start3A_962 = arith.constant 0 : i32
      %dma_start3A_963 = arith.constant 0 : i32
      %dma_start3A_964 = arith.constant 0 : i32
      %dma_start3A_965 = tpu.memref_slice %arg8[%dma_start3A_962, %dma_start3A_963, %dma_start3A_964] : memref<2x128x128xf32, #tpu.memory_space<vmem>> -> memref<1x128x128xf32, #tpu.memory_space<vmem>>
      %dma_start3A_966 = tpu.memref_squeeze %dma_start3A_965 : memref<1x128x128xf32, #tpu.memory_space<vmem>> -> memref<128x128xf32, #tpu.memory_space<vmem>>
      %dma_start3A_967 = arith.constant 0 : i32
      %dma_start3A_968 = tpu.memref_slice %arg11[%dma_start3A_961, %dma_start3A_967] : memref<32x128xi32, #tpu.memory_space<vmem>> -> memref<1x128xi32, #tpu.memory_space<vmem>>
      %dma_start3A_969 = tpu.memref_squeeze %dma_start3A_968 : memref<1x128xi32, #tpu.memory_space<vmem>> -> memref<128xi32, #tpu.memory_space<vmem>>
      %dma_start3A_970 = arith.constant 0 : i32
      %dma_start3A_971 = arith.constant 0 : i32
      %dma_start3A_972 = tpu.memref_slice %arg2[%dma_start3A_970, %dma_start3A_971] : memref<20000x128xf32, #tpu.memory_space<hbm>> -> memref<20000x128xf32, #tpu.memory_space<hbm>>
      tpu.enqueue_indirect_dma source(%dma_start3A_972 : memref<20000x128xf32, #tpu.memory_space<hbm>>) target(%dma_start3A_966 : memref<128x128xf32, #tpu.memory_space<vmem>>) offsets(%dma_start3A_969 : memref<128xi32, #tpu.memory_space<vmem>>) semaphore(%arg13 : memref<!tpu.dma_semaphore, #tpu.memory_space<semaphore_mem>>)
      %dma_wait3A_973 = arith.constant 3 : i32
      %dma_wait3A_974 = arith.constant 1 : i32
      %dma_wait3A_975 = arith.constant 0 : i32
      %dma_wait3A_976 = arith.constant 0 : i32
      %dma_wait3A_977 = tpu.memref_slice %arg8[%dma_wait3A_974, %dma_wait3A_975, %dma_wait3A_976] : memref<2x128x128xf32, #tpu.memory_space<vmem>> -> memref<1x128x128xf32, #tpu.memory_space<vmem>>
      %dma_wait3A_978 = tpu.memref_squeeze %dma_wait3A_977 : memref<1x128x128xf32, #tpu.memory_space<vmem>> -> memref<128x128xf32, #tpu.memory_space<vmem>>
      %dma_wait3A_979 = arith.constant 0 : i32
      %dma_wait3A_980 = tpu.memref_slice %arg11[%dma_wait3A_973, %dma_wait3A_979] : memref<32x128xi32, #tpu.memory_space<vmem>> -> memref<1x128xi32, #tpu.memory_space<vmem>>
      %dma_wait3A_981 = tpu.memref_squeeze %dma_wait3A_980 : memref<1x128xi32, #tpu.memory_space<vmem>> -> memref<128xi32, #tpu.memory_space<vmem>>
      %dma_wait3A_982 = arith.constant 0 : i32
      %dma_wait3A_983 = arith.constant 0 : i32
      %dma_wait3A_984 = tpu.memref_slice %arg2[%dma_wait3A_982, %dma_wait3A_983] : memref<20000x128xf32, #tpu.memory_space<hbm>> -> memref<20000x128xf32, #tpu.memory_space<hbm>>
      tpu.wait_indirect_dma semaphore(%arg14 : memref<!tpu.dma_semaphore, #tpu.memory_space<semaphore_mem>>) src(%dma_wait3A_984 : memref<20000x128xf32, #tpu.memory_space<hbm>>) dst(%dma_wait3A_978 : memref<128x128xf32, #tpu.memory_space<vmem>>)
      %dma_start3A_985 = arith.constant 5 : i32
      %dma_start3A_986 = arith.constant 1 : i32
      %dma_start3A_987 = arith.constant 0 : i32
      %dma_start3A_988 = arith.constant 0 : i32
      %dma_start3A_989 = tpu.memref_slice %arg8[%dma_start3A_986, %dma_start3A_987, %dma_start3A_988] : memref<2x128x128xf32, #tpu.memory_space<vmem>> -> memref<1x128x128xf32, #tpu.memory_space<vmem>>
      %dma_start3A_990 = tpu.memref_squeeze %dma_start3A_989 : memref<1x128x128xf32, #tpu.memory_space<vmem>> -> memref<128x128xf32, #tpu.memory_space<vmem>>
      %dma_start3A_991 = arith.constant 0 : i32
      %dma_start3A_992 = tpu.memref_slice %arg11[%dma_start3A_985, %dma_start3A_991] : memref<32x128xi32, #tpu.memory_space<vmem>> -> memref<1x128xi32, #tpu.memory_space<vmem>>
      %dma_start3A_993 = tpu.memref_squeeze %dma_start3A_992 : memref<1x128xi32, #tpu.memory_space<vmem>> -> memref<128xi32, #tpu.memory_space<vmem>>
      %dma_start3A_994 = arith.constant 0 : i32
      %dma_start3A_995 = arith.constant 0 : i32
      %dma_start3A_996 = tpu.memref_slice %arg2[%dma_start3A_994, %dma_start3A_995] : memref<20000x128xf32, #tpu.memory_space<hbm>> -> memref<20000x128xf32, #tpu.memory_space<hbm>>
      tpu.enqueue_indirect_dma source(%dma_start3A_996 : memref<20000x128xf32, #tpu.memory_space<hbm>>) target(%dma_start3A_990 : memref<128x128xf32, #tpu.memory_space<vmem>>) offsets(%dma_start3A_993 : memref<128xi32, #tpu.memory_space<vmem>>) semaphore(%arg14 : memref<!tpu.dma_semaphore, #tpu.memory_space<semaphore_mem>>)
      %dma_wait3A_997 = arith.constant 4 : i32
      %dma_wait3A_998 = arith.constant 0 : i32
      %dma_wait3A_999 = arith.constant 0 : i32
      %dma_wait3A_1000 = arith.constant 0 : i32
      %dma_wait3A_1001 = tpu.memref_slice %arg8[%dma_wait3A_998, %dma_wait3A_999, %dma_wait3A_1000] : memref<2x128x128xf32, #tpu.memory_space<vmem>> -> memref<1x128x128xf32, #tpu.memory_space<vmem>>
      %dma_wait3A_1002 = tpu.memref_squeeze %dma_wait3A_1001 : memref<1x128x128xf32, #tpu.memory_space<vmem>> -> memref<128x128xf32, #tpu.memory_space<vmem>>
      %dma_wait3A_1003 = arith.constant 0 : i32
      %dma_wait3A_1004 = tpu.memref_slice %arg11[%dma_wait3A_997, %dma_wait3A_1003] : memref<32x128xi32, #tpu.memory_space<vmem>> -> memref<1x128xi32, #tpu.memory_space<vmem>>
      %dma_wait3A_1005 = tpu.memref_squeeze %dma_wait3A_1004 : memref<1x128xi32, #tpu.memory_space<vmem>> -> memref<128xi32, #tpu.memory_space<vmem>>
      %dma_wait3A_1006 = arith.constant 0 : i32
      %dma_wait3A_1007 = arith.constant 0 : i32
      %dma_wait3A_1008 = tpu.memref_slice %arg2[%dma_wait3A_1006, %dma_wait3A_1007] : memref<20000x128xf32, #tpu.memory_space<hbm>> -> memref<20000x128xf32, #tpu.memory_space<hbm>>
      tpu.wait_indirect_dma semaphore(%arg13 : memref<!tpu.dma_semaphore, #tpu.memory_space<semaphore_mem>>) src(%dma_wait3A_1008 : memref<20000x128xf32, #tpu.memory_space<hbm>>) dst(%dma_wait3A_1002 : memref<128x128xf32, #tpu.memory_space<vmem>>)
      %dma_start3A_1009 = arith.constant 6 : i32
      %dma_start3A_1010 = arith.constant 0 : i32
      %dma_start3A_1011 = arith.constant 0 : i32
      %dma_start3A_1012 = arith.constant 0 : i32
      %dma_start3A_1013 = tpu.memref_slice %arg8[%dma_start3A_1010, %dma_start3A_1011, %dma_start3A_1012] : memref<2x128x128xf32, #tpu.memory_space<vmem>> -> memref<1x128x128xf32, #tpu.memory_space<vmem>>
      %dma_start3A_1014 = tpu.memref_squeeze %dma_start3A_1013 : memref<1x128x128xf32, #tpu.memory_space<vmem>> -> memref<128x128xf32, #tpu.memory_space<vmem>>
      %dma_start3A_1015 = arith.constant 0 : i32
      %dma_start3A_1016 = tpu.memref_slice %arg11[%dma_start3A_1009, %dma_start3A_1015] : memref<32x128xi32, #tpu.memory_space<vmem>> -> memref<1x128xi32, #tpu.memory_space<vmem>>
      %dma_start3A_1017 = tpu.memref_squeeze %dma_start3A_1016 : memref<1x128xi32, #tpu.memory_space<vmem>> -> memref<128xi32, #tpu.memory_space<vmem>>
      %dma_start3A_1018 = arith.constant 0 : i32
      %dma_start3A_1019 = arith.constant 0 : i32
      %dma_start3A_1020 = tpu.memref_slice %arg2[%dma_start3A_1018, %dma_start3A_1019] : memref<20000x128xf32, #tpu.memory_space<hbm>> -> memref<20000x128xf32, #tpu.memory_space<hbm>>
      tpu.enqueue_indirect_dma source(%dma_start3A_1020 : memref<20000x128xf32, #tpu.memory_space<hbm>>) target(%dma_start3A_1014 : memref<128x128xf32, #tpu.memory_space<vmem>>) offsets(%dma_start3A_1017 : memref<128xi32, #tpu.memory_space<vmem>>) semaphore(%arg13 : memref<!tpu.dma_semaphore, #tpu.memory_space<semaphore_mem>>)
      %dma_wait3A_1021 = arith.constant 5 : i32
      %dma_wait3A_1022 = arith.constant 1 : i32
      %dma_wait3A_1023 = arith.constant 0 : i32
      %dma_wait3A_1024 = arith.constant 0 : i32
      %dma_wait3A_1025 = tpu.memref_slice %arg8[%dma_wait3A_1022, %dma_wait3A_1023, %dma_wait3A_1024] : memref<2x128x128xf32, #tpu.memory_space<vmem>> -> memref<1x128x128xf32, #tpu.memory_space<vmem>>
      %dma_wait3A_1026 = tpu.memref_squeeze %dma_wait3A_1025 : memref<1x128x128xf32, #tpu.memory_space<vmem>> -> memref<128x128xf32, #tpu.memory_space<vmem>>
      %dma_wait3A_1027 = arith.constant 0 : i32
      %dma_wait3A_1028 = tpu.memref_slice %arg11[%dma_wait3A_1021, %dma_wait3A_1027] : memref<32x128xi32, #tpu.memory_space<vmem>> -> memref<1x128xi32, #tpu.memory_space<vmem>>
      %dma_wait3A_1029 = tpu.memref_squeeze %dma_wait3A_1028 : memref<1x128xi32, #tpu.memory_space<vmem>> -> memref<128xi32, #tpu.memory_space<vmem>>
      %dma_wait3A_1030 = arith.constant 0 : i32
      %dma_wait3A_1031 = arith.constant 0 : i32
      %dma_wait3A_1032 = tpu.memref_slice %arg2[%dma_wait3A_1030, %dma_wait3A_1031] : memref<20000x128xf32, #tpu.memory_space<hbm>> -> memref<20000x128xf32, #tpu.memory_space<hbm>>
      tpu.wait_indirect_dma semaphore(%arg14 : memref<!tpu.dma_semaphore, #tpu.memory_space<semaphore_mem>>) src(%dma_wait3A_1032 : memref<20000x128xf32, #tpu.memory_space<hbm>>) dst(%dma_wait3A_1026 : memref<128x128xf32, #tpu.memory_space<vmem>>)
      %dma_start3A_1033 = arith.constant 7 : i32
      %dma_start3A_1034 = arith.constant 1 : i32
      %dma_start3A_1035 = arith.constant 0 : i32
      %dma_start3A_1036 = arith.constant 0 : i32
      %dma_start3A_1037 = tpu.memref_slice %arg8[%dma_start3A_1034, %dma_start3A_1035, %dma_start3A_1036] : memref<2x128x128xf32, #tpu.memory_space<vmem>> -> memref<1x128x128xf32, #tpu.memory_space<vmem>>
      %dma_start3A_1038 = tpu.memref_squeeze %dma_start3A_1037 : memref<1x128x128xf32, #tpu.memory_space<vmem>> -> memref<128x128xf32, #tpu.memory_space<vmem>>
      %dma_start3A_1039 = arith.constant 0 : i32
      %dma_start3A_1040 = tpu.memref_slice %arg11[%dma_start3A_1033, %dma_start3A_1039] : memref<32x128xi32, #tpu.memory_space<vmem>> -> memref<1x128xi32, #tpu.memory_space<vmem>>
      %dma_start3A_1041 = tpu.memref_squeeze %dma_start3A_1040 : memref<1x128xi32, #tpu.memory_space<vmem>> -> memref<128xi32, #tpu.memory_space<vmem>>
      %dma_start3A_1042 = arith.constant 0 : i32
      %dma_start3A_1043 = arith.constant 0 : i32
      %dma_start3A_1044 = tpu.memref_slice %arg2[%dma_start3A_1042, %dma_start3A_1043] : memref<20000x128xf32, #tpu.memory_space<hbm>> -> memref<20000x128xf32, #tpu.memory_space<hbm>>
      tpu.enqueue_indirect_dma source(%dma_start3A_1044 : memref<20000x128xf32, #tpu.memory_space<hbm>>) target(%dma_start3A_1038 : memref<128x128xf32, #tpu.memory_space<vmem>>) offsets(%dma_start3A_1041 : memref<128xi32, #tpu.memory_space<vmem>>) semaphore(%arg14 : memref<!tpu.dma_semaphore, #tpu.memory_space<semaphore_mem>>)
      %dma_wait3A_1045 = arith.constant 6 : i32
      %dma_wait3A_1046 = arith.constant 0 : i32
      %dma_wait3A_1047 = arith.constant 0 : i32
      %dma_wait3A_1048 = arith.constant 0 : i32
      %dma_wait3A_1049 = tpu.memref_slice %arg8[%dma_wait3A_1046, %dma_wait3A_1047, %dma_wait3A_1048] : memref<2x128x128xf32, #tpu.memory_space<vmem>> -> memref<1x128x128xf32, #tpu.memory_space<vmem>>
      %dma_wait3A_1050 = tpu.memref_squeeze %dma_wait3A_1049 : memref<1x128x128xf32, #tpu.memory_space<vmem>> -> memref<128x128xf32, #tpu.memory_space<vmem>>
      %dma_wait3A_1051 = arith.constant 0 : i32
      %dma_wait3A_1052 = tpu.memref_slice %arg11[%dma_wait3A_1045, %dma_wait3A_1051] : memref<32x128xi32, #tpu.memory_space<vmem>> -> memref<1x128xi32, #tpu.memory_space<vmem>>
      %dma_wait3A_1053 = tpu.memref_squeeze %dma_wait3A_1052 : memref<1x128xi32, #tpu.memory_space<vmem>> -> memref<128xi32, #tpu.memory_space<vmem>>
      %dma_wait3A_1054 = arith.constant 0 : i32
      %dma_wait3A_1055 = arith.constant 0 : i32
      %dma_wait3A_1056 = tpu.memref_slice %arg2[%dma_wait3A_1054, %dma_wait3A_1055] : memref<20000x128xf32, #tpu.memory_space<hbm>> -> memref<20000x128xf32, #tpu.memory_space<hbm>>
      tpu.wait_indirect_dma semaphore(%arg13 : memref<!tpu.dma_semaphore, #tpu.memory_space<semaphore_mem>>) src(%dma_wait3A_1056 : memref<20000x128xf32, #tpu.memory_space<hbm>>) dst(%dma_wait3A_1050 : memref<128x128xf32, #tpu.memory_space<vmem>>)
      %dma_start3A_1057 = arith.constant 8 : i32
      %dma_start3A_1058 = arith.constant 0 : i32
      %dma_start3A_1059 = arith.constant 0 : i32
      %dma_start3A_1060 = arith.constant 0 : i32
      %dma_start3A_1061 = tpu.memref_slice %arg8[%dma_start3A_1058, %dma_start3A_1059, %dma_start3A_1060] : memref<2x128x128xf32, #tpu.memory_space<vmem>> -> memref<1x128x128xf32, #tpu.memory_space<vmem>>
      %dma_start3A_1062 = tpu.memref_squeeze %dma_start3A_1061 : memref<1x128x128xf32, #tpu.memory_space<vmem>> -> memref<128x128xf32, #tpu.memory_space<vmem>>
      %dma_start3A_1063 = arith.constant 0 : i32
      %dma_start3A_1064 = tpu.memref_slice %arg11[%dma_start3A_1057, %dma_start3A_1063] : memref<32x128xi32, #tpu.memory_space<vmem>> -> memref<1x128xi32, #tpu.memory_space<vmem>>
      %dma_start3A_1065 = tpu.memref_squeeze %dma_start3A_1064 : memref<1x128xi32, #tpu.memory_space<vmem>> -> memref<128xi32, #tpu.memory_space<vmem>>
      %dma_start3A_1066 = arith.constant 0 : i32
      %dma_start3A_1067 = arith.constant 0 : i32
      %dma_start3A_1068 = tpu.memref_slice %arg2[%dma_start3A_1066, %dma_start3A_1067] : memref<20000x128xf32, #tpu.memory_space<hbm>> -> memref<20000x128xf32, #tpu.memory_space<hbm>>
      tpu.enqueue_indirect_dma source(%dma_start3A_1068 : memref<20000x128xf32, #tpu.memory_space<hbm>>) target(%dma_start3A_1062 : memref<128x128xf32, #tpu.memory_space<vmem>>) offsets(%dma_start3A_1065 : memref<128xi32, #tpu.memory_space<vmem>>) semaphore(%arg13 : memref<!tpu.dma_semaphore, #tpu.memory_space<semaphore_mem>>)
      %dma_wait3A_1069 = arith.constant 7 : i32
      %dma_wait3A_1070 = arith.constant 1 : i32
      %dma_wait3A_1071 = arith.constant 0 : i32
      %dma_wait3A_1072 = arith.constant 0 : i32
      %dma_wait3A_1073 = tpu.memref_slice %arg8[%dma_wait3A_1070, %dma_wait3A_1071, %dma_wait3A_1072] : memref<2x128x128xf32, #tpu.memory_space<vmem>> -> memref<1x128x128xf32, #tpu.memory_space<vmem>>
      %dma_wait3A_1074 = tpu.memref_squeeze %dma_wait3A_1073 : memref<1x128x128xf32, #tpu.memory_space<vmem>> -> memref<128x128xf32, #tpu.memory_space<vmem>>
      %dma_wait3A_1075 = arith.constant 0 : i32
      %dma_wait3A_1076 = tpu.memref_slice %arg11[%dma_wait3A_1069, %dma_wait3A_1075] : memref<32x128xi32, #tpu.memory_space<vmem>> -> memref<1x128xi32, #tpu.memory_space<vmem>>
      %dma_wait3A_1077 = tpu.memref_squeeze %dma_wait3A_1076 : memref<1x128xi32, #tpu.memory_space<vmem>> -> memref<128xi32, #tpu.memory_space<vmem>>
      %dma_wait3A_1078 = arith.constant 0 : i32
      %dma_wait3A_1079 = arith.constant 0 : i32
      %dma_wait3A_1080 = tpu.memref_slice %arg2[%dma_wait3A_1078, %dma_wait3A_1079] : memref<20000x128xf32, #tpu.memory_space<hbm>> -> memref<20000x128xf32, #tpu.memory_space<hbm>>
      tpu.wait_indirect_dma semaphore(%arg14 : memref<!tpu.dma_semaphore, #tpu.memory_space<semaphore_mem>>) src(%dma_wait3A_1080 : memref<20000x128xf32, #tpu.memory_space<hbm>>) dst(%dma_wait3A_1074 : memref<128x128xf32, #tpu.memory_space<vmem>>)
      %dma_start3A_1081 = arith.constant 9 : i32
      %dma_start3A_1082 = arith.constant 1 : i32
      %dma_start3A_1083 = arith.constant 0 : i32
      %dma_start3A_1084 = arith.constant 0 : i32
      %dma_start3A_1085 = tpu.memref_slice %arg8[%dma_start3A_1082, %dma_start3A_1083, %dma_start3A_1084] : memref<2x128x128xf32, #tpu.memory_space<vmem>> -> memref<1x128x128xf32, #tpu.memory_space<vmem>>
      %dma_start3A_1086 = tpu.memref_squeeze %dma_start3A_1085 : memref<1x128x128xf32, #tpu.memory_space<vmem>> -> memref<128x128xf32, #tpu.memory_space<vmem>>
      %dma_start3A_1087 = arith.constant 0 : i32
      %dma_start3A_1088 = tpu.memref_slice %arg11[%dma_start3A_1081, %dma_start3A_1087] : memref<32x128xi32, #tpu.memory_space<vmem>> -> memref<1x128xi32, #tpu.memory_space<vmem>>
      %dma_start3A_1089 = tpu.memref_squeeze %dma_start3A_1088 : memref<1x128xi32, #tpu.memory_space<vmem>> -> memref<128xi32, #tpu.memory_space<vmem>>
      %dma_start3A_1090 = arith.constant 0 : i32
      %dma_start3A_1091 = arith.constant 0 : i32
      %dma_start3A_1092 = tpu.memref_slice %arg2[%dma_start3A_1090, %dma_start3A_1091] : memref<20000x128xf32, #tpu.memory_space<hbm>> -> memref<20000x128xf32, #tpu.memory_space<hbm>>
      tpu.enqueue_indirect_dma source(%dma_start3A_1092 : memref<20000x128xf32, #tpu.memory_space<hbm>>) target(%dma_start3A_1086 : memref<128x128xf32, #tpu.memory_space<vmem>>) offsets(%dma_start3A_1089 : memref<128xi32, #tpu.memory_space<vmem>>) semaphore(%arg14 : memref<!tpu.dma_semaphore, #tpu.memory_space<semaphore_mem>>)
      %dma_wait3A_1093 = arith.constant 8 : i32
      %dma_wait3A_1094 = arith.constant 0 : i32
      %dma_wait3A_1095 = arith.constant 0 : i32
      %dma_wait3A_1096 = arith.constant 0 : i32
      %dma_wait3A_1097 = tpu.memref_slice %arg8[%dma_wait3A_1094, %dma_wait3A_1095, %dma_wait3A_1096] : memref<2x128x128xf32, #tpu.memory_space<vmem>> -> memref<1x128x128xf32, #tpu.memory_space<vmem>>
      %dma_wait3A_1098 = tpu.memref_squeeze %dma_wait3A_1097 : memref<1x128x128xf32, #tpu.memory_space<vmem>> -> memref<128x128xf32, #tpu.memory_space<vmem>>
      %dma_wait3A_1099 = arith.constant 0 : i32
      %dma_wait3A_1100 = tpu.memref_slice %arg11[%dma_wait3A_1093, %dma_wait3A_1099] : memref<32x128xi32, #tpu.memory_space<vmem>> -> memref<1x128xi32, #tpu.memory_space<vmem>>
      %dma_wait3A_1101 = tpu.memref_squeeze %dma_wait3A_1100 : memref<1x128xi32, #tpu.memory_space<vmem>> -> memref<128xi32, #tpu.memory_space<vmem>>
      %dma_wait3A_1102 = arith.constant 0 : i32
      %dma_wait3A_1103 = arith.constant 0 : i32
      %dma_wait3A_1104 = tpu.memref_slice %arg2[%dma_wait3A_1102, %dma_wait3A_1103] : memref<20000x128xf32, #tpu.memory_space<hbm>> -> memref<20000x128xf32, #tpu.memory_space<hbm>>
      tpu.wait_indirect_dma semaphore(%arg13 : memref<!tpu.dma_semaphore, #tpu.memory_space<semaphore_mem>>) src(%dma_wait3A_1104 : memref<20000x128xf32, #tpu.memory_space<hbm>>) dst(%dma_wait3A_1098 : memref<128x128xf32, #tpu.memory_space<vmem>>)
      %dma_start3A_1105 = arith.constant 10 : i32
      %dma_start3A_1106 = arith.constant 0 : i32
      %dma_start3A_1107 = arith.constant 0 : i32
      %dma_start3A_1108 = arith.constant 0 : i32
      %dma_start3A_1109 = tpu.memref_slice %arg8[%dma_start3A_1106, %dma_start3A_1107, %dma_start3A_1108] : memref<2x128x128xf32, #tpu.memory_space<vmem>> -> memref<1x128x128xf32, #tpu.memory_space<vmem>>
      %dma_start3A_1110 = tpu.memref_squeeze %dma_start3A_1109 : memref<1x128x128xf32, #tpu.memory_space<vmem>> -> memref<128x128xf32, #tpu.memory_space<vmem>>
      %dma_start3A_1111 = arith.constant 0 : i32
      %dma_start3A_1112 = tpu.memref_slice %arg11[%dma_start3A_1105, %dma_start3A_1111] : memref<32x128xi32, #tpu.memory_space<vmem>> -> memref<1x128xi32, #tpu.memory_space<vmem>>
      %dma_start3A_1113 = tpu.memref_squeeze %dma_start3A_1112 : memref<1x128xi32, #tpu.memory_space<vmem>> -> memref<128xi32, #tpu.memory_space<vmem>>
      %dma_start3A_1114 = arith.constant 0 : i32
      %dma_start3A_1115 = arith.constant 0 : i32
      %dma_start3A_1116 = tpu.memref_slice %arg2[%dma_start3A_1114, %dma_start3A_1115] : memref<20000x128xf32, #tpu.memory_space<hbm>> -> memref<20000x128xf32, #tpu.memory_space<hbm>>
      tpu.enqueue_indirect_dma source(%dma_start3A_1116 : memref<20000x128xf32, #tpu.memory_space<hbm>>) target(%dma_start3A_1110 : memref<128x128xf32, #tpu.memory_space<vmem>>) offsets(%dma_start3A_1113 : memref<128xi32, #tpu.memory_space<vmem>>) semaphore(%arg13 : memref<!tpu.dma_semaphore, #tpu.memory_space<semaphore_mem>>)
      %dma_wait3A_1117 = arith.constant 9 : i32
      %dma_wait3A_1118 = arith.constant 1 : i32
      %dma_wait3A_1119 = arith.constant 0 : i32
      %dma_wait3A_1120 = arith.constant 0 : i32
      %dma_wait3A_1121 = tpu.memref_slice %arg8[%dma_wait3A_1118, %dma_wait3A_1119, %dma_wait3A_1120] : memref<2x128x128xf32, #tpu.memory_space<vmem>> -> memref<1x128x128xf32, #tpu.memory_space<vmem>>
      %dma_wait3A_1122 = tpu.memref_squeeze %dma_wait3A_1121 : memref<1x128x128xf32, #tpu.memory_space<vmem>> -> memref<128x128xf32, #tpu.memory_space<vmem>>
      %dma_wait3A_1123 = arith.constant 0 : i32
      %dma_wait3A_1124 = tpu.memref_slice %arg11[%dma_wait3A_1117, %dma_wait3A_1123] : memref<32x128xi32, #tpu.memory_space<vmem>> -> memref<1x128xi32, #tpu.memory_space<vmem>>
      %dma_wait3A_1125 = tpu.memref_squeeze %dma_wait3A_1124 : memref<1x128xi32, #tpu.memory_space<vmem>> -> memref<128xi32, #tpu.memory_space<vmem>>
      %dma_wait3A_1126 = arith.constant 0 : i32
      %dma_wait3A_1127 = arith.constant 0 : i32
      %dma_wait3A_1128 = tpu.memref_slice %arg2[%dma_wait3A_1126, %dma_wait3A_1127] : memref<20000x128xf32, #tpu.memory_space<hbm>> -> memref<20000x128xf32, #tpu.memory_space<hbm>>
      tpu.wait_indirect_dma semaphore(%arg14 : memref<!tpu.dma_semaphore, #tpu.memory_space<semaphore_mem>>) src(%dma_wait3A_1128 : memref<20000x128xf32, #tpu.memory_space<hbm>>) dst(%dma_wait3A_1122 : memref<128x128xf32, #tpu.memory_space<vmem>>)
      %dma_start3A_1129 = arith.constant 11 : i32
      %dma_start3A_1130 = arith.constant 1 : i32
      %dma_start3A_1131 = arith.constant 0 : i32
      %dma_start3A_1132 = arith.constant 0 : i32
      %dma_start3A_1133 = tpu.memref_slice %arg8[%dma_start3A_1130, %dma_start3A_1131, %dma_start3A_1132] : memref<2x128x128xf32, #tpu.memory_space<vmem>> -> memref<1x128x128xf32, #tpu.memory_space<vmem>>
      %dma_start3A_1134 = tpu.memref_squeeze %dma_start3A_1133 : memref<1x128x128xf32, #tpu.memory_space<vmem>> -> memref<128x128xf32, #tpu.memory_space<vmem>>
      %dma_start3A_1135 = arith.constant 0 : i32
      %dma_start3A_1136 = tpu.memref_slice %arg11[%dma_start3A_1129, %dma_start3A_1135] : memref<32x128xi32, #tpu.memory_space<vmem>> -> memref<1x128xi32, #tpu.memory_space<vmem>>
      %dma_start3A_1137 = tpu.memref_squeeze %dma_start3A_1136 : memref<1x128xi32, #tpu.memory_space<vmem>> -> memref<128xi32, #tpu.memory_space<vmem>>
      %dma_start3A_1138 = arith.constant 0 : i32
      %dma_start3A_1139 = arith.constant 0 : i32
      %dma_start3A_1140 = tpu.memref_slice %arg2[%dma_start3A_1138, %dma_start3A_1139] : memref<20000x128xf32, #tpu.memory_space<hbm>> -> memref<20000x128xf32, #tpu.memory_space<hbm>>
      tpu.enqueue_indirect_dma source(%dma_start3A_1140 : memref<20000x128xf32, #tpu.memory_space<hbm>>) target(%dma_start3A_1134 : memref<128x128xf32, #tpu.memory_space<vmem>>) offsets(%dma_start3A_1137 : memref<128xi32, #tpu.memory_space<vmem>>) semaphore(%arg14 : memref<!tpu.dma_semaphore, #tpu.memory_space<semaphore_mem>>)
      %dma_wait3A_1141 = arith.constant 10 : i32
      %dma_wait3A_1142 = arith.constant 0 : i32
      %dma_wait3A_1143 = arith.constant 0 : i32
      %dma_wait3A_1144 = arith.constant 0 : i32
      %dma_wait3A_1145 = tpu.memref_slice %arg8[%dma_wait3A_1142, %dma_wait3A_1143, %dma_wait3A_1144] : memref<2x128x128xf32, #tpu.memory_space<vmem>> -> memref<1x128x128xf32, #tpu.memory_space<vmem>>
      %dma_wait3A_1146 = tpu.memref_squeeze %dma_wait3A_1145 : memref<1x128x128xf32, #tpu.memory_space<vmem>> -> memref<128x128xf32, #tpu.memory_space<vmem>>
      %dma_wait3A_1147 = arith.constant 0 : i32
      %dma_wait3A_1148 = tpu.memref_slice %arg11[%dma_wait3A_1141, %dma_wait3A_1147] : memref<32x128xi32, #tpu.memory_space<vmem>> -> memref<1x128xi32, #tpu.memory_space<vmem>>
      %dma_wait3A_1149 = tpu.memref_squeeze %dma_wait3A_1148 : memref<1x128xi32, #tpu.memory_space<vmem>> -> memref<128xi32, #tpu.memory_space<vmem>>
      %dma_wait3A_1150 = arith.constant 0 : i32
      %dma_wait3A_1151 = arith.constant 0 : i32
      %dma_wait3A_1152 = tpu.memref_slice %arg2[%dma_wait3A_1150, %dma_wait3A_1151] : memref<20000x128xf32, #tpu.memory_space<hbm>> -> memref<20000x128xf32, #tpu.memory_space<hbm>>
      tpu.wait_indirect_dma semaphore(%arg13 : memref<!tpu.dma_semaphore, #tpu.memory_space<semaphore_mem>>) src(%dma_wait3A_1152 : memref<20000x128xf32, #tpu.memory_space<hbm>>) dst(%dma_wait3A_1146 : memref<128x128xf32, #tpu.memory_space<vmem>>)
      %dma_start3A_1153 = arith.constant 12 : i32
      %dma_start3A_1154 = arith.constant 0 : i32
      %dma_start3A_1155 = arith.constant 0 : i32
      %dma_start3A_1156 = arith.constant 0 : i32
      %dma_start3A_1157 = tpu.memref_slice %arg8[%dma_start3A_1154, %dma_start3A_1155, %dma_start3A_1156] : memref<2x128x128xf32, #tpu.memory_space<vmem>> -> memref<1x128x128xf32, #tpu.memory_space<vmem>>
      %dma_start3A_1158 = tpu.memref_squeeze %dma_start3A_1157 : memref<1x128x128xf32, #tpu.memory_space<vmem>> -> memref<128x128xf32, #tpu.memory_space<vmem>>
      %dma_start3A_1159 = arith.constant 0 : i32
      %dma_start3A_1160 = tpu.memref_slice %arg11[%dma_start3A_1153, %dma_start3A_1159] : memref<32x128xi32, #tpu.memory_space<vmem>> -> memref<1x128xi32, #tpu.memory_space<vmem>>
      %dma_start3A_1161 = tpu.memref_squeeze %dma_start3A_1160 : memref<1x128xi32, #tpu.memory_space<vmem>> -> memref<128xi32, #tpu.memory_space<vmem>>
      %dma_start3A_1162 = arith.constant 0 : i32
      %dma_start3A_1163 = arith.constant 0 : i32
      %dma_start3A_1164 = tpu.memref_slice %arg2[%dma_start3A_1162, %dma_start3A_1163] : memref<20000x128xf32, #tpu.memory_space<hbm>> -> memref<20000x128xf32, #tpu.memory_space<hbm>>
      tpu.enqueue_indirect_dma source(%dma_start3A_1164 : memref<20000x128xf32, #tpu.memory_space<hbm>>) target(%dma_start3A_1158 : memref<128x128xf32, #tpu.memory_space<vmem>>) offsets(%dma_start3A_1161 : memref<128xi32, #tpu.memory_space<vmem>>) semaphore(%arg13 : memref<!tpu.dma_semaphore, #tpu.memory_space<semaphore_mem>>)
      %dma_wait3A_1165 = arith.constant 11 : i32
      %dma_wait3A_1166 = arith.constant 1 : i32
      %dma_wait3A_1167 = arith.constant 0 : i32
      %dma_wait3A_1168 = arith.constant 0 : i32
      %dma_wait3A_1169 = tpu.memref_slice %arg8[%dma_wait3A_1166, %dma_wait3A_1167, %dma_wait3A_1168] : memref<2x128x128xf32, #tpu.memory_space<vmem>> -> memref<1x128x128xf32, #tpu.memory_space<vmem>>
      %dma_wait3A_1170 = tpu.memref_squeeze %dma_wait3A_1169 : memref<1x128x128xf32, #tpu.memory_space<vmem>> -> memref<128x128xf32, #tpu.memory_space<vmem>>
      %dma_wait3A_1171 = arith.constant 0 : i32
      %dma_wait3A_1172 = tpu.memref_slice %arg11[%dma_wait3A_1165, %dma_wait3A_1171] : memref<32x128xi32, #tpu.memory_space<vmem>> -> memref<1x128xi32, #tpu.memory_space<vmem>>
      %dma_wait3A_1173 = tpu.memref_squeeze %dma_wait3A_1172 : memref<1x128xi32, #tpu.memory_space<vmem>> -> memref<128xi32, #tpu.memory_space<vmem>>
      %dma_wait3A_1174 = arith.constant 0 : i32
      %dma_wait3A_1175 = arith.constant 0 : i32
      %dma_wait3A_1176 = tpu.memref_slice %arg2[%dma_wait3A_1174, %dma_wait3A_1175] : memref<20000x128xf32, #tpu.memory_space<hbm>> -> memref<20000x128xf32, #tpu.memory_space<hbm>>
      tpu.wait_indirect_dma semaphore(%arg14 : memref<!tpu.dma_semaphore, #tpu.memory_space<semaphore_mem>>) src(%dma_wait3A_1176 : memref<20000x128xf32, #tpu.memory_space<hbm>>) dst(%dma_wait3A_1170 : memref<128x128xf32, #tpu.memory_space<vmem>>)
      %dma_start3A_1177 = arith.constant 13 : i32
      %dma_start3A_1178 = arith.constant 1 : i32
      %dma_start3A_1179 = arith.constant 0 : i32
      %dma_start3A_1180 = arith.constant 0 : i32
      %dma_start3A_1181 = tpu.memref_slice %arg8[%dma_start3A_1178, %dma_start3A_1179, %dma_start3A_1180] : memref<2x128x128xf32, #tpu.memory_space<vmem>> -> memref<1x128x128xf32, #tpu.memory_space<vmem>>
      %dma_start3A_1182 = tpu.memref_squeeze %dma_start3A_1181 : memref<1x128x128xf32, #tpu.memory_space<vmem>> -> memref<128x128xf32, #tpu.memory_space<vmem>>
      %dma_start3A_1183 = arith.constant 0 : i32
      %dma_start3A_1184 = tpu.memref_slice %arg11[%dma_start3A_1177, %dma_start3A_1183] : memref<32x128xi32, #tpu.memory_space<vmem>> -> memref<1x128xi32, #tpu.memory_space<vmem>>
      %dma_start3A_1185 = tpu.memref_squeeze %dma_start3A_1184 : memref<1x128xi32, #tpu.memory_space<vmem>> -> memref<128xi32, #tpu.memory_space<vmem>>
      %dma_start3A_1186 = arith.constant 0 : i32
      %dma_start3A_1187 = arith.constant 0 : i32
      %dma_start3A_1188 = tpu.memref_slice %arg2[%dma_start3A_1186, %dma_start3A_1187] : memref<20000x128xf32, #tpu.memory_space<hbm>> -> memref<20000x128xf32, #tpu.memory_space<hbm>>
      tpu.enqueue_indirect_dma source(%dma_start3A_1188 : memref<20000x128xf32, #tpu.memory_space<hbm>>) target(%dma_start3A_1182 : memref<128x128xf32, #tpu.memory_space<vmem>>) offsets(%dma_start3A_1185 : memref<128xi32, #tpu.memory_space<vmem>>) semaphore(%arg14 : memref<!tpu.dma_semaphore, #tpu.memory_space<semaphore_mem>>)
      %dma_wait3A_1189 = arith.constant 12 : i32
      %dma_wait3A_1190 = arith.constant 0 : i32
      %dma_wait3A_1191 = arith.constant 0 : i32
      %dma_wait3A_1192 = arith.constant 0 : i32
      %dma_wait3A_1193 = tpu.memref_slice %arg8[%dma_wait3A_1190, %dma_wait3A_1191, %dma_wait3A_1192] : memref<2x128x128xf32, #tpu.memory_space<vmem>> -> memref<1x128x128xf32, #tpu.memory_space<vmem>>
      %dma_wait3A_1194 = tpu.memref_squeeze %dma_wait3A_1193 : memref<1x128x128xf32, #tpu.memory_space<vmem>> -> memref<128x128xf32, #tpu.memory_space<vmem>>
      %dma_wait3A_1195 = arith.constant 0 : i32
      %dma_wait3A_1196 = tpu.memref_slice %arg11[%dma_wait3A_1189, %dma_wait3A_1195] : memref<32x128xi32, #tpu.memory_space<vmem>> -> memref<1x128xi32, #tpu.memory_space<vmem>>
      %dma_wait3A_1197 = tpu.memref_squeeze %dma_wait3A_1196 : memref<1x128xi32, #tpu.memory_space<vmem>> -> memref<128xi32, #tpu.memory_space<vmem>>
      %dma_wait3A_1198 = arith.constant 0 : i32
      %dma_wait3A_1199 = arith.constant 0 : i32
      %dma_wait3A_1200 = tpu.memref_slice %arg2[%dma_wait3A_1198, %dma_wait3A_1199] : memref<20000x128xf32, #tpu.memory_space<hbm>> -> memref<20000x128xf32, #tpu.memory_space<hbm>>
      tpu.wait_indirect_dma semaphore(%arg13 : memref<!tpu.dma_semaphore, #tpu.memory_space<semaphore_mem>>) src(%dma_wait3A_1200 : memref<20000x128xf32, #tpu.memory_space<hbm>>) dst(%dma_wait3A_1194 : memref<128x128xf32, #tpu.memory_space<vmem>>)
      %dma_start3A_1201 = arith.constant 14 : i32
      %dma_start3A_1202 = arith.constant 0 : i32
      %dma_start3A_1203 = arith.constant 0 : i32
      %dma_start3A_1204 = arith.constant 0 : i32
      %dma_start3A_1205 = tpu.memref_slice %arg8[%dma_start3A_1202, %dma_start3A_1203, %dma_start3A_1204] : memref<2x128x128xf32, #tpu.memory_space<vmem>> -> memref<1x128x128xf32, #tpu.memory_space<vmem>>
      %dma_start3A_1206 = tpu.memref_squeeze %dma_start3A_1205 : memref<1x128x128xf32, #tpu.memory_space<vmem>> -> memref<128x128xf32, #tpu.memory_space<vmem>>
      %dma_start3A_1207 = arith.constant 0 : i32
      %dma_start3A_1208 = tpu.memref_slice %arg11[%dma_start3A_1201, %dma_start3A_1207] : memref<32x128xi32, #tpu.memory_space<vmem>> -> memref<1x128xi32, #tpu.memory_space<vmem>>
      %dma_start3A_1209 = tpu.memref_squeeze %dma_start3A_1208 : memref<1x128xi32, #tpu.memory_space<vmem>> -> memref<128xi32, #tpu.memory_space<vmem>>
      %dma_start3A_1210 = arith.constant 0 : i32
      %dma_start3A_1211 = arith.constant 0 : i32
      %dma_start3A_1212 = tpu.memref_slice %arg2[%dma_start3A_1210, %dma_start3A_1211] : memref<20000x128xf32, #tpu.memory_space<hbm>> -> memref<20000x128xf32, #tpu.memory_space<hbm>>
      tpu.enqueue_indirect_dma source(%dma_start3A_1212 : memref<20000x128xf32, #tpu.memory_space<hbm>>) target(%dma_start3A_1206 : memref<128x128xf32, #tpu.memory_space<vmem>>) offsets(%dma_start3A_1209 : memref<128xi32, #tpu.memory_space<vmem>>) semaphore(%arg13 : memref<!tpu.dma_semaphore, #tpu.memory_space<semaphore_mem>>)
      %dma_wait3A_1213 = arith.constant 13 : i32
      %dma_wait3A_1214 = arith.constant 1 : i32
      %dma_wait3A_1215 = arith.constant 0 : i32
      %dma_wait3A_1216 = arith.constant 0 : i32
      %dma_wait3A_1217 = tpu.memref_slice %arg8[%dma_wait3A_1214, %dma_wait3A_1215, %dma_wait3A_1216] : memref<2x128x128xf32, #tpu.memory_space<vmem>> -> memref<1x128x128xf32, #tpu.memory_space<vmem>>
      %dma_wait3A_1218 = tpu.memref_squeeze %dma_wait3A_1217 : memref<1x128x128xf32, #tpu.memory_space<vmem>> -> memref<128x128xf32, #tpu.memory_space<vmem>>
      %dma_wait3A_1219 = arith.constant 0 : i32
      %dma_wait3A_1220 = tpu.memref_slice %arg11[%dma_wait3A_1213, %dma_wait3A_1219] : memref<32x128xi32, #tpu.memory_space<vmem>> -> memref<1x128xi32, #tpu.memory_space<vmem>>
      %dma_wait3A_1221 = tpu.memref_squeeze %dma_wait3A_1220 : memref<1x128xi32, #tpu.memory_space<vmem>> -> memref<128xi32, #tpu.memory_space<vmem>>
      %dma_wait3A_1222 = arith.constant 0 : i32
      %dma_wait3A_1223 = arith.constant 0 : i32
      %dma_wait3A_1224 = tpu.memref_slice %arg2[%dma_wait3A_1222, %dma_wait3A_1223] : memref<20000x128xf32, #tpu.memory_space<hbm>> -> memref<20000x128xf32, #tpu.memory_space<hbm>>
      tpu.wait_indirect_dma semaphore(%arg14 : memref<!tpu.dma_semaphore, #tpu.memory_space<semaphore_mem>>) src(%dma_wait3A_1224 : memref<20000x128xf32, #tpu.memory_space<hbm>>) dst(%dma_wait3A_1218 : memref<128x128xf32, #tpu.memory_space<vmem>>)
      %dma_start3A_1225 = arith.constant 15 : i32
      %dma_start3A_1226 = arith.constant 1 : i32
      %dma_start3A_1227 = arith.constant 0 : i32
      %dma_start3A_1228 = arith.constant 0 : i32
      %dma_start3A_1229 = tpu.memref_slice %arg8[%dma_start3A_1226, %dma_start3A_1227, %dma_start3A_1228] : memref<2x128x128xf32, #tpu.memory_space<vmem>> -> memref<1x128x128xf32, #tpu.memory_space<vmem>>
      %dma_start3A_1230 = tpu.memref_squeeze %dma_start3A_1229 : memref<1x128x128xf32, #tpu.memory_space<vmem>> -> memref<128x128xf32, #tpu.memory_space<vmem>>
      %dma_start3A_1231 = arith.constant 0 : i32
      %dma_start3A_1232 = tpu.memref_slice %arg11[%dma_start3A_1225, %dma_start3A_1231] : memref<32x128xi32, #tpu.memory_space<vmem>> -> memref<1x128xi32, #tpu.memory_space<vmem>>
      %dma_start3A_1233 = tpu.memref_squeeze %dma_start3A_1232 : memref<1x128xi32, #tpu.memory_space<vmem>> -> memref<128xi32, #tpu.memory_space<vmem>>
      %dma_start3A_1234 = arith.constant 0 : i32
      %dma_start3A_1235 = arith.constant 0 : i32
      %dma_start3A_1236 = tpu.memref_slice %arg2[%dma_start3A_1234, %dma_start3A_1235] : memref<20000x128xf32, #tpu.memory_space<hbm>> -> memref<20000x128xf32, #tpu.memory_space<hbm>>
      tpu.enqueue_indirect_dma source(%dma_start3A_1236 : memref<20000x128xf32, #tpu.memory_space<hbm>>) target(%dma_start3A_1230 : memref<128x128xf32, #tpu.memory_space<vmem>>) offsets(%dma_start3A_1233 : memref<128xi32, #tpu.memory_space<vmem>>) semaphore(%arg14 : memref<!tpu.dma_semaphore, #tpu.memory_space<semaphore_mem>>)
      %dma_wait3A_1237 = arith.constant 14 : i32
      %dma_wait3A_1238 = arith.constant 0 : i32
      %dma_wait3A_1239 = arith.constant 0 : i32
      %dma_wait3A_1240 = arith.constant 0 : i32
      %dma_wait3A_1241 = tpu.memref_slice %arg8[%dma_wait3A_1238, %dma_wait3A_1239, %dma_wait3A_1240] : memref<2x128x128xf32, #tpu.memory_space<vmem>> -> memref<1x128x128xf32, #tpu.memory_space<vmem>>
      %dma_wait3A_1242 = tpu.memref_squeeze %dma_wait3A_1241 : memref<1x128x128xf32, #tpu.memory_space<vmem>> -> memref<128x128xf32, #tpu.memory_space<vmem>>
      %dma_wait3A_1243 = arith.constant 0 : i32
      %dma_wait3A_1244 = tpu.memref_slice %arg11[%dma_wait3A_1237, %dma_wait3A_1243] : memref<32x128xi32, #tpu.memory_space<vmem>> -> memref<1x128xi32, #tpu.memory_space<vmem>>
      %dma_wait3A_1245 = tpu.memref_squeeze %dma_wait3A_1244 : memref<1x128xi32, #tpu.memory_space<vmem>> -> memref<128xi32, #tpu.memory_space<vmem>>
      %dma_wait3A_1246 = arith.constant 0 : i32
      %dma_wait3A_1247 = arith.constant 0 : i32
      %dma_wait3A_1248 = tpu.memref_slice %arg2[%dma_wait3A_1246, %dma_wait3A_1247] : memref<20000x128xf32, #tpu.memory_space<hbm>> -> memref<20000x128xf32, #tpu.memory_space<hbm>>
      tpu.wait_indirect_dma semaphore(%arg13 : memref<!tpu.dma_semaphore, #tpu.memory_space<semaphore_mem>>) src(%dma_wait3A_1248 : memref<20000x128xf32, #tpu.memory_space<hbm>>) dst(%dma_wait3A_1242 : memref<128x128xf32, #tpu.memory_space<vmem>>)
      %dma_start3A_1249 = arith.constant 16 : i32
      %dma_start3A_1250 = arith.constant 0 : i32
      %dma_start3A_1251 = arith.constant 0 : i32
      %dma_start3A_1252 = arith.constant 0 : i32
      %dma_start3A_1253 = tpu.memref_slice %arg8[%dma_start3A_1250, %dma_start3A_1251, %dma_start3A_1252] : memref<2x128x128xf32, #tpu.memory_space<vmem>> -> memref<1x128x128xf32, #tpu.memory_space<vmem>>
      %dma_start3A_1254 = tpu.memref_squeeze %dma_start3A_1253 : memref<1x128x128xf32, #tpu.memory_space<vmem>> -> memref<128x128xf32, #tpu.memory_space<vmem>>
      %dma_start3A_1255 = arith.constant 0 : i32
      %dma_start3A_1256 = tpu.memref_slice %arg11[%dma_start3A_1249, %dma_start3A_1255] : memref<32x128xi32, #tpu.memory_space<vmem>> -> memref<1x128xi32, #tpu.memory_space<vmem>>
      %dma_start3A_1257 = tpu.memref_squeeze %dma_start3A_1256 : memref<1x128xi32, #tpu.memory_space<vmem>> -> memref<128xi32, #tpu.memory_space<vmem>>
      %dma_start3A_1258 = arith.constant 0 : i32
      %dma_start3A_1259 = arith.constant 0 : i32
      %dma_start3A_1260 = tpu.memref_slice %arg2[%dma_start3A_1258, %dma_start3A_1259] : memref<20000x128xf32, #tpu.memory_space<hbm>> -> memref<20000x128xf32, #tpu.memory_space<hbm>>
      tpu.enqueue_indirect_dma source(%dma_start3A_1260 : memref<20000x128xf32, #tpu.memory_space<hbm>>) target(%dma_start3A_1254 : memref<128x128xf32, #tpu.memory_space<vmem>>) offsets(%dma_start3A_1257 : memref<128xi32, #tpu.memory_space<vmem>>) semaphore(%arg13 : memref<!tpu.dma_semaphore, #tpu.memory_space<semaphore_mem>>)
      %dma_wait3A_1261 = arith.constant 15 : i32
      %dma_wait3A_1262 = arith.constant 1 : i32
      %dma_wait3A_1263 = arith.constant 0 : i32
      %dma_wait3A_1264 = arith.constant 0 : i32
      %dma_wait3A_1265 = tpu.memref_slice %arg8[%dma_wait3A_1262, %dma_wait3A_1263, %dma_wait3A_1264] : memref<2x128x128xf32, #tpu.memory_space<vmem>> -> memref<1x128x128xf32, #tpu.memory_space<vmem>>
      %dma_wait3A_1266 = tpu.memref_squeeze %dma_wait3A_1265 : memref<1x128x128xf32, #tpu.memory_space<vmem>> -> memref<128x128xf32, #tpu.memory_space<vmem>>
      %dma_wait3A_1267 = arith.constant 0 : i32
      %dma_wait3A_1268 = tpu.memref_slice %arg11[%dma_wait3A_1261, %dma_wait3A_1267] : memref<32x128xi32, #tpu.memory_space<vmem>> -> memref<1x128xi32, #tpu.memory_space<vmem>>
      %dma_wait3A_1269 = tpu.memref_squeeze %dma_wait3A_1268 : memref<1x128xi32, #tpu.memory_space<vmem>> -> memref<128xi32, #tpu.memory_space<vmem>>
      %dma_wait3A_1270 = arith.constant 0 : i32
      %dma_wait3A_1271 = arith.constant 0 : i32
      %dma_wait3A_1272 = tpu.memref_slice %arg2[%dma_wait3A_1270, %dma_wait3A_1271] : memref<20000x128xf32, #tpu.memory_space<hbm>> -> memref<20000x128xf32, #tpu.memory_space<hbm>>
      tpu.wait_indirect_dma semaphore(%arg14 : memref<!tpu.dma_semaphore, #tpu.memory_space<semaphore_mem>>) src(%dma_wait3A_1272 : memref<20000x128xf32, #tpu.memory_space<hbm>>) dst(%dma_wait3A_1266 : memref<128x128xf32, #tpu.memory_space<vmem>>)
      %dma_start3A_1273 = arith.constant 17 : i32
      %dma_start3A_1274 = arith.constant 1 : i32
      %dma_start3A_1275 = arith.constant 0 : i32
      %dma_start3A_1276 = arith.constant 0 : i32
      %dma_start3A_1277 = tpu.memref_slice %arg8[%dma_start3A_1274, %dma_start3A_1275, %dma_start3A_1276] : memref<2x128x128xf32, #tpu.memory_space<vmem>> -> memref<1x128x128xf32, #tpu.memory_space<vmem>>
      %dma_start3A_1278 = tpu.memref_squeeze %dma_start3A_1277 : memref<1x128x128xf32, #tpu.memory_space<vmem>> -> memref<128x128xf32, #tpu.memory_space<vmem>>
      %dma_start3A_1279 = arith.constant 0 : i32
      %dma_start3A_1280 = tpu.memref_slice %arg11[%dma_start3A_1273, %dma_start3A_1279] : memref<32x128xi32, #tpu.memory_space<vmem>> -> memref<1x128xi32, #tpu.memory_space<vmem>>
      %dma_start3A_1281 = tpu.memref_squeeze %dma_start3A_1280 : memref<1x128xi32, #tpu.memory_space<vmem>> -> memref<128xi32, #tpu.memory_space<vmem>>
      %dma_start3A_1282 = arith.constant 0 : i32
      %dma_start3A_1283 = arith.constant 0 : i32
      %dma_start3A_1284 = tpu.memref_slice %arg2[%dma_start3A_1282, %dma_start3A_1283] : memref<20000x128xf32, #tpu.memory_space<hbm>> -> memref<20000x128xf32, #tpu.memory_space<hbm>>
      tpu.enqueue_indirect_dma source(%dma_start3A_1284 : memref<20000x128xf32, #tpu.memory_space<hbm>>) target(%dma_start3A_1278 : memref<128x128xf32, #tpu.memory_space<vmem>>) offsets(%dma_start3A_1281 : memref<128xi32, #tpu.memory_space<vmem>>) semaphore(%arg14 : memref<!tpu.dma_semaphore, #tpu.memory_space<semaphore_mem>>)
      %dma_wait3A_1285 = arith.constant 16 : i32
      %dma_wait3A_1286 = arith.constant 0 : i32
      %dma_wait3A_1287 = arith.constant 0 : i32
      %dma_wait3A_1288 = arith.constant 0 : i32
      %dma_wait3A_1289 = tpu.memref_slice %arg8[%dma_wait3A_1286, %dma_wait3A_1287, %dma_wait3A_1288] : memref<2x128x128xf32, #tpu.memory_space<vmem>> -> memref<1x128x128xf32, #tpu.memory_space<vmem>>
      %dma_wait3A_1290 = tpu.memref_squeeze %dma_wait3A_1289 : memref<1x128x128xf32, #tpu.memory_space<vmem>> -> memref<128x128xf32, #tpu.memory_space<vmem>>
      %dma_wait3A_1291 = arith.constant 0 : i32
      %dma_wait3A_1292 = tpu.memref_slice %arg11[%dma_wait3A_1285, %dma_wait3A_1291] : memref<32x128xi32, #tpu.memory_space<vmem>> -> memref<1x128xi32, #tpu.memory_space<vmem>>
      %dma_wait3A_1293 = tpu.memref_squeeze %dma_wait3A_1292 : memref<1x128xi32, #tpu.memory_space<vmem>> -> memref<128xi32, #tpu.memory_space<vmem>>
      %dma_wait3A_1294 = arith.constant 0 : i32
      %dma_wait3A_1295 = arith.constant 0 : i32
      %dma_wait3A_1296 = tpu.memref_slice %arg2[%dma_wait3A_1294, %dma_wait3A_1295] : memref<20000x128xf32, #tpu.memory_space<hbm>> -> memref<20000x128xf32, #tpu.memory_space<hbm>>
      tpu.wait_indirect_dma semaphore(%arg13 : memref<!tpu.dma_semaphore, #tpu.memory_space<semaphore_mem>>) src(%dma_wait3A_1296 : memref<20000x128xf32, #tpu.memory_space<hbm>>) dst(%dma_wait3A_1290 : memref<128x128xf32, #tpu.memory_space<vmem>>)
      %dma_start3A_1297 = arith.constant 18 : i32
      %dma_start3A_1298 = arith.constant 0 : i32
      %dma_start3A_1299 = arith.constant 0 : i32
      %dma_start3A_1300 = arith.constant 0 : i32
      %dma_start3A_1301 = tpu.memref_slice %arg8[%dma_start3A_1298, %dma_start3A_1299, %dma_start3A_1300] : memref<2x128x128xf32, #tpu.memory_space<vmem>> -> memref<1x128x128xf32, #tpu.memory_space<vmem>>
      %dma_start3A_1302 = tpu.memref_squeeze %dma_start3A_1301 : memref<1x128x128xf32, #tpu.memory_space<vmem>> -> memref<128x128xf32, #tpu.memory_space<vmem>>
      %dma_start3A_1303 = arith.constant 0 : i32
      %dma_start3A_1304 = tpu.memref_slice %arg11[%dma_start3A_1297, %dma_start3A_1303] : memref<32x128xi32, #tpu.memory_space<vmem>> -> memref<1x128xi32, #tpu.memory_space<vmem>>
      %dma_start3A_1305 = tpu.memref_squeeze %dma_start3A_1304 : memref<1x128xi32, #tpu.memory_space<vmem>> -> memref<128xi32, #tpu.memory_space<vmem>>
      %dma_start3A_1306 = arith.constant 0 : i32
      %dma_start3A_1307 = arith.constant 0 : i32
      %dma_start3A_1308 = tpu.memref_slice %arg2[%dma_start3A_1306, %dma_start3A_1307] : memref<20000x128xf32, #tpu.memory_space<hbm>> -> memref<20000x128xf32, #tpu.memory_space<hbm>>
      tpu.enqueue_indirect_dma source(%dma_start3A_1308 : memref<20000x128xf32, #tpu.memory_space<hbm>>) target(%dma_start3A_1302 : memref<128x128xf32, #tpu.memory_space<vmem>>) offsets(%dma_start3A_1305 : memref<128xi32, #tpu.memory_space<vmem>>) semaphore(%arg13 : memref<!tpu.dma_semaphore, #tpu.memory_space<semaphore_mem>>)
      %dma_wait3A_1309 = arith.constant 17 : i32
      %dma_wait3A_1310 = arith.constant 1 : i32
      %dma_wait3A_1311 = arith.constant 0 : i32
      %dma_wait3A_1312 = arith.constant 0 : i32
      %dma_wait3A_1313 = tpu.memref_slice %arg8[%dma_wait3A_1310, %dma_wait3A_1311, %dma_wait3A_1312] : memref<2x128x128xf32, #tpu.memory_space<vmem>> -> memref<1x128x128xf32, #tpu.memory_space<vmem>>
      %dma_wait3A_1314 = tpu.memref_squeeze %dma_wait3A_1313 : memref<1x128x128xf32, #tpu.memory_space<vmem>> -> memref<128x128xf32, #tpu.memory_space<vmem>>
      %dma_wait3A_1315 = arith.constant 0 : i32
      %dma_wait3A_1316 = tpu.memref_slice %arg11[%dma_wait3A_1309, %dma_wait3A_1315] : memref<32x128xi32, #tpu.memory_space<vmem>> -> memref<1x128xi32, #tpu.memory_space<vmem>>
      %dma_wait3A_1317 = tpu.memref_squeeze %dma_wait3A_1316 : memref<1x128xi32, #tpu.memory_space<vmem>> -> memref<128xi32, #tpu.memory_space<vmem>>
      %dma_wait3A_1318 = arith.constant 0 : i32
      %dma_wait3A_1319 = arith.constant 0 : i32
      %dma_wait3A_1320 = tpu.memref_slice %arg2[%dma_wait3A_1318, %dma_wait3A_1319] : memref<20000x128xf32, #tpu.memory_space<hbm>> -> memref<20000x128xf32, #tpu.memory_space<hbm>>
      tpu.wait_indirect_dma semaphore(%arg14 : memref<!tpu.dma_semaphore, #tpu.memory_space<semaphore_mem>>) src(%dma_wait3A_1320 : memref<20000x128xf32, #tpu.memory_space<hbm>>) dst(%dma_wait3A_1314 : memref<128x128xf32, #tpu.memory_space<vmem>>)
      %dma_start3A_1321 = arith.constant 19 : i32
      %dma_start3A_1322 = arith.constant 1 : i32
      %dma_start3A_1323 = arith.constant 0 : i32
      %dma_start3A_1324 = arith.constant 0 : i32
      %dma_start3A_1325 = tpu.memref_slice %arg8[%dma_start3A_1322, %dma_start3A_1323, %dma_start3A_1324] : memref<2x128x128xf32, #tpu.memory_space<vmem>> -> memref<1x128x128xf32, #tpu.memory_space<vmem>>
      %dma_start3A_1326 = tpu.memref_squeeze %dma_start3A_1325 : memref<1x128x128xf32, #tpu.memory_space<vmem>> -> memref<128x128xf32, #tpu.memory_space<vmem>>
      %dma_start3A_1327 = arith.constant 0 : i32
      %dma_start3A_1328 = tpu.memref_slice %arg11[%dma_start3A_1321, %dma_start3A_1327] : memref<32x128xi32, #tpu.memory_space<vmem>> -> memref<1x128xi32, #tpu.memory_space<vmem>>
      %dma_start3A_1329 = tpu.memref_squeeze %dma_start3A_1328 : memref<1x128xi32, #tpu.memory_space<vmem>> -> memref<128xi32, #tpu.memory_space<vmem>>
      %dma_start3A_1330 = arith.constant 0 : i32
      %dma_start3A_1331 = arith.constant 0 : i32
      %dma_start3A_1332 = tpu.memref_slice %arg2[%dma_start3A_1330, %dma_start3A_1331] : memref<20000x128xf32, #tpu.memory_space<hbm>> -> memref<20000x128xf32, #tpu.memory_space<hbm>>
      tpu.enqueue_indirect_dma source(%dma_start3A_1332 : memref<20000x128xf32, #tpu.memory_space<hbm>>) target(%dma_start3A_1326 : memref<128x128xf32, #tpu.memory_space<vmem>>) offsets(%dma_start3A_1329 : memref<128xi32, #tpu.memory_space<vmem>>) semaphore(%arg14 : memref<!tpu.dma_semaphore, #tpu.memory_space<semaphore_mem>>)
      %dma_wait3A_1333 = arith.constant 18 : i32
      %dma_wait3A_1334 = arith.constant 0 : i32
      %dma_wait3A_1335 = arith.constant 0 : i32
      %dma_wait3A_1336 = arith.constant 0 : i32
      %dma_wait3A_1337 = tpu.memref_slice %arg8[%dma_wait3A_1334, %dma_wait3A_1335, %dma_wait3A_1336] : memref<2x128x128xf32, #tpu.memory_space<vmem>> -> memref<1x128x128xf32, #tpu.memory_space<vmem>>
      %dma_wait3A_1338 = tpu.memref_squeeze %dma_wait3A_1337 : memref<1x128x128xf32, #tpu.memory_space<vmem>> -> memref<128x128xf32, #tpu.memory_space<vmem>>
      %dma_wait3A_1339 = arith.constant 0 : i32
      %dma_wait3A_1340 = tpu.memref_slice %arg11[%dma_wait3A_1333, %dma_wait3A_1339] : memref<32x128xi32, #tpu.memory_space<vmem>> -> memref<1x128xi32, #tpu.memory_space<vmem>>
      %dma_wait3A_1341 = tpu.memref_squeeze %dma_wait3A_1340 : memref<1x128xi32, #tpu.memory_space<vmem>> -> memref<128xi32, #tpu.memory_space<vmem>>
      %dma_wait3A_1342 = arith.constant 0 : i32
      %dma_wait3A_1343 = arith.constant 0 : i32
      %dma_wait3A_1344 = tpu.memref_slice %arg2[%dma_wait3A_1342, %dma_wait3A_1343] : memref<20000x128xf32, #tpu.memory_space<hbm>> -> memref<20000x128xf32, #tpu.memory_space<hbm>>
      tpu.wait_indirect_dma semaphore(%arg13 : memref<!tpu.dma_semaphore, #tpu.memory_space<semaphore_mem>>) src(%dma_wait3A_1344 : memref<20000x128xf32, #tpu.memory_space<hbm>>) dst(%dma_wait3A_1338 : memref<128x128xf32, #tpu.memory_space<vmem>>)
      %dma_start3A_1345 = arith.constant 20 : i32
      %dma_start3A_1346 = arith.constant 0 : i32
      %dma_start3A_1347 = arith.constant 0 : i32
      %dma_start3A_1348 = arith.constant 0 : i32
      %dma_start3A_1349 = tpu.memref_slice %arg8[%dma_start3A_1346, %dma_start3A_1347, %dma_start3A_1348] : memref<2x128x128xf32, #tpu.memory_space<vmem>> -> memref<1x128x128xf32, #tpu.memory_space<vmem>>
      %dma_start3A_1350 = tpu.memref_squeeze %dma_start3A_1349 : memref<1x128x128xf32, #tpu.memory_space<vmem>> -> memref<128x128xf32, #tpu.memory_space<vmem>>
      %dma_start3A_1351 = arith.constant 0 : i32
      %dma_start3A_1352 = tpu.memref_slice %arg11[%dma_start3A_1345, %dma_start3A_1351] : memref<32x128xi32, #tpu.memory_space<vmem>> -> memref<1x128xi32, #tpu.memory_space<vmem>>
      %dma_start3A_1353 = tpu.memref_squeeze %dma_start3A_1352 : memref<1x128xi32, #tpu.memory_space<vmem>> -> memref<128xi32, #tpu.memory_space<vmem>>
      %dma_start3A_1354 = arith.constant 0 : i32
      %dma_start3A_1355 = arith.constant 0 : i32
      %dma_start3A_1356 = tpu.memref_slice %arg2[%dma_start3A_1354, %dma_start3A_1355] : memref<20000x128xf32, #tpu.memory_space<hbm>> -> memref<20000x128xf32, #tpu.memory_space<hbm>>
      tpu.enqueue_indirect_dma source(%dma_start3A_1356 : memref<20000x128xf32, #tpu.memory_space<hbm>>) target(%dma_start3A_1350 : memref<128x128xf32, #tpu.memory_space<vmem>>) offsets(%dma_start3A_1353 : memref<128xi32, #tpu.memory_space<vmem>>) semaphore(%arg13 : memref<!tpu.dma_semaphore, #tpu.memory_space<semaphore_mem>>)
      %dma_wait3A_1357 = arith.constant 19 : i32
      %dma_wait3A_1358 = arith.constant 1 : i32
      %dma_wait3A_1359 = arith.constant 0 : i32
      %dma_wait3A_1360 = arith.constant 0 : i32
      %dma_wait3A_1361 = tpu.memref_slice %arg8[%dma_wait3A_1358, %dma_wait3A_1359, %dma_wait3A_1360] : memref<2x128x128xf32, #tpu.memory_space<vmem>> -> memref<1x128x128xf32, #tpu.memory_space<vmem>>
      %dma_wait3A_1362 = tpu.memref_squeeze %dma_wait3A_1361 : memref<1x128x128xf32, #tpu.memory_space<vmem>> -> memref<128x128xf32, #tpu.memory_space<vmem>>
      %dma_wait3A_1363 = arith.constant 0 : i32
      %dma_wait3A_1364 = tpu.memref_slice %arg11[%dma_wait3A_1357, %dma_wait3A_1363] : memref<32x128xi32, #tpu.memory_space<vmem>> -> memref<1x128xi32, #tpu.memory_space<vmem>>
      %dma_wait3A_1365 = tpu.memref_squeeze %dma_wait3A_1364 : memref<1x128xi32, #tpu.memory_space<vmem>> -> memref<128xi32, #tpu.memory_space<vmem>>
      %dma_wait3A_1366 = arith.constant 0 : i32
      %dma_wait3A_1367 = arith.constant 0 : i32
      %dma_wait3A_1368 = tpu.memref_slice %arg2[%dma_wait3A_1366, %dma_wait3A_1367] : memref<20000x128xf32, #tpu.memory_space<hbm>> -> memref<20000x128xf32, #tpu.memory_space<hbm>>
      tpu.wait_indirect_dma semaphore(%arg14 : memref<!tpu.dma_semaphore, #tpu.memory_space<semaphore_mem>>) src(%dma_wait3A_1368 : memref<20000x128xf32, #tpu.memory_space<hbm>>) dst(%dma_wait3A_1362 : memref<128x128xf32, #tpu.memory_space<vmem>>)
      %dma_start3A_1369 = arith.constant 21 : i32
      %dma_start3A_1370 = arith.constant 1 : i32
      %dma_start3A_1371 = arith.constant 0 : i32
      %dma_start3A_1372 = arith.constant 0 : i32
      %dma_start3A_1373 = tpu.memref_slice %arg8[%dma_start3A_1370, %dma_start3A_1371, %dma_start3A_1372] : memref<2x128x128xf32, #tpu.memory_space<vmem>> -> memref<1x128x128xf32, #tpu.memory_space<vmem>>
      %dma_start3A_1374 = tpu.memref_squeeze %dma_start3A_1373 : memref<1x128x128xf32, #tpu.memory_space<vmem>> -> memref<128x128xf32, #tpu.memory_space<vmem>>
      %dma_start3A_1375 = arith.constant 0 : i32
      %dma_start3A_1376 = tpu.memref_slice %arg11[%dma_start3A_1369, %dma_start3A_1375] : memref<32x128xi32, #tpu.memory_space<vmem>> -> memref<1x128xi32, #tpu.memory_space<vmem>>
      %dma_start3A_1377 = tpu.memref_squeeze %dma_start3A_1376 : memref<1x128xi32, #tpu.memory_space<vmem>> -> memref<128xi32, #tpu.memory_space<vmem>>
      %dma_start3A_1378 = arith.constant 0 : i32
      %dma_start3A_1379 = arith.constant 0 : i32
      %dma_start3A_1380 = tpu.memref_slice %arg2[%dma_start3A_1378, %dma_start3A_1379] : memref<20000x128xf32, #tpu.memory_space<hbm>> -> memref<20000x128xf32, #tpu.memory_space<hbm>>
      tpu.enqueue_indirect_dma source(%dma_start3A_1380 : memref<20000x128xf32, #tpu.memory_space<hbm>>) target(%dma_start3A_1374 : memref<128x128xf32, #tpu.memory_space<vmem>>) offsets(%dma_start3A_1377 : memref<128xi32, #tpu.memory_space<vmem>>) semaphore(%arg14 : memref<!tpu.dma_semaphore, #tpu.memory_space<semaphore_mem>>)
      %dma_wait3A_1381 = arith.constant 20 : i32
      %dma_wait3A_1382 = arith.constant 0 : i32
      %dma_wait3A_1383 = arith.constant 0 : i32
      %dma_wait3A_1384 = arith.constant 0 : i32
      %dma_wait3A_1385 = tpu.memref_slice %arg8[%dma_wait3A_1382, %dma_wait3A_1383, %dma_wait3A_1384] : memref<2x128x128xf32, #tpu.memory_space<vmem>> -> memref<1x128x128xf32, #tpu.memory_space<vmem>>
      %dma_wait3A_1386 = tpu.memref_squeeze %dma_wait3A_1385 : memref<1x128x128xf32, #tpu.memory_space<vmem>> -> memref<128x128xf32, #tpu.memory_space<vmem>>
      %dma_wait3A_1387 = arith.constant 0 : i32
      %dma_wait3A_1388 = tpu.memref_slice %arg11[%dma_wait3A_1381, %dma_wait3A_1387] : memref<32x128xi32, #tpu.memory_space<vmem>> -> memref<1x128xi32, #tpu.memory_space<vmem>>
      %dma_wait3A_1389 = tpu.memref_squeeze %dma_wait3A_1388 : memref<1x128xi32, #tpu.memory_space<vmem>> -> memref<128xi32, #tpu.memory_space<vmem>>
      %dma_wait3A_1390 = arith.constant 0 : i32
      %dma_wait3A_1391 = arith.constant 0 : i32
      %dma_wait3A_1392 = tpu.memref_slice %arg2[%dma_wait3A_1390, %dma_wait3A_1391] : memref<20000x128xf32, #tpu.memory_space<hbm>> -> memref<20000x128xf32, #tpu.memory_space<hbm>>
      tpu.wait_indirect_dma semaphore(%arg13 : memref<!tpu.dma_semaphore, #tpu.memory_space<semaphore_mem>>) src(%dma_wait3A_1392 : memref<20000x128xf32, #tpu.memory_space<hbm>>) dst(%dma_wait3A_1386 : memref<128x128xf32, #tpu.memory_space<vmem>>)
      %dma_start3A_1393 = arith.constant 22 : i32
      %dma_start3A_1394 = arith.constant 0 : i32
      %dma_start3A_1395 = arith.constant 0 : i32
      %dma_start3A_1396 = arith.constant 0 : i32
      %dma_start3A_1397 = tpu.memref_slice %arg8[%dma_start3A_1394, %dma_start3A_1395, %dma_start3A_1396] : memref<2x128x128xf32, #tpu.memory_space<vmem>> -> memref<1x128x128xf32, #tpu.memory_space<vmem>>
      %dma_start3A_1398 = tpu.memref_squeeze %dma_start3A_1397 : memref<1x128x128xf32, #tpu.memory_space<vmem>> -> memref<128x128xf32, #tpu.memory_space<vmem>>
      %dma_start3A_1399 = arith.constant 0 : i32
      %dma_start3A_1400 = tpu.memref_slice %arg11[%dma_start3A_1393, %dma_start3A_1399] : memref<32x128xi32, #tpu.memory_space<vmem>> -> memref<1x128xi32, #tpu.memory_space<vmem>>
      %dma_start3A_1401 = tpu.memref_squeeze %dma_start3A_1400 : memref<1x128xi32, #tpu.memory_space<vmem>> -> memref<128xi32, #tpu.memory_space<vmem>>
      %dma_start3A_1402 = arith.constant 0 : i32
      %dma_start3A_1403 = arith.constant 0 : i32
      %dma_start3A_1404 = tpu.memref_slice %arg2[%dma_start3A_1402, %dma_start3A_1403] : memref<20000x128xf32, #tpu.memory_space<hbm>> -> memref<20000x128xf32, #tpu.memory_space<hbm>>
      tpu.enqueue_indirect_dma source(%dma_start3A_1404 : memref<20000x128xf32, #tpu.memory_space<hbm>>) target(%dma_start3A_1398 : memref<128x128xf32, #tpu.memory_space<vmem>>) offsets(%dma_start3A_1401 : memref<128xi32, #tpu.memory_space<vmem>>) semaphore(%arg13 : memref<!tpu.dma_semaphore, #tpu.memory_space<semaphore_mem>>)
      %dma_wait3A_1405 = arith.constant 21 : i32
      %dma_wait3A_1406 = arith.constant 1 : i32
      %dma_wait3A_1407 = arith.constant 0 : i32
      %dma_wait3A_1408 = arith.constant 0 : i32
      %dma_wait3A_1409 = tpu.memref_slice %arg8[%dma_wait3A_1406, %dma_wait3A_1407, %dma_wait3A_1408] : memref<2x128x128xf32, #tpu.memory_space<vmem>> -> memref<1x128x128xf32, #tpu.memory_space<vmem>>
      %dma_wait3A_1410 = tpu.memref_squeeze %dma_wait3A_1409 : memref<1x128x128xf32, #tpu.memory_space<vmem>> -> memref<128x128xf32, #tpu.memory_space<vmem>>
      %dma_wait3A_1411 = arith.constant 0 : i32
      %dma_wait3A_1412 = tpu.memref_slice %arg11[%dma_wait3A_1405, %dma_wait3A_1411] : memref<32x128xi32, #tpu.memory_space<vmem>> -> memref<1x128xi32, #tpu.memory_space<vmem>>
      %dma_wait3A_1413 = tpu.memref_squeeze %dma_wait3A_1412 : memref<1x128xi32, #tpu.memory_space<vmem>> -> memref<128xi32, #tpu.memory_space<vmem>>
      %dma_wait3A_1414 = arith.constant 0 : i32
      %dma_wait3A_1415 = arith.constant 0 : i32
      %dma_wait3A_1416 = tpu.memref_slice %arg2[%dma_wait3A_1414, %dma_wait3A_1415] : memref<20000x128xf32, #tpu.memory_space<hbm>> -> memref<20000x128xf32, #tpu.memory_space<hbm>>
      tpu.wait_indirect_dma semaphore(%arg14 : memref<!tpu.dma_semaphore, #tpu.memory_space<semaphore_mem>>) src(%dma_wait3A_1416 : memref<20000x128xf32, #tpu.memory_space<hbm>>) dst(%dma_wait3A_1410 : memref<128x128xf32, #tpu.memory_space<vmem>>)
      %dma_start3A_1417 = arith.constant 23 : i32
      %dma_start3A_1418 = arith.constant 1 : i32
      %dma_start3A_1419 = arith.constant 0 : i32
      %dma_start3A_1420 = arith.constant 0 : i32
      %dma_start3A_1421 = tpu.memref_slice %arg8[%dma_start3A_1418, %dma_start3A_1419, %dma_start3A_1420] : memref<2x128x128xf32, #tpu.memory_space<vmem>> -> memref<1x128x128xf32, #tpu.memory_space<vmem>>
      %dma_start3A_1422 = tpu.memref_squeeze %dma_start3A_1421 : memref<1x128x128xf32, #tpu.memory_space<vmem>> -> memref<128x128xf32, #tpu.memory_space<vmem>>
      %dma_start3A_1423 = arith.constant 0 : i32
      %dma_start3A_1424 = tpu.memref_slice %arg11[%dma_start3A_1417, %dma_start3A_1423] : memref<32x128xi32, #tpu.memory_space<vmem>> -> memref<1x128xi32, #tpu.memory_space<vmem>>
      %dma_start3A_1425 = tpu.memref_squeeze %dma_start3A_1424 : memref<1x128xi32, #tpu.memory_space<vmem>> -> memref<128xi32, #tpu.memory_space<vmem>>
      %dma_start3A_1426 = arith.constant 0 : i32
      %dma_start3A_1427 = arith.constant 0 : i32
      %dma_start3A_1428 = tpu.memref_slice %arg2[%dma_start3A_1426, %dma_start3A_1427] : memref<20000x128xf32, #tpu.memory_space<hbm>> -> memref<20000x128xf32, #tpu.memory_space<hbm>>
      tpu.enqueue_indirect_dma source(%dma_start3A_1428 : memref<20000x128xf32, #tpu.memory_space<hbm>>) target(%dma_start3A_1422 : memref<128x128xf32, #tpu.memory_space<vmem>>) offsets(%dma_start3A_1425 : memref<128xi32, #tpu.memory_space<vmem>>) semaphore(%arg14 : memref<!tpu.dma_semaphore, #tpu.memory_space<semaphore_mem>>)
      %dma_wait3A_1429 = arith.constant 22 : i32
      %dma_wait3A_1430 = arith.constant 0 : i32
      %dma_wait3A_1431 = arith.constant 0 : i32
      %dma_wait3A_1432 = arith.constant 0 : i32
      %dma_wait3A_1433 = tpu.memref_slice %arg8[%dma_wait3A_1430, %dma_wait3A_1431, %dma_wait3A_1432] : memref<2x128x128xf32, #tpu.memory_space<vmem>> -> memref<1x128x128xf32, #tpu.memory_space<vmem>>
      %dma_wait3A_1434 = tpu.memref_squeeze %dma_wait3A_1433 : memref<1x128x128xf32, #tpu.memory_space<vmem>> -> memref<128x128xf32, #tpu.memory_space<vmem>>
      %dma_wait3A_1435 = arith.constant 0 : i32
      %dma_wait3A_1436 = tpu.memref_slice %arg11[%dma_wait3A_1429, %dma_wait3A_1435] : memref<32x128xi32, #tpu.memory_space<vmem>> -> memref<1x128xi32, #tpu.memory_space<vmem>>
      %dma_wait3A_1437 = tpu.memref_squeeze %dma_wait3A_1436 : memref<1x128xi32, #tpu.memory_space<vmem>> -> memref<128xi32, #tpu.memory_space<vmem>>
      %dma_wait3A_1438 = arith.constant 0 : i32
      %dma_wait3A_1439 = arith.constant 0 : i32
      %dma_wait3A_1440 = tpu.memref_slice %arg2[%dma_wait3A_1438, %dma_wait3A_1439] : memref<20000x128xf32, #tpu.memory_space<hbm>> -> memref<20000x128xf32, #tpu.memory_space<hbm>>
      tpu.wait_indirect_dma semaphore(%arg13 : memref<!tpu.dma_semaphore, #tpu.memory_space<semaphore_mem>>) src(%dma_wait3A_1440 : memref<20000x128xf32, #tpu.memory_space<hbm>>) dst(%dma_wait3A_1434 : memref<128x128xf32, #tpu.memory_space<vmem>>)
      %dma_start3A_1441 = arith.constant 24 : i32
      %dma_start3A_1442 = arith.constant 0 : i32
      %dma_start3A_1443 = arith.constant 0 : i32
      %dma_start3A_1444 = arith.constant 0 : i32
      %dma_start3A_1445 = tpu.memref_slice %arg8[%dma_start3A_1442, %dma_start3A_1443, %dma_start3A_1444] : memref<2x128x128xf32, #tpu.memory_space<vmem>> -> memref<1x128x128xf32, #tpu.memory_space<vmem>>
      %dma_start3A_1446 = tpu.memref_squeeze %dma_start3A_1445 : memref<1x128x128xf32, #tpu.memory_space<vmem>> -> memref<128x128xf32, #tpu.memory_space<vmem>>
      %dma_start3A_1447 = arith.constant 0 : i32
      %dma_start3A_1448 = tpu.memref_slice %arg11[%dma_start3A_1441, %dma_start3A_1447] : memref<32x128xi32, #tpu.memory_space<vmem>> -> memref<1x128xi32, #tpu.memory_space<vmem>>
      %dma_start3A_1449 = tpu.memref_squeeze %dma_start3A_1448 : memref<1x128xi32, #tpu.memory_space<vmem>> -> memref<128xi32, #tpu.memory_space<vmem>>
      %dma_start3A_1450 = arith.constant 0 : i32
      %dma_start3A_1451 = arith.constant 0 : i32
      %dma_start3A_1452 = tpu.memref_slice %arg2[%dma_start3A_1450, %dma_start3A_1451] : memref<20000x128xf32, #tpu.memory_space<hbm>> -> memref<20000x128xf32, #tpu.memory_space<hbm>>
      tpu.enqueue_indirect_dma source(%dma_start3A_1452 : memref<20000x128xf32, #tpu.memory_space<hbm>>) target(%dma_start3A_1446 : memref<128x128xf32, #tpu.memory_space<vmem>>) offsets(%dma_start3A_1449 : memref<128xi32, #tpu.memory_space<vmem>>) semaphore(%arg13 : memref<!tpu.dma_semaphore, #tpu.memory_space<semaphore_mem>>)
      %dma_wait3A_1453 = arith.constant 23 : i32
      %dma_wait3A_1454 = arith.constant 1 : i32
      %dma_wait3A_1455 = arith.constant 0 : i32
      %dma_wait3A_1456 = arith.constant 0 : i32
      %dma_wait3A_1457 = tpu.memref_slice %arg8[%dma_wait3A_1454, %dma_wait3A_1455, %dma_wait3A_1456] : memref<2x128x128xf32, #tpu.memory_space<vmem>> -> memref<1x128x128xf32, #tpu.memory_space<vmem>>
      %dma_wait3A_1458 = tpu.memref_squeeze %dma_wait3A_1457 : memref<1x128x128xf32, #tpu.memory_space<vmem>> -> memref<128x128xf32, #tpu.memory_space<vmem>>
      %dma_wait3A_1459 = arith.constant 0 : i32
      %dma_wait3A_1460 = tpu.memref_slice %arg11[%dma_wait3A_1453, %dma_wait3A_1459] : memref<32x128xi32, #tpu.memory_space<vmem>> -> memref<1x128xi32, #tpu.memory_space<vmem>>
      %dma_wait3A_1461 = tpu.memref_squeeze %dma_wait3A_1460 : memref<1x128xi32, #tpu.memory_space<vmem>> -> memref<128xi32, #tpu.memory_space<vmem>>
      %dma_wait3A_1462 = arith.constant 0 : i32
      %dma_wait3A_1463 = arith.constant 0 : i32
      %dma_wait3A_1464 = tpu.memref_slice %arg2[%dma_wait3A_1462, %dma_wait3A_1463] : memref<20000x128xf32, #tpu.memory_space<hbm>> -> memref<20000x128xf32, #tpu.memory_space<hbm>>
      tpu.wait_indirect_dma semaphore(%arg14 : memref<!tpu.dma_semaphore, #tpu.memory_space<semaphore_mem>>) src(%dma_wait3A_1464 : memref<20000x128xf32, #tpu.memory_space<hbm>>) dst(%dma_wait3A_1458 : memref<128x128xf32, #tpu.memory_space<vmem>>)
      %dma_start3A_1465 = arith.constant 25 : i32
      %dma_start3A_1466 = arith.constant 1 : i32
      %dma_start3A_1467 = arith.constant 0 : i32
      %dma_start3A_1468 = arith.constant 0 : i32
      %dma_start3A_1469 = tpu.memref_slice %arg8[%dma_start3A_1466, %dma_start3A_1467, %dma_start3A_1468] : memref<2x128x128xf32, #tpu.memory_space<vmem>> -> memref<1x128x128xf32, #tpu.memory_space<vmem>>
      %dma_start3A_1470 = tpu.memref_squeeze %dma_start3A_1469 : memref<1x128x128xf32, #tpu.memory_space<vmem>> -> memref<128x128xf32, #tpu.memory_space<vmem>>
      %dma_start3A_1471 = arith.constant 0 : i32
      %dma_start3A_1472 = tpu.memref_slice %arg11[%dma_start3A_1465, %dma_start3A_1471] : memref<32x128xi32, #tpu.memory_space<vmem>> -> memref<1x128xi32, #tpu.memory_space<vmem>>
      %dma_start3A_1473 = tpu.memref_squeeze %dma_start3A_1472 : memref<1x128xi32, #tpu.memory_space<vmem>> -> memref<128xi32, #tpu.memory_space<vmem>>
      %dma_start3A_1474 = arith.constant 0 : i32
      %dma_start3A_1475 = arith.constant 0 : i32
      %dma_start3A_1476 = tpu.memref_slice %arg2[%dma_start3A_1474, %dma_start3A_1475] : memref<20000x128xf32, #tpu.memory_space<hbm>> -> memref<20000x128xf32, #tpu.memory_space<hbm>>
      tpu.enqueue_indirect_dma source(%dma_start3A_1476 : memref<20000x128xf32, #tpu.memory_space<hbm>>) target(%dma_start3A_1470 : memref<128x128xf32, #tpu.memory_space<vmem>>) offsets(%dma_start3A_1473 : memref<128xi32, #tpu.memory_space<vmem>>) semaphore(%arg14 : memref<!tpu.dma_semaphore, #tpu.memory_space<semaphore_mem>>)
      %dma_wait3A_1477 = arith.constant 24 : i32
      %dma_wait3A_1478 = arith.constant 0 : i32
      %dma_wait3A_1479 = arith.constant 0 : i32
      %dma_wait3A_1480 = arith.constant 0 : i32
      %dma_wait3A_1481 = tpu.memref_slice %arg8[%dma_wait3A_1478, %dma_wait3A_1479, %dma_wait3A_1480] : memref<2x128x128xf32, #tpu.memory_space<vmem>> -> memref<1x128x128xf32, #tpu.memory_space<vmem>>
      %dma_wait3A_1482 = tpu.memref_squeeze %dma_wait3A_1481 : memref<1x128x128xf32, #tpu.memory_space<vmem>> -> memref<128x128xf32, #tpu.memory_space<vmem>>
      %dma_wait3A_1483 = arith.constant 0 : i32
      %dma_wait3A_1484 = tpu.memref_slice %arg11[%dma_wait3A_1477, %dma_wait3A_1483] : memref<32x128xi32, #tpu.memory_space<vmem>> -> memref<1x128xi32, #tpu.memory_space<vmem>>
      %dma_wait3A_1485 = tpu.memref_squeeze %dma_wait3A_1484 : memref<1x128xi32, #tpu.memory_space<vmem>> -> memref<128xi32, #tpu.memory_space<vmem>>
      %dma_wait3A_1486 = arith.constant 0 : i32
      %dma_wait3A_1487 = arith.constant 0 : i32
      %dma_wait3A_1488 = tpu.memref_slice %arg2[%dma_wait3A_1486, %dma_wait3A_1487] : memref<20000x128xf32, #tpu.memory_space<hbm>> -> memref<20000x128xf32, #tpu.memory_space<hbm>>
      tpu.wait_indirect_dma semaphore(%arg13 : memref<!tpu.dma_semaphore, #tpu.memory_space<semaphore_mem>>) src(%dma_wait3A_1488 : memref<20000x128xf32, #tpu.memory_space<hbm>>) dst(%dma_wait3A_1482 : memref<128x128xf32, #tpu.memory_space<vmem>>)
      %dma_start3A_1489 = arith.constant 26 : i32
      %dma_start3A_1490 = arith.constant 0 : i32
      %dma_start3A_1491 = arith.constant 0 : i32
      %dma_start3A_1492 = arith.constant 0 : i32
      %dma_start3A_1493 = tpu.memref_slice %arg8[%dma_start3A_1490, %dma_start3A_1491, %dma_start3A_1492] : memref<2x128x128xf32, #tpu.memory_space<vmem>> -> memref<1x128x128xf32, #tpu.memory_space<vmem>>
      %dma_start3A_1494 = tpu.memref_squeeze %dma_start3A_1493 : memref<1x128x128xf32, #tpu.memory_space<vmem>> -> memref<128x128xf32, #tpu.memory_space<vmem>>
      %dma_start3A_1495 = arith.constant 0 : i32
      %dma_start3A_1496 = tpu.memref_slice %arg11[%dma_start3A_1489, %dma_start3A_1495] : memref<32x128xi32, #tpu.memory_space<vmem>> -> memref<1x128xi32, #tpu.memory_space<vmem>>
      %dma_start3A_1497 = tpu.memref_squeeze %dma_start3A_1496 : memref<1x128xi32, #tpu.memory_space<vmem>> -> memref<128xi32, #tpu.memory_space<vmem>>
      %dma_start3A_1498 = arith.constant 0 : i32
      %dma_start3A_1499 = arith.constant 0 : i32
      %dma_start3A_1500 = tpu.memref_slice %arg2[%dma_start3A_1498, %dma_start3A_1499] : memref<20000x128xf32, #tpu.memory_space<hbm>> -> memref<20000x128xf32, #tpu.memory_space<hbm>>
      tpu.enqueue_indirect_dma source(%dma_start3A_1500 : memref<20000x128xf32, #tpu.memory_space<hbm>>) target(%dma_start3A_1494 : memref<128x128xf32, #tpu.memory_space<vmem>>) offsets(%dma_start3A_1497 : memref<128xi32, #tpu.memory_space<vmem>>) semaphore(%arg13 : memref<!tpu.dma_semaphore, #tpu.memory_space<semaphore_mem>>)
      %dma_wait3A_1501 = arith.constant 25 : i32
      %dma_wait3A_1502 = arith.constant 1 : i32
      %dma_wait3A_1503 = arith.constant 0 : i32
      %dma_wait3A_1504 = arith.constant 0 : i32
      %dma_wait3A_1505 = tpu.memref_slice %arg8[%dma_wait3A_1502, %dma_wait3A_1503, %dma_wait3A_1504] : memref<2x128x128xf32, #tpu.memory_space<vmem>> -> memref<1x128x128xf32, #tpu.memory_space<vmem>>
      %dma_wait3A_1506 = tpu.memref_squeeze %dma_wait3A_1505 : memref<1x128x128xf32, #tpu.memory_space<vmem>> -> memref<128x128xf32, #tpu.memory_space<vmem>>
      %dma_wait3A_1507 = arith.constant 0 : i32
      %dma_wait3A_1508 = tpu.memref_slice %arg11[%dma_wait3A_1501, %dma_wait3A_1507] : memref<32x128xi32, #tpu.memory_space<vmem>> -> memref<1x128xi32, #tpu.memory_space<vmem>>
      %dma_wait3A_1509 = tpu.memref_squeeze %dma_wait3A_1508 : memref<1x128xi32, #tpu.memory_space<vmem>> -> memref<128xi32, #tpu.memory_space<vmem>>
      %dma_wait3A_1510 = arith.constant 0 : i32
      %dma_wait3A_1511 = arith.constant 0 : i32
      %dma_wait3A_1512 = tpu.memref_slice %arg2[%dma_wait3A_1510, %dma_wait3A_1511] : memref<20000x128xf32, #tpu.memory_space<hbm>> -> memref<20000x128xf32, #tpu.memory_space<hbm>>
      tpu.wait_indirect_dma semaphore(%arg14 : memref<!tpu.dma_semaphore, #tpu.memory_space<semaphore_mem>>) src(%dma_wait3A_1512 : memref<20000x128xf32, #tpu.memory_space<hbm>>) dst(%dma_wait3A_1506 : memref<128x128xf32, #tpu.memory_space<vmem>>)
      %dma_start3A_1513 = arith.constant 27 : i32
      %dma_start3A_1514 = arith.constant 1 : i32
      %dma_start3A_1515 = arith.constant 0 : i32
      %dma_start3A_1516 = arith.constant 0 : i32
      %dma_start3A_1517 = tpu.memref_slice %arg8[%dma_start3A_1514, %dma_start3A_1515, %dma_start3A_1516] : memref<2x128x128xf32, #tpu.memory_space<vmem>> -> memref<1x128x128xf32, #tpu.memory_space<vmem>>
      %dma_start3A_1518 = tpu.memref_squeeze %dma_start3A_1517 : memref<1x128x128xf32, #tpu.memory_space<vmem>> -> memref<128x128xf32, #tpu.memory_space<vmem>>
      %dma_start3A_1519 = arith.constant 0 : i32
      %dma_start3A_1520 = tpu.memref_slice %arg11[%dma_start3A_1513, %dma_start3A_1519] : memref<32x128xi32, #tpu.memory_space<vmem>> -> memref<1x128xi32, #tpu.memory_space<vmem>>
      %dma_start3A_1521 = tpu.memref_squeeze %dma_start3A_1520 : memref<1x128xi32, #tpu.memory_space<vmem>> -> memref<128xi32, #tpu.memory_space<vmem>>
      %dma_start3A_1522 = arith.constant 0 : i32
      %dma_start3A_1523 = arith.constant 0 : i32
      %dma_start3A_1524 = tpu.memref_slice %arg2[%dma_start3A_1522, %dma_start3A_1523] : memref<20000x128xf32, #tpu.memory_space<hbm>> -> memref<20000x128xf32, #tpu.memory_space<hbm>>
      tpu.enqueue_indirect_dma source(%dma_start3A_1524 : memref<20000x128xf32, #tpu.memory_space<hbm>>) target(%dma_start3A_1518 : memref<128x128xf32, #tpu.memory_space<vmem>>) offsets(%dma_start3A_1521 : memref<128xi32, #tpu.memory_space<vmem>>) semaphore(%arg14 : memref<!tpu.dma_semaphore, #tpu.memory_space<semaphore_mem>>)
      %dma_wait3A_1525 = arith.constant 26 : i32
      %dma_wait3A_1526 = arith.constant 0 : i32
      %dma_wait3A_1527 = arith.constant 0 : i32
      %dma_wait3A_1528 = arith.constant 0 : i32
      %dma_wait3A_1529 = tpu.memref_slice %arg8[%dma_wait3A_1526, %dma_wait3A_1527, %dma_wait3A_1528] : memref<2x128x128xf32, #tpu.memory_space<vmem>> -> memref<1x128x128xf32, #tpu.memory_space<vmem>>
      %dma_wait3A_1530 = tpu.memref_squeeze %dma_wait3A_1529 : memref<1x128x128xf32, #tpu.memory_space<vmem>> -> memref<128x128xf32, #tpu.memory_space<vmem>>
      %dma_wait3A_1531 = arith.constant 0 : i32
      %dma_wait3A_1532 = tpu.memref_slice %arg11[%dma_wait3A_1525, %dma_wait3A_1531] : memref<32x128xi32, #tpu.memory_space<vmem>> -> memref<1x128xi32, #tpu.memory_space<vmem>>
      %dma_wait3A_1533 = tpu.memref_squeeze %dma_wait3A_1532 : memref<1x128xi32, #tpu.memory_space<vmem>> -> memref<128xi32, #tpu.memory_space<vmem>>
      %dma_wait3A_1534 = arith.constant 0 : i32
      %dma_wait3A_1535 = arith.constant 0 : i32
      %dma_wait3A_1536 = tpu.memref_slice %arg2[%dma_wait3A_1534, %dma_wait3A_1535] : memref<20000x128xf32, #tpu.memory_space<hbm>> -> memref<20000x128xf32, #tpu.memory_space<hbm>>
      tpu.wait_indirect_dma semaphore(%arg13 : memref<!tpu.dma_semaphore, #tpu.memory_space<semaphore_mem>>) src(%dma_wait3A_1536 : memref<20000x128xf32, #tpu.memory_space<hbm>>) dst(%dma_wait3A_1530 : memref<128x128xf32, #tpu.memory_space<vmem>>)
      %dma_start3A_1537 = arith.constant 28 : i32
      %dma_start3A_1538 = arith.constant 0 : i32
      %dma_start3A_1539 = arith.constant 0 : i32
      %dma_start3A_1540 = arith.constant 0 : i32
      %dma_start3A_1541 = tpu.memref_slice %arg8[%dma_start3A_1538, %dma_start3A_1539, %dma_start3A_1540] : memref<2x128x128xf32, #tpu.memory_space<vmem>> -> memref<1x128x128xf32, #tpu.memory_space<vmem>>
      %dma_start3A_1542 = tpu.memref_squeeze %dma_start3A_1541 : memref<1x128x128xf32, #tpu.memory_space<vmem>> -> memref<128x128xf32, #tpu.memory_space<vmem>>
      %dma_start3A_1543 = arith.constant 0 : i32
      %dma_start3A_1544 = tpu.memref_slice %arg11[%dma_start3A_1537, %dma_start3A_1543] : memref<32x128xi32, #tpu.memory_space<vmem>> -> memref<1x128xi32, #tpu.memory_space<vmem>>
      %dma_start3A_1545 = tpu.memref_squeeze %dma_start3A_1544 : memref<1x128xi32, #tpu.memory_space<vmem>> -> memref<128xi32, #tpu.memory_space<vmem>>
      %dma_start3A_1546 = arith.constant 0 : i32
      %dma_start3A_1547 = arith.constant 0 : i32
      %dma_start3A_1548 = tpu.memref_slice %arg2[%dma_start3A_1546, %dma_start3A_1547] : memref<20000x128xf32, #tpu.memory_space<hbm>> -> memref<20000x128xf32, #tpu.memory_space<hbm>>
      tpu.enqueue_indirect_dma source(%dma_start3A_1548 : memref<20000x128xf32, #tpu.memory_space<hbm>>) target(%dma_start3A_1542 : memref<128x128xf32, #tpu.memory_space<vmem>>) offsets(%dma_start3A_1545 : memref<128xi32, #tpu.memory_space<vmem>>) semaphore(%arg13 : memref<!tpu.dma_semaphore, #tpu.memory_space<semaphore_mem>>)
      %dma_wait3A_1549 = arith.constant 27 : i32
      %dma_wait3A_1550 = arith.constant 1 : i32
      %dma_wait3A_1551 = arith.constant 0 : i32
      %dma_wait3A_1552 = arith.constant 0 : i32
      %dma_wait3A_1553 = tpu.memref_slice %arg8[%dma_wait3A_1550, %dma_wait3A_1551, %dma_wait3A_1552] : memref<2x128x128xf32, #tpu.memory_space<vmem>> -> memref<1x128x128xf32, #tpu.memory_space<vmem>>
      %dma_wait3A_1554 = tpu.memref_squeeze %dma_wait3A_1553 : memref<1x128x128xf32, #tpu.memory_space<vmem>> -> memref<128x128xf32, #tpu.memory_space<vmem>>
      %dma_wait3A_1555 = arith.constant 0 : i32
      %dma_wait3A_1556 = tpu.memref_slice %arg11[%dma_wait3A_1549, %dma_wait3A_1555] : memref<32x128xi32, #tpu.memory_space<vmem>> -> memref<1x128xi32, #tpu.memory_space<vmem>>
      %dma_wait3A_1557 = tpu.memref_squeeze %dma_wait3A_1556 : memref<1x128xi32, #tpu.memory_space<vmem>> -> memref<128xi32, #tpu.memory_space<vmem>>
      %dma_wait3A_1558 = arith.constant 0 : i32
      %dma_wait3A_1559 = arith.constant 0 : i32
      %dma_wait3A_1560 = tpu.memref_slice %arg2[%dma_wait3A_1558, %dma_wait3A_1559] : memref<20000x128xf32, #tpu.memory_space<hbm>> -> memref<20000x128xf32, #tpu.memory_space<hbm>>
      tpu.wait_indirect_dma semaphore(%arg14 : memref<!tpu.dma_semaphore, #tpu.memory_space<semaphore_mem>>) src(%dma_wait3A_1560 : memref<20000x128xf32, #tpu.memory_space<hbm>>) dst(%dma_wait3A_1554 : memref<128x128xf32, #tpu.memory_space<vmem>>)
      %dma_start3A_1561 = arith.constant 29 : i32
      %dma_start3A_1562 = arith.constant 1 : i32
      %dma_start3A_1563 = arith.constant 0 : i32
      %dma_start3A_1564 = arith.constant 0 : i32
      %dma_start3A_1565 = tpu.memref_slice %arg8[%dma_start3A_1562, %dma_start3A_1563, %dma_start3A_1564] : memref<2x128x128xf32, #tpu.memory_space<vmem>> -> memref<1x128x128xf32, #tpu.memory_space<vmem>>
      %dma_start3A_1566 = tpu.memref_squeeze %dma_start3A_1565 : memref<1x128x128xf32, #tpu.memory_space<vmem>> -> memref<128x128xf32, #tpu.memory_space<vmem>>
      %dma_start3A_1567 = arith.constant 0 : i32
      %dma_start3A_1568 = tpu.memref_slice %arg11[%dma_start3A_1561, %dma_start3A_1567] : memref<32x128xi32, #tpu.memory_space<vmem>> -> memref<1x128xi32, #tpu.memory_space<vmem>>
      %dma_start3A_1569 = tpu.memref_squeeze %dma_start3A_1568 : memref<1x128xi32, #tpu.memory_space<vmem>> -> memref<128xi32, #tpu.memory_space<vmem>>
      %dma_start3A_1570 = arith.constant 0 : i32
      %dma_start3A_1571 = arith.constant 0 : i32
      %dma_start3A_1572 = tpu.memref_slice %arg2[%dma_start3A_1570, %dma_start3A_1571] : memref<20000x128xf32, #tpu.memory_space<hbm>> -> memref<20000x128xf32, #tpu.memory_space<hbm>>
      tpu.enqueue_indirect_dma source(%dma_start3A_1572 : memref<20000x128xf32, #tpu.memory_space<hbm>>) target(%dma_start3A_1566 : memref<128x128xf32, #tpu.memory_space<vmem>>) offsets(%dma_start3A_1569 : memref<128xi32, #tpu.memory_space<vmem>>) semaphore(%arg14 : memref<!tpu.dma_semaphore, #tpu.memory_space<semaphore_mem>>)
      %dma_wait3A_1573 = arith.constant 28 : i32
      %dma_wait3A_1574 = arith.constant 0 : i32
      %dma_wait3A_1575 = arith.constant 0 : i32
      %dma_wait3A_1576 = arith.constant 0 : i32
      %dma_wait3A_1577 = tpu.memref_slice %arg8[%dma_wait3A_1574, %dma_wait3A_1575, %dma_wait3A_1576] : memref<2x128x128xf32, #tpu.memory_space<vmem>> -> memref<1x128x128xf32, #tpu.memory_space<vmem>>
      %dma_wait3A_1578 = tpu.memref_squeeze %dma_wait3A_1577 : memref<1x128x128xf32, #tpu.memory_space<vmem>> -> memref<128x128xf32, #tpu.memory_space<vmem>>
      %dma_wait3A_1579 = arith.constant 0 : i32
      %dma_wait3A_1580 = tpu.memref_slice %arg11[%dma_wait3A_1573, %dma_wait3A_1579] : memref<32x128xi32, #tpu.memory_space<vmem>> -> memref<1x128xi32, #tpu.memory_space<vmem>>
      %dma_wait3A_1581 = tpu.memref_squeeze %dma_wait3A_1580 : memref<1x128xi32, #tpu.memory_space<vmem>> -> memref<128xi32, #tpu.memory_space<vmem>>
      %dma_wait3A_1582 = arith.constant 0 : i32
      %dma_wait3A_1583 = arith.constant 0 : i32
      %dma_wait3A_1584 = tpu.memref_slice %arg2[%dma_wait3A_1582, %dma_wait3A_1583] : memref<20000x128xf32, #tpu.memory_space<hbm>> -> memref<20000x128xf32, #tpu.memory_space<hbm>>
      tpu.wait_indirect_dma semaphore(%arg13 : memref<!tpu.dma_semaphore, #tpu.memory_space<semaphore_mem>>) src(%dma_wait3A_1584 : memref<20000x128xf32, #tpu.memory_space<hbm>>) dst(%dma_wait3A_1578 : memref<128x128xf32, #tpu.memory_space<vmem>>)
      %dma_start3A_1585 = arith.constant 30 : i32
      %dma_start3A_1586 = arith.constant 0 : i32
      %dma_start3A_1587 = arith.constant 0 : i32
      %dma_start3A_1588 = arith.constant 0 : i32
      %dma_start3A_1589 = tpu.memref_slice %arg8[%dma_start3A_1586, %dma_start3A_1587, %dma_start3A_1588] : memref<2x128x128xf32, #tpu.memory_space<vmem>> -> memref<1x128x128xf32, #tpu.memory_space<vmem>>
      %dma_start3A_1590 = tpu.memref_squeeze %dma_start3A_1589 : memref<1x128x128xf32, #tpu.memory_space<vmem>> -> memref<128x128xf32, #tpu.memory_space<vmem>>
      %dma_start3A_1591 = arith.constant 0 : i32
      %dma_start3A_1592 = tpu.memref_slice %arg11[%dma_start3A_1585, %dma_start3A_1591] : memref<32x128xi32, #tpu.memory_space<vmem>> -> memref<1x128xi32, #tpu.memory_space<vmem>>
      %dma_start3A_1593 = tpu.memref_squeeze %dma_start3A_1592 : memref<1x128xi32, #tpu.memory_space<vmem>> -> memref<128xi32, #tpu.memory_space<vmem>>
      %dma_start3A_1594 = arith.constant 0 : i32
      %dma_start3A_1595 = arith.constant 0 : i32
      %dma_start3A_1596 = tpu.memref_slice %arg2[%dma_start3A_1594, %dma_start3A_1595] : memref<20000x128xf32, #tpu.memory_space<hbm>> -> memref<20000x128xf32, #tpu.memory_space<hbm>>
      tpu.enqueue_indirect_dma source(%dma_start3A_1596 : memref<20000x128xf32, #tpu.memory_space<hbm>>) target(%dma_start3A_1590 : memref<128x128xf32, #tpu.memory_space<vmem>>) offsets(%dma_start3A_1593 : memref<128xi32, #tpu.memory_space<vmem>>) semaphore(%arg13 : memref<!tpu.dma_semaphore, #tpu.memory_space<semaphore_mem>>)
      %dma_wait3A_1597 = arith.constant 29 : i32
      %dma_wait3A_1598 = arith.constant 1 : i32
      %dma_wait3A_1599 = arith.constant 0 : i32
      %dma_wait3A_1600 = arith.constant 0 : i32
      %dma_wait3A_1601 = tpu.memref_slice %arg8[%dma_wait3A_1598, %dma_wait3A_1599, %dma_wait3A_1600] : memref<2x128x128xf32, #tpu.memory_space<vmem>> -> memref<1x128x128xf32, #tpu.memory_space<vmem>>
      %dma_wait3A_1602 = tpu.memref_squeeze %dma_wait3A_1601 : memref<1x128x128xf32, #tpu.memory_space<vmem>> -> memref<128x128xf32, #tpu.memory_space<vmem>>
      %dma_wait3A_1603 = arith.constant 0 : i32
      %dma_wait3A_1604 = tpu.memref_slice %arg11[%dma_wait3A_1597, %dma_wait3A_1603] : memref<32x128xi32, #tpu.memory_space<vmem>> -> memref<1x128xi32, #tpu.memory_space<vmem>>
      %dma_wait3A_1605 = tpu.memref_squeeze %dma_wait3A_1604 : memref<1x128xi32, #tpu.memory_space<vmem>> -> memref<128xi32, #tpu.memory_space<vmem>>
      %dma_wait3A_1606 = arith.constant 0 : i32
      %dma_wait3A_1607 = arith.constant 0 : i32
      %dma_wait3A_1608 = tpu.memref_slice %arg2[%dma_wait3A_1606, %dma_wait3A_1607] : memref<20000x128xf32, #tpu.memory_space<hbm>> -> memref<20000x128xf32, #tpu.memory_space<hbm>>
      tpu.wait_indirect_dma semaphore(%arg14 : memref<!tpu.dma_semaphore, #tpu.memory_space<semaphore_mem>>) src(%dma_wait3A_1608 : memref<20000x128xf32, #tpu.memory_space<hbm>>) dst(%dma_wait3A_1602 : memref<128x128xf32, #tpu.memory_space<vmem>>)
      %dma_start3A_1609 = arith.constant 31 : i32
      %dma_start3A_1610 = arith.constant 1 : i32
      %dma_start3A_1611 = arith.constant 0 : i32
      %dma_start3A_1612 = arith.constant 0 : i32
      %dma_start3A_1613 = tpu.memref_slice %arg8[%dma_start3A_1610, %dma_start3A_1611, %dma_start3A_1612] : memref<2x128x128xf32, #tpu.memory_space<vmem>> -> memref<1x128x128xf32, #tpu.memory_space<vmem>>
      %dma_start3A_1614 = tpu.memref_squeeze %dma_start3A_1613 : memref<1x128x128xf32, #tpu.memory_space<vmem>> -> memref<128x128xf32, #tpu.memory_space<vmem>>
      %dma_start3A_1615 = arith.constant 0 : i32
      %dma_start3A_1616 = tpu.memref_slice %arg11[%dma_start3A_1609, %dma_start3A_1615] : memref<32x128xi32, #tpu.memory_space<vmem>> -> memref<1x128xi32, #tpu.memory_space<vmem>>
      %dma_start3A_1617 = tpu.memref_squeeze %dma_start3A_1616 : memref<1x128xi32, #tpu.memory_space<vmem>> -> memref<128xi32, #tpu.memory_space<vmem>>
      %dma_start3A_1618 = arith.constant 0 : i32
      %dma_start3A_1619 = arith.constant 0 : i32
      %dma_start3A_1620 = tpu.memref_slice %arg2[%dma_start3A_1618, %dma_start3A_1619] : memref<20000x128xf32, #tpu.memory_space<hbm>> -> memref<20000x128xf32, #tpu.memory_space<hbm>>
      tpu.enqueue_indirect_dma source(%dma_start3A_1620 : memref<20000x128xf32, #tpu.memory_space<hbm>>) target(%dma_start3A_1614 : memref<128x128xf32, #tpu.memory_space<vmem>>) offsets(%dma_start3A_1617 : memref<128xi32, #tpu.memory_space<vmem>>) semaphore(%arg14 : memref<!tpu.dma_semaphore, #tpu.memory_space<semaphore_mem>>)
      %dma_wait3A_1621 = arith.constant 30 : i32
      %dma_wait3A_1622 = arith.constant 0 : i32
      %dma_wait3A_1623 = arith.constant 0 : i32
      %dma_wait3A_1624 = arith.constant 0 : i32
      %dma_wait3A_1625 = tpu.memref_slice %arg8[%dma_wait3A_1622, %dma_wait3A_1623, %dma_wait3A_1624] : memref<2x128x128xf32, #tpu.memory_space<vmem>> -> memref<1x128x128xf32, #tpu.memory_space<vmem>>
      %dma_wait3A_1626 = tpu.memref_squeeze %dma_wait3A_1625 : memref<1x128x128xf32, #tpu.memory_space<vmem>> -> memref<128x128xf32, #tpu.memory_space<vmem>>
      %dma_wait3A_1627 = arith.constant 0 : i32
      %dma_wait3A_1628 = tpu.memref_slice %arg11[%dma_wait3A_1621, %dma_wait3A_1627] : memref<32x128xi32, #tpu.memory_space<vmem>> -> memref<1x128xi32, #tpu.memory_space<vmem>>
      %dma_wait3A_1629 = tpu.memref_squeeze %dma_wait3A_1628 : memref<1x128xi32, #tpu.memory_space<vmem>> -> memref<128xi32, #tpu.memory_space<vmem>>
      %dma_wait3A_1630 = arith.constant 0 : i32
      %dma_wait3A_1631 = arith.constant 0 : i32
      %dma_wait3A_1632 = tpu.memref_slice %arg2[%dma_wait3A_1630, %dma_wait3A_1631] : memref<20000x128xf32, #tpu.memory_space<hbm>> -> memref<20000x128xf32, #tpu.memory_space<hbm>>
      tpu.wait_indirect_dma semaphore(%arg13 : memref<!tpu.dma_semaphore, #tpu.memory_space<semaphore_mem>>) src(%dma_wait3A_1632 : memref<20000x128xf32, #tpu.memory_space<hbm>>) dst(%dma_wait3A_1626 : memref<128x128xf32, #tpu.memory_space<vmem>>)
      %dma_wait3A_1633 = arith.constant 31 : i32
      %dma_wait3A_1634 = arith.constant 1 : i32
      %dma_wait3A_1635 = arith.constant 0 : i32
      %dma_wait3A_1636 = arith.constant 0 : i32
      %dma_wait3A_1637 = tpu.memref_slice %arg8[%dma_wait3A_1634, %dma_wait3A_1635, %dma_wait3A_1636] : memref<2x128x128xf32, #tpu.memory_space<vmem>> -> memref<1x128x128xf32, #tpu.memory_space<vmem>>
      %dma_wait3A_1638 = tpu.memref_squeeze %dma_wait3A_1637 : memref<1x128x128xf32, #tpu.memory_space<vmem>> -> memref<128x128xf32, #tpu.memory_space<vmem>>
      %dma_wait3A_1639 = arith.constant 0 : i32
      %dma_wait3A_1640 = tpu.memref_slice %arg11[%dma_wait3A_1633, %dma_wait3A_1639] : memref<32x128xi32, #tpu.memory_space<vmem>> -> memref<1x128xi32, #tpu.memory_space<vmem>>
      %dma_wait3A_1641 = tpu.memref_squeeze %dma_wait3A_1640 : memref<1x128xi32, #tpu.memory_space<vmem>> -> memref<128xi32, #tpu.memory_space<vmem>>
      %dma_wait3A_1642 = arith.constant 0 : i32
      %dma_wait3A_1643 = arith.constant 0 : i32
      %dma_wait3A_1644 = tpu.memref_slice %arg2[%dma_wait3A_1642, %dma_wait3A_1643] : memref<20000x128xf32, #tpu.memory_space<hbm>> -> memref<20000x128xf32, #tpu.memory_space<hbm>>
      tpu.wait_indirect_dma semaphore(%arg14 : memref<!tpu.dma_semaphore, #tpu.memory_space<semaphore_mem>>) src(%dma_wait3A_1644 : memref<20000x128xf32, #tpu.memory_space<hbm>>) dst(%dma_wait3A_1638 : memref<128x128xf32, #tpu.memory_space<vmem>>)
      %convert_element_type3A_1645 = arith.extui %lt3A_860 : i1 to i32
      %cond3A_1646 = arith.constant 0 : i32
      %cond3A_1647 = arith.cmpi ne, %convert_element_type3A_1645, %cond3A_1646 : i32
      scf.if %cond3A_1647 {
        %add3A_1648 = arith.addi %add3A_7, %add3A_856 : i32
        %dma_start3A_1649 = arith.constant 0 : i32
        %dma_start3A_1650 = arith.constant 0 : i32
        %dma_start3A_1651 = tpu.memref_slice %arg3[%add3A_1648, %dma_start3A_1649, %dma_start3A_1650] : memref<320x32x128xi32, #tpu.memory_space<hbm>> -> memref<1x32x128xi32, #tpu.memory_space<hbm>>
        %dma_start3A_1652 = tpu.memref_squeeze %dma_start3A_1651 : memref<1x32x128xi32, #tpu.memory_space<hbm>> -> memref<32x128xi32, #tpu.memory_space<hbm>>
        %dma_start3A_1653 = arith.constant 0 : i32
        %dma_start3A_1654 = arith.constant 0 : i32
        %dma_start3A_1655 = tpu.memref_slice %arg3[%add3A_1648, %dma_start3A_1653, %dma_start3A_1654] : memref<320x32x128xi32, #tpu.memory_space<hbm>> -> memref<1x32x128xi32, #tpu.memory_space<hbm>>
        %dma_start3A_1656 = tpu.memref_squeeze %dma_start3A_1655 : memref<1x32x128xi32, #tpu.memory_space<hbm>> -> memref<32x128xi32, #tpu.memory_space<hbm>>
        tpu.enqueue_dma source(%dma_start3A_1656 : memref<32x128xi32, #tpu.memory_space<hbm>>) target(%arg11 : memref<32x128xi32, #tpu.memory_space<vmem>>) target_semaphore(%arg16 : memref<!tpu.dma_semaphore, #tpu.memory_space<semaphore_mem>>)
        %add3A_1657 = arith.addi %add3A_12, %add3A_856 : i32
        %dma_start3A_1658 = arith.constant 0 : i32
        %dma_start3A_1659 = arith.constant 0 : i32
        %dma_start3A_1660 = tpu.memref_slice %arg4[%add3A_1657, %dma_start3A_1658, %dma_start3A_1659] : memref<160x32x128xi32, #tpu.memory_space<hbm>> -> memref<1x32x128xi32, #tpu.memory_space<hbm>>
        %dma_start3A_1661 = tpu.memref_squeeze %dma_start3A_1660 : memref<1x32x128xi32, #tpu.memory_space<hbm>> -> memref<32x128xi32, #tpu.memory_space<hbm>>
        %dma_start3A_1662 = arith.constant 0 : i32
        %dma_start3A_1663 = arith.constant 0 : i32
        %dma_start3A_1664 = tpu.memref_slice %arg4[%add3A_1657, %dma_start3A_1662, %dma_start3A_1663] : memref<160x32x128xi32, #tpu.memory_space<hbm>> -> memref<1x32x128xi32, #tpu.memory_space<hbm>>
        %dma_start3A_1665 = tpu.memref_squeeze %dma_start3A_1664 : memref<1x32x128xi32, #tpu.memory_space<hbm>> -> memref<32x128xi32, #tpu.memory_space<hbm>>
        tpu.enqueue_dma source(%dma_start3A_1665 : memref<32x128xi32, #tpu.memory_space<hbm>>) target(%arg12 : memref<32x128xi32, #tpu.memory_space<vmem>>) target_semaphore(%arg16 : memref<!tpu.dma_semaphore, #tpu.memory_space<semaphore_mem>>)
      } else {
      }
    }
    %scan3A_56 = arith.constant 5 : i32
    %barrier3A_57 = arith.constant 0 : index
    tpu.barrier barrier_id(%barrier3A_57)
    %mul3A_58 = arith.constant 10112 : i32
    %mul3A_59 = arith.muli %arg0, %mul3A_58 : i32
    %add3A_60 = arith.addi %mul3A_59, %mul3A_0 : i32
    "tpu.region"() ({
      %run_scoped3A = tpu.sem_alloc : memref<!tpu.dma_semaphore, #tpu.memory_space<semaphore_mem>>
      %dma_start3A_61 = arith.constant 0 : i32
      %dma_start3A_62 = tpu.memref_slice %arg6[%add3A_60, %dma_start3A_61] : memref<20224x128xf32, #tpu.memory_space<hbm>> -> memref<632x128xf32, #tpu.memory_space<hbm>>
      %dma_start3A_63 = arith.constant 0 : i32
      %dma_start3A_64 = tpu.memref_slice %arg7[%mul3A_0, %dma_start3A_63] : memref<10112x128xf32, #tpu.memory_space<vmem_shared>> -> memref<632x128xf32, #tpu.memory_space<vmem_shared>>
      tpu.enqueue_dma source(%dma_start3A_64 : memref<632x128xf32, #tpu.memory_space<vmem_shared>>) target(%dma_start3A_62 : memref<632x128xf32, #tpu.memory_space<hbm>>) target_semaphore(%run_scoped3A : memref<!tpu.dma_semaphore, #tpu.memory_space<semaphore_mem>>)
      %dma_wait3A = arith.constant 0 : i32
      %dma_wait3A_65 = tpu.memref_slice %arg6[%add3A_60, %dma_wait3A] : memref<20224x128xf32, #tpu.memory_space<hbm>> -> memref<632x128xf32, #tpu.memory_space<hbm>>
      %dma_wait3A_66 = arith.constant 0 : i32
      %dma_wait3A_67 = tpu.memref_slice %arg7[%mul3A_0, %dma_wait3A_66] : memref<10112x128xf32, #tpu.memory_space<vmem_shared>> -> memref<632x128xf32, #tpu.memory_space<vmem_shared>>
      tpu.wait_dma2 semaphore(%run_scoped3A : memref<!tpu.dma_semaphore, #tpu.memory_space<semaphore_mem>>) src(%dma_wait3A_67 : memref<632x128xf32, #tpu.memory_space<vmem_shared>>) dst(%dma_wait3A_65 : memref<632x128xf32, #tpu.memory_space<hbm>>)
      tpu.yield
    }) : () -> ()
    return
  }
}

#map = affine_map<(d0, d1) -> (0, 0)>
#map1 = affine_map<(d0, d1) -> (0, 0, 0)>
module attributes {stable_mosaic.version = 14 : i64} {
  func.func @k(%arg0: i32, %arg1: i32, %arg2: memref<10000x16xf32, #tpu.memory_space<hbm>>, %arg3: memref<320x16x128xi32, #tpu.memory_space<hbm>>, %arg4: memref<320x16x128xi32, #tpu.memory_space<hbm>>, %arg5: memref<20224x16xf32, #tpu.memory_space<hbm>>, %arg6: memref<20224x16xf32, #tpu.memory_space<hbm>>, %arg7: memref<10112x16xf32, #tpu.memory_space<vmem_shared>>, %arg8: memref<6x128x16xf32, #tpu.memory_space<vmem>>, %arg9: memref<16x128xi32, #tpu.memory_space<vmem>>, %arg10: memref<16x128xi32, #tpu.memory_space<vmem>>, %arg11: memref<16x128xi32, #tpu.memory_space<vmem>>, %arg12: memref<16x128xi32, #tpu.memory_space<vmem>>, %arg13: memref<!tpu.dma_semaphore, #tpu.memory_space<semaphore_mem>>, %arg14: memref<!tpu.dma_semaphore, #tpu.memory_space<semaphore_mem>>, %arg15: memref<!tpu.dma_semaphore, #tpu.memory_space<semaphore_mem>>, %arg16: memref<!tpu.dma_semaphore, #tpu.memory_space<semaphore_mem>>, %arg17: memref<!tpu.dma_semaphore, #tpu.memory_space<semaphore_mem>>, %arg18: memref<!tpu.dma_semaphore, #tpu.memory_space<semaphore_mem>>, %arg19: memref<!tpu.dma_semaphore, #tpu.memory_space<semaphore_mem>>, %arg20: memref<!tpu.dma_semaphore, #tpu.memory_space<semaphore_mem>>) attributes {dimension_semantics = [#tpu.dimension_semantics<core_parallel>, #tpu.dimension_semantics<subcore_parallel>], iteration_bounds = array<i64: 2, 16>, scalar_prefetch = 0 : i64, scratch_operands = 14 : i64, tpu.core_type = #tpu.core_type<sc_vector_subcore>, window_params = [{transform_indices = #map}, {transform_indices = #map1}, {transform_indices = #map1}, {transform_indices = #map}, {transform_indices = #map}]} {
    %mul3A = arith.constant 632 : i32
    %mul3A_0 = arith.muli %arg1, %mul3A : i32
    %mul3A_1 = arith.constant 10112 : i32
    %mul3A_2 = arith.muli %arg0, %mul3A_1 : i32
    %add3A = arith.addi %mul3A_2, %mul3A_0 : i32
    "tpu.region"() ({
      %run_scoped3A = tpu.sem_alloc : memref<!tpu.dma_semaphore, #tpu.memory_space<semaphore_mem>>
      %dma_start3A_61 = arith.constant 0 : i32
      %dma_start3A_62 = tpu.memref_slice %arg7[%mul3A_0, %dma_start3A_61] : memref<10112x16xf32, #tpu.memory_space<vmem_shared>> -> memref<632x16xf32, #tpu.memory_space<vmem_shared>>
      %dma_start3A_63 = arith.constant 0 : i32
      %dma_start3A_64 = tpu.memref_slice %arg5[%add3A, %dma_start3A_63] : memref<20224x16xf32, #tpu.memory_space<hbm>> -> memref<632x16xf32, #tpu.memory_space<hbm>>
      tpu.enqueue_dma source(%dma_start3A_64 : memref<632x16xf32, #tpu.memory_space<hbm>>) target(%dma_start3A_62 : memref<632x16xf32, #tpu.memory_space<vmem_shared>>) target_semaphore(%run_scoped3A : memref<!tpu.dma_semaphore, #tpu.memory_space<semaphore_mem>>)
      %dma_wait3A = arith.constant 0 : i32
      %dma_wait3A_65 = tpu.memref_slice %arg7[%mul3A_0, %dma_wait3A] : memref<10112x16xf32, #tpu.memory_space<vmem_shared>> -> memref<632x16xf32, #tpu.memory_space<vmem_shared>>
      %dma_wait3A_66 = arith.constant 0 : i32
      %dma_wait3A_67 = tpu.memref_slice %arg5[%add3A, %dma_wait3A_66] : memref<20224x16xf32, #tpu.memory_space<hbm>> -> memref<632x16xf32, #tpu.memory_space<hbm>>
      tpu.wait_dma2 semaphore(%run_scoped3A : memref<!tpu.dma_semaphore, #tpu.memory_space<semaphore_mem>>) src(%dma_wait3A_67 : memref<632x16xf32, #tpu.memory_space<hbm>>) dst(%dma_wait3A_65 : memref<632x16xf32, #tpu.memory_space<vmem_shared>>)
      tpu.yield
    }) : () -> ()
    %barrier3A = arith.constant 0 : index
    tpu.barrier barrier_id(%barrier3A)
    %mul3A_3 = arith.constant 160 : i32
    %mul3A_4 = arith.muli %arg0, %mul3A_3 : i32
    %mul3A_5 = arith.constant 10 : i32
    %mul3A_6 = arith.muli %arg1, %mul3A_5 : i32
    %add3A_7 = arith.addi %mul3A_4, %mul3A_6 : i32
    %mul3A_8 = arith.constant 160 : i32
    %mul3A_9 = arith.muli %arg0, %mul3A_8 : i32
    %mul3A_10 = arith.constant 10 : i32
    %mul3A_11 = arith.muli %arg1, %mul3A_10 : i32
    %add3A_12 = arith.addi %mul3A_9, %mul3A_11 : i32
    %add3A_13 = arith.constant 0 : i32
    %add3A_14 = arith.addi %add3A_7, %add3A_13 : i32
    %dma_start3A = arith.constant 0 : i32
    %dma_start3A_15 = arith.constant 0 : i32
    %dma_start3A_16 = tpu.memref_slice %arg3[%add3A_14, %dma_start3A, %dma_start3A_15] : memref<320x16x128xi32, #tpu.memory_space<hbm>> -> memref<1x16x128xi32, #tpu.memory_space<hbm>>
    %dma_start3A_17 = tpu.memref_squeeze %dma_start3A_16 : memref<1x16x128xi32, #tpu.memory_space<hbm>> -> memref<16x128xi32, #tpu.memory_space<hbm>>
    %dma_start3A_18 = arith.constant 0 : i32
    %dma_start3A_19 = arith.constant 0 : i32
    %dma_start3A_20 = tpu.memref_slice %arg3[%add3A_14, %dma_start3A_18, %dma_start3A_19] : memref<320x16x128xi32, #tpu.memory_space<hbm>> -> memref<1x16x128xi32, #tpu.memory_space<hbm>>
    %dma_start3A_21 = tpu.memref_squeeze %dma_start3A_20 : memref<1x16x128xi32, #tpu.memory_space<hbm>> -> memref<16x128xi32, #tpu.memory_space<hbm>>
    tpu.enqueue_dma source(%dma_start3A_21 : memref<16x128xi32, #tpu.memory_space<hbm>>) target(%arg9 : memref<16x128xi32, #tpu.memory_space<vmem>>) target_semaphore(%arg19 : memref<!tpu.dma_semaphore, #tpu.memory_space<semaphore_mem>>)
    %add3A_22 = arith.constant 0 : i32
    %add3A_23 = arith.addi %add3A_12, %add3A_22 : i32
    %dma_start3A_24 = arith.constant 0 : i32
    %dma_start3A_25 = arith.constant 0 : i32
    %dma_start3A_26 = tpu.memref_slice %arg4[%add3A_23, %dma_start3A_24, %dma_start3A_25] : memref<320x16x128xi32, #tpu.memory_space<hbm>> -> memref<1x16x128xi32, #tpu.memory_space<hbm>>
    %dma_start3A_27 = tpu.memref_squeeze %dma_start3A_26 : memref<1x16x128xi32, #tpu.memory_space<hbm>> -> memref<16x128xi32, #tpu.memory_space<hbm>>
    %dma_start3A_28 = arith.constant 0 : i32
    %dma_start3A_29 = arith.constant 0 : i32
    %dma_start3A_30 = tpu.memref_slice %arg4[%add3A_23, %dma_start3A_28, %dma_start3A_29] : memref<320x16x128xi32, #tpu.memory_space<hbm>> -> memref<1x16x128xi32, #tpu.memory_space<hbm>>
    %dma_start3A_31 = tpu.memref_squeeze %dma_start3A_30 : memref<1x16x128xi32, #tpu.memory_space<hbm>> -> memref<16x128xi32, #tpu.memory_space<hbm>>
    tpu.enqueue_dma source(%dma_start3A_31 : memref<16x128xi32, #tpu.memory_space<hbm>>) target(%arg10 : memref<16x128xi32, #tpu.memory_space<vmem>>) target_semaphore(%arg19 : memref<!tpu.dma_semaphore, #tpu.memory_space<semaphore_mem>>)
    %add3A_32 = arith.constant 1 : i32
    %add3A_33 = arith.addi %add3A_7, %add3A_32 : i32
    %dma_start3A_34 = arith.constant 0 : i32
    %dma_start3A_35 = arith.constant 0 : i32
    %dma_start3A_36 = tpu.memref_slice %arg3[%add3A_33, %dma_start3A_34, %dma_start3A_35] : memref<320x16x128xi32, #tpu.memory_space<hbm>> -> memref<1x16x128xi32, #tpu.memory_space<hbm>>
    %dma_start3A_37 = tpu.memref_squeeze %dma_start3A_36 : memref<1x16x128xi32, #tpu.memory_space<hbm>> -> memref<16x128xi32, #tpu.memory_space<hbm>>
    %dma_start3A_38 = arith.constant 0 : i32
    %dma_start3A_39 = arith.constant 0 : i32
    %dma_start3A_40 = tpu.memref_slice %arg3[%add3A_33, %dma_start3A_38, %dma_start3A_39] : memref<320x16x128xi32, #tpu.memory_space<hbm>> -> memref<1x16x128xi32, #tpu.memory_space<hbm>>
    %dma_start3A_41 = tpu.memref_squeeze %dma_start3A_40 : memref<1x16x128xi32, #tpu.memory_space<hbm>> -> memref<16x128xi32, #tpu.memory_space<hbm>>
    tpu.enqueue_dma source(%dma_start3A_41 : memref<16x128xi32, #tpu.memory_space<hbm>>) target(%arg11 : memref<16x128xi32, #tpu.memory_space<vmem>>) target_semaphore(%arg20 : memref<!tpu.dma_semaphore, #tpu.memory_space<semaphore_mem>>)
    %add3A_42 = arith.constant 1 : i32
    %add3A_43 = arith.addi %add3A_12, %add3A_42 : i32
    %dma_start3A_44 = arith.constant 0 : i32
    %dma_start3A_45 = arith.constant 0 : i32
    %dma_start3A_46 = tpu.memref_slice %arg4[%add3A_43, %dma_start3A_44, %dma_start3A_45] : memref<320x16x128xi32, #tpu.memory_space<hbm>> -> memref<1x16x128xi32, #tpu.memory_space<hbm>>
    %dma_start3A_47 = tpu.memref_squeeze %dma_start3A_46 : memref<1x16x128xi32, #tpu.memory_space<hbm>> -> memref<16x128xi32, #tpu.memory_space<hbm>>
    %dma_start3A_48 = arith.constant 0 : i32
    %dma_start3A_49 = arith.constant 0 : i32
    %dma_start3A_50 = tpu.memref_slice %arg4[%add3A_43, %dma_start3A_48, %dma_start3A_49] : memref<320x16x128xi32, #tpu.memory_space<hbm>> -> memref<1x16x128xi32, #tpu.memory_space<hbm>>
    %dma_start3A_51 = tpu.memref_squeeze %dma_start3A_50 : memref<1x16x128xi32, #tpu.memory_space<hbm>> -> memref<16x128xi32, #tpu.memory_space<hbm>>
    tpu.enqueue_dma source(%dma_start3A_51 : memref<16x128xi32, #tpu.memory_space<hbm>>) target(%arg12 : memref<16x128xi32, #tpu.memory_space<vmem>>) target_semaphore(%arg20 : memref<!tpu.dma_semaphore, #tpu.memory_space<semaphore_mem>>)
    %scan3A = arith.constant 0 : i32
    %scan3A_52 = arith.constant 0 : i32
    %scan3A_53 = arith.constant 5 : i32
    %scan3A_54 = arith.addi %scan3A_52, %scan3A_53 : i32
    %scan3A_55 = arith.constant 1 : i32
    scf.for %scan3A_61 = %scan3A_52 to %scan3A_54 step %scan3A_55  : i32 {
      %mul3A_62 = arith.constant 2 : i32
      %mul3A_63 = arith.muli %mul3A_62, %scan3A_61 : i32
      %add3A_64 = arith.constant 2 : i32
      %add3A_65 = arith.addi %mul3A_63, %add3A_64 : i32
      %add3A_66 = arith.constant 2 : i32
      %add3A_67 = arith.addi %mul3A_63, %add3A_66 : i32
      %lt3A = arith.constant 10 : i32
      %lt3A_68 = arith.cmpi slt, %add3A_67, %lt3A : i32
      %dma_wait3A = arith.constant 0 : i32
      %dma_wait3A_69 = arith.constant 0 : i32
      %dma_wait3A_70 = tpu.memref_slice %arg3[%add3A_7, %dma_wait3A, %dma_wait3A_69] : memref<320x16x128xi32, #tpu.memory_space<hbm>> -> memref<1x16x128xi32, #tpu.memory_space<hbm>>
      %dma_wait3A_71 = tpu.memref_squeeze %dma_wait3A_70 : memref<1x16x128xi32, #tpu.memory_space<hbm>> -> memref<16x128xi32, #tpu.memory_space<hbm>>
      %dma_wait3A_72 = arith.constant 0 : i32
      %dma_wait3A_73 = arith.constant 0 : i32
      %dma_wait3A_74 = tpu.memref_slice %arg3[%add3A_7, %dma_wait3A_72, %dma_wait3A_73] : memref<320x16x128xi32, #tpu.memory_space<hbm>> -> memref<1x16x128xi32, #tpu.memory_space<hbm>>
      %dma_wait3A_75 = tpu.memref_squeeze %dma_wait3A_74 : memref<1x16x128xi32, #tpu.memory_space<hbm>> -> memref<16x128xi32, #tpu.memory_space<hbm>>
      tpu.wait_dma2 semaphore(%arg19 : memref<!tpu.dma_semaphore, #tpu.memory_space<semaphore_mem>>) src(%dma_wait3A_75 : memref<16x128xi32, #tpu.memory_space<hbm>>) dst(%arg9 : memref<16x128xi32, #tpu.memory_space<vmem>>)
      %dma_wait3A_76 = arith.constant 0 : i32
      %dma_wait3A_77 = arith.constant 0 : i32
      %dma_wait3A_78 = tpu.memref_slice %arg4[%add3A_12, %dma_wait3A_76, %dma_wait3A_77] : memref<320x16x128xi32, #tpu.memory_space<hbm>> -> memref<1x16x128xi32, #tpu.memory_space<hbm>>
      %dma_wait3A_79 = tpu.memref_squeeze %dma_wait3A_78 : memref<1x16x128xi32, #tpu.memory_space<hbm>> -> memref<16x128xi32, #tpu.memory_space<hbm>>
      %dma_wait3A_80 = arith.constant 0 : i32
      %dma_wait3A_81 = arith.constant 0 : i32
      %dma_wait3A_82 = tpu.memref_slice %arg4[%add3A_12, %dma_wait3A_80, %dma_wait3A_81] : memref<320x16x128xi32, #tpu.memory_space<hbm>> -> memref<1x16x128xi32, #tpu.memory_space<hbm>>
      %dma_wait3A_83 = tpu.memref_squeeze %dma_wait3A_82 : memref<1x16x128xi32, #tpu.memory_space<hbm>> -> memref<16x128xi32, #tpu.memory_space<hbm>>
      tpu.wait_dma2 semaphore(%arg19 : memref<!tpu.dma_semaphore, #tpu.memory_space<semaphore_mem>>) src(%dma_wait3A_83 : memref<16x128xi32, #tpu.memory_space<hbm>>) dst(%arg10 : memref<16x128xi32, #tpu.memory_space<vmem>>)
      %dma_start3A_84 = arith.constant 0 : i32
      %dma_start3A_85 = arith.constant 0 : i32
      %dma_start3A_86 = arith.constant 0 : i32
      %dma_start3A_87 = arith.constant 0 : i32
      %dma_start3A_88 = tpu.memref_slice %arg8[%dma_start3A_85, %dma_start3A_86, %dma_start3A_87] : memref<6x128x16xf32, #tpu.memory_space<vmem>> -> memref<1x128x16xf32, #tpu.memory_space<vmem>>
      %dma_start3A_89 = tpu.memref_squeeze %dma_start3A_88 : memref<1x128x16xf32, #tpu.memory_space<vmem>> -> memref<128x16xf32, #tpu.memory_space<vmem>>
      %dma_start3A_90 = arith.constant 0 : i32
      %dma_start3A_91 = tpu.memref_slice %arg9[%dma_start3A_84, %dma_start3A_90] : memref<16x128xi32, #tpu.memory_space<vmem>> -> memref<1x128xi32, #tpu.memory_space<vmem>>
      %dma_start3A_92 = tpu.memref_squeeze %dma_start3A_91 : memref<1x128xi32, #tpu.memory_space<vmem>> -> memref<128xi32, #tpu.memory_space<vmem>>
      %dma_start3A_93 = arith.constant 0 : i32
      %dma_start3A_94 = arith.constant 0 : i32
      %dma_start3A_95 = tpu.memref_slice %arg2[%dma_start3A_93, %dma_start3A_94] : memref<10000x16xf32, #tpu.memory_space<hbm>> -> memref<10000x16xf32, #tpu.memory_space<hbm>>
      tpu.enqueue_indirect_dma source(%dma_start3A_95 : memref<10000x16xf32, #tpu.memory_space<hbm>>) target(%dma_start3A_89 : memref<128x16xf32, #tpu.memory_space<vmem>>) offsets(%dma_start3A_92 : memref<128xi32, #tpu.memory_space<vmem>>) semaphore(%arg13 : memref<!tpu.dma_semaphore, #tpu.memory_space<semaphore_mem>>)
      %dma_start3A_96 = arith.constant 1 : i32
      %dma_start3A_97 = arith.constant 1 : i32
      %dma_start3A_98 = arith.constant 0 : i32
      %dma_start3A_99 = arith.constant 0 : i32
      %dma_start3A_100 = tpu.memref_slice %arg8[%dma_start3A_97, %dma_start3A_98, %dma_start3A_99] : memref<6x128x16xf32, #tpu.memory_space<vmem>> -> memref<1x128x16xf32, #tpu.memory_space<vmem>>
      %dma_start3A_101 = tpu.memref_squeeze %dma_start3A_100 : memref<1x128x16xf32, #tpu.memory_space<vmem>> -> memref<128x16xf32, #tpu.memory_space<vmem>>
      %dma_start3A_102 = arith.constant 0 : i32
      %dma_start3A_103 = tpu.memref_slice %arg9[%dma_start3A_96, %dma_start3A_102] : memref<16x128xi32, #tpu.memory_space<vmem>> -> memref<1x128xi32, #tpu.memory_space<vmem>>
      %dma_start3A_104 = tpu.memref_squeeze %dma_start3A_103 : memref<1x128xi32, #tpu.memory_space<vmem>> -> memref<128xi32, #tpu.memory_space<vmem>>
      %dma_start3A_105 = arith.constant 0 : i32
      %dma_start3A_106 = arith.constant 0 : i32
      %dma_start3A_107 = tpu.memref_slice %arg2[%dma_start3A_105, %dma_start3A_106] : memref<10000x16xf32, #tpu.memory_space<hbm>> -> memref<10000x16xf32, #tpu.memory_space<hbm>>
      tpu.enqueue_indirect_dma source(%dma_start3A_107 : memref<10000x16xf32, #tpu.memory_space<hbm>>) target(%dma_start3A_101 : memref<128x16xf32, #tpu.memory_space<vmem>>) offsets(%dma_start3A_104 : memref<128xi32, #tpu.memory_space<vmem>>) semaphore(%arg14 : memref<!tpu.dma_semaphore, #tpu.memory_space<semaphore_mem>>)
      %dma_start3A_108 = arith.constant 2 : i32
      %dma_start3A_109 = arith.constant 2 : i32
      %dma_start3A_110 = arith.constant 0 : i32
      %dma_start3A_111 = arith.constant 0 : i32
      %dma_start3A_112 = tpu.memref_slice %arg8[%dma_start3A_109, %dma_start3A_110, %dma_start3A_111] : memref<6x128x16xf32, #tpu.memory_space<vmem>> -> memref<1x128x16xf32, #tpu.memory_space<vmem>>
      %dma_start3A_113 = tpu.memref_squeeze %dma_start3A_112 : memref<1x128x16xf32, #tpu.memory_space<vmem>> -> memref<128x16xf32, #tpu.memory_space<vmem>>
      %dma_start3A_114 = arith.constant 0 : i32
      %dma_start3A_115 = tpu.memref_slice %arg9[%dma_start3A_108, %dma_start3A_114] : memref<16x128xi32, #tpu.memory_space<vmem>> -> memref<1x128xi32, #tpu.memory_space<vmem>>
      %dma_start3A_116 = tpu.memref_squeeze %dma_start3A_115 : memref<1x128xi32, #tpu.memory_space<vmem>> -> memref<128xi32, #tpu.memory_space<vmem>>
      %dma_start3A_117 = arith.constant 0 : i32
      %dma_start3A_118 = arith.constant 0 : i32
      %dma_start3A_119 = tpu.memref_slice %arg2[%dma_start3A_117, %dma_start3A_118] : memref<10000x16xf32, #tpu.memory_space<hbm>> -> memref<10000x16xf32, #tpu.memory_space<hbm>>
      tpu.enqueue_indirect_dma source(%dma_start3A_119 : memref<10000x16xf32, #tpu.memory_space<hbm>>) target(%dma_start3A_113 : memref<128x16xf32, #tpu.memory_space<vmem>>) offsets(%dma_start3A_116 : memref<128xi32, #tpu.memory_space<vmem>>) semaphore(%arg15 : memref<!tpu.dma_semaphore, #tpu.memory_space<semaphore_mem>>)
      %dma_start3A_120 = arith.constant 3 : i32
      %dma_start3A_121 = arith.constant 3 : i32
      %dma_start3A_122 = arith.constant 0 : i32
      %dma_start3A_123 = arith.constant 0 : i32
      %dma_start3A_124 = tpu.memref_slice %arg8[%dma_start3A_121, %dma_start3A_122, %dma_start3A_123] : memref<6x128x16xf32, #tpu.memory_space<vmem>> -> memref<1x128x16xf32, #tpu.memory_space<vmem>>
      %dma_start3A_125 = tpu.memref_squeeze %dma_start3A_124 : memref<1x128x16xf32, #tpu.memory_space<vmem>> -> memref<128x16xf32, #tpu.memory_space<vmem>>
      %dma_start3A_126 = arith.constant 0 : i32
      %dma_start3A_127 = tpu.memref_slice %arg9[%dma_start3A_120, %dma_start3A_126] : memref<16x128xi32, #tpu.memory_space<vmem>> -> memref<1x128xi32, #tpu.memory_space<vmem>>
      %dma_start3A_128 = tpu.memref_squeeze %dma_start3A_127 : memref<1x128xi32, #tpu.memory_space<vmem>> -> memref<128xi32, #tpu.memory_space<vmem>>
      %dma_start3A_129 = arith.constant 0 : i32
      %dma_start3A_130 = arith.constant 0 : i32
      %dma_start3A_131 = tpu.memref_slice %arg2[%dma_start3A_129, %dma_start3A_130] : memref<10000x16xf32, #tpu.memory_space<hbm>> -> memref<10000x16xf32, #tpu.memory_space<hbm>>
      tpu.enqueue_indirect_dma source(%dma_start3A_131 : memref<10000x16xf32, #tpu.memory_space<hbm>>) target(%dma_start3A_125 : memref<128x16xf32, #tpu.memory_space<vmem>>) offsets(%dma_start3A_128 : memref<128xi32, #tpu.memory_space<vmem>>) semaphore(%arg16 : memref<!tpu.dma_semaphore, #tpu.memory_space<semaphore_mem>>)
      %dma_start3A_132 = arith.constant 4 : i32
      %dma_start3A_133 = arith.constant 4 : i32
      %dma_start3A_134 = arith.constant 0 : i32
      %dma_start3A_135 = arith.constant 0 : i32
      %dma_start3A_136 = tpu.memref_slice %arg8[%dma_start3A_133, %dma_start3A_134, %dma_start3A_135] : memref<6x128x16xf32, #tpu.memory_space<vmem>> -> memref<1x128x16xf32, #tpu.memory_space<vmem>>
      %dma_start3A_137 = tpu.memref_squeeze %dma_start3A_136 : memref<1x128x16xf32, #tpu.memory_space<vmem>> -> memref<128x16xf32, #tpu.memory_space<vmem>>
      %dma_start3A_138 = arith.constant 0 : i32
      %dma_start3A_139 = tpu.memref_slice %arg9[%dma_start3A_132, %dma_start3A_138] : memref<16x128xi32, #tpu.memory_space<vmem>> -> memref<1x128xi32, #tpu.memory_space<vmem>>
      %dma_start3A_140 = tpu.memref_squeeze %dma_start3A_139 : memref<1x128xi32, #tpu.memory_space<vmem>> -> memref<128xi32, #tpu.memory_space<vmem>>
      %dma_start3A_141 = arith.constant 0 : i32
      %dma_start3A_142 = arith.constant 0 : i32
      %dma_start3A_143 = tpu.memref_slice %arg2[%dma_start3A_141, %dma_start3A_142] : memref<10000x16xf32, #tpu.memory_space<hbm>> -> memref<10000x16xf32, #tpu.memory_space<hbm>>
      tpu.enqueue_indirect_dma source(%dma_start3A_143 : memref<10000x16xf32, #tpu.memory_space<hbm>>) target(%dma_start3A_137 : memref<128x16xf32, #tpu.memory_space<vmem>>) offsets(%dma_start3A_140 : memref<128xi32, #tpu.memory_space<vmem>>) semaphore(%arg17 : memref<!tpu.dma_semaphore, #tpu.memory_space<semaphore_mem>>)
      %dma_start3A_144 = arith.constant 5 : i32
      %dma_start3A_145 = arith.constant 5 : i32
      %dma_start3A_146 = arith.constant 0 : i32
      %dma_start3A_147 = arith.constant 0 : i32
      %dma_start3A_148 = tpu.memref_slice %arg8[%dma_start3A_145, %dma_start3A_146, %dma_start3A_147] : memref<6x128x16xf32, #tpu.memory_space<vmem>> -> memref<1x128x16xf32, #tpu.memory_space<vmem>>
      %dma_start3A_149 = tpu.memref_squeeze %dma_start3A_148 : memref<1x128x16xf32, #tpu.memory_space<vmem>> -> memref<128x16xf32, #tpu.memory_space<vmem>>
      %dma_start3A_150 = arith.constant 0 : i32
      %dma_start3A_151 = tpu.memref_slice %arg9[%dma_start3A_144, %dma_start3A_150] : memref<16x128xi32, #tpu.memory_space<vmem>> -> memref<1x128xi32, #tpu.memory_space<vmem>>
      %dma_start3A_152 = tpu.memref_squeeze %dma_start3A_151 : memref<1x128xi32, #tpu.memory_space<vmem>> -> memref<128xi32, #tpu.memory_space<vmem>>
      %dma_start3A_153 = arith.constant 0 : i32
      %dma_start3A_154 = arith.constant 0 : i32
      %dma_start3A_155 = tpu.memref_slice %arg2[%dma_start3A_153, %dma_start3A_154] : memref<10000x16xf32, #tpu.memory_space<hbm>> -> memref<10000x16xf32, #tpu.memory_space<hbm>>
      tpu.enqueue_indirect_dma source(%dma_start3A_155 : memref<10000x16xf32, #tpu.memory_space<hbm>>) target(%dma_start3A_149 : memref<128x16xf32, #tpu.memory_space<vmem>>) offsets(%dma_start3A_152 : memref<128xi32, #tpu.memory_space<vmem>>) semaphore(%arg18 : memref<!tpu.dma_semaphore, #tpu.memory_space<semaphore_mem>>)
      %dma_wait3A_156 = arith.constant 0 : i32
      %dma_wait3A_157 = arith.constant 0 : i32
      %dma_wait3A_158 = arith.constant 0 : i32
      %dma_wait3A_159 = arith.constant 0 : i32
      %dma_wait3A_160 = tpu.memref_slice %arg8[%dma_wait3A_157, %dma_wait3A_158, %dma_wait3A_159] : memref<6x128x16xf32, #tpu.memory_space<vmem>> -> memref<1x128x16xf32, #tpu.memory_space<vmem>>
      %dma_wait3A_161 = tpu.memref_squeeze %dma_wait3A_160 : memref<1x128x16xf32, #tpu.memory_space<vmem>> -> memref<128x16xf32, #tpu.memory_space<vmem>>
      %dma_wait3A_162 = arith.constant 0 : i32
      %dma_wait3A_163 = tpu.memref_slice %arg9[%dma_wait3A_156, %dma_wait3A_162] : memref<16x128xi32, #tpu.memory_space<vmem>> -> memref<1x128xi32, #tpu.memory_space<vmem>>
      %dma_wait3A_164 = tpu.memref_squeeze %dma_wait3A_163 : memref<1x128xi32, #tpu.memory_space<vmem>> -> memref<128xi32, #tpu.memory_space<vmem>>
      %dma_wait3A_165 = arith.constant 0 : i32
      %dma_wait3A_166 = arith.constant 0 : i32
      %dma_wait3A_167 = tpu.memref_slice %arg2[%dma_wait3A_165, %dma_wait3A_166] : memref<10000x16xf32, #tpu.memory_space<hbm>> -> memref<10000x16xf32, #tpu.memory_space<hbm>>
      tpu.wait_indirect_dma semaphore(%arg13 : memref<!tpu.dma_semaphore, #tpu.memory_space<semaphore_mem>>) src(%dma_wait3A_167 : memref<10000x16xf32, #tpu.memory_space<hbm>>) dst(%dma_wait3A_161 : memref<128x16xf32, #tpu.memory_space<vmem>>)
      %dma_start3A_168 = arith.constant 6 : i32
      %dma_start3A_169 = arith.constant 0 : i32
      %dma_start3A_170 = arith.constant 0 : i32
      %dma_start3A_171 = arith.constant 0 : i32
      %dma_start3A_172 = tpu.memref_slice %arg8[%dma_start3A_169, %dma_start3A_170, %dma_start3A_171] : memref<6x128x16xf32, #tpu.memory_space<vmem>> -> memref<1x128x16xf32, #tpu.memory_space<vmem>>
      %dma_start3A_173 = tpu.memref_squeeze %dma_start3A_172 : memref<1x128x16xf32, #tpu.memory_space<vmem>> -> memref<128x16xf32, #tpu.memory_space<vmem>>
      %dma_start3A_174 = arith.constant 0 : i32
      %dma_start3A_175 = tpu.memref_slice %arg9[%dma_start3A_168, %dma_start3A_174] : memref<16x128xi32, #tpu.memory_space<vmem>> -> memref<1x128xi32, #tpu.memory_space<vmem>>
      %dma_start3A_176 = tpu.memref_squeeze %dma_start3A_175 : memref<1x128xi32, #tpu.memory_space<vmem>> -> memref<128xi32, #tpu.memory_space<vmem>>
      %dma_start3A_177 = arith.constant 0 : i32
      %dma_start3A_178 = arith.constant 0 : i32
      %dma_start3A_179 = tpu.memref_slice %arg2[%dma_start3A_177, %dma_start3A_178] : memref<10000x16xf32, #tpu.memory_space<hbm>> -> memref<10000x16xf32, #tpu.memory_space<hbm>>
      tpu.enqueue_indirect_dma source(%dma_start3A_179 : memref<10000x16xf32, #tpu.memory_space<hbm>>) target(%dma_start3A_173 : memref<128x16xf32, #tpu.memory_space<vmem>>) offsets(%dma_start3A_176 : memref<128xi32, #tpu.memory_space<vmem>>) semaphore(%arg13 : memref<!tpu.dma_semaphore, #tpu.memory_space<semaphore_mem>>)
      %run_scoped3A = arith.constant 0 : i32
      %run_scoped3A_180 = arith.constant 0 : i32
      "tpu.region"() ({
        %run_scoped3A_943 = tpu.sem_alloc : memref<!tpu.dma_semaphore, #tpu.memory_space<semaphore_mem>>
        %dma_start3A_944 = arith.constant 0 : i32
        %dma_start3A_945 = arith.constant 0 : i32
        %dma_start3A_946 = tpu.memref_slice %arg8[%run_scoped3A, %dma_start3A_944, %dma_start3A_945] : memref<6x128x16xf32, #tpu.memory_space<vmem>> -> memref<1x128x16xf32, #tpu.memory_space<vmem>>
        %dma_start3A_947 = tpu.memref_squeeze %dma_start3A_946 : memref<1x128x16xf32, #tpu.memory_space<vmem>> -> memref<128x16xf32, #tpu.memory_space<vmem>>
        %dma_start3A_948 = arith.constant 0 : i32
        %dma_start3A_949 = tpu.memref_slice %arg10[%run_scoped3A_180, %dma_start3A_948] : memref<16x128xi32, #tpu.memory_space<vmem>> -> memref<1x128xi32, #tpu.memory_space<vmem>>
        %dma_start3A_950 = tpu.memref_squeeze %dma_start3A_949 : memref<1x128xi32, #tpu.memory_space<vmem>> -> memref<128xi32, #tpu.memory_space<vmem>>
        %dma_start3A_951 = arith.constant 0 : i32
        %dma_start3A_952 = arith.constant 0 : i32
        %dma_start3A_953 = tpu.memref_slice %arg7[%dma_start3A_951, %dma_start3A_952] : memref<10112x16xf32, #tpu.memory_space<vmem_shared>> -> memref<10112x16xf32, #tpu.memory_space<vmem_shared>>
        tpu.enqueue_indirect_dma source(%dma_start3A_947 : memref<128x16xf32, #tpu.memory_space<vmem>>) target(%dma_start3A_953 : memref<10112x16xf32, #tpu.memory_space<vmem_shared>>) offsets(%dma_start3A_950 : memref<128xi32, #tpu.memory_space<vmem>>) semaphore(%run_scoped3A_943 : memref<!tpu.dma_semaphore, #tpu.memory_space<semaphore_mem>>) {add = true}
        %dma_wait3A_954 = arith.constant 0 : i32
        %dma_wait3A_955 = arith.constant 0 : i32
        %dma_wait3A_956 = tpu.memref_slice %arg8[%run_scoped3A, %dma_wait3A_954, %dma_wait3A_955] : memref<6x128x16xf32, #tpu.memory_space<vmem>> -> memref<1x128x16xf32, #tpu.memory_space<vmem>>
        %dma_wait3A_957 = tpu.memref_squeeze %dma_wait3A_956 : memref<1x128x16xf32, #tpu.memory_space<vmem>> -> memref<128x16xf32, #tpu.memory_space<vmem>>
        %dma_wait3A_958 = arith.constant 0 : i32
        %dma_wait3A_959 = tpu.memref_slice %arg10[%run_scoped3A_180, %dma_wait3A_958] : memref<16x128xi32, #tpu.memory_space<vmem>> -> memref<1x128xi32, #tpu.memory_space<vmem>>
        %dma_wait3A_960 = tpu.memref_squeeze %dma_wait3A_959 : memref<1x128xi32, #tpu.memory_space<vmem>> -> memref<128xi32, #tpu.memory_space<vmem>>
        %dma_wait3A_961 = arith.constant 0 : i32
        %dma_wait3A_962 = arith.constant 0 : i32
        %dma_wait3A_963 = tpu.memref_slice %arg7[%dma_wait3A_961, %dma_wait3A_962] : memref<10112x16xf32, #tpu.memory_space<vmem_shared>> -> memref<10112x16xf32, #tpu.memory_space<vmem_shared>>
        tpu.wait_indirect_dma semaphore(%run_scoped3A_943 : memref<!tpu.dma_semaphore, #tpu.memory_space<semaphore_mem>>) src(%dma_wait3A_957 : memref<128x16xf32, #tpu.memory_space<vmem>>) dst(%dma_wait3A_963 : memref<10112x16xf32, #tpu.memory_space<vmem_shared>>)
        tpu.yield
      }) : () -> ()
      %dma_wait3A_181 = arith.constant 1 : i32
      %dma_wait3A_182 = arith.constant 1 : i32
      %dma_wait3A_183 = arith.constant 0 : i32
      %dma_wait3A_184 = arith.constant 0 : i32
      %dma_wait3A_185 = tpu.memref_slice %arg8[%dma_wait3A_182, %dma_wait3A_183, %dma_wait3A_184] : memref<6x128x16xf32, #tpu.memory_space<vmem>> -> memref<1x128x16xf32, #tpu.memory_space<vmem>>
      %dma_wait3A_186 = tpu.memref_squeeze %dma_wait3A_185 : memref<1x128x16xf32, #tpu.memory_space<vmem>> -> memref<128x16xf32, #tpu.memory_space<vmem>>
      %dma_wait3A_187 = arith.constant 0 : i32
      %dma_wait3A_188 = tpu.memref_slice %arg9[%dma_wait3A_181, %dma_wait3A_187] : memref<16x128xi32, #tpu.memory_space<vmem>> -> memref<1x128xi32, #tpu.memory_space<vmem>>
      %dma_wait3A_189 = tpu.memref_squeeze %dma_wait3A_188 : memref<1x128xi32, #tpu.memory_space<vmem>> -> memref<128xi32, #tpu.memory_space<vmem>>
      %dma_wait3A_190 = arith.constant 0 : i32
      %dma_wait3A_191 = arith.constant 0 : i32
      %dma_wait3A_192 = tpu.memref_slice %arg2[%dma_wait3A_190, %dma_wait3A_191] : memref<10000x16xf32, #tpu.memory_space<hbm>> -> memref<10000x16xf32, #tpu.memory_space<hbm>>
      tpu.wait_indirect_dma semaphore(%arg14 : memref<!tpu.dma_semaphore, #tpu.memory_space<semaphore_mem>>) src(%dma_wait3A_192 : memref<10000x16xf32, #tpu.memory_space<hbm>>) dst(%dma_wait3A_186 : memref<128x16xf32, #tpu.memory_space<vmem>>)
      %dma_start3A_193 = arith.constant 7 : i32
      %dma_start3A_194 = arith.constant 1 : i32
      %dma_start3A_195 = arith.constant 0 : i32
      %dma_start3A_196 = arith.constant 0 : i32
      %dma_start3A_197 = tpu.memref_slice %arg8[%dma_start3A_194, %dma_start3A_195, %dma_start3A_196] : memref<6x128x16xf32, #tpu.memory_space<vmem>> -> memref<1x128x16xf32, #tpu.memory_space<vmem>>
      %dma_start3A_198 = tpu.memref_squeeze %dma_start3A_197 : memref<1x128x16xf32, #tpu.memory_space<vmem>> -> memref<128x16xf32, #tpu.memory_space<vmem>>
      %dma_start3A_199 = arith.constant 0 : i32
      %dma_start3A_200 = tpu.memref_slice %arg9[%dma_start3A_193, %dma_start3A_199] : memref<16x128xi32, #tpu.memory_space<vmem>> -> memref<1x128xi32, #tpu.memory_space<vmem>>
      %dma_start3A_201 = tpu.memref_squeeze %dma_start3A_200 : memref<1x128xi32, #tpu.memory_space<vmem>> -> memref<128xi32, #tpu.memory_space<vmem>>
      %dma_start3A_202 = arith.constant 0 : i32
      %dma_start3A_203 = arith.constant 0 : i32
      %dma_start3A_204 = tpu.memref_slice %arg2[%dma_start3A_202, %dma_start3A_203] : memref<10000x16xf32, #tpu.memory_space<hbm>> -> memref<10000x16xf32, #tpu.memory_space<hbm>>
      tpu.enqueue_indirect_dma source(%dma_start3A_204 : memref<10000x16xf32, #tpu.memory_space<hbm>>) target(%dma_start3A_198 : memref<128x16xf32, #tpu.memory_space<vmem>>) offsets(%dma_start3A_201 : memref<128xi32, #tpu.memory_space<vmem>>) semaphore(%arg14 : memref<!tpu.dma_semaphore, #tpu.memory_space<semaphore_mem>>)
      %run_scoped3A_205 = arith.constant 1 : i32
      %run_scoped3A_206 = arith.constant 1 : i32
      "tpu.region"() ({
        %run_scoped3A_943 = tpu.sem_alloc : memref<!tpu.dma_semaphore, #tpu.memory_space<semaphore_mem>>
        %dma_start3A_944 = arith.constant 0 : i32
        %dma_start3A_945 = arith.constant 0 : i32
        %dma_start3A_946 = tpu.memref_slice %arg8[%run_scoped3A_205, %dma_start3A_944, %dma_start3A_945] : memref<6x128x16xf32, #tpu.memory_space<vmem>> -> memref<1x128x16xf32, #tpu.memory_space<vmem>>
        %dma_start3A_947 = tpu.memref_squeeze %dma_start3A_946 : memref<1x128x16xf32, #tpu.memory_space<vmem>> -> memref<128x16xf32, #tpu.memory_space<vmem>>
        %dma_start3A_948 = arith.constant 0 : i32
        %dma_start3A_949 = tpu.memref_slice %arg10[%run_scoped3A_206, %dma_start3A_948] : memref<16x128xi32, #tpu.memory_space<vmem>> -> memref<1x128xi32, #tpu.memory_space<vmem>>
        %dma_start3A_950 = tpu.memref_squeeze %dma_start3A_949 : memref<1x128xi32, #tpu.memory_space<vmem>> -> memref<128xi32, #tpu.memory_space<vmem>>
        %dma_start3A_951 = arith.constant 0 : i32
        %dma_start3A_952 = arith.constant 0 : i32
        %dma_start3A_953 = tpu.memref_slice %arg7[%dma_start3A_951, %dma_start3A_952] : memref<10112x16xf32, #tpu.memory_space<vmem_shared>> -> memref<10112x16xf32, #tpu.memory_space<vmem_shared>>
        tpu.enqueue_indirect_dma source(%dma_start3A_947 : memref<128x16xf32, #tpu.memory_space<vmem>>) target(%dma_start3A_953 : memref<10112x16xf32, #tpu.memory_space<vmem_shared>>) offsets(%dma_start3A_950 : memref<128xi32, #tpu.memory_space<vmem>>) semaphore(%run_scoped3A_943 : memref<!tpu.dma_semaphore, #tpu.memory_space<semaphore_mem>>) {add = true}
        %dma_wait3A_954 = arith.constant 0 : i32
        %dma_wait3A_955 = arith.constant 0 : i32
        %dma_wait3A_956 = tpu.memref_slice %arg8[%run_scoped3A_205, %dma_wait3A_954, %dma_wait3A_955] : memref<6x128x16xf32, #tpu.memory_space<vmem>> -> memref<1x128x16xf32, #tpu.memory_space<vmem>>
        %dma_wait3A_957 = tpu.memref_squeeze %dma_wait3A_956 : memref<1x128x16xf32, #tpu.memory_space<vmem>> -> memref<128x16xf32, #tpu.memory_space<vmem>>
        %dma_wait3A_958 = arith.constant 0 : i32
        %dma_wait3A_959 = tpu.memref_slice %arg10[%run_scoped3A_206, %dma_wait3A_958] : memref<16x128xi32, #tpu.memory_space<vmem>> -> memref<1x128xi32, #tpu.memory_space<vmem>>
        %dma_wait3A_960 = tpu.memref_squeeze %dma_wait3A_959 : memref<1x128xi32, #tpu.memory_space<vmem>> -> memref<128xi32, #tpu.memory_space<vmem>>
        %dma_wait3A_961 = arith.constant 0 : i32
        %dma_wait3A_962 = arith.constant 0 : i32
        %dma_wait3A_963 = tpu.memref_slice %arg7[%dma_wait3A_961, %dma_wait3A_962] : memref<10112x16xf32, #tpu.memory_space<vmem_shared>> -> memref<10112x16xf32, #tpu.memory_space<vmem_shared>>
        tpu.wait_indirect_dma semaphore(%run_scoped3A_943 : memref<!tpu.dma_semaphore, #tpu.memory_space<semaphore_mem>>) src(%dma_wait3A_957 : memref<128x16xf32, #tpu.memory_space<vmem>>) dst(%dma_wait3A_963 : memref<10112x16xf32, #tpu.memory_space<vmem_shared>>)
        tpu.yield
      }) : () -> ()
      %dma_wait3A_207 = arith.constant 2 : i32
      %dma_wait3A_208 = arith.constant 2 : i32
      %dma_wait3A_209 = arith.constant 0 : i32
      %dma_wait3A_210 = arith.constant 0 : i32
      %dma_wait3A_211 = tpu.memref_slice %arg8[%dma_wait3A_208, %dma_wait3A_209, %dma_wait3A_210] : memref<6x128x16xf32, #tpu.memory_space<vmem>> -> memref<1x128x16xf32, #tpu.memory_space<vmem>>
      %dma_wait3A_212 = tpu.memref_squeeze %dma_wait3A_211 : memref<1x128x16xf32, #tpu.memory_space<vmem>> -> memref<128x16xf32, #tpu.memory_space<vmem>>
      %dma_wait3A_213 = arith.constant 0 : i32
      %dma_wait3A_214 = tpu.memref_slice %arg9[%dma_wait3A_207, %dma_wait3A_213] : memref<16x128xi32, #tpu.memory_space<vmem>> -> memref<1x128xi32, #tpu.memory_space<vmem>>
      %dma_wait3A_215 = tpu.memref_squeeze %dma_wait3A_214 : memref<1x128xi32, #tpu.memory_space<vmem>> -> memref<128xi32, #tpu.memory_space<vmem>>
      %dma_wait3A_216 = arith.constant 0 : i32
      %dma_wait3A_217 = arith.constant 0 : i32
      %dma_wait3A_218 = tpu.memref_slice %arg2[%dma_wait3A_216, %dma_wait3A_217] : memref<10000x16xf32, #tpu.memory_space<hbm>> -> memref<10000x16xf32, #tpu.memory_space<hbm>>
      tpu.wait_indirect_dma semaphore(%arg15 : memref<!tpu.dma_semaphore, #tpu.memory_space<semaphore_mem>>) src(%dma_wait3A_218 : memref<10000x16xf32, #tpu.memory_space<hbm>>) dst(%dma_wait3A_212 : memref<128x16xf32, #tpu.memory_space<vmem>>)
      %dma_start3A_219 = arith.constant 8 : i32
      %dma_start3A_220 = arith.constant 2 : i32
      %dma_start3A_221 = arith.constant 0 : i32
      %dma_start3A_222 = arith.constant 0 : i32
      %dma_start3A_223 = tpu.memref_slice %arg8[%dma_start3A_220, %dma_start3A_221, %dma_start3A_222] : memref<6x128x16xf32, #tpu.memory_space<vmem>> -> memref<1x128x16xf32, #tpu.memory_space<vmem>>
      %dma_start3A_224 = tpu.memref_squeeze %dma_start3A_223 : memref<1x128x16xf32, #tpu.memory_space<vmem>> -> memref<128x16xf32, #tpu.memory_space<vmem>>
      %dma_start3A_225 = arith.constant 0 : i32
      %dma_start3A_226 = tpu.memref_slice %arg9[%dma_start3A_219, %dma_start3A_225] : memref<16x128xi32, #tpu.memory_space<vmem>> -> memref<1x128xi32, #tpu.memory_space<vmem>>
      %dma_start3A_227 = tpu.memref_squeeze %dma_start3A_226 : memref<1x128xi32, #tpu.memory_space<vmem>> -> memref<128xi32, #tpu.memory_space<vmem>>
      %dma_start3A_228 = arith.constant 0 : i32
      %dma_start3A_229 = arith.constant 0 : i32
      %dma_start3A_230 = tpu.memref_slice %arg2[%dma_start3A_228, %dma_start3A_229] : memref<10000x16xf32, #tpu.memory_space<hbm>> -> memref<10000x16xf32, #tpu.memory_space<hbm>>
      tpu.enqueue_indirect_dma source(%dma_start3A_230 : memref<10000x16xf32, #tpu.memory_space<hbm>>) target(%dma_start3A_224 : memref<128x16xf32, #tpu.memory_space<vmem>>) offsets(%dma_start3A_227 : memref<128xi32, #tpu.memory_space<vmem>>) semaphore(%arg15 : memref<!tpu.dma_semaphore, #tpu.memory_space<semaphore_mem>>)
      %run_scoped3A_231 = arith.constant 2 : i32
      %run_scoped3A_232 = arith.constant 2 : i32
      "tpu.region"() ({
        %run_scoped3A_943 = tpu.sem_alloc : memref<!tpu.dma_semaphore, #tpu.memory_space<semaphore_mem>>
        %dma_start3A_944 = arith.constant 0 : i32
        %dma_start3A_945 = arith.constant 0 : i32
        %dma_start3A_946 = tpu.memref_slice %arg8[%run_scoped3A_231, %dma_start3A_944, %dma_start3A_945] : memref<6x128x16xf32, #tpu.memory_space<vmem>> -> memref<1x128x16xf32, #tpu.memory_space<vmem>>
        %dma_start3A_947 = tpu.memref_squeeze %dma_start3A_946 : memref<1x128x16xf32, #tpu.memory_space<vmem>> -> memref<128x16xf32, #tpu.memory_space<vmem>>
        %dma_start3A_948 = arith.constant 0 : i32
        %dma_start3A_949 = tpu.memref_slice %arg10[%run_scoped3A_232, %dma_start3A_948] : memref<16x128xi32, #tpu.memory_space<vmem>> -> memref<1x128xi32, #tpu.memory_space<vmem>>
        %dma_start3A_950 = tpu.memref_squeeze %dma_start3A_949 : memref<1x128xi32, #tpu.memory_space<vmem>> -> memref<128xi32, #tpu.memory_space<vmem>>
        %dma_start3A_951 = arith.constant 0 : i32
        %dma_start3A_952 = arith.constant 0 : i32
        %dma_start3A_953 = tpu.memref_slice %arg7[%dma_start3A_951, %dma_start3A_952] : memref<10112x16xf32, #tpu.memory_space<vmem_shared>> -> memref<10112x16xf32, #tpu.memory_space<vmem_shared>>
        tpu.enqueue_indirect_dma source(%dma_start3A_947 : memref<128x16xf32, #tpu.memory_space<vmem>>) target(%dma_start3A_953 : memref<10112x16xf32, #tpu.memory_space<vmem_shared>>) offsets(%dma_start3A_950 : memref<128xi32, #tpu.memory_space<vmem>>) semaphore(%run_scoped3A_943 : memref<!tpu.dma_semaphore, #tpu.memory_space<semaphore_mem>>) {add = true}
        %dma_wait3A_954 = arith.constant 0 : i32
        %dma_wait3A_955 = arith.constant 0 : i32
        %dma_wait3A_956 = tpu.memref_slice %arg8[%run_scoped3A_231, %dma_wait3A_954, %dma_wait3A_955] : memref<6x128x16xf32, #tpu.memory_space<vmem>> -> memref<1x128x16xf32, #tpu.memory_space<vmem>>
        %dma_wait3A_957 = tpu.memref_squeeze %dma_wait3A_956 : memref<1x128x16xf32, #tpu.memory_space<vmem>> -> memref<128x16xf32, #tpu.memory_space<vmem>>
        %dma_wait3A_958 = arith.constant 0 : i32
        %dma_wait3A_959 = tpu.memref_slice %arg10[%run_scoped3A_232, %dma_wait3A_958] : memref<16x128xi32, #tpu.memory_space<vmem>> -> memref<1x128xi32, #tpu.memory_space<vmem>>
        %dma_wait3A_960 = tpu.memref_squeeze %dma_wait3A_959 : memref<1x128xi32, #tpu.memory_space<vmem>> -> memref<128xi32, #tpu.memory_space<vmem>>
        %dma_wait3A_961 = arith.constant 0 : i32
        %dma_wait3A_962 = arith.constant 0 : i32
        %dma_wait3A_963 = tpu.memref_slice %arg7[%dma_wait3A_961, %dma_wait3A_962] : memref<10112x16xf32, #tpu.memory_space<vmem_shared>> -> memref<10112x16xf32, #tpu.memory_space<vmem_shared>>
        tpu.wait_indirect_dma semaphore(%run_scoped3A_943 : memref<!tpu.dma_semaphore, #tpu.memory_space<semaphore_mem>>) src(%dma_wait3A_957 : memref<128x16xf32, #tpu.memory_space<vmem>>) dst(%dma_wait3A_963 : memref<10112x16xf32, #tpu.memory_space<vmem_shared>>)
        tpu.yield
      }) : () -> ()
      %dma_wait3A_233 = arith.constant 3 : i32
      %dma_wait3A_234 = arith.constant 3 : i32
      %dma_wait3A_235 = arith.constant 0 : i32
      %dma_wait3A_236 = arith.constant 0 : i32
      %dma_wait3A_237 = tpu.memref_slice %arg8[%dma_wait3A_234, %dma_wait3A_235, %dma_wait3A_236] : memref<6x128x16xf32, #tpu.memory_space<vmem>> -> memref<1x128x16xf32, #tpu.memory_space<vmem>>
      %dma_wait3A_238 = tpu.memref_squeeze %dma_wait3A_237 : memref<1x128x16xf32, #tpu.memory_space<vmem>> -> memref<128x16xf32, #tpu.memory_space<vmem>>
      %dma_wait3A_239 = arith.constant 0 : i32
      %dma_wait3A_240 = tpu.memref_slice %arg9[%dma_wait3A_233, %dma_wait3A_239] : memref<16x128xi32, #tpu.memory_space<vmem>> -> memref<1x128xi32, #tpu.memory_space<vmem>>
      %dma_wait3A_241 = tpu.memref_squeeze %dma_wait3A_240 : memref<1x128xi32, #tpu.memory_space<vmem>> -> memref<128xi32, #tpu.memory_space<vmem>>
      %dma_wait3A_242 = arith.constant 0 : i32
      %dma_wait3A_243 = arith.constant 0 : i32
      %dma_wait3A_244 = tpu.memref_slice %arg2[%dma_wait3A_242, %dma_wait3A_243] : memref<10000x16xf32, #tpu.memory_space<hbm>> -> memref<10000x16xf32, #tpu.memory_space<hbm>>
      tpu.wait_indirect_dma semaphore(%arg16 : memref<!tpu.dma_semaphore, #tpu.memory_space<semaphore_mem>>) src(%dma_wait3A_244 : memref<10000x16xf32, #tpu.memory_space<hbm>>) dst(%dma_wait3A_238 : memref<128x16xf32, #tpu.memory_space<vmem>>)
      %dma_start3A_245 = arith.constant 9 : i32
      %dma_start3A_246 = arith.constant 3 : i32
      %dma_start3A_247 = arith.constant 0 : i32
      %dma_start3A_248 = arith.constant 0 : i32
      %dma_start3A_249 = tpu.memref_slice %arg8[%dma_start3A_246, %dma_start3A_247, %dma_start3A_248] : memref<6x128x16xf32, #tpu.memory_space<vmem>> -> memref<1x128x16xf32, #tpu.memory_space<vmem>>
      %dma_start3A_250 = tpu.memref_squeeze %dma_start3A_249 : memref<1x128x16xf32, #tpu.memory_space<vmem>> -> memref<128x16xf32, #tpu.memory_space<vmem>>
      %dma_start3A_251 = arith.constant 0 : i32
      %dma_start3A_252 = tpu.memref_slice %arg9[%dma_start3A_245, %dma_start3A_251] : memref<16x128xi32, #tpu.memory_space<vmem>> -> memref<1x128xi32, #tpu.memory_space<vmem>>
      %dma_start3A_253 = tpu.memref_squeeze %dma_start3A_252 : memref<1x128xi32, #tpu.memory_space<vmem>> -> memref<128xi32, #tpu.memory_space<vmem>>
      %dma_start3A_254 = arith.constant 0 : i32
      %dma_start3A_255 = arith.constant 0 : i32
      %dma_start3A_256 = tpu.memref_slice %arg2[%dma_start3A_254, %dma_start3A_255] : memref<10000x16xf32, #tpu.memory_space<hbm>> -> memref<10000x16xf32, #tpu.memory_space<hbm>>
      tpu.enqueue_indirect_dma source(%dma_start3A_256 : memref<10000x16xf32, #tpu.memory_space<hbm>>) target(%dma_start3A_250 : memref<128x16xf32, #tpu.memory_space<vmem>>) offsets(%dma_start3A_253 : memref<128xi32, #tpu.memory_space<vmem>>) semaphore(%arg16 : memref<!tpu.dma_semaphore, #tpu.memory_space<semaphore_mem>>)
      %run_scoped3A_257 = arith.constant 3 : i32
      %run_scoped3A_258 = arith.constant 3 : i32
      "tpu.region"() ({
        %run_scoped3A_943 = tpu.sem_alloc : memref<!tpu.dma_semaphore, #tpu.memory_space<semaphore_mem>>
        %dma_start3A_944 = arith.constant 0 : i32
        %dma_start3A_945 = arith.constant 0 : i32
        %dma_start3A_946 = tpu.memref_slice %arg8[%run_scoped3A_257, %dma_start3A_944, %dma_start3A_945] : memref<6x128x16xf32, #tpu.memory_space<vmem>> -> memref<1x128x16xf32, #tpu.memory_space<vmem>>
        %dma_start3A_947 = tpu.memref_squeeze %dma_start3A_946 : memref<1x128x16xf32, #tpu.memory_space<vmem>> -> memref<128x16xf32, #tpu.memory_space<vmem>>
        %dma_start3A_948 = arith.constant 0 : i32
        %dma_start3A_949 = tpu.memref_slice %arg10[%run_scoped3A_258, %dma_start3A_948] : memref<16x128xi32, #tpu.memory_space<vmem>> -> memref<1x128xi32, #tpu.memory_space<vmem>>
        %dma_start3A_950 = tpu.memref_squeeze %dma_start3A_949 : memref<1x128xi32, #tpu.memory_space<vmem>> -> memref<128xi32, #tpu.memory_space<vmem>>
        %dma_start3A_951 = arith.constant 0 : i32
        %dma_start3A_952 = arith.constant 0 : i32
        %dma_start3A_953 = tpu.memref_slice %arg7[%dma_start3A_951, %dma_start3A_952] : memref<10112x16xf32, #tpu.memory_space<vmem_shared>> -> memref<10112x16xf32, #tpu.memory_space<vmem_shared>>
        tpu.enqueue_indirect_dma source(%dma_start3A_947 : memref<128x16xf32, #tpu.memory_space<vmem>>) target(%dma_start3A_953 : memref<10112x16xf32, #tpu.memory_space<vmem_shared>>) offsets(%dma_start3A_950 : memref<128xi32, #tpu.memory_space<vmem>>) semaphore(%run_scoped3A_943 : memref<!tpu.dma_semaphore, #tpu.memory_space<semaphore_mem>>) {add = true}
        %dma_wait3A_954 = arith.constant 0 : i32
        %dma_wait3A_955 = arith.constant 0 : i32
        %dma_wait3A_956 = tpu.memref_slice %arg8[%run_scoped3A_257, %dma_wait3A_954, %dma_wait3A_955] : memref<6x128x16xf32, #tpu.memory_space<vmem>> -> memref<1x128x16xf32, #tpu.memory_space<vmem>>
        %dma_wait3A_957 = tpu.memref_squeeze %dma_wait3A_956 : memref<1x128x16xf32, #tpu.memory_space<vmem>> -> memref<128x16xf32, #tpu.memory_space<vmem>>
        %dma_wait3A_958 = arith.constant 0 : i32
        %dma_wait3A_959 = tpu.memref_slice %arg10[%run_scoped3A_258, %dma_wait3A_958] : memref<16x128xi32, #tpu.memory_space<vmem>> -> memref<1x128xi32, #tpu.memory_space<vmem>>
        %dma_wait3A_960 = tpu.memref_squeeze %dma_wait3A_959 : memref<1x128xi32, #tpu.memory_space<vmem>> -> memref<128xi32, #tpu.memory_space<vmem>>
        %dma_wait3A_961 = arith.constant 0 : i32
        %dma_wait3A_962 = arith.constant 0 : i32
        %dma_wait3A_963 = tpu.memref_slice %arg7[%dma_wait3A_961, %dma_wait3A_962] : memref<10112x16xf32, #tpu.memory_space<vmem_shared>> -> memref<10112x16xf32, #tpu.memory_space<vmem_shared>>
        tpu.wait_indirect_dma semaphore(%run_scoped3A_943 : memref<!tpu.dma_semaphore, #tpu.memory_space<semaphore_mem>>) src(%dma_wait3A_957 : memref<128x16xf32, #tpu.memory_space<vmem>>) dst(%dma_wait3A_963 : memref<10112x16xf32, #tpu.memory_space<vmem_shared>>)
        tpu.yield
      }) : () -> ()
      %dma_wait3A_259 = arith.constant 4 : i32
      %dma_wait3A_260 = arith.constant 4 : i32
      %dma_wait3A_261 = arith.constant 0 : i32
      %dma_wait3A_262 = arith.constant 0 : i32
      %dma_wait3A_263 = tpu.memref_slice %arg8[%dma_wait3A_260, %dma_wait3A_261, %dma_wait3A_262] : memref<6x128x16xf32, #tpu.memory_space<vmem>> -> memref<1x128x16xf32, #tpu.memory_space<vmem>>
      %dma_wait3A_264 = tpu.memref_squeeze %dma_wait3A_263 : memref<1x128x16xf32, #tpu.memory_space<vmem>> -> memref<128x16xf32, #tpu.memory_space<vmem>>
      %dma_wait3A_265 = arith.constant 0 : i32
      %dma_wait3A_266 = tpu.memref_slice %arg9[%dma_wait3A_259, %dma_wait3A_265] : memref<16x128xi32, #tpu.memory_space<vmem>> -> memref<1x128xi32, #tpu.memory_space<vmem>>
      %dma_wait3A_267 = tpu.memref_squeeze %dma_wait3A_266 : memref<1x128xi32, #tpu.memory_space<vmem>> -> memref<128xi32, #tpu.memory_space<vmem>>
      %dma_wait3A_268 = arith.constant 0 : i32
      %dma_wait3A_269 = arith.constant 0 : i32
      %dma_wait3A_270 = tpu.memref_slice %arg2[%dma_wait3A_268, %dma_wait3A_269] : memref<10000x16xf32, #tpu.memory_space<hbm>> -> memref<10000x16xf32, #tpu.memory_space<hbm>>
      tpu.wait_indirect_dma semaphore(%arg17 : memref<!tpu.dma_semaphore, #tpu.memory_space<semaphore_mem>>) src(%dma_wait3A_270 : memref<10000x16xf32, #tpu.memory_space<hbm>>) dst(%dma_wait3A_264 : memref<128x16xf32, #tpu.memory_space<vmem>>)
      %dma_start3A_271 = arith.constant 10 : i32
      %dma_start3A_272 = arith.constant 4 : i32
      %dma_start3A_273 = arith.constant 0 : i32
      %dma_start3A_274 = arith.constant 0 : i32
      %dma_start3A_275 = tpu.memref_slice %arg8[%dma_start3A_272, %dma_start3A_273, %dma_start3A_274] : memref<6x128x16xf32, #tpu.memory_space<vmem>> -> memref<1x128x16xf32, #tpu.memory_space<vmem>>
      %dma_start3A_276 = tpu.memref_squeeze %dma_start3A_275 : memref<1x128x16xf32, #tpu.memory_space<vmem>> -> memref<128x16xf32, #tpu.memory_space<vmem>>
      %dma_start3A_277 = arith.constant 0 : i32
      %dma_start3A_278 = tpu.memref_slice %arg9[%dma_start3A_271, %dma_start3A_277] : memref<16x128xi32, #tpu.memory_space<vmem>> -> memref<1x128xi32, #tpu.memory_space<vmem>>
      %dma_start3A_279 = tpu.memref_squeeze %dma_start3A_278 : memref<1x128xi32, #tpu.memory_space<vmem>> -> memref<128xi32, #tpu.memory_space<vmem>>
      %dma_start3A_280 = arith.constant 0 : i32
      %dma_start3A_281 = arith.constant 0 : i32
      %dma_start3A_282 = tpu.memref_slice %arg2[%dma_start3A_280, %dma_start3A_281] : memref<10000x16xf32, #tpu.memory_space<hbm>> -> memref<10000x16xf32, #tpu.memory_space<hbm>>
      tpu.enqueue_indirect_dma source(%dma_start3A_282 : memref<10000x16xf32, #tpu.memory_space<hbm>>) target(%dma_start3A_276 : memref<128x16xf32, #tpu.memory_space<vmem>>) offsets(%dma_start3A_279 : memref<128xi32, #tpu.memory_space<vmem>>) semaphore(%arg17 : memref<!tpu.dma_semaphore, #tpu.memory_space<semaphore_mem>>)
      %run_scoped3A_283 = arith.constant 4 : i32
      %run_scoped3A_284 = arith.constant 4 : i32
      "tpu.region"() ({
        %run_scoped3A_943 = tpu.sem_alloc : memref<!tpu.dma_semaphore, #tpu.memory_space<semaphore_mem>>
        %dma_start3A_944 = arith.constant 0 : i32
        %dma_start3A_945 = arith.constant 0 : i32
        %dma_start3A_946 = tpu.memref_slice %arg8[%run_scoped3A_283, %dma_start3A_944, %dma_start3A_945] : memref<6x128x16xf32, #tpu.memory_space<vmem>> -> memref<1x128x16xf32, #tpu.memory_space<vmem>>
        %dma_start3A_947 = tpu.memref_squeeze %dma_start3A_946 : memref<1x128x16xf32, #tpu.memory_space<vmem>> -> memref<128x16xf32, #tpu.memory_space<vmem>>
        %dma_start3A_948 = arith.constant 0 : i32
        %dma_start3A_949 = tpu.memref_slice %arg10[%run_scoped3A_284, %dma_start3A_948] : memref<16x128xi32, #tpu.memory_space<vmem>> -> memref<1x128xi32, #tpu.memory_space<vmem>>
        %dma_start3A_950 = tpu.memref_squeeze %dma_start3A_949 : memref<1x128xi32, #tpu.memory_space<vmem>> -> memref<128xi32, #tpu.memory_space<vmem>>
        %dma_start3A_951 = arith.constant 0 : i32
        %dma_start3A_952 = arith.constant 0 : i32
        %dma_start3A_953 = tpu.memref_slice %arg7[%dma_start3A_951, %dma_start3A_952] : memref<10112x16xf32, #tpu.memory_space<vmem_shared>> -> memref<10112x16xf32, #tpu.memory_space<vmem_shared>>
        tpu.enqueue_indirect_dma source(%dma_start3A_947 : memref<128x16xf32, #tpu.memory_space<vmem>>) target(%dma_start3A_953 : memref<10112x16xf32, #tpu.memory_space<vmem_shared>>) offsets(%dma_start3A_950 : memref<128xi32, #tpu.memory_space<vmem>>) semaphore(%run_scoped3A_943 : memref<!tpu.dma_semaphore, #tpu.memory_space<semaphore_mem>>) {add = true}
        %dma_wait3A_954 = arith.constant 0 : i32
        %dma_wait3A_955 = arith.constant 0 : i32
        %dma_wait3A_956 = tpu.memref_slice %arg8[%run_scoped3A_283, %dma_wait3A_954, %dma_wait3A_955] : memref<6x128x16xf32, #tpu.memory_space<vmem>> -> memref<1x128x16xf32, #tpu.memory_space<vmem>>
        %dma_wait3A_957 = tpu.memref_squeeze %dma_wait3A_956 : memref<1x128x16xf32, #tpu.memory_space<vmem>> -> memref<128x16xf32, #tpu.memory_space<vmem>>
        %dma_wait3A_958 = arith.constant 0 : i32
        %dma_wait3A_959 = tpu.memref_slice %arg10[%run_scoped3A_284, %dma_wait3A_958] : memref<16x128xi32, #tpu.memory_space<vmem>> -> memref<1x128xi32, #tpu.memory_space<vmem>>
        %dma_wait3A_960 = tpu.memref_squeeze %dma_wait3A_959 : memref<1x128xi32, #tpu.memory_space<vmem>> -> memref<128xi32, #tpu.memory_space<vmem>>
        %dma_wait3A_961 = arith.constant 0 : i32
        %dma_wait3A_962 = arith.constant 0 : i32
        %dma_wait3A_963 = tpu.memref_slice %arg7[%dma_wait3A_961, %dma_wait3A_962] : memref<10112x16xf32, #tpu.memory_space<vmem_shared>> -> memref<10112x16xf32, #tpu.memory_space<vmem_shared>>
        tpu.wait_indirect_dma semaphore(%run_scoped3A_943 : memref<!tpu.dma_semaphore, #tpu.memory_space<semaphore_mem>>) src(%dma_wait3A_957 : memref<128x16xf32, #tpu.memory_space<vmem>>) dst(%dma_wait3A_963 : memref<10112x16xf32, #tpu.memory_space<vmem_shared>>)
        tpu.yield
      }) : () -> ()
      %dma_wait3A_285 = arith.constant 5 : i32
      %dma_wait3A_286 = arith.constant 5 : i32
      %dma_wait3A_287 = arith.constant 0 : i32
      %dma_wait3A_288 = arith.constant 0 : i32
      %dma_wait3A_289 = tpu.memref_slice %arg8[%dma_wait3A_286, %dma_wait3A_287, %dma_wait3A_288] : memref<6x128x16xf32, #tpu.memory_space<vmem>> -> memref<1x128x16xf32, #tpu.memory_space<vmem>>
      %dma_wait3A_290 = tpu.memref_squeeze %dma_wait3A_289 : memref<1x128x16xf32, #tpu.memory_space<vmem>> -> memref<128x16xf32, #tpu.memory_space<vmem>>
      %dma_wait3A_291 = arith.constant 0 : i32
      %dma_wait3A_292 = tpu.memref_slice %arg9[%dma_wait3A_285, %dma_wait3A_291] : memref<16x128xi32, #tpu.memory_space<vmem>> -> memref<1x128xi32, #tpu.memory_space<vmem>>
      %dma_wait3A_293 = tpu.memref_squeeze %dma_wait3A_292 : memref<1x128xi32, #tpu.memory_space<vmem>> -> memref<128xi32, #tpu.memory_space<vmem>>
      %dma_wait3A_294 = arith.constant 0 : i32
      %dma_wait3A_295 = arith.constant 0 : i32
      %dma_wait3A_296 = tpu.memref_slice %arg2[%dma_wait3A_294, %dma_wait3A_295] : memref<10000x16xf32, #tpu.memory_space<hbm>> -> memref<10000x16xf32, #tpu.memory_space<hbm>>
      tpu.wait_indirect_dma semaphore(%arg18 : memref<!tpu.dma_semaphore, #tpu.memory_space<semaphore_mem>>) src(%dma_wait3A_296 : memref<10000x16xf32, #tpu.memory_space<hbm>>) dst(%dma_wait3A_290 : memref<128x16xf32, #tpu.memory_space<vmem>>)
      %dma_start3A_297 = arith.constant 11 : i32
      %dma_start3A_298 = arith.constant 5 : i32
      %dma_start3A_299 = arith.constant 0 : i32
      %dma_start3A_300 = arith.constant 0 : i32
      %dma_start3A_301 = tpu.memref_slice %arg8[%dma_start3A_298, %dma_start3A_299, %dma_start3A_300] : memref<6x128x16xf32, #tpu.memory_space<vmem>> -> memref<1x128x16xf32, #tpu.memory_space<vmem>>
      %dma_start3A_302 = tpu.memref_squeeze %dma_start3A_301 : memref<1x128x16xf32, #tpu.memory_space<vmem>> -> memref<128x16xf32, #tpu.memory_space<vmem>>
      %dma_start3A_303 = arith.constant 0 : i32
      %dma_start3A_304 = tpu.memref_slice %arg9[%dma_start3A_297, %dma_start3A_303] : memref<16x128xi32, #tpu.memory_space<vmem>> -> memref<1x128xi32, #tpu.memory_space<vmem>>
      %dma_start3A_305 = tpu.memref_squeeze %dma_start3A_304 : memref<1x128xi32, #tpu.memory_space<vmem>> -> memref<128xi32, #tpu.memory_space<vmem>>
      %dma_start3A_306 = arith.constant 0 : i32
      %dma_start3A_307 = arith.constant 0 : i32
      %dma_start3A_308 = tpu.memref_slice %arg2[%dma_start3A_306, %dma_start3A_307] : memref<10000x16xf32, #tpu.memory_space<hbm>> -> memref<10000x16xf32, #tpu.memory_space<hbm>>
      tpu.enqueue_indirect_dma source(%dma_start3A_308 : memref<10000x16xf32, #tpu.memory_space<hbm>>) target(%dma_start3A_302 : memref<128x16xf32, #tpu.memory_space<vmem>>) offsets(%dma_start3A_305 : memref<128xi32, #tpu.memory_space<vmem>>) semaphore(%arg18 : memref<!tpu.dma_semaphore, #tpu.memory_space<semaphore_mem>>)
      %run_scoped3A_309 = arith.constant 5 : i32
      %run_scoped3A_310 = arith.constant 5 : i32
      "tpu.region"() ({
        %run_scoped3A_943 = tpu.sem_alloc : memref<!tpu.dma_semaphore, #tpu.memory_space<semaphore_mem>>
        %dma_start3A_944 = arith.constant 0 : i32
        %dma_start3A_945 = arith.constant 0 : i32
        %dma_start3A_946 = tpu.memref_slice %arg8[%run_scoped3A_309, %dma_start3A_944, %dma_start3A_945] : memref<6x128x16xf32, #tpu.memory_space<vmem>> -> memref<1x128x16xf32, #tpu.memory_space<vmem>>
        %dma_start3A_947 = tpu.memref_squeeze %dma_start3A_946 : memref<1x128x16xf32, #tpu.memory_space<vmem>> -> memref<128x16xf32, #tpu.memory_space<vmem>>
        %dma_start3A_948 = arith.constant 0 : i32
        %dma_start3A_949 = tpu.memref_slice %arg10[%run_scoped3A_310, %dma_start3A_948] : memref<16x128xi32, #tpu.memory_space<vmem>> -> memref<1x128xi32, #tpu.memory_space<vmem>>
        %dma_start3A_950 = tpu.memref_squeeze %dma_start3A_949 : memref<1x128xi32, #tpu.memory_space<vmem>> -> memref<128xi32, #tpu.memory_space<vmem>>
        %dma_start3A_951 = arith.constant 0 : i32
        %dma_start3A_952 = arith.constant 0 : i32
        %dma_start3A_953 = tpu.memref_slice %arg7[%dma_start3A_951, %dma_start3A_952] : memref<10112x16xf32, #tpu.memory_space<vmem_shared>> -> memref<10112x16xf32, #tpu.memory_space<vmem_shared>>
        tpu.enqueue_indirect_dma source(%dma_start3A_947 : memref<128x16xf32, #tpu.memory_space<vmem>>) target(%dma_start3A_953 : memref<10112x16xf32, #tpu.memory_space<vmem_shared>>) offsets(%dma_start3A_950 : memref<128xi32, #tpu.memory_space<vmem>>) semaphore(%run_scoped3A_943 : memref<!tpu.dma_semaphore, #tpu.memory_space<semaphore_mem>>) {add = true}
        %dma_wait3A_954 = arith.constant 0 : i32
        %dma_wait3A_955 = arith.constant 0 : i32
        %dma_wait3A_956 = tpu.memref_slice %arg8[%run_scoped3A_309, %dma_wait3A_954, %dma_wait3A_955] : memref<6x128x16xf32, #tpu.memory_space<vmem>> -> memref<1x128x16xf32, #tpu.memory_space<vmem>>
        %dma_wait3A_957 = tpu.memref_squeeze %dma_wait3A_956 : memref<1x128x16xf32, #tpu.memory_space<vmem>> -> memref<128x16xf32, #tpu.memory_space<vmem>>
        %dma_wait3A_958 = arith.constant 0 : i32
        %dma_wait3A_959 = tpu.memref_slice %arg10[%run_scoped3A_310, %dma_wait3A_958] : memref<16x128xi32, #tpu.memory_space<vmem>> -> memref<1x128xi32, #tpu.memory_space<vmem>>
        %dma_wait3A_960 = tpu.memref_squeeze %dma_wait3A_959 : memref<1x128xi32, #tpu.memory_space<vmem>> -> memref<128xi32, #tpu.memory_space<vmem>>
        %dma_wait3A_961 = arith.constant 0 : i32
        %dma_wait3A_962 = arith.constant 0 : i32
        %dma_wait3A_963 = tpu.memref_slice %arg7[%dma_wait3A_961, %dma_wait3A_962] : memref<10112x16xf32, #tpu.memory_space<vmem_shared>> -> memref<10112x16xf32, #tpu.memory_space<vmem_shared>>
        tpu.wait_indirect_dma semaphore(%run_scoped3A_943 : memref<!tpu.dma_semaphore, #tpu.memory_space<semaphore_mem>>) src(%dma_wait3A_957 : memref<128x16xf32, #tpu.memory_space<vmem>>) dst(%dma_wait3A_963 : memref<10112x16xf32, #tpu.memory_space<vmem_shared>>)
        tpu.yield
      }) : () -> ()
      %dma_wait3A_311 = arith.constant 6 : i32
      %dma_wait3A_312 = arith.constant 0 : i32
      %dma_wait3A_313 = arith.constant 0 : i32
      %dma_wait3A_314 = arith.constant 0 : i32
      %dma_wait3A_315 = tpu.memref_slice %arg8[%dma_wait3A_312, %dma_wait3A_313, %dma_wait3A_314] : memref<6x128x16xf32, #tpu.memory_space<vmem>> -> memref<1x128x16xf32, #tpu.memory_space<vmem>>
      %dma_wait3A_316 = tpu.memref_squeeze %dma_wait3A_315 : memref<1x128x16xf32, #tpu.memory_space<vmem>> -> memref<128x16xf32, #tpu.memory_space<vmem>>
      %dma_wait3A_317 = arith.constant 0 : i32
      %dma_wait3A_318 = tpu.memref_slice %arg9[%dma_wait3A_311, %dma_wait3A_317] : memref<16x128xi32, #tpu.memory_space<vmem>> -> memref<1x128xi32, #tpu.memory_space<vmem>>
      %dma_wait3A_319 = tpu.memref_squeeze %dma_wait3A_318 : memref<1x128xi32, #tpu.memory_space<vmem>> -> memref<128xi32, #tpu.memory_space<vmem>>
      %dma_wait3A_320 = arith.constant 0 : i32
      %dma_wait3A_321 = arith.constant 0 : i32
      %dma_wait3A_322 = tpu.memref_slice %arg2[%dma_wait3A_320, %dma_wait3A_321] : memref<10000x16xf32, #tpu.memory_space<hbm>> -> memref<10000x16xf32, #tpu.memory_space<hbm>>
      tpu.wait_indirect_dma semaphore(%arg13 : memref<!tpu.dma_semaphore, #tpu.memory_space<semaphore_mem>>) src(%dma_wait3A_322 : memref<10000x16xf32, #tpu.memory_space<hbm>>) dst(%dma_wait3A_316 : memref<128x16xf32, #tpu.memory_space<vmem>>)
      %dma_start3A_323 = arith.constant 12 : i32
      %dma_start3A_324 = arith.constant 0 : i32
      %dma_start3A_325 = arith.constant 0 : i32
      %dma_start3A_326 = arith.constant 0 : i32
      %dma_start3A_327 = tpu.memref_slice %arg8[%dma_start3A_324, %dma_start3A_325, %dma_start3A_326] : memref<6x128x16xf32, #tpu.memory_space<vmem>> -> memref<1x128x16xf32, #tpu.memory_space<vmem>>
      %dma_start3A_328 = tpu.memref_squeeze %dma_start3A_327 : memref<1x128x16xf32, #tpu.memory_space<vmem>> -> memref<128x16xf32, #tpu.memory_space<vmem>>
      %dma_start3A_329 = arith.constant 0 : i32
      %dma_start3A_330 = tpu.memref_slice %arg9[%dma_start3A_323, %dma_start3A_329] : memref<16x128xi32, #tpu.memory_space<vmem>> -> memref<1x128xi32, #tpu.memory_space<vmem>>
      %dma_start3A_331 = tpu.memref_squeeze %dma_start3A_330 : memref<1x128xi32, #tpu.memory_space<vmem>> -> memref<128xi32, #tpu.memory_space<vmem>>
      %dma_start3A_332 = arith.constant 0 : i32
      %dma_start3A_333 = arith.constant 0 : i32
      %dma_start3A_334 = tpu.memref_slice %arg2[%dma_start3A_332, %dma_start3A_333] : memref<10000x16xf32, #tpu.memory_space<hbm>> -> memref<10000x16xf32, #tpu.memory_space<hbm>>
      tpu.enqueue_indirect_dma source(%dma_start3A_334 : memref<10000x16xf32, #tpu.memory_space<hbm>>) target(%dma_start3A_328 : memref<128x16xf32, #tpu.memory_space<vmem>>) offsets(%dma_start3A_331 : memref<128xi32, #tpu.memory_space<vmem>>) semaphore(%arg13 : memref<!tpu.dma_semaphore, #tpu.memory_space<semaphore_mem>>)
      %run_scoped3A_335 = arith.constant 0 : i32
      %run_scoped3A_336 = arith.constant 6 : i32
      "tpu.region"() ({
        %run_scoped3A_943 = tpu.sem_alloc : memref<!tpu.dma_semaphore, #tpu.memory_space<semaphore_mem>>
        %dma_start3A_944 = arith.constant 0 : i32
        %dma_start3A_945 = arith.constant 0 : i32
        %dma_start3A_946 = tpu.memref_slice %arg8[%run_scoped3A_335, %dma_start3A_944, %dma_start3A_945] : memref<6x128x16xf32, #tpu.memory_space<vmem>> -> memref<1x128x16xf32, #tpu.memory_space<vmem>>
        %dma_start3A_947 = tpu.memref_squeeze %dma_start3A_946 : memref<1x128x16xf32, #tpu.memory_space<vmem>> -> memref<128x16xf32, #tpu.memory_space<vmem>>
        %dma_start3A_948 = arith.constant 0 : i32
        %dma_start3A_949 = tpu.memref_slice %arg10[%run_scoped3A_336, %dma_start3A_948] : memref<16x128xi32, #tpu.memory_space<vmem>> -> memref<1x128xi32, #tpu.memory_space<vmem>>
        %dma_start3A_950 = tpu.memref_squeeze %dma_start3A_949 : memref<1x128xi32, #tpu.memory_space<vmem>> -> memref<128xi32, #tpu.memory_space<vmem>>
        %dma_start3A_951 = arith.constant 0 : i32
        %dma_start3A_952 = arith.constant 0 : i32
        %dma_start3A_953 = tpu.memref_slice %arg7[%dma_start3A_951, %dma_start3A_952] : memref<10112x16xf32, #tpu.memory_space<vmem_shared>> -> memref<10112x16xf32, #tpu.memory_space<vmem_shared>>
        tpu.enqueue_indirect_dma source(%dma_start3A_947 : memref<128x16xf32, #tpu.memory_space<vmem>>) target(%dma_start3A_953 : memref<10112x16xf32, #tpu.memory_space<vmem_shared>>) offsets(%dma_start3A_950 : memref<128xi32, #tpu.memory_space<vmem>>) semaphore(%run_scoped3A_943 : memref<!tpu.dma_semaphore, #tpu.memory_space<semaphore_mem>>) {add = true}
        %dma_wait3A_954 = arith.constant 0 : i32
        %dma_wait3A_955 = arith.constant 0 : i32
        %dma_wait3A_956 = tpu.memref_slice %arg8[%run_scoped3A_335, %dma_wait3A_954, %dma_wait3A_955] : memref<6x128x16xf32, #tpu.memory_space<vmem>> -> memref<1x128x16xf32, #tpu.memory_space<vmem>>
        %dma_wait3A_957 = tpu.memref_squeeze %dma_wait3A_956 : memref<1x128x16xf32, #tpu.memory_space<vmem>> -> memref<128x16xf32, #tpu.memory_space<vmem>>
        %dma_wait3A_958 = arith.constant 0 : i32
        %dma_wait3A_959 = tpu.memref_slice %arg10[%run_scoped3A_336, %dma_wait3A_958] : memref<16x128xi32, #tpu.memory_space<vmem>> -> memref<1x128xi32, #tpu.memory_space<vmem>>
        %dma_wait3A_960 = tpu.memref_squeeze %dma_wait3A_959 : memref<1x128xi32, #tpu.memory_space<vmem>> -> memref<128xi32, #tpu.memory_space<vmem>>
        %dma_wait3A_961 = arith.constant 0 : i32
        %dma_wait3A_962 = arith.constant 0 : i32
        %dma_wait3A_963 = tpu.memref_slice %arg7[%dma_wait3A_961, %dma_wait3A_962] : memref<10112x16xf32, #tpu.memory_space<vmem_shared>> -> memref<10112x16xf32, #tpu.memory_space<vmem_shared>>
        tpu.wait_indirect_dma semaphore(%run_scoped3A_943 : memref<!tpu.dma_semaphore, #tpu.memory_space<semaphore_mem>>) src(%dma_wait3A_957 : memref<128x16xf32, #tpu.memory_space<vmem>>) dst(%dma_wait3A_963 : memref<10112x16xf32, #tpu.memory_space<vmem_shared>>)
        tpu.yield
      }) : () -> ()
      %dma_wait3A_337 = arith.constant 7 : i32
      %dma_wait3A_338 = arith.constant 1 : i32
      %dma_wait3A_339 = arith.constant 0 : i32
      %dma_wait3A_340 = arith.constant 0 : i32
      %dma_wait3A_341 = tpu.memref_slice %arg8[%dma_wait3A_338, %dma_wait3A_339, %dma_wait3A_340] : memref<6x128x16xf32, #tpu.memory_space<vmem>> -> memref<1x128x16xf32, #tpu.memory_space<vmem>>
      %dma_wait3A_342 = tpu.memref_squeeze %dma_wait3A_341 : memref<1x128x16xf32, #tpu.memory_space<vmem>> -> memref<128x16xf32, #tpu.memory_space<vmem>>
      %dma_wait3A_343 = arith.constant 0 : i32
      %dma_wait3A_344 = tpu.memref_slice %arg9[%dma_wait3A_337, %dma_wait3A_343] : memref<16x128xi32, #tpu.memory_space<vmem>> -> memref<1x128xi32, #tpu.memory_space<vmem>>
      %dma_wait3A_345 = tpu.memref_squeeze %dma_wait3A_344 : memref<1x128xi32, #tpu.memory_space<vmem>> -> memref<128xi32, #tpu.memory_space<vmem>>
      %dma_wait3A_346 = arith.constant 0 : i32
      %dma_wait3A_347 = arith.constant 0 : i32
      %dma_wait3A_348 = tpu.memref_slice %arg2[%dma_wait3A_346, %dma_wait3A_347] : memref<10000x16xf32, #tpu.memory_space<hbm>> -> memref<10000x16xf32, #tpu.memory_space<hbm>>
      tpu.wait_indirect_dma semaphore(%arg14 : memref<!tpu.dma_semaphore, #tpu.memory_space<semaphore_mem>>) src(%dma_wait3A_348 : memref<10000x16xf32, #tpu.memory_space<hbm>>) dst(%dma_wait3A_342 : memref<128x16xf32, #tpu.memory_space<vmem>>)
      %dma_start3A_349 = arith.constant 13 : i32
      %dma_start3A_350 = arith.constant 1 : i32
      %dma_start3A_351 = arith.constant 0 : i32
      %dma_start3A_352 = arith.constant 0 : i32
      %dma_start3A_353 = tpu.memref_slice %arg8[%dma_start3A_350, %dma_start3A_351, %dma_start3A_352] : memref<6x128x16xf32, #tpu.memory_space<vmem>> -> memref<1x128x16xf32, #tpu.memory_space<vmem>>
      %dma_start3A_354 = tpu.memref_squeeze %dma_start3A_353 : memref<1x128x16xf32, #tpu.memory_space<vmem>> -> memref<128x16xf32, #tpu.memory_space<vmem>>
      %dma_start3A_355 = arith.constant 0 : i32
      %dma_start3A_356 = tpu.memref_slice %arg9[%dma_start3A_349, %dma_start3A_355] : memref<16x128xi32, #tpu.memory_space<vmem>> -> memref<1x128xi32, #tpu.memory_space<vmem>>
      %dma_start3A_357 = tpu.memref_squeeze %dma_start3A_356 : memref<1x128xi32, #tpu.memory_space<vmem>> -> memref<128xi32, #tpu.memory_space<vmem>>
      %dma_start3A_358 = arith.constant 0 : i32
      %dma_start3A_359 = arith.constant 0 : i32
      %dma_start3A_360 = tpu.memref_slice %arg2[%dma_start3A_358, %dma_start3A_359] : memref<10000x16xf32, #tpu.memory_space<hbm>> -> memref<10000x16xf32, #tpu.memory_space<hbm>>
      tpu.enqueue_indirect_dma source(%dma_start3A_360 : memref<10000x16xf32, #tpu.memory_space<hbm>>) target(%dma_start3A_354 : memref<128x16xf32, #tpu.memory_space<vmem>>) offsets(%dma_start3A_357 : memref<128xi32, #tpu.memory_space<vmem>>) semaphore(%arg14 : memref<!tpu.dma_semaphore, #tpu.memory_space<semaphore_mem>>)
      %run_scoped3A_361 = arith.constant 1 : i32
      %run_scoped3A_362 = arith.constant 7 : i32
      "tpu.region"() ({
        %run_scoped3A_943 = tpu.sem_alloc : memref<!tpu.dma_semaphore, #tpu.memory_space<semaphore_mem>>
        %dma_start3A_944 = arith.constant 0 : i32
        %dma_start3A_945 = arith.constant 0 : i32
        %dma_start3A_946 = tpu.memref_slice %arg8[%run_scoped3A_361, %dma_start3A_944, %dma_start3A_945] : memref<6x128x16xf32, #tpu.memory_space<vmem>> -> memref<1x128x16xf32, #tpu.memory_space<vmem>>
        %dma_start3A_947 = tpu.memref_squeeze %dma_start3A_946 : memref<1x128x16xf32, #tpu.memory_space<vmem>> -> memref<128x16xf32, #tpu.memory_space<vmem>>
        %dma_start3A_948 = arith.constant 0 : i32
        %dma_start3A_949 = tpu.memref_slice %arg10[%run_scoped3A_362, %dma_start3A_948] : memref<16x128xi32, #tpu.memory_space<vmem>> -> memref<1x128xi32, #tpu.memory_space<vmem>>
        %dma_start3A_950 = tpu.memref_squeeze %dma_start3A_949 : memref<1x128xi32, #tpu.memory_space<vmem>> -> memref<128xi32, #tpu.memory_space<vmem>>
        %dma_start3A_951 = arith.constant 0 : i32
        %dma_start3A_952 = arith.constant 0 : i32
        %dma_start3A_953 = tpu.memref_slice %arg7[%dma_start3A_951, %dma_start3A_952] : memref<10112x16xf32, #tpu.memory_space<vmem_shared>> -> memref<10112x16xf32, #tpu.memory_space<vmem_shared>>
        tpu.enqueue_indirect_dma source(%dma_start3A_947 : memref<128x16xf32, #tpu.memory_space<vmem>>) target(%dma_start3A_953 : memref<10112x16xf32, #tpu.memory_space<vmem_shared>>) offsets(%dma_start3A_950 : memref<128xi32, #tpu.memory_space<vmem>>) semaphore(%run_scoped3A_943 : memref<!tpu.dma_semaphore, #tpu.memory_space<semaphore_mem>>) {add = true}
        %dma_wait3A_954 = arith.constant 0 : i32
        %dma_wait3A_955 = arith.constant 0 : i32
        %dma_wait3A_956 = tpu.memref_slice %arg8[%run_scoped3A_361, %dma_wait3A_954, %dma_wait3A_955] : memref<6x128x16xf32, #tpu.memory_space<vmem>> -> memref<1x128x16xf32, #tpu.memory_space<vmem>>
        %dma_wait3A_957 = tpu.memref_squeeze %dma_wait3A_956 : memref<1x128x16xf32, #tpu.memory_space<vmem>> -> memref<128x16xf32, #tpu.memory_space<vmem>>
        %dma_wait3A_958 = arith.constant 0 : i32
        %dma_wait3A_959 = tpu.memref_slice %arg10[%run_scoped3A_362, %dma_wait3A_958] : memref<16x128xi32, #tpu.memory_space<vmem>> -> memref<1x128xi32, #tpu.memory_space<vmem>>
        %dma_wait3A_960 = tpu.memref_squeeze %dma_wait3A_959 : memref<1x128xi32, #tpu.memory_space<vmem>> -> memref<128xi32, #tpu.memory_space<vmem>>
        %dma_wait3A_961 = arith.constant 0 : i32
        %dma_wait3A_962 = arith.constant 0 : i32
        %dma_wait3A_963 = tpu.memref_slice %arg7[%dma_wait3A_961, %dma_wait3A_962] : memref<10112x16xf32, #tpu.memory_space<vmem_shared>> -> memref<10112x16xf32, #tpu.memory_space<vmem_shared>>
        tpu.wait_indirect_dma semaphore(%run_scoped3A_943 : memref<!tpu.dma_semaphore, #tpu.memory_space<semaphore_mem>>) src(%dma_wait3A_957 : memref<128x16xf32, #tpu.memory_space<vmem>>) dst(%dma_wait3A_963 : memref<10112x16xf32, #tpu.memory_space<vmem_shared>>)
        tpu.yield
      }) : () -> ()
      %dma_wait3A_363 = arith.constant 8 : i32
      %dma_wait3A_364 = arith.constant 2 : i32
      %dma_wait3A_365 = arith.constant 0 : i32
      %dma_wait3A_366 = arith.constant 0 : i32
      %dma_wait3A_367 = tpu.memref_slice %arg8[%dma_wait3A_364, %dma_wait3A_365, %dma_wait3A_366] : memref<6x128x16xf32, #tpu.memory_space<vmem>> -> memref<1x128x16xf32, #tpu.memory_space<vmem>>
      %dma_wait3A_368 = tpu.memref_squeeze %dma_wait3A_367 : memref<1x128x16xf32, #tpu.memory_space<vmem>> -> memref<128x16xf32, #tpu.memory_space<vmem>>
      %dma_wait3A_369 = arith.constant 0 : i32
      %dma_wait3A_370 = tpu.memref_slice %arg9[%dma_wait3A_363, %dma_wait3A_369] : memref<16x128xi32, #tpu.memory_space<vmem>> -> memref<1x128xi32, #tpu.memory_space<vmem>>
      %dma_wait3A_371 = tpu.memref_squeeze %dma_wait3A_370 : memref<1x128xi32, #tpu.memory_space<vmem>> -> memref<128xi32, #tpu.memory_space<vmem>>
      %dma_wait3A_372 = arith.constant 0 : i32
      %dma_wait3A_373 = arith.constant 0 : i32
      %dma_wait3A_374 = tpu.memref_slice %arg2[%dma_wait3A_372, %dma_wait3A_373] : memref<10000x16xf32, #tpu.memory_space<hbm>> -> memref<10000x16xf32, #tpu.memory_space<hbm>>
      tpu.wait_indirect_dma semaphore(%arg15 : memref<!tpu.dma_semaphore, #tpu.memory_space<semaphore_mem>>) src(%dma_wait3A_374 : memref<10000x16xf32, #tpu.memory_space<hbm>>) dst(%dma_wait3A_368 : memref<128x16xf32, #tpu.memory_space<vmem>>)
      %dma_start3A_375 = arith.constant 14 : i32
      %dma_start3A_376 = arith.constant 2 : i32
      %dma_start3A_377 = arith.constant 0 : i32
      %dma_start3A_378 = arith.constant 0 : i32
      %dma_start3A_379 = tpu.memref_slice %arg8[%dma_start3A_376, %dma_start3A_377, %dma_start3A_378] : memref<6x128x16xf32, #tpu.memory_space<vmem>> -> memref<1x128x16xf32, #tpu.memory_space<vmem>>
      %dma_start3A_380 = tpu.memref_squeeze %dma_start3A_379 : memref<1x128x16xf32, #tpu.memory_space<vmem>> -> memref<128x16xf32, #tpu.memory_space<vmem>>
      %dma_start3A_381 = arith.constant 0 : i32
      %dma_start3A_382 = tpu.memref_slice %arg9[%dma_start3A_375, %dma_start3A_381] : memref<16x128xi32, #tpu.memory_space<vmem>> -> memref<1x128xi32, #tpu.memory_space<vmem>>
      %dma_start3A_383 = tpu.memref_squeeze %dma_start3A_382 : memref<1x128xi32, #tpu.memory_space<vmem>> -> memref<128xi32, #tpu.memory_space<vmem>>
      %dma_start3A_384 = arith.constant 0 : i32
      %dma_start3A_385 = arith.constant 0 : i32
      %dma_start3A_386 = tpu.memref_slice %arg2[%dma_start3A_384, %dma_start3A_385] : memref<10000x16xf32, #tpu.memory_space<hbm>> -> memref<10000x16xf32, #tpu.memory_space<hbm>>
      tpu.enqueue_indirect_dma source(%dma_start3A_386 : memref<10000x16xf32, #tpu.memory_space<hbm>>) target(%dma_start3A_380 : memref<128x16xf32, #tpu.memory_space<vmem>>) offsets(%dma_start3A_383 : memref<128xi32, #tpu.memory_space<vmem>>) semaphore(%arg15 : memref<!tpu.dma_semaphore, #tpu.memory_space<semaphore_mem>>)
      %run_scoped3A_387 = arith.constant 2 : i32
      %run_scoped3A_388 = arith.constant 8 : i32
      "tpu.region"() ({
        %run_scoped3A_943 = tpu.sem_alloc : memref<!tpu.dma_semaphore, #tpu.memory_space<semaphore_mem>>
        %dma_start3A_944 = arith.constant 0 : i32
        %dma_start3A_945 = arith.constant 0 : i32
        %dma_start3A_946 = tpu.memref_slice %arg8[%run_scoped3A_387, %dma_start3A_944, %dma_start3A_945] : memref<6x128x16xf32, #tpu.memory_space<vmem>> -> memref<1x128x16xf32, #tpu.memory_space<vmem>>
        %dma_start3A_947 = tpu.memref_squeeze %dma_start3A_946 : memref<1x128x16xf32, #tpu.memory_space<vmem>> -> memref<128x16xf32, #tpu.memory_space<vmem>>
        %dma_start3A_948 = arith.constant 0 : i32
        %dma_start3A_949 = tpu.memref_slice %arg10[%run_scoped3A_388, %dma_start3A_948] : memref<16x128xi32, #tpu.memory_space<vmem>> -> memref<1x128xi32, #tpu.memory_space<vmem>>
        %dma_start3A_950 = tpu.memref_squeeze %dma_start3A_949 : memref<1x128xi32, #tpu.memory_space<vmem>> -> memref<128xi32, #tpu.memory_space<vmem>>
        %dma_start3A_951 = arith.constant 0 : i32
        %dma_start3A_952 = arith.constant 0 : i32
        %dma_start3A_953 = tpu.memref_slice %arg7[%dma_start3A_951, %dma_start3A_952] : memref<10112x16xf32, #tpu.memory_space<vmem_shared>> -> memref<10112x16xf32, #tpu.memory_space<vmem_shared>>
        tpu.enqueue_indirect_dma source(%dma_start3A_947 : memref<128x16xf32, #tpu.memory_space<vmem>>) target(%dma_start3A_953 : memref<10112x16xf32, #tpu.memory_space<vmem_shared>>) offsets(%dma_start3A_950 : memref<128xi32, #tpu.memory_space<vmem>>) semaphore(%run_scoped3A_943 : memref<!tpu.dma_semaphore, #tpu.memory_space<semaphore_mem>>) {add = true}
        %dma_wait3A_954 = arith.constant 0 : i32
        %dma_wait3A_955 = arith.constant 0 : i32
        %dma_wait3A_956 = tpu.memref_slice %arg8[%run_scoped3A_387, %dma_wait3A_954, %dma_wait3A_955] : memref<6x128x16xf32, #tpu.memory_space<vmem>> -> memref<1x128x16xf32, #tpu.memory_space<vmem>>
        %dma_wait3A_957 = tpu.memref_squeeze %dma_wait3A_956 : memref<1x128x16xf32, #tpu.memory_space<vmem>> -> memref<128x16xf32, #tpu.memory_space<vmem>>
        %dma_wait3A_958 = arith.constant 0 : i32
        %dma_wait3A_959 = tpu.memref_slice %arg10[%run_scoped3A_388, %dma_wait3A_958] : memref<16x128xi32, #tpu.memory_space<vmem>> -> memref<1x128xi32, #tpu.memory_space<vmem>>
        %dma_wait3A_960 = tpu.memref_squeeze %dma_wait3A_959 : memref<1x128xi32, #tpu.memory_space<vmem>> -> memref<128xi32, #tpu.memory_space<vmem>>
        %dma_wait3A_961 = arith.constant 0 : i32
        %dma_wait3A_962 = arith.constant 0 : i32
        %dma_wait3A_963 = tpu.memref_slice %arg7[%dma_wait3A_961, %dma_wait3A_962] : memref<10112x16xf32, #tpu.memory_space<vmem_shared>> -> memref<10112x16xf32, #tpu.memory_space<vmem_shared>>
        tpu.wait_indirect_dma semaphore(%run_scoped3A_943 : memref<!tpu.dma_semaphore, #tpu.memory_space<semaphore_mem>>) src(%dma_wait3A_957 : memref<128x16xf32, #tpu.memory_space<vmem>>) dst(%dma_wait3A_963 : memref<10112x16xf32, #tpu.memory_space<vmem_shared>>)
        tpu.yield
      }) : () -> ()
      %dma_wait3A_389 = arith.constant 9 : i32
      %dma_wait3A_390 = arith.constant 3 : i32
      %dma_wait3A_391 = arith.constant 0 : i32
      %dma_wait3A_392 = arith.constant 0 : i32
      %dma_wait3A_393 = tpu.memref_slice %arg8[%dma_wait3A_390, %dma_wait3A_391, %dma_wait3A_392] : memref<6x128x16xf32, #tpu.memory_space<vmem>> -> memref<1x128x16xf32, #tpu.memory_space<vmem>>
      %dma_wait3A_394 = tpu.memref_squeeze %dma_wait3A_393 : memref<1x128x16xf32, #tpu.memory_space<vmem>> -> memref<128x16xf32, #tpu.memory_space<vmem>>
      %dma_wait3A_395 = arith.constant 0 : i32
      %dma_wait3A_396 = tpu.memref_slice %arg9[%dma_wait3A_389, %dma_wait3A_395] : memref<16x128xi32, #tpu.memory_space<vmem>> -> memref<1x128xi32, #tpu.memory_space<vmem>>
      %dma_wait3A_397 = tpu.memref_squeeze %dma_wait3A_396 : memref<1x128xi32, #tpu.memory_space<vmem>> -> memref<128xi32, #tpu.memory_space<vmem>>
      %dma_wait3A_398 = arith.constant 0 : i32
      %dma_wait3A_399 = arith.constant 0 : i32
      %dma_wait3A_400 = tpu.memref_slice %arg2[%dma_wait3A_398, %dma_wait3A_399] : memref<10000x16xf32, #tpu.memory_space<hbm>> -> memref<10000x16xf32, #tpu.memory_space<hbm>>
      tpu.wait_indirect_dma semaphore(%arg16 : memref<!tpu.dma_semaphore, #tpu.memory_space<semaphore_mem>>) src(%dma_wait3A_400 : memref<10000x16xf32, #tpu.memory_space<hbm>>) dst(%dma_wait3A_394 : memref<128x16xf32, #tpu.memory_space<vmem>>)
      %dma_start3A_401 = arith.constant 15 : i32
      %dma_start3A_402 = arith.constant 3 : i32
      %dma_start3A_403 = arith.constant 0 : i32
      %dma_start3A_404 = arith.constant 0 : i32
      %dma_start3A_405 = tpu.memref_slice %arg8[%dma_start3A_402, %dma_start3A_403, %dma_start3A_404] : memref<6x128x16xf32, #tpu.memory_space<vmem>> -> memref<1x128x16xf32, #tpu.memory_space<vmem>>
      %dma_start3A_406 = tpu.memref_squeeze %dma_start3A_405 : memref<1x128x16xf32, #tpu.memory_space<vmem>> -> memref<128x16xf32, #tpu.memory_space<vmem>>
      %dma_start3A_407 = arith.constant 0 : i32
      %dma_start3A_408 = tpu.memref_slice %arg9[%dma_start3A_401, %dma_start3A_407] : memref<16x128xi32, #tpu.memory_space<vmem>> -> memref<1x128xi32, #tpu.memory_space<vmem>>
      %dma_start3A_409 = tpu.memref_squeeze %dma_start3A_408 : memref<1x128xi32, #tpu.memory_space<vmem>> -> memref<128xi32, #tpu.memory_space<vmem>>
      %dma_start3A_410 = arith.constant 0 : i32
      %dma_start3A_411 = arith.constant 0 : i32
      %dma_start3A_412 = tpu.memref_slice %arg2[%dma_start3A_410, %dma_start3A_411] : memref<10000x16xf32, #tpu.memory_space<hbm>> -> memref<10000x16xf32, #tpu.memory_space<hbm>>
      tpu.enqueue_indirect_dma source(%dma_start3A_412 : memref<10000x16xf32, #tpu.memory_space<hbm>>) target(%dma_start3A_406 : memref<128x16xf32, #tpu.memory_space<vmem>>) offsets(%dma_start3A_409 : memref<128xi32, #tpu.memory_space<vmem>>) semaphore(%arg16 : memref<!tpu.dma_semaphore, #tpu.memory_space<semaphore_mem>>)
      %run_scoped3A_413 = arith.constant 3 : i32
      %run_scoped3A_414 = arith.constant 9 : i32
      "tpu.region"() ({
        %run_scoped3A_943 = tpu.sem_alloc : memref<!tpu.dma_semaphore, #tpu.memory_space<semaphore_mem>>
        %dma_start3A_944 = arith.constant 0 : i32
        %dma_start3A_945 = arith.constant 0 : i32
        %dma_start3A_946 = tpu.memref_slice %arg8[%run_scoped3A_413, %dma_start3A_944, %dma_start3A_945] : memref<6x128x16xf32, #tpu.memory_space<vmem>> -> memref<1x128x16xf32, #tpu.memory_space<vmem>>
        %dma_start3A_947 = tpu.memref_squeeze %dma_start3A_946 : memref<1x128x16xf32, #tpu.memory_space<vmem>> -> memref<128x16xf32, #tpu.memory_space<vmem>>
        %dma_start3A_948 = arith.constant 0 : i32
        %dma_start3A_949 = tpu.memref_slice %arg10[%run_scoped3A_414, %dma_start3A_948] : memref<16x128xi32, #tpu.memory_space<vmem>> -> memref<1x128xi32, #tpu.memory_space<vmem>>
        %dma_start3A_950 = tpu.memref_squeeze %dma_start3A_949 : memref<1x128xi32, #tpu.memory_space<vmem>> -> memref<128xi32, #tpu.memory_space<vmem>>
        %dma_start3A_951 = arith.constant 0 : i32
        %dma_start3A_952 = arith.constant 0 : i32
        %dma_start3A_953 = tpu.memref_slice %arg7[%dma_start3A_951, %dma_start3A_952] : memref<10112x16xf32, #tpu.memory_space<vmem_shared>> -> memref<10112x16xf32, #tpu.memory_space<vmem_shared>>
        tpu.enqueue_indirect_dma source(%dma_start3A_947 : memref<128x16xf32, #tpu.memory_space<vmem>>) target(%dma_start3A_953 : memref<10112x16xf32, #tpu.memory_space<vmem_shared>>) offsets(%dma_start3A_950 : memref<128xi32, #tpu.memory_space<vmem>>) semaphore(%run_scoped3A_943 : memref<!tpu.dma_semaphore, #tpu.memory_space<semaphore_mem>>) {add = true}
        %dma_wait3A_954 = arith.constant 0 : i32
        %dma_wait3A_955 = arith.constant 0 : i32
        %dma_wait3A_956 = tpu.memref_slice %arg8[%run_scoped3A_413, %dma_wait3A_954, %dma_wait3A_955] : memref<6x128x16xf32, #tpu.memory_space<vmem>> -> memref<1x128x16xf32, #tpu.memory_space<vmem>>
        %dma_wait3A_957 = tpu.memref_squeeze %dma_wait3A_956 : memref<1x128x16xf32, #tpu.memory_space<vmem>> -> memref<128x16xf32, #tpu.memory_space<vmem>>
        %dma_wait3A_958 = arith.constant 0 : i32
        %dma_wait3A_959 = tpu.memref_slice %arg10[%run_scoped3A_414, %dma_wait3A_958] : memref<16x128xi32, #tpu.memory_space<vmem>> -> memref<1x128xi32, #tpu.memory_space<vmem>>
        %dma_wait3A_960 = tpu.memref_squeeze %dma_wait3A_959 : memref<1x128xi32, #tpu.memory_space<vmem>> -> memref<128xi32, #tpu.memory_space<vmem>>
        %dma_wait3A_961 = arith.constant 0 : i32
        %dma_wait3A_962 = arith.constant 0 : i32
        %dma_wait3A_963 = tpu.memref_slice %arg7[%dma_wait3A_961, %dma_wait3A_962] : memref<10112x16xf32, #tpu.memory_space<vmem_shared>> -> memref<10112x16xf32, #tpu.memory_space<vmem_shared>>
        tpu.wait_indirect_dma semaphore(%run_scoped3A_943 : memref<!tpu.dma_semaphore, #tpu.memory_space<semaphore_mem>>) src(%dma_wait3A_957 : memref<128x16xf32, #tpu.memory_space<vmem>>) dst(%dma_wait3A_963 : memref<10112x16xf32, #tpu.memory_space<vmem_shared>>)
        tpu.yield
      }) : () -> ()
      %dma_wait3A_415 = arith.constant 10 : i32
      %dma_wait3A_416 = arith.constant 4 : i32
      %dma_wait3A_417 = arith.constant 0 : i32
      %dma_wait3A_418 = arith.constant 0 : i32
      %dma_wait3A_419 = tpu.memref_slice %arg8[%dma_wait3A_416, %dma_wait3A_417, %dma_wait3A_418] : memref<6x128x16xf32, #tpu.memory_space<vmem>> -> memref<1x128x16xf32, #tpu.memory_space<vmem>>
      %dma_wait3A_420 = tpu.memref_squeeze %dma_wait3A_419 : memref<1x128x16xf32, #tpu.memory_space<vmem>> -> memref<128x16xf32, #tpu.memory_space<vmem>>
      %dma_wait3A_421 = arith.constant 0 : i32
      %dma_wait3A_422 = tpu.memref_slice %arg9[%dma_wait3A_415, %dma_wait3A_421] : memref<16x128xi32, #tpu.memory_space<vmem>> -> memref<1x128xi32, #tpu.memory_space<vmem>>
      %dma_wait3A_423 = tpu.memref_squeeze %dma_wait3A_422 : memref<1x128xi32, #tpu.memory_space<vmem>> -> memref<128xi32, #tpu.memory_space<vmem>>
      %dma_wait3A_424 = arith.constant 0 : i32
      %dma_wait3A_425 = arith.constant 0 : i32
      %dma_wait3A_426 = tpu.memref_slice %arg2[%dma_wait3A_424, %dma_wait3A_425] : memref<10000x16xf32, #tpu.memory_space<hbm>> -> memref<10000x16xf32, #tpu.memory_space<hbm>>
      tpu.wait_indirect_dma semaphore(%arg17 : memref<!tpu.dma_semaphore, #tpu.memory_space<semaphore_mem>>) src(%dma_wait3A_426 : memref<10000x16xf32, #tpu.memory_space<hbm>>) dst(%dma_wait3A_420 : memref<128x16xf32, #tpu.memory_space<vmem>>)
      %run_scoped3A_427 = arith.constant 4 : i32
      %run_scoped3A_428 = arith.constant 10 : i32
      "tpu.region"() ({
        %run_scoped3A_943 = tpu.sem_alloc : memref<!tpu.dma_semaphore, #tpu.memory_space<semaphore_mem>>
        %dma_start3A_944 = arith.constant 0 : i32
        %dma_start3A_945 = arith.constant 0 : i32
        %dma_start3A_946 = tpu.memref_slice %arg8[%run_scoped3A_427, %dma_start3A_944, %dma_start3A_945] : memref<6x128x16xf32, #tpu.memory_space<vmem>> -> memref<1x128x16xf32, #tpu.memory_space<vmem>>
        %dma_start3A_947 = tpu.memref_squeeze %dma_start3A_946 : memref<1x128x16xf32, #tpu.memory_space<vmem>> -> memref<128x16xf32, #tpu.memory_space<vmem>>
        %dma_start3A_948 = arith.constant 0 : i32
        %dma_start3A_949 = tpu.memref_slice %arg10[%run_scoped3A_428, %dma_start3A_948] : memref<16x128xi32, #tpu.memory_space<vmem>> -> memref<1x128xi32, #tpu.memory_space<vmem>>
        %dma_start3A_950 = tpu.memref_squeeze %dma_start3A_949 : memref<1x128xi32, #tpu.memory_space<vmem>> -> memref<128xi32, #tpu.memory_space<vmem>>
        %dma_start3A_951 = arith.constant 0 : i32
        %dma_start3A_952 = arith.constant 0 : i32
        %dma_start3A_953 = tpu.memref_slice %arg7[%dma_start3A_951, %dma_start3A_952] : memref<10112x16xf32, #tpu.memory_space<vmem_shared>> -> memref<10112x16xf32, #tpu.memory_space<vmem_shared>>
        tpu.enqueue_indirect_dma source(%dma_start3A_947 : memref<128x16xf32, #tpu.memory_space<vmem>>) target(%dma_start3A_953 : memref<10112x16xf32, #tpu.memory_space<vmem_shared>>) offsets(%dma_start3A_950 : memref<128xi32, #tpu.memory_space<vmem>>) semaphore(%run_scoped3A_943 : memref<!tpu.dma_semaphore, #tpu.memory_space<semaphore_mem>>) {add = true}
        %dma_wait3A_954 = arith.constant 0 : i32
        %dma_wait3A_955 = arith.constant 0 : i32
        %dma_wait3A_956 = tpu.memref_slice %arg8[%run_scoped3A_427, %dma_wait3A_954, %dma_wait3A_955] : memref<6x128x16xf32, #tpu.memory_space<vmem>> -> memref<1x128x16xf32, #tpu.memory_space<vmem>>
        %dma_wait3A_957 = tpu.memref_squeeze %dma_wait3A_956 : memref<1x128x16xf32, #tpu.memory_space<vmem>> -> memref<128x16xf32, #tpu.memory_space<vmem>>
        %dma_wait3A_958 = arith.constant 0 : i32
        %dma_wait3A_959 = tpu.memref_slice %arg10[%run_scoped3A_428, %dma_wait3A_958] : memref<16x128xi32, #tpu.memory_space<vmem>> -> memref<1x128xi32, #tpu.memory_space<vmem>>
        %dma_wait3A_960 = tpu.memref_squeeze %dma_wait3A_959 : memref<1x128xi32, #tpu.memory_space<vmem>> -> memref<128xi32, #tpu.memory_space<vmem>>
        %dma_wait3A_961 = arith.constant 0 : i32
        %dma_wait3A_962 = arith.constant 0 : i32
        %dma_wait3A_963 = tpu.memref_slice %arg7[%dma_wait3A_961, %dma_wait3A_962] : memref<10112x16xf32, #tpu.memory_space<vmem_shared>> -> memref<10112x16xf32, #tpu.memory_space<vmem_shared>>
        tpu.wait_indirect_dma semaphore(%run_scoped3A_943 : memref<!tpu.dma_semaphore, #tpu.memory_space<semaphore_mem>>) src(%dma_wait3A_957 : memref<128x16xf32, #tpu.memory_space<vmem>>) dst(%dma_wait3A_963 : memref<10112x16xf32, #tpu.memory_space<vmem_shared>>)
        tpu.yield
      }) : () -> ()
      %dma_wait3A_429 = arith.constant 11 : i32
      %dma_wait3A_430 = arith.constant 5 : i32
      %dma_wait3A_431 = arith.constant 0 : i32
      %dma_wait3A_432 = arith.constant 0 : i32
      %dma_wait3A_433 = tpu.memref_slice %arg8[%dma_wait3A_430, %dma_wait3A_431, %dma_wait3A_432] : memref<6x128x16xf32, #tpu.memory_space<vmem>> -> memref<1x128x16xf32, #tpu.memory_space<vmem>>
      %dma_wait3A_434 = tpu.memref_squeeze %dma_wait3A_433 : memref<1x128x16xf32, #tpu.memory_space<vmem>> -> memref<128x16xf32, #tpu.memory_space<vmem>>
      %dma_wait3A_435 = arith.constant 0 : i32
      %dma_wait3A_436 = tpu.memref_slice %arg9[%dma_wait3A_429, %dma_wait3A_435] : memref<16x128xi32, #tpu.memory_space<vmem>> -> memref<1x128xi32, #tpu.memory_space<vmem>>
      %dma_wait3A_437 = tpu.memref_squeeze %dma_wait3A_436 : memref<1x128xi32, #tpu.memory_space<vmem>> -> memref<128xi32, #tpu.memory_space<vmem>>
      %dma_wait3A_438 = arith.constant 0 : i32
      %dma_wait3A_439 = arith.constant 0 : i32
      %dma_wait3A_440 = tpu.memref_slice %arg2[%dma_wait3A_438, %dma_wait3A_439] : memref<10000x16xf32, #tpu.memory_space<hbm>> -> memref<10000x16xf32, #tpu.memory_space<hbm>>
      tpu.wait_indirect_dma semaphore(%arg18 : memref<!tpu.dma_semaphore, #tpu.memory_space<semaphore_mem>>) src(%dma_wait3A_440 : memref<10000x16xf32, #tpu.memory_space<hbm>>) dst(%dma_wait3A_434 : memref<128x16xf32, #tpu.memory_space<vmem>>)
      %run_scoped3A_441 = arith.constant 5 : i32
      %run_scoped3A_442 = arith.constant 11 : i32
      "tpu.region"() ({
        %run_scoped3A_943 = tpu.sem_alloc : memref<!tpu.dma_semaphore, #tpu.memory_space<semaphore_mem>>
        %dma_start3A_944 = arith.constant 0 : i32
        %dma_start3A_945 = arith.constant 0 : i32
        %dma_start3A_946 = tpu.memref_slice %arg8[%run_scoped3A_441, %dma_start3A_944, %dma_start3A_945] : memref<6x128x16xf32, #tpu.memory_space<vmem>> -> memref<1x128x16xf32, #tpu.memory_space<vmem>>
        %dma_start3A_947 = tpu.memref_squeeze %dma_start3A_946 : memref<1x128x16xf32, #tpu.memory_space<vmem>> -> memref<128x16xf32, #tpu.memory_space<vmem>>
        %dma_start3A_948 = arith.constant 0 : i32
        %dma_start3A_949 = tpu.memref_slice %arg10[%run_scoped3A_442, %dma_start3A_948] : memref<16x128xi32, #tpu.memory_space<vmem>> -> memref<1x128xi32, #tpu.memory_space<vmem>>
        %dma_start3A_950 = tpu.memref_squeeze %dma_start3A_949 : memref<1x128xi32, #tpu.memory_space<vmem>> -> memref<128xi32, #tpu.memory_space<vmem>>
        %dma_start3A_951 = arith.constant 0 : i32
        %dma_start3A_952 = arith.constant 0 : i32
        %dma_start3A_953 = tpu.memref_slice %arg7[%dma_start3A_951, %dma_start3A_952] : memref<10112x16xf32, #tpu.memory_space<vmem_shared>> -> memref<10112x16xf32, #tpu.memory_space<vmem_shared>>
        tpu.enqueue_indirect_dma source(%dma_start3A_947 : memref<128x16xf32, #tpu.memory_space<vmem>>) target(%dma_start3A_953 : memref<10112x16xf32, #tpu.memory_space<vmem_shared>>) offsets(%dma_start3A_950 : memref<128xi32, #tpu.memory_space<vmem>>) semaphore(%run_scoped3A_943 : memref<!tpu.dma_semaphore, #tpu.memory_space<semaphore_mem>>) {add = true}
        %dma_wait3A_954 = arith.constant 0 : i32
        %dma_wait3A_955 = arith.constant 0 : i32
        %dma_wait3A_956 = tpu.memref_slice %arg8[%run_scoped3A_441, %dma_wait3A_954, %dma_wait3A_955] : memref<6x128x16xf32, #tpu.memory_space<vmem>> -> memref<1x128x16xf32, #tpu.memory_space<vmem>>
        %dma_wait3A_957 = tpu.memref_squeeze %dma_wait3A_956 : memref<1x128x16xf32, #tpu.memory_space<vmem>> -> memref<128x16xf32, #tpu.memory_space<vmem>>
        %dma_wait3A_958 = arith.constant 0 : i32
        %dma_wait3A_959 = tpu.memref_slice %arg10[%run_scoped3A_442, %dma_wait3A_958] : memref<16x128xi32, #tpu.memory_space<vmem>> -> memref<1x128xi32, #tpu.memory_space<vmem>>
        %dma_wait3A_960 = tpu.memref_squeeze %dma_wait3A_959 : memref<1x128xi32, #tpu.memory_space<vmem>> -> memref<128xi32, #tpu.memory_space<vmem>>
        %dma_wait3A_961 = arith.constant 0 : i32
        %dma_wait3A_962 = arith.constant 0 : i32
        %dma_wait3A_963 = tpu.memref_slice %arg7[%dma_wait3A_961, %dma_wait3A_962] : memref<10112x16xf32, #tpu.memory_space<vmem_shared>> -> memref<10112x16xf32, #tpu.memory_space<vmem_shared>>
        tpu.wait_indirect_dma semaphore(%run_scoped3A_943 : memref<!tpu.dma_semaphore, #tpu.memory_space<semaphore_mem>>) src(%dma_wait3A_957 : memref<128x16xf32, #tpu.memory_space<vmem>>) dst(%dma_wait3A_963 : memref<10112x16xf32, #tpu.memory_space<vmem_shared>>)
        tpu.yield
      }) : () -> ()
      %dma_wait3A_443 = arith.constant 12 : i32
      %dma_wait3A_444 = arith.constant 0 : i32
      %dma_wait3A_445 = arith.constant 0 : i32
      %dma_wait3A_446 = arith.constant 0 : i32
      %dma_wait3A_447 = tpu.memref_slice %arg8[%dma_wait3A_444, %dma_wait3A_445, %dma_wait3A_446] : memref<6x128x16xf32, #tpu.memory_space<vmem>> -> memref<1x128x16xf32, #tpu.memory_space<vmem>>
      %dma_wait3A_448 = tpu.memref_squeeze %dma_wait3A_447 : memref<1x128x16xf32, #tpu.memory_space<vmem>> -> memref<128x16xf32, #tpu.memory_space<vmem>>
      %dma_wait3A_449 = arith.constant 0 : i32
      %dma_wait3A_450 = tpu.memref_slice %arg9[%dma_wait3A_443, %dma_wait3A_449] : memref<16x128xi32, #tpu.memory_space<vmem>> -> memref<1x128xi32, #tpu.memory_space<vmem>>
      %dma_wait3A_451 = tpu.memref_squeeze %dma_wait3A_450 : memref<1x128xi32, #tpu.memory_space<vmem>> -> memref<128xi32, #tpu.memory_space<vmem>>
      %dma_wait3A_452 = arith.constant 0 : i32
      %dma_wait3A_453 = arith.constant 0 : i32
      %dma_wait3A_454 = tpu.memref_slice %arg2[%dma_wait3A_452, %dma_wait3A_453] : memref<10000x16xf32, #tpu.memory_space<hbm>> -> memref<10000x16xf32, #tpu.memory_space<hbm>>
      tpu.wait_indirect_dma semaphore(%arg13 : memref<!tpu.dma_semaphore, #tpu.memory_space<semaphore_mem>>) src(%dma_wait3A_454 : memref<10000x16xf32, #tpu.memory_space<hbm>>) dst(%dma_wait3A_448 : memref<128x16xf32, #tpu.memory_space<vmem>>)
      %run_scoped3A_455 = arith.constant 0 : i32
      %run_scoped3A_456 = arith.constant 12 : i32
      "tpu.region"() ({
        %run_scoped3A_943 = tpu.sem_alloc : memref<!tpu.dma_semaphore, #tpu.memory_space<semaphore_mem>>
        %dma_start3A_944 = arith.constant 0 : i32
        %dma_start3A_945 = arith.constant 0 : i32
        %dma_start3A_946 = tpu.memref_slice %arg8[%run_scoped3A_455, %dma_start3A_944, %dma_start3A_945] : memref<6x128x16xf32, #tpu.memory_space<vmem>> -> memref<1x128x16xf32, #tpu.memory_space<vmem>>
        %dma_start3A_947 = tpu.memref_squeeze %dma_start3A_946 : memref<1x128x16xf32, #tpu.memory_space<vmem>> -> memref<128x16xf32, #tpu.memory_space<vmem>>
        %dma_start3A_948 = arith.constant 0 : i32
        %dma_start3A_949 = tpu.memref_slice %arg10[%run_scoped3A_456, %dma_start3A_948] : memref<16x128xi32, #tpu.memory_space<vmem>> -> memref<1x128xi32, #tpu.memory_space<vmem>>
        %dma_start3A_950 = tpu.memref_squeeze %dma_start3A_949 : memref<1x128xi32, #tpu.memory_space<vmem>> -> memref<128xi32, #tpu.memory_space<vmem>>
        %dma_start3A_951 = arith.constant 0 : i32
        %dma_start3A_952 = arith.constant 0 : i32
        %dma_start3A_953 = tpu.memref_slice %arg7[%dma_start3A_951, %dma_start3A_952] : memref<10112x16xf32, #tpu.memory_space<vmem_shared>> -> memref<10112x16xf32, #tpu.memory_space<vmem_shared>>
        tpu.enqueue_indirect_dma source(%dma_start3A_947 : memref<128x16xf32, #tpu.memory_space<vmem>>) target(%dma_start3A_953 : memref<10112x16xf32, #tpu.memory_space<vmem_shared>>) offsets(%dma_start3A_950 : memref<128xi32, #tpu.memory_space<vmem>>) semaphore(%run_scoped3A_943 : memref<!tpu.dma_semaphore, #tpu.memory_space<semaphore_mem>>) {add = true}
        %dma_wait3A_954 = arith.constant 0 : i32
        %dma_wait3A_955 = arith.constant 0 : i32
        %dma_wait3A_956 = tpu.memref_slice %arg8[%run_scoped3A_455, %dma_wait3A_954, %dma_wait3A_955] : memref<6x128x16xf32, #tpu.memory_space<vmem>> -> memref<1x128x16xf32, #tpu.memory_space<vmem>>
        %dma_wait3A_957 = tpu.memref_squeeze %dma_wait3A_956 : memref<1x128x16xf32, #tpu.memory_space<vmem>> -> memref<128x16xf32, #tpu.memory_space<vmem>>
        %dma_wait3A_958 = arith.constant 0 : i32
        %dma_wait3A_959 = tpu.memref_slice %arg10[%run_scoped3A_456, %dma_wait3A_958] : memref<16x128xi32, #tpu.memory_space<vmem>> -> memref<1x128xi32, #tpu.memory_space<vmem>>
        %dma_wait3A_960 = tpu.memref_squeeze %dma_wait3A_959 : memref<1x128xi32, #tpu.memory_space<vmem>> -> memref<128xi32, #tpu.memory_space<vmem>>
        %dma_wait3A_961 = arith.constant 0 : i32
        %dma_wait3A_962 = arith.constant 0 : i32
        %dma_wait3A_963 = tpu.memref_slice %arg7[%dma_wait3A_961, %dma_wait3A_962] : memref<10112x16xf32, #tpu.memory_space<vmem_shared>> -> memref<10112x16xf32, #tpu.memory_space<vmem_shared>>
        tpu.wait_indirect_dma semaphore(%run_scoped3A_943 : memref<!tpu.dma_semaphore, #tpu.memory_space<semaphore_mem>>) src(%dma_wait3A_957 : memref<128x16xf32, #tpu.memory_space<vmem>>) dst(%dma_wait3A_963 : memref<10112x16xf32, #tpu.memory_space<vmem_shared>>)
        tpu.yield
      }) : () -> ()
      %dma_wait3A_457 = arith.constant 13 : i32
      %dma_wait3A_458 = arith.constant 1 : i32
      %dma_wait3A_459 = arith.constant 0 : i32
      %dma_wait3A_460 = arith.constant 0 : i32
      %dma_wait3A_461 = tpu.memref_slice %arg8[%dma_wait3A_458, %dma_wait3A_459, %dma_wait3A_460] : memref<6x128x16xf32, #tpu.memory_space<vmem>> -> memref<1x128x16xf32, #tpu.memory_space<vmem>>
      %dma_wait3A_462 = tpu.memref_squeeze %dma_wait3A_461 : memref<1x128x16xf32, #tpu.memory_space<vmem>> -> memref<128x16xf32, #tpu.memory_space<vmem>>
      %dma_wait3A_463 = arith.constant 0 : i32
      %dma_wait3A_464 = tpu.memref_slice %arg9[%dma_wait3A_457, %dma_wait3A_463] : memref<16x128xi32, #tpu.memory_space<vmem>> -> memref<1x128xi32, #tpu.memory_space<vmem>>
      %dma_wait3A_465 = tpu.memref_squeeze %dma_wait3A_464 : memref<1x128xi32, #tpu.memory_space<vmem>> -> memref<128xi32, #tpu.memory_space<vmem>>
      %dma_wait3A_466 = arith.constant 0 : i32
      %dma_wait3A_467 = arith.constant 0 : i32
      %dma_wait3A_468 = tpu.memref_slice %arg2[%dma_wait3A_466, %dma_wait3A_467] : memref<10000x16xf32, #tpu.memory_space<hbm>> -> memref<10000x16xf32, #tpu.memory_space<hbm>>
      tpu.wait_indirect_dma semaphore(%arg14 : memref<!tpu.dma_semaphore, #tpu.memory_space<semaphore_mem>>) src(%dma_wait3A_468 : memref<10000x16xf32, #tpu.memory_space<hbm>>) dst(%dma_wait3A_462 : memref<128x16xf32, #tpu.memory_space<vmem>>)
      %run_scoped3A_469 = arith.constant 1 : i32
      %run_scoped3A_470 = arith.constant 13 : i32
      "tpu.region"() ({
        %run_scoped3A_943 = tpu.sem_alloc : memref<!tpu.dma_semaphore, #tpu.memory_space<semaphore_mem>>
        %dma_start3A_944 = arith.constant 0 : i32
        %dma_start3A_945 = arith.constant 0 : i32
        %dma_start3A_946 = tpu.memref_slice %arg8[%run_scoped3A_469, %dma_start3A_944, %dma_start3A_945] : memref<6x128x16xf32, #tpu.memory_space<vmem>> -> memref<1x128x16xf32, #tpu.memory_space<vmem>>
        %dma_start3A_947 = tpu.memref_squeeze %dma_start3A_946 : memref<1x128x16xf32, #tpu.memory_space<vmem>> -> memref<128x16xf32, #tpu.memory_space<vmem>>
        %dma_start3A_948 = arith.constant 0 : i32
        %dma_start3A_949 = tpu.memref_slice %arg10[%run_scoped3A_470, %dma_start3A_948] : memref<16x128xi32, #tpu.memory_space<vmem>> -> memref<1x128xi32, #tpu.memory_space<vmem>>
        %dma_start3A_950 = tpu.memref_squeeze %dma_start3A_949 : memref<1x128xi32, #tpu.memory_space<vmem>> -> memref<128xi32, #tpu.memory_space<vmem>>
        %dma_start3A_951 = arith.constant 0 : i32
        %dma_start3A_952 = arith.constant 0 : i32
        %dma_start3A_953 = tpu.memref_slice %arg7[%dma_start3A_951, %dma_start3A_952] : memref<10112x16xf32, #tpu.memory_space<vmem_shared>> -> memref<10112x16xf32, #tpu.memory_space<vmem_shared>>
        tpu.enqueue_indirect_dma source(%dma_start3A_947 : memref<128x16xf32, #tpu.memory_space<vmem>>) target(%dma_start3A_953 : memref<10112x16xf32, #tpu.memory_space<vmem_shared>>) offsets(%dma_start3A_950 : memref<128xi32, #tpu.memory_space<vmem>>) semaphore(%run_scoped3A_943 : memref<!tpu.dma_semaphore, #tpu.memory_space<semaphore_mem>>) {add = true}
        %dma_wait3A_954 = arith.constant 0 : i32
        %dma_wait3A_955 = arith.constant 0 : i32
        %dma_wait3A_956 = tpu.memref_slice %arg8[%run_scoped3A_469, %dma_wait3A_954, %dma_wait3A_955] : memref<6x128x16xf32, #tpu.memory_space<vmem>> -> memref<1x128x16xf32, #tpu.memory_space<vmem>>
        %dma_wait3A_957 = tpu.memref_squeeze %dma_wait3A_956 : memref<1x128x16xf32, #tpu.memory_space<vmem>> -> memref<128x16xf32, #tpu.memory_space<vmem>>
        %dma_wait3A_958 = arith.constant 0 : i32
        %dma_wait3A_959 = tpu.memref_slice %arg10[%run_scoped3A_470, %dma_wait3A_958] : memref<16x128xi32, #tpu.memory_space<vmem>> -> memref<1x128xi32, #tpu.memory_space<vmem>>
        %dma_wait3A_960 = tpu.memref_squeeze %dma_wait3A_959 : memref<1x128xi32, #tpu.memory_space<vmem>> -> memref<128xi32, #tpu.memory_space<vmem>>
        %dma_wait3A_961 = arith.constant 0 : i32
        %dma_wait3A_962 = arith.constant 0 : i32
        %dma_wait3A_963 = tpu.memref_slice %arg7[%dma_wait3A_961, %dma_wait3A_962] : memref<10112x16xf32, #tpu.memory_space<vmem_shared>> -> memref<10112x16xf32, #tpu.memory_space<vmem_shared>>
        tpu.wait_indirect_dma semaphore(%run_scoped3A_943 : memref<!tpu.dma_semaphore, #tpu.memory_space<semaphore_mem>>) src(%dma_wait3A_957 : memref<128x16xf32, #tpu.memory_space<vmem>>) dst(%dma_wait3A_963 : memref<10112x16xf32, #tpu.memory_space<vmem_shared>>)
        tpu.yield
      }) : () -> ()
      %dma_wait3A_471 = arith.constant 14 : i32
      %dma_wait3A_472 = arith.constant 2 : i32
      %dma_wait3A_473 = arith.constant 0 : i32
      %dma_wait3A_474 = arith.constant 0 : i32
      %dma_wait3A_475 = tpu.memref_slice %arg8[%dma_wait3A_472, %dma_wait3A_473, %dma_wait3A_474] : memref<6x128x16xf32, #tpu.memory_space<vmem>> -> memref<1x128x16xf32, #tpu.memory_space<vmem>>
      %dma_wait3A_476 = tpu.memref_squeeze %dma_wait3A_475 : memref<1x128x16xf32, #tpu.memory_space<vmem>> -> memref<128x16xf32, #tpu.memory_space<vmem>>
      %dma_wait3A_477 = arith.constant 0 : i32
      %dma_wait3A_478 = tpu.memref_slice %arg9[%dma_wait3A_471, %dma_wait3A_477] : memref<16x128xi32, #tpu.memory_space<vmem>> -> memref<1x128xi32, #tpu.memory_space<vmem>>
      %dma_wait3A_479 = tpu.memref_squeeze %dma_wait3A_478 : memref<1x128xi32, #tpu.memory_space<vmem>> -> memref<128xi32, #tpu.memory_space<vmem>>
      %dma_wait3A_480 = arith.constant 0 : i32
      %dma_wait3A_481 = arith.constant 0 : i32
      %dma_wait3A_482 = tpu.memref_slice %arg2[%dma_wait3A_480, %dma_wait3A_481] : memref<10000x16xf32, #tpu.memory_space<hbm>> -> memref<10000x16xf32, #tpu.memory_space<hbm>>
      tpu.wait_indirect_dma semaphore(%arg15 : memref<!tpu.dma_semaphore, #tpu.memory_space<semaphore_mem>>) src(%dma_wait3A_482 : memref<10000x16xf32, #tpu.memory_space<hbm>>) dst(%dma_wait3A_476 : memref<128x16xf32, #tpu.memory_space<vmem>>)
      %run_scoped3A_483 = arith.constant 2 : i32
      %run_scoped3A_484 = arith.constant 14 : i32
      "tpu.region"() ({
        %run_scoped3A_943 = tpu.sem_alloc : memref<!tpu.dma_semaphore, #tpu.memory_space<semaphore_mem>>
        %dma_start3A_944 = arith.constant 0 : i32
        %dma_start3A_945 = arith.constant 0 : i32
        %dma_start3A_946 = tpu.memref_slice %arg8[%run_scoped3A_483, %dma_start3A_944, %dma_start3A_945] : memref<6x128x16xf32, #tpu.memory_space<vmem>> -> memref<1x128x16xf32, #tpu.memory_space<vmem>>
        %dma_start3A_947 = tpu.memref_squeeze %dma_start3A_946 : memref<1x128x16xf32, #tpu.memory_space<vmem>> -> memref<128x16xf32, #tpu.memory_space<vmem>>
        %dma_start3A_948 = arith.constant 0 : i32
        %dma_start3A_949 = tpu.memref_slice %arg10[%run_scoped3A_484, %dma_start3A_948] : memref<16x128xi32, #tpu.memory_space<vmem>> -> memref<1x128xi32, #tpu.memory_space<vmem>>
        %dma_start3A_950 = tpu.memref_squeeze %dma_start3A_949 : memref<1x128xi32, #tpu.memory_space<vmem>> -> memref<128xi32, #tpu.memory_space<vmem>>
        %dma_start3A_951 = arith.constant 0 : i32
        %dma_start3A_952 = arith.constant 0 : i32
        %dma_start3A_953 = tpu.memref_slice %arg7[%dma_start3A_951, %dma_start3A_952] : memref<10112x16xf32, #tpu.memory_space<vmem_shared>> -> memref<10112x16xf32, #tpu.memory_space<vmem_shared>>
        tpu.enqueue_indirect_dma source(%dma_start3A_947 : memref<128x16xf32, #tpu.memory_space<vmem>>) target(%dma_start3A_953 : memref<10112x16xf32, #tpu.memory_space<vmem_shared>>) offsets(%dma_start3A_950 : memref<128xi32, #tpu.memory_space<vmem>>) semaphore(%run_scoped3A_943 : memref<!tpu.dma_semaphore, #tpu.memory_space<semaphore_mem>>) {add = true}
        %dma_wait3A_954 = arith.constant 0 : i32
        %dma_wait3A_955 = arith.constant 0 : i32
        %dma_wait3A_956 = tpu.memref_slice %arg8[%run_scoped3A_483, %dma_wait3A_954, %dma_wait3A_955] : memref<6x128x16xf32, #tpu.memory_space<vmem>> -> memref<1x128x16xf32, #tpu.memory_space<vmem>>
        %dma_wait3A_957 = tpu.memref_squeeze %dma_wait3A_956 : memref<1x128x16xf32, #tpu.memory_space<vmem>> -> memref<128x16xf32, #tpu.memory_space<vmem>>
        %dma_wait3A_958 = arith.constant 0 : i32
        %dma_wait3A_959 = tpu.memref_slice %arg10[%run_scoped3A_484, %dma_wait3A_958] : memref<16x128xi32, #tpu.memory_space<vmem>> -> memref<1x128xi32, #tpu.memory_space<vmem>>
        %dma_wait3A_960 = tpu.memref_squeeze %dma_wait3A_959 : memref<1x128xi32, #tpu.memory_space<vmem>> -> memref<128xi32, #tpu.memory_space<vmem>>
        %dma_wait3A_961 = arith.constant 0 : i32
        %dma_wait3A_962 = arith.constant 0 : i32
        %dma_wait3A_963 = tpu.memref_slice %arg7[%dma_wait3A_961, %dma_wait3A_962] : memref<10112x16xf32, #tpu.memory_space<vmem_shared>> -> memref<10112x16xf32, #tpu.memory_space<vmem_shared>>
        tpu.wait_indirect_dma semaphore(%run_scoped3A_943 : memref<!tpu.dma_semaphore, #tpu.memory_space<semaphore_mem>>) src(%dma_wait3A_957 : memref<128x16xf32, #tpu.memory_space<vmem>>) dst(%dma_wait3A_963 : memref<10112x16xf32, #tpu.memory_space<vmem_shared>>)
        tpu.yield
      }) : () -> ()
      %dma_wait3A_485 = arith.constant 15 : i32
      %dma_wait3A_486 = arith.constant 3 : i32
      %dma_wait3A_487 = arith.constant 0 : i32
      %dma_wait3A_488 = arith.constant 0 : i32
      %dma_wait3A_489 = tpu.memref_slice %arg8[%dma_wait3A_486, %dma_wait3A_487, %dma_wait3A_488] : memref<6x128x16xf32, #tpu.memory_space<vmem>> -> memref<1x128x16xf32, #tpu.memory_space<vmem>>
      %dma_wait3A_490 = tpu.memref_squeeze %dma_wait3A_489 : memref<1x128x16xf32, #tpu.memory_space<vmem>> -> memref<128x16xf32, #tpu.memory_space<vmem>>
      %dma_wait3A_491 = arith.constant 0 : i32
      %dma_wait3A_492 = tpu.memref_slice %arg9[%dma_wait3A_485, %dma_wait3A_491] : memref<16x128xi32, #tpu.memory_space<vmem>> -> memref<1x128xi32, #tpu.memory_space<vmem>>
      %dma_wait3A_493 = tpu.memref_squeeze %dma_wait3A_492 : memref<1x128xi32, #tpu.memory_space<vmem>> -> memref<128xi32, #tpu.memory_space<vmem>>
      %dma_wait3A_494 = arith.constant 0 : i32
      %dma_wait3A_495 = arith.constant 0 : i32
      %dma_wait3A_496 = tpu.memref_slice %arg2[%dma_wait3A_494, %dma_wait3A_495] : memref<10000x16xf32, #tpu.memory_space<hbm>> -> memref<10000x16xf32, #tpu.memory_space<hbm>>
      tpu.wait_indirect_dma semaphore(%arg16 : memref<!tpu.dma_semaphore, #tpu.memory_space<semaphore_mem>>) src(%dma_wait3A_496 : memref<10000x16xf32, #tpu.memory_space<hbm>>) dst(%dma_wait3A_490 : memref<128x16xf32, #tpu.memory_space<vmem>>)
      %run_scoped3A_497 = arith.constant 3 : i32
      %run_scoped3A_498 = arith.constant 15 : i32
      "tpu.region"() ({
        %run_scoped3A_943 = tpu.sem_alloc : memref<!tpu.dma_semaphore, #tpu.memory_space<semaphore_mem>>
        %dma_start3A_944 = arith.constant 0 : i32
        %dma_start3A_945 = arith.constant 0 : i32
        %dma_start3A_946 = tpu.memref_slice %arg8[%run_scoped3A_497, %dma_start3A_944, %dma_start3A_945] : memref<6x128x16xf32, #tpu.memory_space<vmem>> -> memref<1x128x16xf32, #tpu.memory_space<vmem>>
        %dma_start3A_947 = tpu.memref_squeeze %dma_start3A_946 : memref<1x128x16xf32, #tpu.memory_space<vmem>> -> memref<128x16xf32, #tpu.memory_space<vmem>>
        %dma_start3A_948 = arith.constant 0 : i32
        %dma_start3A_949 = tpu.memref_slice %arg10[%run_scoped3A_498, %dma_start3A_948] : memref<16x128xi32, #tpu.memory_space<vmem>> -> memref<1x128xi32, #tpu.memory_space<vmem>>
        %dma_start3A_950 = tpu.memref_squeeze %dma_start3A_949 : memref<1x128xi32, #tpu.memory_space<vmem>> -> memref<128xi32, #tpu.memory_space<vmem>>
        %dma_start3A_951 = arith.constant 0 : i32
        %dma_start3A_952 = arith.constant 0 : i32
        %dma_start3A_953 = tpu.memref_slice %arg7[%dma_start3A_951, %dma_start3A_952] : memref<10112x16xf32, #tpu.memory_space<vmem_shared>> -> memref<10112x16xf32, #tpu.memory_space<vmem_shared>>
        tpu.enqueue_indirect_dma source(%dma_start3A_947 : memref<128x16xf32, #tpu.memory_space<vmem>>) target(%dma_start3A_953 : memref<10112x16xf32, #tpu.memory_space<vmem_shared>>) offsets(%dma_start3A_950 : memref<128xi32, #tpu.memory_space<vmem>>) semaphore(%run_scoped3A_943 : memref<!tpu.dma_semaphore, #tpu.memory_space<semaphore_mem>>) {add = true}
        %dma_wait3A_954 = arith.constant 0 : i32
        %dma_wait3A_955 = arith.constant 0 : i32
        %dma_wait3A_956 = tpu.memref_slice %arg8[%run_scoped3A_497, %dma_wait3A_954, %dma_wait3A_955] : memref<6x128x16xf32, #tpu.memory_space<vmem>> -> memref<1x128x16xf32, #tpu.memory_space<vmem>>
        %dma_wait3A_957 = tpu.memref_squeeze %dma_wait3A_956 : memref<1x128x16xf32, #tpu.memory_space<vmem>> -> memref<128x16xf32, #tpu.memory_space<vmem>>
        %dma_wait3A_958 = arith.constant 0 : i32
        %dma_wait3A_959 = tpu.memref_slice %arg10[%run_scoped3A_498, %dma_wait3A_958] : memref<16x128xi32, #tpu.memory_space<vmem>> -> memref<1x128xi32, #tpu.memory_space<vmem>>
        %dma_wait3A_960 = tpu.memref_squeeze %dma_wait3A_959 : memref<1x128xi32, #tpu.memory_space<vmem>> -> memref<128xi32, #tpu.memory_space<vmem>>
        %dma_wait3A_961 = arith.constant 0 : i32
        %dma_wait3A_962 = arith.constant 0 : i32
        %dma_wait3A_963 = tpu.memref_slice %arg7[%dma_wait3A_961, %dma_wait3A_962] : memref<10112x16xf32, #tpu.memory_space<vmem_shared>> -> memref<10112x16xf32, #tpu.memory_space<vmem_shared>>
        tpu.wait_indirect_dma semaphore(%run_scoped3A_943 : memref<!tpu.dma_semaphore, #tpu.memory_space<semaphore_mem>>) src(%dma_wait3A_957 : memref<128x16xf32, #tpu.memory_space<vmem>>) dst(%dma_wait3A_963 : memref<10112x16xf32, #tpu.memory_space<vmem_shared>>)
        tpu.yield
      }) : () -> ()
      %convert_element_type3A = arith.extui %lt3A_68 : i1 to i32
      %cond3A = arith.constant 0 : i32
      %cond3A_499 = arith.cmpi ne, %convert_element_type3A, %cond3A : i32
      scf.if %cond3A_499 {
        %add3A_943 = arith.addi %add3A_7, %add3A_65 : i32
        %dma_start3A_944 = arith.constant 0 : i32
        %dma_start3A_945 = arith.constant 0 : i32
        %dma_start3A_946 = tpu.memref_slice %arg3[%add3A_943, %dma_start3A_944, %dma_start3A_945] : memref<320x16x128xi32, #tpu.memory_space<hbm>> -> memref<1x16x128xi32, #tpu.memory_space<hbm>>
        %dma_start3A_947 = tpu.memref_squeeze %dma_start3A_946 : memref<1x16x128xi32, #tpu.memory_space<hbm>> -> memref<16x128xi32, #tpu.memory_space<hbm>>
        %dma_start3A_948 = arith.constant 0 : i32
        %dma_start3A_949 = arith.constant 0 : i32
        %dma_start3A_950 = tpu.memref_slice %arg3[%add3A_943, %dma_start3A_948, %dma_start3A_949] : memref<320x16x128xi32, #tpu.memory_space<hbm>> -> memref<1x16x128xi32, #tpu.memory_space<hbm>>
        %dma_start3A_951 = tpu.memref_squeeze %dma_start3A_950 : memref<1x16x128xi32, #tpu.memory_space<hbm>> -> memref<16x128xi32, #tpu.memory_space<hbm>>
        tpu.enqueue_dma source(%dma_start3A_951 : memref<16x128xi32, #tpu.memory_space<hbm>>) target(%arg9 : memref<16x128xi32, #tpu.memory_space<vmem>>) target_semaphore(%arg19 : memref<!tpu.dma_semaphore, #tpu.memory_space<semaphore_mem>>)
        %add3A_952 = arith.addi %add3A_12, %add3A_65 : i32
        %dma_start3A_953 = arith.constant 0 : i32
        %dma_start3A_954 = arith.constant 0 : i32
        %dma_start3A_955 = tpu.memref_slice %arg4[%add3A_952, %dma_start3A_953, %dma_start3A_954] : memref<320x16x128xi32, #tpu.memory_space<hbm>> -> memref<1x16x128xi32, #tpu.memory_space<hbm>>
        %dma_start3A_956 = tpu.memref_squeeze %dma_start3A_955 : memref<1x16x128xi32, #tpu.memory_space<hbm>> -> memref<16x128xi32, #tpu.memory_space<hbm>>
        %dma_start3A_957 = arith.constant 0 : i32
        %dma_start3A_958 = arith.constant 0 : i32
        %dma_start3A_959 = tpu.memref_slice %arg4[%add3A_952, %dma_start3A_957, %dma_start3A_958] : memref<320x16x128xi32, #tpu.memory_space<hbm>> -> memref<1x16x128xi32, #tpu.memory_space<hbm>>
        %dma_start3A_960 = tpu.memref_squeeze %dma_start3A_959 : memref<1x16x128xi32, #tpu.memory_space<hbm>> -> memref<16x128xi32, #tpu.memory_space<hbm>>
        tpu.enqueue_dma source(%dma_start3A_960 : memref<16x128xi32, #tpu.memory_space<hbm>>) target(%arg10 : memref<16x128xi32, #tpu.memory_space<vmem>>) target_semaphore(%arg19 : memref<!tpu.dma_semaphore, #tpu.memory_space<semaphore_mem>>)
      } else {
      }
      %add3A_500 = arith.constant 1 : i32
      %add3A_501 = arith.addi %mul3A_63, %add3A_500 : i32
      %add3A_502 = arith.constant 3 : i32
      %add3A_503 = arith.addi %mul3A_63, %add3A_502 : i32
      %add3A_504 = arith.constant 3 : i32
      %add3A_505 = arith.addi %mul3A_63, %add3A_504 : i32
      %lt3A_506 = arith.constant 10 : i32
      %lt3A_507 = arith.cmpi slt, %add3A_505, %lt3A_506 : i32
      %dma_wait3A_508 = arith.constant 0 : i32
      %dma_wait3A_509 = arith.constant 0 : i32
      %dma_wait3A_510 = tpu.memref_slice %arg3[%add3A_7, %dma_wait3A_508, %dma_wait3A_509] : memref<320x16x128xi32, #tpu.memory_space<hbm>> -> memref<1x16x128xi32, #tpu.memory_space<hbm>>
      %dma_wait3A_511 = tpu.memref_squeeze %dma_wait3A_510 : memref<1x16x128xi32, #tpu.memory_space<hbm>> -> memref<16x128xi32, #tpu.memory_space<hbm>>
      %dma_wait3A_512 = arith.constant 0 : i32
      %dma_wait3A_513 = arith.constant 0 : i32
      %dma_wait3A_514 = tpu.memref_slice %arg3[%add3A_7, %dma_wait3A_512, %dma_wait3A_513] : memref<320x16x128xi32, #tpu.memory_space<hbm>> -> memref<1x16x128xi32, #tpu.memory_space<hbm>>
      %dma_wait3A_515 = tpu.memref_squeeze %dma_wait3A_514 : memref<1x16x128xi32, #tpu.memory_space<hbm>> -> memref<16x128xi32, #tpu.memory_space<hbm>>
      tpu.wait_dma2 semaphore(%arg20 : memref<!tpu.dma_semaphore, #tpu.memory_space<semaphore_mem>>) src(%dma_wait3A_515 : memref<16x128xi32, #tpu.memory_space<hbm>>) dst(%arg11 : memref<16x128xi32, #tpu.memory_space<vmem>>)
      %dma_wait3A_516 = arith.constant 0 : i32
      %dma_wait3A_517 = arith.constant 0 : i32
      %dma_wait3A_518 = tpu.memref_slice %arg4[%add3A_12, %dma_wait3A_516, %dma_wait3A_517] : memref<320x16x128xi32, #tpu.memory_space<hbm>> -> memref<1x16x128xi32, #tpu.memory_space<hbm>>
      %dma_wait3A_519 = tpu.memref_squeeze %dma_wait3A_518 : memref<1x16x128xi32, #tpu.memory_space<hbm>> -> memref<16x128xi32, #tpu.memory_space<hbm>>
      %dma_wait3A_520 = arith.constant 0 : i32
      %dma_wait3A_521 = arith.constant 0 : i32
      %dma_wait3A_522 = tpu.memref_slice %arg4[%add3A_12, %dma_wait3A_520, %dma_wait3A_521] : memref<320x16x128xi32, #tpu.memory_space<hbm>> -> memref<1x16x128xi32, #tpu.memory_space<hbm>>
      %dma_wait3A_523 = tpu.memref_squeeze %dma_wait3A_522 : memref<1x16x128xi32, #tpu.memory_space<hbm>> -> memref<16x128xi32, #tpu.memory_space<hbm>>
      tpu.wait_dma2 semaphore(%arg20 : memref<!tpu.dma_semaphore, #tpu.memory_space<semaphore_mem>>) src(%dma_wait3A_523 : memref<16x128xi32, #tpu.memory_space<hbm>>) dst(%arg12 : memref<16x128xi32, #tpu.memory_space<vmem>>)
      %dma_start3A_524 = arith.constant 0 : i32
      %dma_start3A_525 = arith.constant 0 : i32
      %dma_start3A_526 = arith.constant 0 : i32
      %dma_start3A_527 = arith.constant 0 : i32
      %dma_start3A_528 = tpu.memref_slice %arg8[%dma_start3A_525, %dma_start3A_526, %dma_start3A_527] : memref<6x128x16xf32, #tpu.memory_space<vmem>> -> memref<1x128x16xf32, #tpu.memory_space<vmem>>
      %dma_start3A_529 = tpu.memref_squeeze %dma_start3A_528 : memref<1x128x16xf32, #tpu.memory_space<vmem>> -> memref<128x16xf32, #tpu.memory_space<vmem>>
      %dma_start3A_530 = arith.constant 0 : i32
      %dma_start3A_531 = tpu.memref_slice %arg11[%dma_start3A_524, %dma_start3A_530] : memref<16x128xi32, #tpu.memory_space<vmem>> -> memref<1x128xi32, #tpu.memory_space<vmem>>
      %dma_start3A_532 = tpu.memref_squeeze %dma_start3A_531 : memref<1x128xi32, #tpu.memory_space<vmem>> -> memref<128xi32, #tpu.memory_space<vmem>>
      %dma_start3A_533 = arith.constant 0 : i32
      %dma_start3A_534 = arith.constant 0 : i32
      %dma_start3A_535 = tpu.memref_slice %arg2[%dma_start3A_533, %dma_start3A_534] : memref<10000x16xf32, #tpu.memory_space<hbm>> -> memref<10000x16xf32, #tpu.memory_space<hbm>>
      tpu.enqueue_indirect_dma source(%dma_start3A_535 : memref<10000x16xf32, #tpu.memory_space<hbm>>) target(%dma_start3A_529 : memref<128x16xf32, #tpu.memory_space<vmem>>) offsets(%dma_start3A_532 : memref<128xi32, #tpu.memory_space<vmem>>) semaphore(%arg13 : memref<!tpu.dma_semaphore, #tpu.memory_space<semaphore_mem>>)
      %dma_start3A_536 = arith.constant 1 : i32
      %dma_start3A_537 = arith.constant 1 : i32
      %dma_start3A_538 = arith.constant 0 : i32
      %dma_start3A_539 = arith.constant 0 : i32
      %dma_start3A_540 = tpu.memref_slice %arg8[%dma_start3A_537, %dma_start3A_538, %dma_start3A_539] : memref<6x128x16xf32, #tpu.memory_space<vmem>> -> memref<1x128x16xf32, #tpu.memory_space<vmem>>
      %dma_start3A_541 = tpu.memref_squeeze %dma_start3A_540 : memref<1x128x16xf32, #tpu.memory_space<vmem>> -> memref<128x16xf32, #tpu.memory_space<vmem>>
      %dma_start3A_542 = arith.constant 0 : i32
      %dma_start3A_543 = tpu.memref_slice %arg11[%dma_start3A_536, %dma_start3A_542] : memref<16x128xi32, #tpu.memory_space<vmem>> -> memref<1x128xi32, #tpu.memory_space<vmem>>
      %dma_start3A_544 = tpu.memref_squeeze %dma_start3A_543 : memref<1x128xi32, #tpu.memory_space<vmem>> -> memref<128xi32, #tpu.memory_space<vmem>>
      %dma_start3A_545 = arith.constant 0 : i32
      %dma_start3A_546 = arith.constant 0 : i32
      %dma_start3A_547 = tpu.memref_slice %arg2[%dma_start3A_545, %dma_start3A_546] : memref<10000x16xf32, #tpu.memory_space<hbm>> -> memref<10000x16xf32, #tpu.memory_space<hbm>>
      tpu.enqueue_indirect_dma source(%dma_start3A_547 : memref<10000x16xf32, #tpu.memory_space<hbm>>) target(%dma_start3A_541 : memref<128x16xf32, #tpu.memory_space<vmem>>) offsets(%dma_start3A_544 : memref<128xi32, #tpu.memory_space<vmem>>) semaphore(%arg14 : memref<!tpu.dma_semaphore, #tpu.memory_space<semaphore_mem>>)
      %dma_start3A_548 = arith.constant 2 : i32
      %dma_start3A_549 = arith.constant 2 : i32
      %dma_start3A_550 = arith.constant 0 : i32
      %dma_start3A_551 = arith.constant 0 : i32
      %dma_start3A_552 = tpu.memref_slice %arg8[%dma_start3A_549, %dma_start3A_550, %dma_start3A_551] : memref<6x128x16xf32, #tpu.memory_space<vmem>> -> memref<1x128x16xf32, #tpu.memory_space<vmem>>
      %dma_start3A_553 = tpu.memref_squeeze %dma_start3A_552 : memref<1x128x16xf32, #tpu.memory_space<vmem>> -> memref<128x16xf32, #tpu.memory_space<vmem>>
      %dma_start3A_554 = arith.constant 0 : i32
      %dma_start3A_555 = tpu.memref_slice %arg11[%dma_start3A_548, %dma_start3A_554] : memref<16x128xi32, #tpu.memory_space<vmem>> -> memref<1x128xi32, #tpu.memory_space<vmem>>
      %dma_start3A_556 = tpu.memref_squeeze %dma_start3A_555 : memref<1x128xi32, #tpu.memory_space<vmem>> -> memref<128xi32, #tpu.memory_space<vmem>>
      %dma_start3A_557 = arith.constant 0 : i32
      %dma_start3A_558 = arith.constant 0 : i32
      %dma_start3A_559 = tpu.memref_slice %arg2[%dma_start3A_557, %dma_start3A_558] : memref<10000x16xf32, #tpu.memory_space<hbm>> -> memref<10000x16xf32, #tpu.memory_space<hbm>>
      tpu.enqueue_indirect_dma source(%dma_start3A_559 : memref<10000x16xf32, #tpu.memory_space<hbm>>) target(%dma_start3A_553 : memref<128x16xf32, #tpu.memory_space<vmem>>) offsets(%dma_start3A_556 : memref<128xi32, #tpu.memory_space<vmem>>) semaphore(%arg15 : memref<!tpu.dma_semaphore, #tpu.memory_space<semaphore_mem>>)
      %dma_start3A_560 = arith.constant 3 : i32
      %dma_start3A_561 = arith.constant 3 : i32
      %dma_start3A_562 = arith.constant 0 : i32
      %dma_start3A_563 = arith.constant 0 : i32
      %dma_start3A_564 = tpu.memref_slice %arg8[%dma_start3A_561, %dma_start3A_562, %dma_start3A_563] : memref<6x128x16xf32, #tpu.memory_space<vmem>> -> memref<1x128x16xf32, #tpu.memory_space<vmem>>
      %dma_start3A_565 = tpu.memref_squeeze %dma_start3A_564 : memref<1x128x16xf32, #tpu.memory_space<vmem>> -> memref<128x16xf32, #tpu.memory_space<vmem>>
      %dma_start3A_566 = arith.constant 0 : i32
      %dma_start3A_567 = tpu.memref_slice %arg11[%dma_start3A_560, %dma_start3A_566] : memref<16x128xi32, #tpu.memory_space<vmem>> -> memref<1x128xi32, #tpu.memory_space<vmem>>
      %dma_start3A_568 = tpu.memref_squeeze %dma_start3A_567 : memref<1x128xi32, #tpu.memory_space<vmem>> -> memref<128xi32, #tpu.memory_space<vmem>>
      %dma_start3A_569 = arith.constant 0 : i32
      %dma_start3A_570 = arith.constant 0 : i32
      %dma_start3A_571 = tpu.memref_slice %arg2[%dma_start3A_569, %dma_start3A_570] : memref<10000x16xf32, #tpu.memory_space<hbm>> -> memref<10000x16xf32, #tpu.memory_space<hbm>>
      tpu.enqueue_indirect_dma source(%dma_start3A_571 : memref<10000x16xf32, #tpu.memory_space<hbm>>) target(%dma_start3A_565 : memref<128x16xf32, #tpu.memory_space<vmem>>) offsets(%dma_start3A_568 : memref<128xi32, #tpu.memory_space<vmem>>) semaphore(%arg16 : memref<!tpu.dma_semaphore, #tpu.memory_space<semaphore_mem>>)
      %dma_start3A_572 = arith.constant 4 : i32
      %dma_start3A_573 = arith.constant 4 : i32
      %dma_start3A_574 = arith.constant 0 : i32
      %dma_start3A_575 = arith.constant 0 : i32
      %dma_start3A_576 = tpu.memref_slice %arg8[%dma_start3A_573, %dma_start3A_574, %dma_start3A_575] : memref<6x128x16xf32, #tpu.memory_space<vmem>> -> memref<1x128x16xf32, #tpu.memory_space<vmem>>
      %dma_start3A_577 = tpu.memref_squeeze %dma_start3A_576 : memref<1x128x16xf32, #tpu.memory_space<vmem>> -> memref<128x16xf32, #tpu.memory_space<vmem>>
      %dma_start3A_578 = arith.constant 0 : i32
      %dma_start3A_579 = tpu.memref_slice %arg11[%dma_start3A_572, %dma_start3A_578] : memref<16x128xi32, #tpu.memory_space<vmem>> -> memref<1x128xi32, #tpu.memory_space<vmem>>
      %dma_start3A_580 = tpu.memref_squeeze %dma_start3A_579 : memref<1x128xi32, #tpu.memory_space<vmem>> -> memref<128xi32, #tpu.memory_space<vmem>>
      %dma_start3A_581 = arith.constant 0 : i32
      %dma_start3A_582 = arith.constant 0 : i32
      %dma_start3A_583 = tpu.memref_slice %arg2[%dma_start3A_581, %dma_start3A_582] : memref<10000x16xf32, #tpu.memory_space<hbm>> -> memref<10000x16xf32, #tpu.memory_space<hbm>>
      tpu.enqueue_indirect_dma source(%dma_start3A_583 : memref<10000x16xf32, #tpu.memory_space<hbm>>) target(%dma_start3A_577 : memref<128x16xf32, #tpu.memory_space<vmem>>) offsets(%dma_start3A_580 : memref<128xi32, #tpu.memory_space<vmem>>) semaphore(%arg17 : memref<!tpu.dma_semaphore, #tpu.memory_space<semaphore_mem>>)
      %dma_start3A_584 = arith.constant 5 : i32
      %dma_start3A_585 = arith.constant 5 : i32
      %dma_start3A_586 = arith.constant 0 : i32
      %dma_start3A_587 = arith.constant 0 : i32
      %dma_start3A_588 = tpu.memref_slice %arg8[%dma_start3A_585, %dma_start3A_586, %dma_start3A_587] : memref<6x128x16xf32, #tpu.memory_space<vmem>> -> memref<1x128x16xf32, #tpu.memory_space<vmem>>
      %dma_start3A_589 = tpu.memref_squeeze %dma_start3A_588 : memref<1x128x16xf32, #tpu.memory_space<vmem>> -> memref<128x16xf32, #tpu.memory_space<vmem>>
      %dma_start3A_590 = arith.constant 0 : i32
      %dma_start3A_591 = tpu.memref_slice %arg11[%dma_start3A_584, %dma_start3A_590] : memref<16x128xi32, #tpu.memory_space<vmem>> -> memref<1x128xi32, #tpu.memory_space<vmem>>
      %dma_start3A_592 = tpu.memref_squeeze %dma_start3A_591 : memref<1x128xi32, #tpu.memory_space<vmem>> -> memref<128xi32, #tpu.memory_space<vmem>>
      %dma_start3A_593 = arith.constant 0 : i32
      %dma_start3A_594 = arith.constant 0 : i32
      %dma_start3A_595 = tpu.memref_slice %arg2[%dma_start3A_593, %dma_start3A_594] : memref<10000x16xf32, #tpu.memory_space<hbm>> -> memref<10000x16xf32, #tpu.memory_space<hbm>>
      tpu.enqueue_indirect_dma source(%dma_start3A_595 : memref<10000x16xf32, #tpu.memory_space<hbm>>) target(%dma_start3A_589 : memref<128x16xf32, #tpu.memory_space<vmem>>) offsets(%dma_start3A_592 : memref<128xi32, #tpu.memory_space<vmem>>) semaphore(%arg18 : memref<!tpu.dma_semaphore, #tpu.memory_space<semaphore_mem>>)
      %dma_wait3A_596 = arith.constant 0 : i32
      %dma_wait3A_597 = arith.constant 0 : i32
      %dma_wait3A_598 = arith.constant 0 : i32
      %dma_wait3A_599 = arith.constant 0 : i32
      %dma_wait3A_600 = tpu.memref_slice %arg8[%dma_wait3A_597, %dma_wait3A_598, %dma_wait3A_599] : memref<6x128x16xf32, #tpu.memory_space<vmem>> -> memref<1x128x16xf32, #tpu.memory_space<vmem>>
      %dma_wait3A_601 = tpu.memref_squeeze %dma_wait3A_600 : memref<1x128x16xf32, #tpu.memory_space<vmem>> -> memref<128x16xf32, #tpu.memory_space<vmem>>
      %dma_wait3A_602 = arith.constant 0 : i32
      %dma_wait3A_603 = tpu.memref_slice %arg11[%dma_wait3A_596, %dma_wait3A_602] : memref<16x128xi32, #tpu.memory_space<vmem>> -> memref<1x128xi32, #tpu.memory_space<vmem>>
      %dma_wait3A_604 = tpu.memref_squeeze %dma_wait3A_603 : memref<1x128xi32, #tpu.memory_space<vmem>> -> memref<128xi32, #tpu.memory_space<vmem>>
      %dma_wait3A_605 = arith.constant 0 : i32
      %dma_wait3A_606 = arith.constant 0 : i32
      %dma_wait3A_607 = tpu.memref_slice %arg2[%dma_wait3A_605, %dma_wait3A_606] : memref<10000x16xf32, #tpu.memory_space<hbm>> -> memref<10000x16xf32, #tpu.memory_space<hbm>>
      tpu.wait_indirect_dma semaphore(%arg13 : memref<!tpu.dma_semaphore, #tpu.memory_space<semaphore_mem>>) src(%dma_wait3A_607 : memref<10000x16xf32, #tpu.memory_space<hbm>>) dst(%dma_wait3A_601 : memref<128x16xf32, #tpu.memory_space<vmem>>)
      %dma_start3A_608 = arith.constant 6 : i32
      %dma_start3A_609 = arith.constant 0 : i32
      %dma_start3A_610 = arith.constant 0 : i32
      %dma_start3A_611 = arith.constant 0 : i32
      %dma_start3A_612 = tpu.memref_slice %arg8[%dma_start3A_609, %dma_start3A_610, %dma_start3A_611] : memref<6x128x16xf32, #tpu.memory_space<vmem>> -> memref<1x128x16xf32, #tpu.memory_space<vmem>>
      %dma_start3A_613 = tpu.memref_squeeze %dma_start3A_612 : memref<1x128x16xf32, #tpu.memory_space<vmem>> -> memref<128x16xf32, #tpu.memory_space<vmem>>
      %dma_start3A_614 = arith.constant 0 : i32
      %dma_start3A_615 = tpu.memref_slice %arg11[%dma_start3A_608, %dma_start3A_614] : memref<16x128xi32, #tpu.memory_space<vmem>> -> memref<1x128xi32, #tpu.memory_space<vmem>>
      %dma_start3A_616 = tpu.memref_squeeze %dma_start3A_615 : memref<1x128xi32, #tpu.memory_space<vmem>> -> memref<128xi32, #tpu.memory_space<vmem>>
      %dma_start3A_617 = arith.constant 0 : i32
      %dma_start3A_618 = arith.constant 0 : i32
      %dma_start3A_619 = tpu.memref_slice %arg2[%dma_start3A_617, %dma_start3A_618] : memref<10000x16xf32, #tpu.memory_space<hbm>> -> memref<10000x16xf32, #tpu.memory_space<hbm>>
      tpu.enqueue_indirect_dma source(%dma_start3A_619 : memref<10000x16xf32, #tpu.memory_space<hbm>>) target(%dma_start3A_613 : memref<128x16xf32, #tpu.memory_space<vmem>>) offsets(%dma_start3A_616 : memref<128xi32, #tpu.memory_space<vmem>>) semaphore(%arg13 : memref<!tpu.dma_semaphore, #tpu.memory_space<semaphore_mem>>)
      %run_scoped3A_620 = arith.constant 0 : i32
      %run_scoped3A_621 = arith.constant 0 : i32
      "tpu.region"() ({
        %run_scoped3A_943 = tpu.sem_alloc : memref<!tpu.dma_semaphore, #tpu.memory_space<semaphore_mem>>
        %dma_start3A_944 = arith.constant 0 : i32
        %dma_start3A_945 = arith.constant 0 : i32
        %dma_start3A_946 = tpu.memref_slice %arg8[%run_scoped3A_620, %dma_start3A_944, %dma_start3A_945] : memref<6x128x16xf32, #tpu.memory_space<vmem>> -> memref<1x128x16xf32, #tpu.memory_space<vmem>>
        %dma_start3A_947 = tpu.memref_squeeze %dma_start3A_946 : memref<1x128x16xf32, #tpu.memory_space<vmem>> -> memref<128x16xf32, #tpu.memory_space<vmem>>
        %dma_start3A_948 = arith.constant 0 : i32
        %dma_start3A_949 = tpu.memref_slice %arg12[%run_scoped3A_621, %dma_start3A_948] : memref<16x128xi32, #tpu.memory_space<vmem>> -> memref<1x128xi32, #tpu.memory_space<vmem>>
        %dma_start3A_950 = tpu.memref_squeeze %dma_start3A_949 : memref<1x128xi32, #tpu.memory_space<vmem>> -> memref<128xi32, #tpu.memory_space<vmem>>
        %dma_start3A_951 = arith.constant 0 : i32
        %dma_start3A_952 = arith.constant 0 : i32
        %dma_start3A_953 = tpu.memref_slice %arg7[%dma_start3A_951, %dma_start3A_952] : memref<10112x16xf32, #tpu.memory_space<vmem_shared>> -> memref<10112x16xf32, #tpu.memory_space<vmem_shared>>
        tpu.enqueue_indirect_dma source(%dma_start3A_947 : memref<128x16xf32, #tpu.memory_space<vmem>>) target(%dma_start3A_953 : memref<10112x16xf32, #tpu.memory_space<vmem_shared>>) offsets(%dma_start3A_950 : memref<128xi32, #tpu.memory_space<vmem>>) semaphore(%run_scoped3A_943 : memref<!tpu.dma_semaphore, #tpu.memory_space<semaphore_mem>>) {add = true}
        %dma_wait3A_954 = arith.constant 0 : i32
        %dma_wait3A_955 = arith.constant 0 : i32
        %dma_wait3A_956 = tpu.memref_slice %arg8[%run_scoped3A_620, %dma_wait3A_954, %dma_wait3A_955] : memref<6x128x16xf32, #tpu.memory_space<vmem>> -> memref<1x128x16xf32, #tpu.memory_space<vmem>>
        %dma_wait3A_957 = tpu.memref_squeeze %dma_wait3A_956 : memref<1x128x16xf32, #tpu.memory_space<vmem>> -> memref<128x16xf32, #tpu.memory_space<vmem>>
        %dma_wait3A_958 = arith.constant 0 : i32
        %dma_wait3A_959 = tpu.memref_slice %arg12[%run_scoped3A_621, %dma_wait3A_958] : memref<16x128xi32, #tpu.memory_space<vmem>> -> memref<1x128xi32, #tpu.memory_space<vmem>>
        %dma_wait3A_960 = tpu.memref_squeeze %dma_wait3A_959 : memref<1x128xi32, #tpu.memory_space<vmem>> -> memref<128xi32, #tpu.memory_space<vmem>>
        %dma_wait3A_961 = arith.constant 0 : i32
        %dma_wait3A_962 = arith.constant 0 : i32
        %dma_wait3A_963 = tpu.memref_slice %arg7[%dma_wait3A_961, %dma_wait3A_962] : memref<10112x16xf32, #tpu.memory_space<vmem_shared>> -> memref<10112x16xf32, #tpu.memory_space<vmem_shared>>
        tpu.wait_indirect_dma semaphore(%run_scoped3A_943 : memref<!tpu.dma_semaphore, #tpu.memory_space<semaphore_mem>>) src(%dma_wait3A_957 : memref<128x16xf32, #tpu.memory_space<vmem>>) dst(%dma_wait3A_963 : memref<10112x16xf32, #tpu.memory_space<vmem_shared>>)
        tpu.yield
      }) : () -> ()
      %dma_wait3A_622 = arith.constant 1 : i32
      %dma_wait3A_623 = arith.constant 1 : i32
      %dma_wait3A_624 = arith.constant 0 : i32
      %dma_wait3A_625 = arith.constant 0 : i32
      %dma_wait3A_626 = tpu.memref_slice %arg8[%dma_wait3A_623, %dma_wait3A_624, %dma_wait3A_625] : memref<6x128x16xf32, #tpu.memory_space<vmem>> -> memref<1x128x16xf32, #tpu.memory_space<vmem>>
      %dma_wait3A_627 = tpu.memref_squeeze %dma_wait3A_626 : memref<1x128x16xf32, #tpu.memory_space<vmem>> -> memref<128x16xf32, #tpu.memory_space<vmem>>
      %dma_wait3A_628 = arith.constant 0 : i32
      %dma_wait3A_629 = tpu.memref_slice %arg11[%dma_wait3A_622, %dma_wait3A_628] : memref<16x128xi32, #tpu.memory_space<vmem>> -> memref<1x128xi32, #tpu.memory_space<vmem>>
      %dma_wait3A_630 = tpu.memref_squeeze %dma_wait3A_629 : memref<1x128xi32, #tpu.memory_space<vmem>> -> memref<128xi32, #tpu.memory_space<vmem>>
      %dma_wait3A_631 = arith.constant 0 : i32
      %dma_wait3A_632 = arith.constant 0 : i32
      %dma_wait3A_633 = tpu.memref_slice %arg2[%dma_wait3A_631, %dma_wait3A_632] : memref<10000x16xf32, #tpu.memory_space<hbm>> -> memref<10000x16xf32, #tpu.memory_space<hbm>>
      tpu.wait_indirect_dma semaphore(%arg14 : memref<!tpu.dma_semaphore, #tpu.memory_space<semaphore_mem>>) src(%dma_wait3A_633 : memref<10000x16xf32, #tpu.memory_space<hbm>>) dst(%dma_wait3A_627 : memref<128x16xf32, #tpu.memory_space<vmem>>)
      %dma_start3A_634 = arith.constant 7 : i32
      %dma_start3A_635 = arith.constant 1 : i32
      %dma_start3A_636 = arith.constant 0 : i32
      %dma_start3A_637 = arith.constant 0 : i32
      %dma_start3A_638 = tpu.memref_slice %arg8[%dma_start3A_635, %dma_start3A_636, %dma_start3A_637] : memref<6x128x16xf32, #tpu.memory_space<vmem>> -> memref<1x128x16xf32, #tpu.memory_space<vmem>>
      %dma_start3A_639 = tpu.memref_squeeze %dma_start3A_638 : memref<1x128x16xf32, #tpu.memory_space<vmem>> -> memref<128x16xf32, #tpu.memory_space<vmem>>
      %dma_start3A_640 = arith.constant 0 : i32
      %dma_start3A_641 = tpu.memref_slice %arg11[%dma_start3A_634, %dma_start3A_640] : memref<16x128xi32, #tpu.memory_space<vmem>> -> memref<1x128xi32, #tpu.memory_space<vmem>>
      %dma_start3A_642 = tpu.memref_squeeze %dma_start3A_641 : memref<1x128xi32, #tpu.memory_space<vmem>> -> memref<128xi32, #tpu.memory_space<vmem>>
      %dma_start3A_643 = arith.constant 0 : i32
      %dma_start3A_644 = arith.constant 0 : i32
      %dma_start3A_645 = tpu.memref_slice %arg2[%dma_start3A_643, %dma_start3A_644] : memref<10000x16xf32, #tpu.memory_space<hbm>> -> memref<10000x16xf32, #tpu.memory_space<hbm>>
      tpu.enqueue_indirect_dma source(%dma_start3A_645 : memref<10000x16xf32, #tpu.memory_space<hbm>>) target(%dma_start3A_639 : memref<128x16xf32, #tpu.memory_space<vmem>>) offsets(%dma_start3A_642 : memref<128xi32, #tpu.memory_space<vmem>>) semaphore(%arg14 : memref<!tpu.dma_semaphore, #tpu.memory_space<semaphore_mem>>)
      %run_scoped3A_646 = arith.constant 1 : i32
      %run_scoped3A_647 = arith.constant 1 : i32
      "tpu.region"() ({
        %run_scoped3A_943 = tpu.sem_alloc : memref<!tpu.dma_semaphore, #tpu.memory_space<semaphore_mem>>
        %dma_start3A_944 = arith.constant 0 : i32
        %dma_start3A_945 = arith.constant 0 : i32
        %dma_start3A_946 = tpu.memref_slice %arg8[%run_scoped3A_646, %dma_start3A_944, %dma_start3A_945] : memref<6x128x16xf32, #tpu.memory_space<vmem>> -> memref<1x128x16xf32, #tpu.memory_space<vmem>>
        %dma_start3A_947 = tpu.memref_squeeze %dma_start3A_946 : memref<1x128x16xf32, #tpu.memory_space<vmem>> -> memref<128x16xf32, #tpu.memory_space<vmem>>
        %dma_start3A_948 = arith.constant 0 : i32
        %dma_start3A_949 = tpu.memref_slice %arg12[%run_scoped3A_647, %dma_start3A_948] : memref<16x128xi32, #tpu.memory_space<vmem>> -> memref<1x128xi32, #tpu.memory_space<vmem>>
        %dma_start3A_950 = tpu.memref_squeeze %dma_start3A_949 : memref<1x128xi32, #tpu.memory_space<vmem>> -> memref<128xi32, #tpu.memory_space<vmem>>
        %dma_start3A_951 = arith.constant 0 : i32
        %dma_start3A_952 = arith.constant 0 : i32
        %dma_start3A_953 = tpu.memref_slice %arg7[%dma_start3A_951, %dma_start3A_952] : memref<10112x16xf32, #tpu.memory_space<vmem_shared>> -> memref<10112x16xf32, #tpu.memory_space<vmem_shared>>
        tpu.enqueue_indirect_dma source(%dma_start3A_947 : memref<128x16xf32, #tpu.memory_space<vmem>>) target(%dma_start3A_953 : memref<10112x16xf32, #tpu.memory_space<vmem_shared>>) offsets(%dma_start3A_950 : memref<128xi32, #tpu.memory_space<vmem>>) semaphore(%run_scoped3A_943 : memref<!tpu.dma_semaphore, #tpu.memory_space<semaphore_mem>>) {add = true}
        %dma_wait3A_954 = arith.constant 0 : i32
        %dma_wait3A_955 = arith.constant 0 : i32
        %dma_wait3A_956 = tpu.memref_slice %arg8[%run_scoped3A_646, %dma_wait3A_954, %dma_wait3A_955] : memref<6x128x16xf32, #tpu.memory_space<vmem>> -> memref<1x128x16xf32, #tpu.memory_space<vmem>>
        %dma_wait3A_957 = tpu.memref_squeeze %dma_wait3A_956 : memref<1x128x16xf32, #tpu.memory_space<vmem>> -> memref<128x16xf32, #tpu.memory_space<vmem>>
        %dma_wait3A_958 = arith.constant 0 : i32
        %dma_wait3A_959 = tpu.memref_slice %arg12[%run_scoped3A_647, %dma_wait3A_958] : memref<16x128xi32, #tpu.memory_space<vmem>> -> memref<1x128xi32, #tpu.memory_space<vmem>>
        %dma_wait3A_960 = tpu.memref_squeeze %dma_wait3A_959 : memref<1x128xi32, #tpu.memory_space<vmem>> -> memref<128xi32, #tpu.memory_space<vmem>>
        %dma_wait3A_961 = arith.constant 0 : i32
        %dma_wait3A_962 = arith.constant 0 : i32
        %dma_wait3A_963 = tpu.memref_slice %arg7[%dma_wait3A_961, %dma_wait3A_962] : memref<10112x16xf32, #tpu.memory_space<vmem_shared>> -> memref<10112x16xf32, #tpu.memory_space<vmem_shared>>
        tpu.wait_indirect_dma semaphore(%run_scoped3A_943 : memref<!tpu.dma_semaphore, #tpu.memory_space<semaphore_mem>>) src(%dma_wait3A_957 : memref<128x16xf32, #tpu.memory_space<vmem>>) dst(%dma_wait3A_963 : memref<10112x16xf32, #tpu.memory_space<vmem_shared>>)
        tpu.yield
      }) : () -> ()
      %dma_wait3A_648 = arith.constant 2 : i32
      %dma_wait3A_649 = arith.constant 2 : i32
      %dma_wait3A_650 = arith.constant 0 : i32
      %dma_wait3A_651 = arith.constant 0 : i32
      %dma_wait3A_652 = tpu.memref_slice %arg8[%dma_wait3A_649, %dma_wait3A_650, %dma_wait3A_651] : memref<6x128x16xf32, #tpu.memory_space<vmem>> -> memref<1x128x16xf32, #tpu.memory_space<vmem>>
      %dma_wait3A_653 = tpu.memref_squeeze %dma_wait3A_652 : memref<1x128x16xf32, #tpu.memory_space<vmem>> -> memref<128x16xf32, #tpu.memory_space<vmem>>
      %dma_wait3A_654 = arith.constant 0 : i32
      %dma_wait3A_655 = tpu.memref_slice %arg11[%dma_wait3A_648, %dma_wait3A_654] : memref<16x128xi32, #tpu.memory_space<vmem>> -> memref<1x128xi32, #tpu.memory_space<vmem>>
      %dma_wait3A_656 = tpu.memref_squeeze %dma_wait3A_655 : memref<1x128xi32, #tpu.memory_space<vmem>> -> memref<128xi32, #tpu.memory_space<vmem>>
      %dma_wait3A_657 = arith.constant 0 : i32
      %dma_wait3A_658 = arith.constant 0 : i32
      %dma_wait3A_659 = tpu.memref_slice %arg2[%dma_wait3A_657, %dma_wait3A_658] : memref<10000x16xf32, #tpu.memory_space<hbm>> -> memref<10000x16xf32, #tpu.memory_space<hbm>>
      tpu.wait_indirect_dma semaphore(%arg15 : memref<!tpu.dma_semaphore, #tpu.memory_space<semaphore_mem>>) src(%dma_wait3A_659 : memref<10000x16xf32, #tpu.memory_space<hbm>>) dst(%dma_wait3A_653 : memref<128x16xf32, #tpu.memory_space<vmem>>)
      %dma_start3A_660 = arith.constant 8 : i32
      %dma_start3A_661 = arith.constant 2 : i32
      %dma_start3A_662 = arith.constant 0 : i32
      %dma_start3A_663 = arith.constant 0 : i32
      %dma_start3A_664 = tpu.memref_slice %arg8[%dma_start3A_661, %dma_start3A_662, %dma_start3A_663] : memref<6x128x16xf32, #tpu.memory_space<vmem>> -> memref<1x128x16xf32, #tpu.memory_space<vmem>>
      %dma_start3A_665 = tpu.memref_squeeze %dma_start3A_664 : memref<1x128x16xf32, #tpu.memory_space<vmem>> -> memref<128x16xf32, #tpu.memory_space<vmem>>
      %dma_start3A_666 = arith.constant 0 : i32
      %dma_start3A_667 = tpu.memref_slice %arg11[%dma_start3A_660, %dma_start3A_666] : memref<16x128xi32, #tpu.memory_space<vmem>> -> memref<1x128xi32, #tpu.memory_space<vmem>>
      %dma_start3A_668 = tpu.memref_squeeze %dma_start3A_667 : memref<1x128xi32, #tpu.memory_space<vmem>> -> memref<128xi32, #tpu.memory_space<vmem>>
      %dma_start3A_669 = arith.constant 0 : i32
      %dma_start3A_670 = arith.constant 0 : i32
      %dma_start3A_671 = tpu.memref_slice %arg2[%dma_start3A_669, %dma_start3A_670] : memref<10000x16xf32, #tpu.memory_space<hbm>> -> memref<10000x16xf32, #tpu.memory_space<hbm>>
      tpu.enqueue_indirect_dma source(%dma_start3A_671 : memref<10000x16xf32, #tpu.memory_space<hbm>>) target(%dma_start3A_665 : memref<128x16xf32, #tpu.memory_space<vmem>>) offsets(%dma_start3A_668 : memref<128xi32, #tpu.memory_space<vmem>>) semaphore(%arg15 : memref<!tpu.dma_semaphore, #tpu.memory_space<semaphore_mem>>)
      %run_scoped3A_672 = arith.constant 2 : i32
      %run_scoped3A_673 = arith.constant 2 : i32
      "tpu.region"() ({
        %run_scoped3A_943 = tpu.sem_alloc : memref<!tpu.dma_semaphore, #tpu.memory_space<semaphore_mem>>
        %dma_start3A_944 = arith.constant 0 : i32
        %dma_start3A_945 = arith.constant 0 : i32
        %dma_start3A_946 = tpu.memref_slice %arg8[%run_scoped3A_672, %dma_start3A_944, %dma_start3A_945] : memref<6x128x16xf32, #tpu.memory_space<vmem>> -> memref<1x128x16xf32, #tpu.memory_space<vmem>>
        %dma_start3A_947 = tpu.memref_squeeze %dma_start3A_946 : memref<1x128x16xf32, #tpu.memory_space<vmem>> -> memref<128x16xf32, #tpu.memory_space<vmem>>
        %dma_start3A_948 = arith.constant 0 : i32
        %dma_start3A_949 = tpu.memref_slice %arg12[%run_scoped3A_673, %dma_start3A_948] : memref<16x128xi32, #tpu.memory_space<vmem>> -> memref<1x128xi32, #tpu.memory_space<vmem>>
        %dma_start3A_950 = tpu.memref_squeeze %dma_start3A_949 : memref<1x128xi32, #tpu.memory_space<vmem>> -> memref<128xi32, #tpu.memory_space<vmem>>
        %dma_start3A_951 = arith.constant 0 : i32
        %dma_start3A_952 = arith.constant 0 : i32
        %dma_start3A_953 = tpu.memref_slice %arg7[%dma_start3A_951, %dma_start3A_952] : memref<10112x16xf32, #tpu.memory_space<vmem_shared>> -> memref<10112x16xf32, #tpu.memory_space<vmem_shared>>
        tpu.enqueue_indirect_dma source(%dma_start3A_947 : memref<128x16xf32, #tpu.memory_space<vmem>>) target(%dma_start3A_953 : memref<10112x16xf32, #tpu.memory_space<vmem_shared>>) offsets(%dma_start3A_950 : memref<128xi32, #tpu.memory_space<vmem>>) semaphore(%run_scoped3A_943 : memref<!tpu.dma_semaphore, #tpu.memory_space<semaphore_mem>>) {add = true}
        %dma_wait3A_954 = arith.constant 0 : i32
        %dma_wait3A_955 = arith.constant 0 : i32
        %dma_wait3A_956 = tpu.memref_slice %arg8[%run_scoped3A_672, %dma_wait3A_954, %dma_wait3A_955] : memref<6x128x16xf32, #tpu.memory_space<vmem>> -> memref<1x128x16xf32, #tpu.memory_space<vmem>>
        %dma_wait3A_957 = tpu.memref_squeeze %dma_wait3A_956 : memref<1x128x16xf32, #tpu.memory_space<vmem>> -> memref<128x16xf32, #tpu.memory_space<vmem>>
        %dma_wait3A_958 = arith.constant 0 : i32
        %dma_wait3A_959 = tpu.memref_slice %arg12[%run_scoped3A_673, %dma_wait3A_958] : memref<16x128xi32, #tpu.memory_space<vmem>> -> memref<1x128xi32, #tpu.memory_space<vmem>>
        %dma_wait3A_960 = tpu.memref_squeeze %dma_wait3A_959 : memref<1x128xi32, #tpu.memory_space<vmem>> -> memref<128xi32, #tpu.memory_space<vmem>>
        %dma_wait3A_961 = arith.constant 0 : i32
        %dma_wait3A_962 = arith.constant 0 : i32
        %dma_wait3A_963 = tpu.memref_slice %arg7[%dma_wait3A_961, %dma_wait3A_962] : memref<10112x16xf32, #tpu.memory_space<vmem_shared>> -> memref<10112x16xf32, #tpu.memory_space<vmem_shared>>
        tpu.wait_indirect_dma semaphore(%run_scoped3A_943 : memref<!tpu.dma_semaphore, #tpu.memory_space<semaphore_mem>>) src(%dma_wait3A_957 : memref<128x16xf32, #tpu.memory_space<vmem>>) dst(%dma_wait3A_963 : memref<10112x16xf32, #tpu.memory_space<vmem_shared>>)
        tpu.yield
      }) : () -> ()
      %dma_wait3A_674 = arith.constant 3 : i32
      %dma_wait3A_675 = arith.constant 3 : i32
      %dma_wait3A_676 = arith.constant 0 : i32
      %dma_wait3A_677 = arith.constant 0 : i32
      %dma_wait3A_678 = tpu.memref_slice %arg8[%dma_wait3A_675, %dma_wait3A_676, %dma_wait3A_677] : memref<6x128x16xf32, #tpu.memory_space<vmem>> -> memref<1x128x16xf32, #tpu.memory_space<vmem>>
      %dma_wait3A_679 = tpu.memref_squeeze %dma_wait3A_678 : memref<1x128x16xf32, #tpu.memory_space<vmem>> -> memref<128x16xf32, #tpu.memory_space<vmem>>
      %dma_wait3A_680 = arith.constant 0 : i32
      %dma_wait3A_681 = tpu.memref_slice %arg11[%dma_wait3A_674, %dma_wait3A_680] : memref<16x128xi32, #tpu.memory_space<vmem>> -> memref<1x128xi32, #tpu.memory_space<vmem>>
      %dma_wait3A_682 = tpu.memref_squeeze %dma_wait3A_681 : memref<1x128xi32, #tpu.memory_space<vmem>> -> memref<128xi32, #tpu.memory_space<vmem>>
      %dma_wait3A_683 = arith.constant 0 : i32
      %dma_wait3A_684 = arith.constant 0 : i32
      %dma_wait3A_685 = tpu.memref_slice %arg2[%dma_wait3A_683, %dma_wait3A_684] : memref<10000x16xf32, #tpu.memory_space<hbm>> -> memref<10000x16xf32, #tpu.memory_space<hbm>>
      tpu.wait_indirect_dma semaphore(%arg16 : memref<!tpu.dma_semaphore, #tpu.memory_space<semaphore_mem>>) src(%dma_wait3A_685 : memref<10000x16xf32, #tpu.memory_space<hbm>>) dst(%dma_wait3A_679 : memref<128x16xf32, #tpu.memory_space<vmem>>)
      %dma_start3A_686 = arith.constant 9 : i32
      %dma_start3A_687 = arith.constant 3 : i32
      %dma_start3A_688 = arith.constant 0 : i32
      %dma_start3A_689 = arith.constant 0 : i32
      %dma_start3A_690 = tpu.memref_slice %arg8[%dma_start3A_687, %dma_start3A_688, %dma_start3A_689] : memref<6x128x16xf32, #tpu.memory_space<vmem>> -> memref<1x128x16xf32, #tpu.memory_space<vmem>>
      %dma_start3A_691 = tpu.memref_squeeze %dma_start3A_690 : memref<1x128x16xf32, #tpu.memory_space<vmem>> -> memref<128x16xf32, #tpu.memory_space<vmem>>
      %dma_start3A_692 = arith.constant 0 : i32
      %dma_start3A_693 = tpu.memref_slice %arg11[%dma_start3A_686, %dma_start3A_692] : memref<16x128xi32, #tpu.memory_space<vmem>> -> memref<1x128xi32, #tpu.memory_space<vmem>>
      %dma_start3A_694 = tpu.memref_squeeze %dma_start3A_693 : memref<1x128xi32, #tpu.memory_space<vmem>> -> memref<128xi32, #tpu.memory_space<vmem>>
      %dma_start3A_695 = arith.constant 0 : i32
      %dma_start3A_696 = arith.constant 0 : i32
      %dma_start3A_697 = tpu.memref_slice %arg2[%dma_start3A_695, %dma_start3A_696] : memref<10000x16xf32, #tpu.memory_space<hbm>> -> memref<10000x16xf32, #tpu.memory_space<hbm>>
      tpu.enqueue_indirect_dma source(%dma_start3A_697 : memref<10000x16xf32, #tpu.memory_space<hbm>>) target(%dma_start3A_691 : memref<128x16xf32, #tpu.memory_space<vmem>>) offsets(%dma_start3A_694 : memref<128xi32, #tpu.memory_space<vmem>>) semaphore(%arg16 : memref<!tpu.dma_semaphore, #tpu.memory_space<semaphore_mem>>)
      %run_scoped3A_698 = arith.constant 3 : i32
      %run_scoped3A_699 = arith.constant 3 : i32
      "tpu.region"() ({
        %run_scoped3A_943 = tpu.sem_alloc : memref<!tpu.dma_semaphore, #tpu.memory_space<semaphore_mem>>
        %dma_start3A_944 = arith.constant 0 : i32
        %dma_start3A_945 = arith.constant 0 : i32
        %dma_start3A_946 = tpu.memref_slice %arg8[%run_scoped3A_698, %dma_start3A_944, %dma_start3A_945] : memref<6x128x16xf32, #tpu.memory_space<vmem>> -> memref<1x128x16xf32, #tpu.memory_space<vmem>>
        %dma_start3A_947 = tpu.memref_squeeze %dma_start3A_946 : memref<1x128x16xf32, #tpu.memory_space<vmem>> -> memref<128x16xf32, #tpu.memory_space<vmem>>
        %dma_start3A_948 = arith.constant 0 : i32
        %dma_start3A_949 = tpu.memref_slice %arg12[%run_scoped3A_699, %dma_start3A_948] : memref<16x128xi32, #tpu.memory_space<vmem>> -> memref<1x128xi32, #tpu.memory_space<vmem>>
        %dma_start3A_950 = tpu.memref_squeeze %dma_start3A_949 : memref<1x128xi32, #tpu.memory_space<vmem>> -> memref<128xi32, #tpu.memory_space<vmem>>
        %dma_start3A_951 = arith.constant 0 : i32
        %dma_start3A_952 = arith.constant 0 : i32
        %dma_start3A_953 = tpu.memref_slice %arg7[%dma_start3A_951, %dma_start3A_952] : memref<10112x16xf32, #tpu.memory_space<vmem_shared>> -> memref<10112x16xf32, #tpu.memory_space<vmem_shared>>
        tpu.enqueue_indirect_dma source(%dma_start3A_947 : memref<128x16xf32, #tpu.memory_space<vmem>>) target(%dma_start3A_953 : memref<10112x16xf32, #tpu.memory_space<vmem_shared>>) offsets(%dma_start3A_950 : memref<128xi32, #tpu.memory_space<vmem>>) semaphore(%run_scoped3A_943 : memref<!tpu.dma_semaphore, #tpu.memory_space<semaphore_mem>>) {add = true}
        %dma_wait3A_954 = arith.constant 0 : i32
        %dma_wait3A_955 = arith.constant 0 : i32
        %dma_wait3A_956 = tpu.memref_slice %arg8[%run_scoped3A_698, %dma_wait3A_954, %dma_wait3A_955] : memref<6x128x16xf32, #tpu.memory_space<vmem>> -> memref<1x128x16xf32, #tpu.memory_space<vmem>>
        %dma_wait3A_957 = tpu.memref_squeeze %dma_wait3A_956 : memref<1x128x16xf32, #tpu.memory_space<vmem>> -> memref<128x16xf32, #tpu.memory_space<vmem>>
        %dma_wait3A_958 = arith.constant 0 : i32
        %dma_wait3A_959 = tpu.memref_slice %arg12[%run_scoped3A_699, %dma_wait3A_958] : memref<16x128xi32, #tpu.memory_space<vmem>> -> memref<1x128xi32, #tpu.memory_space<vmem>>
        %dma_wait3A_960 = tpu.memref_squeeze %dma_wait3A_959 : memref<1x128xi32, #tpu.memory_space<vmem>> -> memref<128xi32, #tpu.memory_space<vmem>>
        %dma_wait3A_961 = arith.constant 0 : i32
        %dma_wait3A_962 = arith.constant 0 : i32
        %dma_wait3A_963 = tpu.memref_slice %arg7[%dma_wait3A_961, %dma_wait3A_962] : memref<10112x16xf32, #tpu.memory_space<vmem_shared>> -> memref<10112x16xf32, #tpu.memory_space<vmem_shared>>
        tpu.wait_indirect_dma semaphore(%run_scoped3A_943 : memref<!tpu.dma_semaphore, #tpu.memory_space<semaphore_mem>>) src(%dma_wait3A_957 : memref<128x16xf32, #tpu.memory_space<vmem>>) dst(%dma_wait3A_963 : memref<10112x16xf32, #tpu.memory_space<vmem_shared>>)
        tpu.yield
      }) : () -> ()
      %dma_wait3A_700 = arith.constant 4 : i32
      %dma_wait3A_701 = arith.constant 4 : i32
      %dma_wait3A_702 = arith.constant 0 : i32
      %dma_wait3A_703 = arith.constant 0 : i32
      %dma_wait3A_704 = tpu.memref_slice %arg8[%dma_wait3A_701, %dma_wait3A_702, %dma_wait3A_703] : memref<6x128x16xf32, #tpu.memory_space<vmem>> -> memref<1x128x16xf32, #tpu.memory_space<vmem>>
      %dma_wait3A_705 = tpu.memref_squeeze %dma_wait3A_704 : memref<1x128x16xf32, #tpu.memory_space<vmem>> -> memref<128x16xf32, #tpu.memory_space<vmem>>
      %dma_wait3A_706 = arith.constant 0 : i32
      %dma_wait3A_707 = tpu.memref_slice %arg11[%dma_wait3A_700, %dma_wait3A_706] : memref<16x128xi32, #tpu.memory_space<vmem>> -> memref<1x128xi32, #tpu.memory_space<vmem>>
      %dma_wait3A_708 = tpu.memref_squeeze %dma_wait3A_707 : memref<1x128xi32, #tpu.memory_space<vmem>> -> memref<128xi32, #tpu.memory_space<vmem>>
      %dma_wait3A_709 = arith.constant 0 : i32
      %dma_wait3A_710 = arith.constant 0 : i32
      %dma_wait3A_711 = tpu.memref_slice %arg2[%dma_wait3A_709, %dma_wait3A_710] : memref<10000x16xf32, #tpu.memory_space<hbm>> -> memref<10000x16xf32, #tpu.memory_space<hbm>>
      tpu.wait_indirect_dma semaphore(%arg17 : memref<!tpu.dma_semaphore, #tpu.memory_space<semaphore_mem>>) src(%dma_wait3A_711 : memref<10000x16xf32, #tpu.memory_space<hbm>>) dst(%dma_wait3A_705 : memref<128x16xf32, #tpu.memory_space<vmem>>)
      %dma_start3A_712 = arith.constant 10 : i32
      %dma_start3A_713 = arith.constant 4 : i32
      %dma_start3A_714 = arith.constant 0 : i32
      %dma_start3A_715 = arith.constant 0 : i32
      %dma_start3A_716 = tpu.memref_slice %arg8[%dma_start3A_713, %dma_start3A_714, %dma_start3A_715] : memref<6x128x16xf32, #tpu.memory_space<vmem>> -> memref<1x128x16xf32, #tpu.memory_space<vmem>>
      %dma_start3A_717 = tpu.memref_squeeze %dma_start3A_716 : memref<1x128x16xf32, #tpu.memory_space<vmem>> -> memref<128x16xf32, #tpu.memory_space<vmem>>
      %dma_start3A_718 = arith.constant 0 : i32
      %dma_start3A_719 = tpu.memref_slice %arg11[%dma_start3A_712, %dma_start3A_718] : memref<16x128xi32, #tpu.memory_space<vmem>> -> memref<1x128xi32, #tpu.memory_space<vmem>>
      %dma_start3A_720 = tpu.memref_squeeze %dma_start3A_719 : memref<1x128xi32, #tpu.memory_space<vmem>> -> memref<128xi32, #tpu.memory_space<vmem>>
      %dma_start3A_721 = arith.constant 0 : i32
      %dma_start3A_722 = arith.constant 0 : i32
      %dma_start3A_723 = tpu.memref_slice %arg2[%dma_start3A_721, %dma_start3A_722] : memref<10000x16xf32, #tpu.memory_space<hbm>> -> memref<10000x16xf32, #tpu.memory_space<hbm>>
      tpu.enqueue_indirect_dma source(%dma_start3A_723 : memref<10000x16xf32, #tpu.memory_space<hbm>>) target(%dma_start3A_717 : memref<128x16xf32, #tpu.memory_space<vmem>>) offsets(%dma_start3A_720 : memref<128xi32, #tpu.memory_space<vmem>>) semaphore(%arg17 : memref<!tpu.dma_semaphore, #tpu.memory_space<semaphore_mem>>)
      %run_scoped3A_724 = arith.constant 4 : i32
      %run_scoped3A_725 = arith.constant 4 : i32
      "tpu.region"() ({
        %run_scoped3A_943 = tpu.sem_alloc : memref<!tpu.dma_semaphore, #tpu.memory_space<semaphore_mem>>
        %dma_start3A_944 = arith.constant 0 : i32
        %dma_start3A_945 = arith.constant 0 : i32
        %dma_start3A_946 = tpu.memref_slice %arg8[%run_scoped3A_724, %dma_start3A_944, %dma_start3A_945] : memref<6x128x16xf32, #tpu.memory_space<vmem>> -> memref<1x128x16xf32, #tpu.memory_space<vmem>>
        %dma_start3A_947 = tpu.memref_squeeze %dma_start3A_946 : memref<1x128x16xf32, #tpu.memory_space<vmem>> -> memref<128x16xf32, #tpu.memory_space<vmem>>
        %dma_start3A_948 = arith.constant 0 : i32
        %dma_start3A_949 = tpu.memref_slice %arg12[%run_scoped3A_725, %dma_start3A_948] : memref<16x128xi32, #tpu.memory_space<vmem>> -> memref<1x128xi32, #tpu.memory_space<vmem>>
        %dma_start3A_950 = tpu.memref_squeeze %dma_start3A_949 : memref<1x128xi32, #tpu.memory_space<vmem>> -> memref<128xi32, #tpu.memory_space<vmem>>
        %dma_start3A_951 = arith.constant 0 : i32
        %dma_start3A_952 = arith.constant 0 : i32
        %dma_start3A_953 = tpu.memref_slice %arg7[%dma_start3A_951, %dma_start3A_952] : memref<10112x16xf32, #tpu.memory_space<vmem_shared>> -> memref<10112x16xf32, #tpu.memory_space<vmem_shared>>
        tpu.enqueue_indirect_dma source(%dma_start3A_947 : memref<128x16xf32, #tpu.memory_space<vmem>>) target(%dma_start3A_953 : memref<10112x16xf32, #tpu.memory_space<vmem_shared>>) offsets(%dma_start3A_950 : memref<128xi32, #tpu.memory_space<vmem>>) semaphore(%run_scoped3A_943 : memref<!tpu.dma_semaphore, #tpu.memory_space<semaphore_mem>>) {add = true}
        %dma_wait3A_954 = arith.constant 0 : i32
        %dma_wait3A_955 = arith.constant 0 : i32
        %dma_wait3A_956 = tpu.memref_slice %arg8[%run_scoped3A_724, %dma_wait3A_954, %dma_wait3A_955] : memref<6x128x16xf32, #tpu.memory_space<vmem>> -> memref<1x128x16xf32, #tpu.memory_space<vmem>>
        %dma_wait3A_957 = tpu.memref_squeeze %dma_wait3A_956 : memref<1x128x16xf32, #tpu.memory_space<vmem>> -> memref<128x16xf32, #tpu.memory_space<vmem>>
        %dma_wait3A_958 = arith.constant 0 : i32
        %dma_wait3A_959 = tpu.memref_slice %arg12[%run_scoped3A_725, %dma_wait3A_958] : memref<16x128xi32, #tpu.memory_space<vmem>> -> memref<1x128xi32, #tpu.memory_space<vmem>>
        %dma_wait3A_960 = tpu.memref_squeeze %dma_wait3A_959 : memref<1x128xi32, #tpu.memory_space<vmem>> -> memref<128xi32, #tpu.memory_space<vmem>>
        %dma_wait3A_961 = arith.constant 0 : i32
        %dma_wait3A_962 = arith.constant 0 : i32
        %dma_wait3A_963 = tpu.memref_slice %arg7[%dma_wait3A_961, %dma_wait3A_962] : memref<10112x16xf32, #tpu.memory_space<vmem_shared>> -> memref<10112x16xf32, #tpu.memory_space<vmem_shared>>
        tpu.wait_indirect_dma semaphore(%run_scoped3A_943 : memref<!tpu.dma_semaphore, #tpu.memory_space<semaphore_mem>>) src(%dma_wait3A_957 : memref<128x16xf32, #tpu.memory_space<vmem>>) dst(%dma_wait3A_963 : memref<10112x16xf32, #tpu.memory_space<vmem_shared>>)
        tpu.yield
      }) : () -> ()
      %dma_wait3A_726 = arith.constant 5 : i32
      %dma_wait3A_727 = arith.constant 5 : i32
      %dma_wait3A_728 = arith.constant 0 : i32
      %dma_wait3A_729 = arith.constant 0 : i32
      %dma_wait3A_730 = tpu.memref_slice %arg8[%dma_wait3A_727, %dma_wait3A_728, %dma_wait3A_729] : memref<6x128x16xf32, #tpu.memory_space<vmem>> -> memref<1x128x16xf32, #tpu.memory_space<vmem>>
      %dma_wait3A_731 = tpu.memref_squeeze %dma_wait3A_730 : memref<1x128x16xf32, #tpu.memory_space<vmem>> -> memref<128x16xf32, #tpu.memory_space<vmem>>
      %dma_wait3A_732 = arith.constant 0 : i32
      %dma_wait3A_733 = tpu.memref_slice %arg11[%dma_wait3A_726, %dma_wait3A_732] : memref<16x128xi32, #tpu.memory_space<vmem>> -> memref<1x128xi32, #tpu.memory_space<vmem>>
      %dma_wait3A_734 = tpu.memref_squeeze %dma_wait3A_733 : memref<1x128xi32, #tpu.memory_space<vmem>> -> memref<128xi32, #tpu.memory_space<vmem>>
      %dma_wait3A_735 = arith.constant 0 : i32
      %dma_wait3A_736 = arith.constant 0 : i32
      %dma_wait3A_737 = tpu.memref_slice %arg2[%dma_wait3A_735, %dma_wait3A_736] : memref<10000x16xf32, #tpu.memory_space<hbm>> -> memref<10000x16xf32, #tpu.memory_space<hbm>>
      tpu.wait_indirect_dma semaphore(%arg18 : memref<!tpu.dma_semaphore, #tpu.memory_space<semaphore_mem>>) src(%dma_wait3A_737 : memref<10000x16xf32, #tpu.memory_space<hbm>>) dst(%dma_wait3A_731 : memref<128x16xf32, #tpu.memory_space<vmem>>)
      %dma_start3A_738 = arith.constant 11 : i32
      %dma_start3A_739 = arith.constant 5 : i32
      %dma_start3A_740 = arith.constant 0 : i32
      %dma_start3A_741 = arith.constant 0 : i32
      %dma_start3A_742 = tpu.memref_slice %arg8[%dma_start3A_739, %dma_start3A_740, %dma_start3A_741] : memref<6x128x16xf32, #tpu.memory_space<vmem>> -> memref<1x128x16xf32, #tpu.memory_space<vmem>>
      %dma_start3A_743 = tpu.memref_squeeze %dma_start3A_742 : memref<1x128x16xf32, #tpu.memory_space<vmem>> -> memref<128x16xf32, #tpu.memory_space<vmem>>
      %dma_start3A_744 = arith.constant 0 : i32
      %dma_start3A_745 = tpu.memref_slice %arg11[%dma_start3A_738, %dma_start3A_744] : memref<16x128xi32, #tpu.memory_space<vmem>> -> memref<1x128xi32, #tpu.memory_space<vmem>>
      %dma_start3A_746 = tpu.memref_squeeze %dma_start3A_745 : memref<1x128xi32, #tpu.memory_space<vmem>> -> memref<128xi32, #tpu.memory_space<vmem>>
      %dma_start3A_747 = arith.constant 0 : i32
      %dma_start3A_748 = arith.constant 0 : i32
      %dma_start3A_749 = tpu.memref_slice %arg2[%dma_start3A_747, %dma_start3A_748] : memref<10000x16xf32, #tpu.memory_space<hbm>> -> memref<10000x16xf32, #tpu.memory_space<hbm>>
      tpu.enqueue_indirect_dma source(%dma_start3A_749 : memref<10000x16xf32, #tpu.memory_space<hbm>>) target(%dma_start3A_743 : memref<128x16xf32, #tpu.memory_space<vmem>>) offsets(%dma_start3A_746 : memref<128xi32, #tpu.memory_space<vmem>>) semaphore(%arg18 : memref<!tpu.dma_semaphore, #tpu.memory_space<semaphore_mem>>)
      %run_scoped3A_750 = arith.constant 5 : i32
      %run_scoped3A_751 = arith.constant 5 : i32
      "tpu.region"() ({
        %run_scoped3A_943 = tpu.sem_alloc : memref<!tpu.dma_semaphore, #tpu.memory_space<semaphore_mem>>
        %dma_start3A_944 = arith.constant 0 : i32
        %dma_start3A_945 = arith.constant 0 : i32
        %dma_start3A_946 = tpu.memref_slice %arg8[%run_scoped3A_750, %dma_start3A_944, %dma_start3A_945] : memref<6x128x16xf32, #tpu.memory_space<vmem>> -> memref<1x128x16xf32, #tpu.memory_space<vmem>>
        %dma_start3A_947 = tpu.memref_squeeze %dma_start3A_946 : memref<1x128x16xf32, #tpu.memory_space<vmem>> -> memref<128x16xf32, #tpu.memory_space<vmem>>
        %dma_start3A_948 = arith.constant 0 : i32
        %dma_start3A_949 = tpu.memref_slice %arg12[%run_scoped3A_751, %dma_start3A_948] : memref<16x128xi32, #tpu.memory_space<vmem>> -> memref<1x128xi32, #tpu.memory_space<vmem>>
        %dma_start3A_950 = tpu.memref_squeeze %dma_start3A_949 : memref<1x128xi32, #tpu.memory_space<vmem>> -> memref<128xi32, #tpu.memory_space<vmem>>
        %dma_start3A_951 = arith.constant 0 : i32
        %dma_start3A_952 = arith.constant 0 : i32
        %dma_start3A_953 = tpu.memref_slice %arg7[%dma_start3A_951, %dma_start3A_952] : memref<10112x16xf32, #tpu.memory_space<vmem_shared>> -> memref<10112x16xf32, #tpu.memory_space<vmem_shared>>
        tpu.enqueue_indirect_dma source(%dma_start3A_947 : memref<128x16xf32, #tpu.memory_space<vmem>>) target(%dma_start3A_953 : memref<10112x16xf32, #tpu.memory_space<vmem_shared>>) offsets(%dma_start3A_950 : memref<128xi32, #tpu.memory_space<vmem>>) semaphore(%run_scoped3A_943 : memref<!tpu.dma_semaphore, #tpu.memory_space<semaphore_mem>>) {add = true}
        %dma_wait3A_954 = arith.constant 0 : i32
        %dma_wait3A_955 = arith.constant 0 : i32
        %dma_wait3A_956 = tpu.memref_slice %arg8[%run_scoped3A_750, %dma_wait3A_954, %dma_wait3A_955] : memref<6x128x16xf32, #tpu.memory_space<vmem>> -> memref<1x128x16xf32, #tpu.memory_space<vmem>>
        %dma_wait3A_957 = tpu.memref_squeeze %dma_wait3A_956 : memref<1x128x16xf32, #tpu.memory_space<vmem>> -> memref<128x16xf32, #tpu.memory_space<vmem>>
        %dma_wait3A_958 = arith.constant 0 : i32
        %dma_wait3A_959 = tpu.memref_slice %arg12[%run_scoped3A_751, %dma_wait3A_958] : memref<16x128xi32, #tpu.memory_space<vmem>> -> memref<1x128xi32, #tpu.memory_space<vmem>>
        %dma_wait3A_960 = tpu.memref_squeeze %dma_wait3A_959 : memref<1x128xi32, #tpu.memory_space<vmem>> -> memref<128xi32, #tpu.memory_space<vmem>>
        %dma_wait3A_961 = arith.constant 0 : i32
        %dma_wait3A_962 = arith.constant 0 : i32
        %dma_wait3A_963 = tpu.memref_slice %arg7[%dma_wait3A_961, %dma_wait3A_962] : memref<10112x16xf32, #tpu.memory_space<vmem_shared>> -> memref<10112x16xf32, #tpu.memory_space<vmem_shared>>
        tpu.wait_indirect_dma semaphore(%run_scoped3A_943 : memref<!tpu.dma_semaphore, #tpu.memory_space<semaphore_mem>>) src(%dma_wait3A_957 : memref<128x16xf32, #tpu.memory_space<vmem>>) dst(%dma_wait3A_963 : memref<10112x16xf32, #tpu.memory_space<vmem_shared>>)
        tpu.yield
      }) : () -> ()
      %dma_wait3A_752 = arith.constant 6 : i32
      %dma_wait3A_753 = arith.constant 0 : i32
      %dma_wait3A_754 = arith.constant 0 : i32
      %dma_wait3A_755 = arith.constant 0 : i32
      %dma_wait3A_756 = tpu.memref_slice %arg8[%dma_wait3A_753, %dma_wait3A_754, %dma_wait3A_755] : memref<6x128x16xf32, #tpu.memory_space<vmem>> -> memref<1x128x16xf32, #tpu.memory_space<vmem>>
      %dma_wait3A_757 = tpu.memref_squeeze %dma_wait3A_756 : memref<1x128x16xf32, #tpu.memory_space<vmem>> -> memref<128x16xf32, #tpu.memory_space<vmem>>
      %dma_wait3A_758 = arith.constant 0 : i32
      %dma_wait3A_759 = tpu.memref_slice %arg11[%dma_wait3A_752, %dma_wait3A_758] : memref<16x128xi32, #tpu.memory_space<vmem>> -> memref<1x128xi32, #tpu.memory_space<vmem>>
      %dma_wait3A_760 = tpu.memref_squeeze %dma_wait3A_759 : memref<1x128xi32, #tpu.memory_space<vmem>> -> memref<128xi32, #tpu.memory_space<vmem>>
      %dma_wait3A_761 = arith.constant 0 : i32
      %dma_wait3A_762 = arith.constant 0 : i32
      %dma_wait3A_763 = tpu.memref_slice %arg2[%dma_wait3A_761, %dma_wait3A_762] : memref<10000x16xf32, #tpu.memory_space<hbm>> -> memref<10000x16xf32, #tpu.memory_space<hbm>>
      tpu.wait_indirect_dma semaphore(%arg13 : memref<!tpu.dma_semaphore, #tpu.memory_space<semaphore_mem>>) src(%dma_wait3A_763 : memref<10000x16xf32, #tpu.memory_space<hbm>>) dst(%dma_wait3A_757 : memref<128x16xf32, #tpu.memory_space<vmem>>)
      %dma_start3A_764 = arith.constant 12 : i32
      %dma_start3A_765 = arith.constant 0 : i32
      %dma_start3A_766 = arith.constant 0 : i32
      %dma_start3A_767 = arith.constant 0 : i32
      %dma_start3A_768 = tpu.memref_slice %arg8[%dma_start3A_765, %dma_start3A_766, %dma_start3A_767] : memref<6x128x16xf32, #tpu.memory_space<vmem>> -> memref<1x128x16xf32, #tpu.memory_space<vmem>>
      %dma_start3A_769 = tpu.memref_squeeze %dma_start3A_768 : memref<1x128x16xf32, #tpu.memory_space<vmem>> -> memref<128x16xf32, #tpu.memory_space<vmem>>
      %dma_start3A_770 = arith.constant 0 : i32
      %dma_start3A_771 = tpu.memref_slice %arg11[%dma_start3A_764, %dma_start3A_770] : memref<16x128xi32, #tpu.memory_space<vmem>> -> memref<1x128xi32, #tpu.memory_space<vmem>>
      %dma_start3A_772 = tpu.memref_squeeze %dma_start3A_771 : memref<1x128xi32, #tpu.memory_space<vmem>> -> memref<128xi32, #tpu.memory_space<vmem>>
      %dma_start3A_773 = arith.constant 0 : i32
      %dma_start3A_774 = arith.constant 0 : i32
      %dma_start3A_775 = tpu.memref_slice %arg2[%dma_start3A_773, %dma_start3A_774] : memref<10000x16xf32, #tpu.memory_space<hbm>> -> memref<10000x16xf32, #tpu.memory_space<hbm>>
      tpu.enqueue_indirect_dma source(%dma_start3A_775 : memref<10000x16xf32, #tpu.memory_space<hbm>>) target(%dma_start3A_769 : memref<128x16xf32, #tpu.memory_space<vmem>>) offsets(%dma_start3A_772 : memref<128xi32, #tpu.memory_space<vmem>>) semaphore(%arg13 : memref<!tpu.dma_semaphore, #tpu.memory_space<semaphore_mem>>)
      %run_scoped3A_776 = arith.constant 0 : i32
      %run_scoped3A_777 = arith.constant 6 : i32
      "tpu.region"() ({
        %run_scoped3A_943 = tpu.sem_alloc : memref<!tpu.dma_semaphore, #tpu.memory_space<semaphore_mem>>
        %dma_start3A_944 = arith.constant 0 : i32
        %dma_start3A_945 = arith.constant 0 : i32
        %dma_start3A_946 = tpu.memref_slice %arg8[%run_scoped3A_776, %dma_start3A_944, %dma_start3A_945] : memref<6x128x16xf32, #tpu.memory_space<vmem>> -> memref<1x128x16xf32, #tpu.memory_space<vmem>>
        %dma_start3A_947 = tpu.memref_squeeze %dma_start3A_946 : memref<1x128x16xf32, #tpu.memory_space<vmem>> -> memref<128x16xf32, #tpu.memory_space<vmem>>
        %dma_start3A_948 = arith.constant 0 : i32
        %dma_start3A_949 = tpu.memref_slice %arg12[%run_scoped3A_777, %dma_start3A_948] : memref<16x128xi32, #tpu.memory_space<vmem>> -> memref<1x128xi32, #tpu.memory_space<vmem>>
        %dma_start3A_950 = tpu.memref_squeeze %dma_start3A_949 : memref<1x128xi32, #tpu.memory_space<vmem>> -> memref<128xi32, #tpu.memory_space<vmem>>
        %dma_start3A_951 = arith.constant 0 : i32
        %dma_start3A_952 = arith.constant 0 : i32
        %dma_start3A_953 = tpu.memref_slice %arg7[%dma_start3A_951, %dma_start3A_952] : memref<10112x16xf32, #tpu.memory_space<vmem_shared>> -> memref<10112x16xf32, #tpu.memory_space<vmem_shared>>
        tpu.enqueue_indirect_dma source(%dma_start3A_947 : memref<128x16xf32, #tpu.memory_space<vmem>>) target(%dma_start3A_953 : memref<10112x16xf32, #tpu.memory_space<vmem_shared>>) offsets(%dma_start3A_950 : memref<128xi32, #tpu.memory_space<vmem>>) semaphore(%run_scoped3A_943 : memref<!tpu.dma_semaphore, #tpu.memory_space<semaphore_mem>>) {add = true}
        %dma_wait3A_954 = arith.constant 0 : i32
        %dma_wait3A_955 = arith.constant 0 : i32
        %dma_wait3A_956 = tpu.memref_slice %arg8[%run_scoped3A_776, %dma_wait3A_954, %dma_wait3A_955] : memref<6x128x16xf32, #tpu.memory_space<vmem>> -> memref<1x128x16xf32, #tpu.memory_space<vmem>>
        %dma_wait3A_957 = tpu.memref_squeeze %dma_wait3A_956 : memref<1x128x16xf32, #tpu.memory_space<vmem>> -> memref<128x16xf32, #tpu.memory_space<vmem>>
        %dma_wait3A_958 = arith.constant 0 : i32
        %dma_wait3A_959 = tpu.memref_slice %arg12[%run_scoped3A_777, %dma_wait3A_958] : memref<16x128xi32, #tpu.memory_space<vmem>> -> memref<1x128xi32, #tpu.memory_space<vmem>>
        %dma_wait3A_960 = tpu.memref_squeeze %dma_wait3A_959 : memref<1x128xi32, #tpu.memory_space<vmem>> -> memref<128xi32, #tpu.memory_space<vmem>>
        %dma_wait3A_961 = arith.constant 0 : i32
        %dma_wait3A_962 = arith.constant 0 : i32
        %dma_wait3A_963 = tpu.memref_slice %arg7[%dma_wait3A_961, %dma_wait3A_962] : memref<10112x16xf32, #tpu.memory_space<vmem_shared>> -> memref<10112x16xf32, #tpu.memory_space<vmem_shared>>
        tpu.wait_indirect_dma semaphore(%run_scoped3A_943 : memref<!tpu.dma_semaphore, #tpu.memory_space<semaphore_mem>>) src(%dma_wait3A_957 : memref<128x16xf32, #tpu.memory_space<vmem>>) dst(%dma_wait3A_963 : memref<10112x16xf32, #tpu.memory_space<vmem_shared>>)
        tpu.yield
      }) : () -> ()
      %dma_wait3A_778 = arith.constant 7 : i32
      %dma_wait3A_779 = arith.constant 1 : i32
      %dma_wait3A_780 = arith.constant 0 : i32
      %dma_wait3A_781 = arith.constant 0 : i32
      %dma_wait3A_782 = tpu.memref_slice %arg8[%dma_wait3A_779, %dma_wait3A_780, %dma_wait3A_781] : memref<6x128x16xf32, #tpu.memory_space<vmem>> -> memref<1x128x16xf32, #tpu.memory_space<vmem>>
      %dma_wait3A_783 = tpu.memref_squeeze %dma_wait3A_782 : memref<1x128x16xf32, #tpu.memory_space<vmem>> -> memref<128x16xf32, #tpu.memory_space<vmem>>
      %dma_wait3A_784 = arith.constant 0 : i32
      %dma_wait3A_785 = tpu.memref_slice %arg11[%dma_wait3A_778, %dma_wait3A_784] : memref<16x128xi32, #tpu.memory_space<vmem>> -> memref<1x128xi32, #tpu.memory_space<vmem>>
      %dma_wait3A_786 = tpu.memref_squeeze %dma_wait3A_785 : memref<1x128xi32, #tpu.memory_space<vmem>> -> memref<128xi32, #tpu.memory_space<vmem>>
      %dma_wait3A_787 = arith.constant 0 : i32
      %dma_wait3A_788 = arith.constant 0 : i32
      %dma_wait3A_789 = tpu.memref_slice %arg2[%dma_wait3A_787, %dma_wait3A_788] : memref<10000x16xf32, #tpu.memory_space<hbm>> -> memref<10000x16xf32, #tpu.memory_space<hbm>>
      tpu.wait_indirect_dma semaphore(%arg14 : memref<!tpu.dma_semaphore, #tpu.memory_space<semaphore_mem>>) src(%dma_wait3A_789 : memref<10000x16xf32, #tpu.memory_space<hbm>>) dst(%dma_wait3A_783 : memref<128x16xf32, #tpu.memory_space<vmem>>)
      %dma_start3A_790 = arith.constant 13 : i32
      %dma_start3A_791 = arith.constant 1 : i32
      %dma_start3A_792 = arith.constant 0 : i32
      %dma_start3A_793 = arith.constant 0 : i32
      %dma_start3A_794 = tpu.memref_slice %arg8[%dma_start3A_791, %dma_start3A_792, %dma_start3A_793] : memref<6x128x16xf32, #tpu.memory_space<vmem>> -> memref<1x128x16xf32, #tpu.memory_space<vmem>>
      %dma_start3A_795 = tpu.memref_squeeze %dma_start3A_794 : memref<1x128x16xf32, #tpu.memory_space<vmem>> -> memref<128x16xf32, #tpu.memory_space<vmem>>
      %dma_start3A_796 = arith.constant 0 : i32
      %dma_start3A_797 = tpu.memref_slice %arg11[%dma_start3A_790, %dma_start3A_796] : memref<16x128xi32, #tpu.memory_space<vmem>> -> memref<1x128xi32, #tpu.memory_space<vmem>>
      %dma_start3A_798 = tpu.memref_squeeze %dma_start3A_797 : memref<1x128xi32, #tpu.memory_space<vmem>> -> memref<128xi32, #tpu.memory_space<vmem>>
      %dma_start3A_799 = arith.constant 0 : i32
      %dma_start3A_800 = arith.constant 0 : i32
      %dma_start3A_801 = tpu.memref_slice %arg2[%dma_start3A_799, %dma_start3A_800] : memref<10000x16xf32, #tpu.memory_space<hbm>> -> memref<10000x16xf32, #tpu.memory_space<hbm>>
      tpu.enqueue_indirect_dma source(%dma_start3A_801 : memref<10000x16xf32, #tpu.memory_space<hbm>>) target(%dma_start3A_795 : memref<128x16xf32, #tpu.memory_space<vmem>>) offsets(%dma_start3A_798 : memref<128xi32, #tpu.memory_space<vmem>>) semaphore(%arg14 : memref<!tpu.dma_semaphore, #tpu.memory_space<semaphore_mem>>)
      %run_scoped3A_802 = arith.constant 1 : i32
      %run_scoped3A_803 = arith.constant 7 : i32
      "tpu.region"() ({
        %run_scoped3A_943 = tpu.sem_alloc : memref<!tpu.dma_semaphore, #tpu.memory_space<semaphore_mem>>
        %dma_start3A_944 = arith.constant 0 : i32
        %dma_start3A_945 = arith.constant 0 : i32
        %dma_start3A_946 = tpu.memref_slice %arg8[%run_scoped3A_802, %dma_start3A_944, %dma_start3A_945] : memref<6x128x16xf32, #tpu.memory_space<vmem>> -> memref<1x128x16xf32, #tpu.memory_space<vmem>>
        %dma_start3A_947 = tpu.memref_squeeze %dma_start3A_946 : memref<1x128x16xf32, #tpu.memory_space<vmem>> -> memref<128x16xf32, #tpu.memory_space<vmem>>
        %dma_start3A_948 = arith.constant 0 : i32
        %dma_start3A_949 = tpu.memref_slice %arg12[%run_scoped3A_803, %dma_start3A_948] : memref<16x128xi32, #tpu.memory_space<vmem>> -> memref<1x128xi32, #tpu.memory_space<vmem>>
        %dma_start3A_950 = tpu.memref_squeeze %dma_start3A_949 : memref<1x128xi32, #tpu.memory_space<vmem>> -> memref<128xi32, #tpu.memory_space<vmem>>
        %dma_start3A_951 = arith.constant 0 : i32
        %dma_start3A_952 = arith.constant 0 : i32
        %dma_start3A_953 = tpu.memref_slice %arg7[%dma_start3A_951, %dma_start3A_952] : memref<10112x16xf32, #tpu.memory_space<vmem_shared>> -> memref<10112x16xf32, #tpu.memory_space<vmem_shared>>
        tpu.enqueue_indirect_dma source(%dma_start3A_947 : memref<128x16xf32, #tpu.memory_space<vmem>>) target(%dma_start3A_953 : memref<10112x16xf32, #tpu.memory_space<vmem_shared>>) offsets(%dma_start3A_950 : memref<128xi32, #tpu.memory_space<vmem>>) semaphore(%run_scoped3A_943 : memref<!tpu.dma_semaphore, #tpu.memory_space<semaphore_mem>>) {add = true}
        %dma_wait3A_954 = arith.constant 0 : i32
        %dma_wait3A_955 = arith.constant 0 : i32
        %dma_wait3A_956 = tpu.memref_slice %arg8[%run_scoped3A_802, %dma_wait3A_954, %dma_wait3A_955] : memref<6x128x16xf32, #tpu.memory_space<vmem>> -> memref<1x128x16xf32, #tpu.memory_space<vmem>>
        %dma_wait3A_957 = tpu.memref_squeeze %dma_wait3A_956 : memref<1x128x16xf32, #tpu.memory_space<vmem>> -> memref<128x16xf32, #tpu.memory_space<vmem>>
        %dma_wait3A_958 = arith.constant 0 : i32
        %dma_wait3A_959 = tpu.memref_slice %arg12[%run_scoped3A_803, %dma_wait3A_958] : memref<16x128xi32, #tpu.memory_space<vmem>> -> memref<1x128xi32, #tpu.memory_space<vmem>>
        %dma_wait3A_960 = tpu.memref_squeeze %dma_wait3A_959 : memref<1x128xi32, #tpu.memory_space<vmem>> -> memref<128xi32, #tpu.memory_space<vmem>>
        %dma_wait3A_961 = arith.constant 0 : i32
        %dma_wait3A_962 = arith.constant 0 : i32
        %dma_wait3A_963 = tpu.memref_slice %arg7[%dma_wait3A_961, %dma_wait3A_962] : memref<10112x16xf32, #tpu.memory_space<vmem_shared>> -> memref<10112x16xf32, #tpu.memory_space<vmem_shared>>
        tpu.wait_indirect_dma semaphore(%run_scoped3A_943 : memref<!tpu.dma_semaphore, #tpu.memory_space<semaphore_mem>>) src(%dma_wait3A_957 : memref<128x16xf32, #tpu.memory_space<vmem>>) dst(%dma_wait3A_963 : memref<10112x16xf32, #tpu.memory_space<vmem_shared>>)
        tpu.yield
      }) : () -> ()
      %dma_wait3A_804 = arith.constant 8 : i32
      %dma_wait3A_805 = arith.constant 2 : i32
      %dma_wait3A_806 = arith.constant 0 : i32
      %dma_wait3A_807 = arith.constant 0 : i32
      %dma_wait3A_808 = tpu.memref_slice %arg8[%dma_wait3A_805, %dma_wait3A_806, %dma_wait3A_807] : memref<6x128x16xf32, #tpu.memory_space<vmem>> -> memref<1x128x16xf32, #tpu.memory_space<vmem>>
      %dma_wait3A_809 = tpu.memref_squeeze %dma_wait3A_808 : memref<1x128x16xf32, #tpu.memory_space<vmem>> -> memref<128x16xf32, #tpu.memory_space<vmem>>
      %dma_wait3A_810 = arith.constant 0 : i32
      %dma_wait3A_811 = tpu.memref_slice %arg11[%dma_wait3A_804, %dma_wait3A_810] : memref<16x128xi32, #tpu.memory_space<vmem>> -> memref<1x128xi32, #tpu.memory_space<vmem>>
      %dma_wait3A_812 = tpu.memref_squeeze %dma_wait3A_811 : memref<1x128xi32, #tpu.memory_space<vmem>> -> memref<128xi32, #tpu.memory_space<vmem>>
      %dma_wait3A_813 = arith.constant 0 : i32
      %dma_wait3A_814 = arith.constant 0 : i32
      %dma_wait3A_815 = tpu.memref_slice %arg2[%dma_wait3A_813, %dma_wait3A_814] : memref<10000x16xf32, #tpu.memory_space<hbm>> -> memref<10000x16xf32, #tpu.memory_space<hbm>>
      tpu.wait_indirect_dma semaphore(%arg15 : memref<!tpu.dma_semaphore, #tpu.memory_space<semaphore_mem>>) src(%dma_wait3A_815 : memref<10000x16xf32, #tpu.memory_space<hbm>>) dst(%dma_wait3A_809 : memref<128x16xf32, #tpu.memory_space<vmem>>)
      %dma_start3A_816 = arith.constant 14 : i32
      %dma_start3A_817 = arith.constant 2 : i32
      %dma_start3A_818 = arith.constant 0 : i32
      %dma_start3A_819 = arith.constant 0 : i32
      %dma_start3A_820 = tpu.memref_slice %arg8[%dma_start3A_817, %dma_start3A_818, %dma_start3A_819] : memref<6x128x16xf32, #tpu.memory_space<vmem>> -> memref<1x128x16xf32, #tpu.memory_space<vmem>>
      %dma_start3A_821 = tpu.memref_squeeze %dma_start3A_820 : memref<1x128x16xf32, #tpu.memory_space<vmem>> -> memref<128x16xf32, #tpu.memory_space<vmem>>
      %dma_start3A_822 = arith.constant 0 : i32
      %dma_start3A_823 = tpu.memref_slice %arg11[%dma_start3A_816, %dma_start3A_822] : memref<16x128xi32, #tpu.memory_space<vmem>> -> memref<1x128xi32, #tpu.memory_space<vmem>>
      %dma_start3A_824 = tpu.memref_squeeze %dma_start3A_823 : memref<1x128xi32, #tpu.memory_space<vmem>> -> memref<128xi32, #tpu.memory_space<vmem>>
      %dma_start3A_825 = arith.constant 0 : i32
      %dma_start3A_826 = arith.constant 0 : i32
      %dma_start3A_827 = tpu.memref_slice %arg2[%dma_start3A_825, %dma_start3A_826] : memref<10000x16xf32, #tpu.memory_space<hbm>> -> memref<10000x16xf32, #tpu.memory_space<hbm>>
      tpu.enqueue_indirect_dma source(%dma_start3A_827 : memref<10000x16xf32, #tpu.memory_space<hbm>>) target(%dma_start3A_821 : memref<128x16xf32, #tpu.memory_space<vmem>>) offsets(%dma_start3A_824 : memref<128xi32, #tpu.memory_space<vmem>>) semaphore(%arg15 : memref<!tpu.dma_semaphore, #tpu.memory_space<semaphore_mem>>)
      %run_scoped3A_828 = arith.constant 2 : i32
      %run_scoped3A_829 = arith.constant 8 : i32
      "tpu.region"() ({
        %run_scoped3A_943 = tpu.sem_alloc : memref<!tpu.dma_semaphore, #tpu.memory_space<semaphore_mem>>
        %dma_start3A_944 = arith.constant 0 : i32
        %dma_start3A_945 = arith.constant 0 : i32
        %dma_start3A_946 = tpu.memref_slice %arg8[%run_scoped3A_828, %dma_start3A_944, %dma_start3A_945] : memref<6x128x16xf32, #tpu.memory_space<vmem>> -> memref<1x128x16xf32, #tpu.memory_space<vmem>>
        %dma_start3A_947 = tpu.memref_squeeze %dma_start3A_946 : memref<1x128x16xf32, #tpu.memory_space<vmem>> -> memref<128x16xf32, #tpu.memory_space<vmem>>
        %dma_start3A_948 = arith.constant 0 : i32
        %dma_start3A_949 = tpu.memref_slice %arg12[%run_scoped3A_829, %dma_start3A_948] : memref<16x128xi32, #tpu.memory_space<vmem>> -> memref<1x128xi32, #tpu.memory_space<vmem>>
        %dma_start3A_950 = tpu.memref_squeeze %dma_start3A_949 : memref<1x128xi32, #tpu.memory_space<vmem>> -> memref<128xi32, #tpu.memory_space<vmem>>
        %dma_start3A_951 = arith.constant 0 : i32
        %dma_start3A_952 = arith.constant 0 : i32
        %dma_start3A_953 = tpu.memref_slice %arg7[%dma_start3A_951, %dma_start3A_952] : memref<10112x16xf32, #tpu.memory_space<vmem_shared>> -> memref<10112x16xf32, #tpu.memory_space<vmem_shared>>
        tpu.enqueue_indirect_dma source(%dma_start3A_947 : memref<128x16xf32, #tpu.memory_space<vmem>>) target(%dma_start3A_953 : memref<10112x16xf32, #tpu.memory_space<vmem_shared>>) offsets(%dma_start3A_950 : memref<128xi32, #tpu.memory_space<vmem>>) semaphore(%run_scoped3A_943 : memref<!tpu.dma_semaphore, #tpu.memory_space<semaphore_mem>>) {add = true}
        %dma_wait3A_954 = arith.constant 0 : i32
        %dma_wait3A_955 = arith.constant 0 : i32
        %dma_wait3A_956 = tpu.memref_slice %arg8[%run_scoped3A_828, %dma_wait3A_954, %dma_wait3A_955] : memref<6x128x16xf32, #tpu.memory_space<vmem>> -> memref<1x128x16xf32, #tpu.memory_space<vmem>>
        %dma_wait3A_957 = tpu.memref_squeeze %dma_wait3A_956 : memref<1x128x16xf32, #tpu.memory_space<vmem>> -> memref<128x16xf32, #tpu.memory_space<vmem>>
        %dma_wait3A_958 = arith.constant 0 : i32
        %dma_wait3A_959 = tpu.memref_slice %arg12[%run_scoped3A_829, %dma_wait3A_958] : memref<16x128xi32, #tpu.memory_space<vmem>> -> memref<1x128xi32, #tpu.memory_space<vmem>>
        %dma_wait3A_960 = tpu.memref_squeeze %dma_wait3A_959 : memref<1x128xi32, #tpu.memory_space<vmem>> -> memref<128xi32, #tpu.memory_space<vmem>>
        %dma_wait3A_961 = arith.constant 0 : i32
        %dma_wait3A_962 = arith.constant 0 : i32
        %dma_wait3A_963 = tpu.memref_slice %arg7[%dma_wait3A_961, %dma_wait3A_962] : memref<10112x16xf32, #tpu.memory_space<vmem_shared>> -> memref<10112x16xf32, #tpu.memory_space<vmem_shared>>
        tpu.wait_indirect_dma semaphore(%run_scoped3A_943 : memref<!tpu.dma_semaphore, #tpu.memory_space<semaphore_mem>>) src(%dma_wait3A_957 : memref<128x16xf32, #tpu.memory_space<vmem>>) dst(%dma_wait3A_963 : memref<10112x16xf32, #tpu.memory_space<vmem_shared>>)
        tpu.yield
      }) : () -> ()
      %dma_wait3A_830 = arith.constant 9 : i32
      %dma_wait3A_831 = arith.constant 3 : i32
      %dma_wait3A_832 = arith.constant 0 : i32
      %dma_wait3A_833 = arith.constant 0 : i32
      %dma_wait3A_834 = tpu.memref_slice %arg8[%dma_wait3A_831, %dma_wait3A_832, %dma_wait3A_833] : memref<6x128x16xf32, #tpu.memory_space<vmem>> -> memref<1x128x16xf32, #tpu.memory_space<vmem>>
      %dma_wait3A_835 = tpu.memref_squeeze %dma_wait3A_834 : memref<1x128x16xf32, #tpu.memory_space<vmem>> -> memref<128x16xf32, #tpu.memory_space<vmem>>
      %dma_wait3A_836 = arith.constant 0 : i32
      %dma_wait3A_837 = tpu.memref_slice %arg11[%dma_wait3A_830, %dma_wait3A_836] : memref<16x128xi32, #tpu.memory_space<vmem>> -> memref<1x128xi32, #tpu.memory_space<vmem>>
      %dma_wait3A_838 = tpu.memref_squeeze %dma_wait3A_837 : memref<1x128xi32, #tpu.memory_space<vmem>> -> memref<128xi32, #tpu.memory_space<vmem>>
      %dma_wait3A_839 = arith.constant 0 : i32
      %dma_wait3A_840 = arith.constant 0 : i32
      %dma_wait3A_841 = tpu.memref_slice %arg2[%dma_wait3A_839, %dma_wait3A_840] : memref<10000x16xf32, #tpu.memory_space<hbm>> -> memref<10000x16xf32, #tpu.memory_space<hbm>>
      tpu.wait_indirect_dma semaphore(%arg16 : memref<!tpu.dma_semaphore, #tpu.memory_space<semaphore_mem>>) src(%dma_wait3A_841 : memref<10000x16xf32, #tpu.memory_space<hbm>>) dst(%dma_wait3A_835 : memref<128x16xf32, #tpu.memory_space<vmem>>)
      %dma_start3A_842 = arith.constant 15 : i32
      %dma_start3A_843 = arith.constant 3 : i32
      %dma_start3A_844 = arith.constant 0 : i32
      %dma_start3A_845 = arith.constant 0 : i32
      %dma_start3A_846 = tpu.memref_slice %arg8[%dma_start3A_843, %dma_start3A_844, %dma_start3A_845] : memref<6x128x16xf32, #tpu.memory_space<vmem>> -> memref<1x128x16xf32, #tpu.memory_space<vmem>>
      %dma_start3A_847 = tpu.memref_squeeze %dma_start3A_846 : memref<1x128x16xf32, #tpu.memory_space<vmem>> -> memref<128x16xf32, #tpu.memory_space<vmem>>
      %dma_start3A_848 = arith.constant 0 : i32
      %dma_start3A_849 = tpu.memref_slice %arg11[%dma_start3A_842, %dma_start3A_848] : memref<16x128xi32, #tpu.memory_space<vmem>> -> memref<1x128xi32, #tpu.memory_space<vmem>>
      %dma_start3A_850 = tpu.memref_squeeze %dma_start3A_849 : memref<1x128xi32, #tpu.memory_space<vmem>> -> memref<128xi32, #tpu.memory_space<vmem>>
      %dma_start3A_851 = arith.constant 0 : i32
      %dma_start3A_852 = arith.constant 0 : i32
      %dma_start3A_853 = tpu.memref_slice %arg2[%dma_start3A_851, %dma_start3A_852] : memref<10000x16xf32, #tpu.memory_space<hbm>> -> memref<10000x16xf32, #tpu.memory_space<hbm>>
      tpu.enqueue_indirect_dma source(%dma_start3A_853 : memref<10000x16xf32, #tpu.memory_space<hbm>>) target(%dma_start3A_847 : memref<128x16xf32, #tpu.memory_space<vmem>>) offsets(%dma_start3A_850 : memref<128xi32, #tpu.memory_space<vmem>>) semaphore(%arg16 : memref<!tpu.dma_semaphore, #tpu.memory_space<semaphore_mem>>)
      %run_scoped3A_854 = arith.constant 3 : i32
      %run_scoped3A_855 = arith.constant 9 : i32
      "tpu.region"() ({
        %run_scoped3A_943 = tpu.sem_alloc : memref<!tpu.dma_semaphore, #tpu.memory_space<semaphore_mem>>
        %dma_start3A_944 = arith.constant 0 : i32
        %dma_start3A_945 = arith.constant 0 : i32
        %dma_start3A_946 = tpu.memref_slice %arg8[%run_scoped3A_854, %dma_start3A_944, %dma_start3A_945] : memref<6x128x16xf32, #tpu.memory_space<vmem>> -> memref<1x128x16xf32, #tpu.memory_space<vmem>>
        %dma_start3A_947 = tpu.memref_squeeze %dma_start3A_946 : memref<1x128x16xf32, #tpu.memory_space<vmem>> -> memref<128x16xf32, #tpu.memory_space<vmem>>
        %dma_start3A_948 = arith.constant 0 : i32
        %dma_start3A_949 = tpu.memref_slice %arg12[%run_scoped3A_855, %dma_start3A_948] : memref<16x128xi32, #tpu.memory_space<vmem>> -> memref<1x128xi32, #tpu.memory_space<vmem>>
        %dma_start3A_950 = tpu.memref_squeeze %dma_start3A_949 : memref<1x128xi32, #tpu.memory_space<vmem>> -> memref<128xi32, #tpu.memory_space<vmem>>
        %dma_start3A_951 = arith.constant 0 : i32
        %dma_start3A_952 = arith.constant 0 : i32
        %dma_start3A_953 = tpu.memref_slice %arg7[%dma_start3A_951, %dma_start3A_952] : memref<10112x16xf32, #tpu.memory_space<vmem_shared>> -> memref<10112x16xf32, #tpu.memory_space<vmem_shared>>
        tpu.enqueue_indirect_dma source(%dma_start3A_947 : memref<128x16xf32, #tpu.memory_space<vmem>>) target(%dma_start3A_953 : memref<10112x16xf32, #tpu.memory_space<vmem_shared>>) offsets(%dma_start3A_950 : memref<128xi32, #tpu.memory_space<vmem>>) semaphore(%run_scoped3A_943 : memref<!tpu.dma_semaphore, #tpu.memory_space<semaphore_mem>>) {add = true}
        %dma_wait3A_954 = arith.constant 0 : i32
        %dma_wait3A_955 = arith.constant 0 : i32
        %dma_wait3A_956 = tpu.memref_slice %arg8[%run_scoped3A_854, %dma_wait3A_954, %dma_wait3A_955] : memref<6x128x16xf32, #tpu.memory_space<vmem>> -> memref<1x128x16xf32, #tpu.memory_space<vmem>>
        %dma_wait3A_957 = tpu.memref_squeeze %dma_wait3A_956 : memref<1x128x16xf32, #tpu.memory_space<vmem>> -> memref<128x16xf32, #tpu.memory_space<vmem>>
        %dma_wait3A_958 = arith.constant 0 : i32
        %dma_wait3A_959 = tpu.memref_slice %arg12[%run_scoped3A_855, %dma_wait3A_958] : memref<16x128xi32, #tpu.memory_space<vmem>> -> memref<1x128xi32, #tpu.memory_space<vmem>>
        %dma_wait3A_960 = tpu.memref_squeeze %dma_wait3A_959 : memref<1x128xi32, #tpu.memory_space<vmem>> -> memref<128xi32, #tpu.memory_space<vmem>>
        %dma_wait3A_961 = arith.constant 0 : i32
        %dma_wait3A_962 = arith.constant 0 : i32
        %dma_wait3A_963 = tpu.memref_slice %arg7[%dma_wait3A_961, %dma_wait3A_962] : memref<10112x16xf32, #tpu.memory_space<vmem_shared>> -> memref<10112x16xf32, #tpu.memory_space<vmem_shared>>
        tpu.wait_indirect_dma semaphore(%run_scoped3A_943 : memref<!tpu.dma_semaphore, #tpu.memory_space<semaphore_mem>>) src(%dma_wait3A_957 : memref<128x16xf32, #tpu.memory_space<vmem>>) dst(%dma_wait3A_963 : memref<10112x16xf32, #tpu.memory_space<vmem_shared>>)
        tpu.yield
      }) : () -> ()
      %dma_wait3A_856 = arith.constant 10 : i32
      %dma_wait3A_857 = arith.constant 4 : i32
      %dma_wait3A_858 = arith.constant 0 : i32
      %dma_wait3A_859 = arith.constant 0 : i32
      %dma_wait3A_860 = tpu.memref_slice %arg8[%dma_wait3A_857, %dma_wait3A_858, %dma_wait3A_859] : memref<6x128x16xf32, #tpu.memory_space<vmem>> -> memref<1x128x16xf32, #tpu.memory_space<vmem>>
      %dma_wait3A_861 = tpu.memref_squeeze %dma_wait3A_860 : memref<1x128x16xf32, #tpu.memory_space<vmem>> -> memref<128x16xf32, #tpu.memory_space<vmem>>
      %dma_wait3A_862 = arith.constant 0 : i32
      %dma_wait3A_863 = tpu.memref_slice %arg11[%dma_wait3A_856, %dma_wait3A_862] : memref<16x128xi32, #tpu.memory_space<vmem>> -> memref<1x128xi32, #tpu.memory_space<vmem>>
      %dma_wait3A_864 = tpu.memref_squeeze %dma_wait3A_863 : memref<1x128xi32, #tpu.memory_space<vmem>> -> memref<128xi32, #tpu.memory_space<vmem>>
      %dma_wait3A_865 = arith.constant 0 : i32
      %dma_wait3A_866 = arith.constant 0 : i32
      %dma_wait3A_867 = tpu.memref_slice %arg2[%dma_wait3A_865, %dma_wait3A_866] : memref<10000x16xf32, #tpu.memory_space<hbm>> -> memref<10000x16xf32, #tpu.memory_space<hbm>>
      tpu.wait_indirect_dma semaphore(%arg17 : memref<!tpu.dma_semaphore, #tpu.memory_space<semaphore_mem>>) src(%dma_wait3A_867 : memref<10000x16xf32, #tpu.memory_space<hbm>>) dst(%dma_wait3A_861 : memref<128x16xf32, #tpu.memory_space<vmem>>)
      %run_scoped3A_868 = arith.constant 4 : i32
      %run_scoped3A_869 = arith.constant 10 : i32
      "tpu.region"() ({
        %run_scoped3A_943 = tpu.sem_alloc : memref<!tpu.dma_semaphore, #tpu.memory_space<semaphore_mem>>
        %dma_start3A_944 = arith.constant 0 : i32
        %dma_start3A_945 = arith.constant 0 : i32
        %dma_start3A_946 = tpu.memref_slice %arg8[%run_scoped3A_868, %dma_start3A_944, %dma_start3A_945] : memref<6x128x16xf32, #tpu.memory_space<vmem>> -> memref<1x128x16xf32, #tpu.memory_space<vmem>>
        %dma_start3A_947 = tpu.memref_squeeze %dma_start3A_946 : memref<1x128x16xf32, #tpu.memory_space<vmem>> -> memref<128x16xf32, #tpu.memory_space<vmem>>
        %dma_start3A_948 = arith.constant 0 : i32
        %dma_start3A_949 = tpu.memref_slice %arg12[%run_scoped3A_869, %dma_start3A_948] : memref<16x128xi32, #tpu.memory_space<vmem>> -> memref<1x128xi32, #tpu.memory_space<vmem>>
        %dma_start3A_950 = tpu.memref_squeeze %dma_start3A_949 : memref<1x128xi32, #tpu.memory_space<vmem>> -> memref<128xi32, #tpu.memory_space<vmem>>
        %dma_start3A_951 = arith.constant 0 : i32
        %dma_start3A_952 = arith.constant 0 : i32
        %dma_start3A_953 = tpu.memref_slice %arg7[%dma_start3A_951, %dma_start3A_952] : memref<10112x16xf32, #tpu.memory_space<vmem_shared>> -> memref<10112x16xf32, #tpu.memory_space<vmem_shared>>
        tpu.enqueue_indirect_dma source(%dma_start3A_947 : memref<128x16xf32, #tpu.memory_space<vmem>>) target(%dma_start3A_953 : memref<10112x16xf32, #tpu.memory_space<vmem_shared>>) offsets(%dma_start3A_950 : memref<128xi32, #tpu.memory_space<vmem>>) semaphore(%run_scoped3A_943 : memref<!tpu.dma_semaphore, #tpu.memory_space<semaphore_mem>>) {add = true}
        %dma_wait3A_954 = arith.constant 0 : i32
        %dma_wait3A_955 = arith.constant 0 : i32
        %dma_wait3A_956 = tpu.memref_slice %arg8[%run_scoped3A_868, %dma_wait3A_954, %dma_wait3A_955] : memref<6x128x16xf32, #tpu.memory_space<vmem>> -> memref<1x128x16xf32, #tpu.memory_space<vmem>>
        %dma_wait3A_957 = tpu.memref_squeeze %dma_wait3A_956 : memref<1x128x16xf32, #tpu.memory_space<vmem>> -> memref<128x16xf32, #tpu.memory_space<vmem>>
        %dma_wait3A_958 = arith.constant 0 : i32
        %dma_wait3A_959 = tpu.memref_slice %arg12[%run_scoped3A_869, %dma_wait3A_958] : memref<16x128xi32, #tpu.memory_space<vmem>> -> memref<1x128xi32, #tpu.memory_space<vmem>>
        %dma_wait3A_960 = tpu.memref_squeeze %dma_wait3A_959 : memref<1x128xi32, #tpu.memory_space<vmem>> -> memref<128xi32, #tpu.memory_space<vmem>>
        %dma_wait3A_961 = arith.constant 0 : i32
        %dma_wait3A_962 = arith.constant 0 : i32
        %dma_wait3A_963 = tpu.memref_slice %arg7[%dma_wait3A_961, %dma_wait3A_962] : memref<10112x16xf32, #tpu.memory_space<vmem_shared>> -> memref<10112x16xf32, #tpu.memory_space<vmem_shared>>
        tpu.wait_indirect_dma semaphore(%run_scoped3A_943 : memref<!tpu.dma_semaphore, #tpu.memory_space<semaphore_mem>>) src(%dma_wait3A_957 : memref<128x16xf32, #tpu.memory_space<vmem>>) dst(%dma_wait3A_963 : memref<10112x16xf32, #tpu.memory_space<vmem_shared>>)
        tpu.yield
      }) : () -> ()
      %dma_wait3A_870 = arith.constant 11 : i32
      %dma_wait3A_871 = arith.constant 5 : i32
      %dma_wait3A_872 = arith.constant 0 : i32
      %dma_wait3A_873 = arith.constant 0 : i32
      %dma_wait3A_874 = tpu.memref_slice %arg8[%dma_wait3A_871, %dma_wait3A_872, %dma_wait3A_873] : memref<6x128x16xf32, #tpu.memory_space<vmem>> -> memref<1x128x16xf32, #tpu.memory_space<vmem>>
      %dma_wait3A_875 = tpu.memref_squeeze %dma_wait3A_874 : memref<1x128x16xf32, #tpu.memory_space<vmem>> -> memref<128x16xf32, #tpu.memory_space<vmem>>
      %dma_wait3A_876 = arith.constant 0 : i32
      %dma_wait3A_877 = tpu.memref_slice %arg11[%dma_wait3A_870, %dma_wait3A_876] : memref<16x128xi32, #tpu.memory_space<vmem>> -> memref<1x128xi32, #tpu.memory_space<vmem>>
      %dma_wait3A_878 = tpu.memref_squeeze %dma_wait3A_877 : memref<1x128xi32, #tpu.memory_space<vmem>> -> memref<128xi32, #tpu.memory_space<vmem>>
      %dma_wait3A_879 = arith.constant 0 : i32
      %dma_wait3A_880 = arith.constant 0 : i32
      %dma_wait3A_881 = tpu.memref_slice %arg2[%dma_wait3A_879, %dma_wait3A_880] : memref<10000x16xf32, #tpu.memory_space<hbm>> -> memref<10000x16xf32, #tpu.memory_space<hbm>>
      tpu.wait_indirect_dma semaphore(%arg18 : memref<!tpu.dma_semaphore, #tpu.memory_space<semaphore_mem>>) src(%dma_wait3A_881 : memref<10000x16xf32, #tpu.memory_space<hbm>>) dst(%dma_wait3A_875 : memref<128x16xf32, #tpu.memory_space<vmem>>)
      %run_scoped3A_882 = arith.constant 5 : i32
      %run_scoped3A_883 = arith.constant 11 : i32
      "tpu.region"() ({
        %run_scoped3A_943 = tpu.sem_alloc : memref<!tpu.dma_semaphore, #tpu.memory_space<semaphore_mem>>
        %dma_start3A_944 = arith.constant 0 : i32
        %dma_start3A_945 = arith.constant 0 : i32
        %dma_start3A_946 = tpu.memref_slice %arg8[%run_scoped3A_882, %dma_start3A_944, %dma_start3A_945] : memref<6x128x16xf32, #tpu.memory_space<vmem>> -> memref<1x128x16xf32, #tpu.memory_space<vmem>>
        %dma_start3A_947 = tpu.memref_squeeze %dma_start3A_946 : memref<1x128x16xf32, #tpu.memory_space<vmem>> -> memref<128x16xf32, #tpu.memory_space<vmem>>
        %dma_start3A_948 = arith.constant 0 : i32
        %dma_start3A_949 = tpu.memref_slice %arg12[%run_scoped3A_883, %dma_start3A_948] : memref<16x128xi32, #tpu.memory_space<vmem>> -> memref<1x128xi32, #tpu.memory_space<vmem>>
        %dma_start3A_950 = tpu.memref_squeeze %dma_start3A_949 : memref<1x128xi32, #tpu.memory_space<vmem>> -> memref<128xi32, #tpu.memory_space<vmem>>
        %dma_start3A_951 = arith.constant 0 : i32
        %dma_start3A_952 = arith.constant 0 : i32
        %dma_start3A_953 = tpu.memref_slice %arg7[%dma_start3A_951, %dma_start3A_952] : memref<10112x16xf32, #tpu.memory_space<vmem_shared>> -> memref<10112x16xf32, #tpu.memory_space<vmem_shared>>
        tpu.enqueue_indirect_dma source(%dma_start3A_947 : memref<128x16xf32, #tpu.memory_space<vmem>>) target(%dma_start3A_953 : memref<10112x16xf32, #tpu.memory_space<vmem_shared>>) offsets(%dma_start3A_950 : memref<128xi32, #tpu.memory_space<vmem>>) semaphore(%run_scoped3A_943 : memref<!tpu.dma_semaphore, #tpu.memory_space<semaphore_mem>>) {add = true}
        %dma_wait3A_954 = arith.constant 0 : i32
        %dma_wait3A_955 = arith.constant 0 : i32
        %dma_wait3A_956 = tpu.memref_slice %arg8[%run_scoped3A_882, %dma_wait3A_954, %dma_wait3A_955] : memref<6x128x16xf32, #tpu.memory_space<vmem>> -> memref<1x128x16xf32, #tpu.memory_space<vmem>>
        %dma_wait3A_957 = tpu.memref_squeeze %dma_wait3A_956 : memref<1x128x16xf32, #tpu.memory_space<vmem>> -> memref<128x16xf32, #tpu.memory_space<vmem>>
        %dma_wait3A_958 = arith.constant 0 : i32
        %dma_wait3A_959 = tpu.memref_slice %arg12[%run_scoped3A_883, %dma_wait3A_958] : memref<16x128xi32, #tpu.memory_space<vmem>> -> memref<1x128xi32, #tpu.memory_space<vmem>>
        %dma_wait3A_960 = tpu.memref_squeeze %dma_wait3A_959 : memref<1x128xi32, #tpu.memory_space<vmem>> -> memref<128xi32, #tpu.memory_space<vmem>>
        %dma_wait3A_961 = arith.constant 0 : i32
        %dma_wait3A_962 = arith.constant 0 : i32
        %dma_wait3A_963 = tpu.memref_slice %arg7[%dma_wait3A_961, %dma_wait3A_962] : memref<10112x16xf32, #tpu.memory_space<vmem_shared>> -> memref<10112x16xf32, #tpu.memory_space<vmem_shared>>
        tpu.wait_indirect_dma semaphore(%run_scoped3A_943 : memref<!tpu.dma_semaphore, #tpu.memory_space<semaphore_mem>>) src(%dma_wait3A_957 : memref<128x16xf32, #tpu.memory_space<vmem>>) dst(%dma_wait3A_963 : memref<10112x16xf32, #tpu.memory_space<vmem_shared>>)
        tpu.yield
      }) : () -> ()
      %dma_wait3A_884 = arith.constant 12 : i32
      %dma_wait3A_885 = arith.constant 0 : i32
      %dma_wait3A_886 = arith.constant 0 : i32
      %dma_wait3A_887 = arith.constant 0 : i32
      %dma_wait3A_888 = tpu.memref_slice %arg8[%dma_wait3A_885, %dma_wait3A_886, %dma_wait3A_887] : memref<6x128x16xf32, #tpu.memory_space<vmem>> -> memref<1x128x16xf32, #tpu.memory_space<vmem>>
      %dma_wait3A_889 = tpu.memref_squeeze %dma_wait3A_888 : memref<1x128x16xf32, #tpu.memory_space<vmem>> -> memref<128x16xf32, #tpu.memory_space<vmem>>
      %dma_wait3A_890 = arith.constant 0 : i32
      %dma_wait3A_891 = tpu.memref_slice %arg11[%dma_wait3A_884, %dma_wait3A_890] : memref<16x128xi32, #tpu.memory_space<vmem>> -> memref<1x128xi32, #tpu.memory_space<vmem>>
      %dma_wait3A_892 = tpu.memref_squeeze %dma_wait3A_891 : memref<1x128xi32, #tpu.memory_space<vmem>> -> memref<128xi32, #tpu.memory_space<vmem>>
      %dma_wait3A_893 = arith.constant 0 : i32
      %dma_wait3A_894 = arith.constant 0 : i32
      %dma_wait3A_895 = tpu.memref_slice %arg2[%dma_wait3A_893, %dma_wait3A_894] : memref<10000x16xf32, #tpu.memory_space<hbm>> -> memref<10000x16xf32, #tpu.memory_space<hbm>>
      tpu.wait_indirect_dma semaphore(%arg13 : memref<!tpu.dma_semaphore, #tpu.memory_space<semaphore_mem>>) src(%dma_wait3A_895 : memref<10000x16xf32, #tpu.memory_space<hbm>>) dst(%dma_wait3A_889 : memref<128x16xf32, #tpu.memory_space<vmem>>)
      %run_scoped3A_896 = arith.constant 0 : i32
      %run_scoped3A_897 = arith.constant 12 : i32
      "tpu.region"() ({
        %run_scoped3A_943 = tpu.sem_alloc : memref<!tpu.dma_semaphore, #tpu.memory_space<semaphore_mem>>
        %dma_start3A_944 = arith.constant 0 : i32
        %dma_start3A_945 = arith.constant 0 : i32
        %dma_start3A_946 = tpu.memref_slice %arg8[%run_scoped3A_896, %dma_start3A_944, %dma_start3A_945] : memref<6x128x16xf32, #tpu.memory_space<vmem>> -> memref<1x128x16xf32, #tpu.memory_space<vmem>>
        %dma_start3A_947 = tpu.memref_squeeze %dma_start3A_946 : memref<1x128x16xf32, #tpu.memory_space<vmem>> -> memref<128x16xf32, #tpu.memory_space<vmem>>
        %dma_start3A_948 = arith.constant 0 : i32
        %dma_start3A_949 = tpu.memref_slice %arg12[%run_scoped3A_897, %dma_start3A_948] : memref<16x128xi32, #tpu.memory_space<vmem>> -> memref<1x128xi32, #tpu.memory_space<vmem>>
        %dma_start3A_950 = tpu.memref_squeeze %dma_start3A_949 : memref<1x128xi32, #tpu.memory_space<vmem>> -> memref<128xi32, #tpu.memory_space<vmem>>
        %dma_start3A_951 = arith.constant 0 : i32
        %dma_start3A_952 = arith.constant 0 : i32
        %dma_start3A_953 = tpu.memref_slice %arg7[%dma_start3A_951, %dma_start3A_952] : memref<10112x16xf32, #tpu.memory_space<vmem_shared>> -> memref<10112x16xf32, #tpu.memory_space<vmem_shared>>
        tpu.enqueue_indirect_dma source(%dma_start3A_947 : memref<128x16xf32, #tpu.memory_space<vmem>>) target(%dma_start3A_953 : memref<10112x16xf32, #tpu.memory_space<vmem_shared>>) offsets(%dma_start3A_950 : memref<128xi32, #tpu.memory_space<vmem>>) semaphore(%run_scoped3A_943 : memref<!tpu.dma_semaphore, #tpu.memory_space<semaphore_mem>>) {add = true}
        %dma_wait3A_954 = arith.constant 0 : i32
        %dma_wait3A_955 = arith.constant 0 : i32
        %dma_wait3A_956 = tpu.memref_slice %arg8[%run_scoped3A_896, %dma_wait3A_954, %dma_wait3A_955] : memref<6x128x16xf32, #tpu.memory_space<vmem>> -> memref<1x128x16xf32, #tpu.memory_space<vmem>>
        %dma_wait3A_957 = tpu.memref_squeeze %dma_wait3A_956 : memref<1x128x16xf32, #tpu.memory_space<vmem>> -> memref<128x16xf32, #tpu.memory_space<vmem>>
        %dma_wait3A_958 = arith.constant 0 : i32
        %dma_wait3A_959 = tpu.memref_slice %arg12[%run_scoped3A_897, %dma_wait3A_958] : memref<16x128xi32, #tpu.memory_space<vmem>> -> memref<1x128xi32, #tpu.memory_space<vmem>>
        %dma_wait3A_960 = tpu.memref_squeeze %dma_wait3A_959 : memref<1x128xi32, #tpu.memory_space<vmem>> -> memref<128xi32, #tpu.memory_space<vmem>>
        %dma_wait3A_961 = arith.constant 0 : i32
        %dma_wait3A_962 = arith.constant 0 : i32
        %dma_wait3A_963 = tpu.memref_slice %arg7[%dma_wait3A_961, %dma_wait3A_962] : memref<10112x16xf32, #tpu.memory_space<vmem_shared>> -> memref<10112x16xf32, #tpu.memory_space<vmem_shared>>
        tpu.wait_indirect_dma semaphore(%run_scoped3A_943 : memref<!tpu.dma_semaphore, #tpu.memory_space<semaphore_mem>>) src(%dma_wait3A_957 : memref<128x16xf32, #tpu.memory_space<vmem>>) dst(%dma_wait3A_963 : memref<10112x16xf32, #tpu.memory_space<vmem_shared>>)
        tpu.yield
      }) : () -> ()
      %dma_wait3A_898 = arith.constant 13 : i32
      %dma_wait3A_899 = arith.constant 1 : i32
      %dma_wait3A_900 = arith.constant 0 : i32
      %dma_wait3A_901 = arith.constant 0 : i32
      %dma_wait3A_902 = tpu.memref_slice %arg8[%dma_wait3A_899, %dma_wait3A_900, %dma_wait3A_901] : memref<6x128x16xf32, #tpu.memory_space<vmem>> -> memref<1x128x16xf32, #tpu.memory_space<vmem>>
      %dma_wait3A_903 = tpu.memref_squeeze %dma_wait3A_902 : memref<1x128x16xf32, #tpu.memory_space<vmem>> -> memref<128x16xf32, #tpu.memory_space<vmem>>
      %dma_wait3A_904 = arith.constant 0 : i32
      %dma_wait3A_905 = tpu.memref_slice %arg11[%dma_wait3A_898, %dma_wait3A_904] : memref<16x128xi32, #tpu.memory_space<vmem>> -> memref<1x128xi32, #tpu.memory_space<vmem>>
      %dma_wait3A_906 = tpu.memref_squeeze %dma_wait3A_905 : memref<1x128xi32, #tpu.memory_space<vmem>> -> memref<128xi32, #tpu.memory_space<vmem>>
      %dma_wait3A_907 = arith.constant 0 : i32
      %dma_wait3A_908 = arith.constant 0 : i32
      %dma_wait3A_909 = tpu.memref_slice %arg2[%dma_wait3A_907, %dma_wait3A_908] : memref<10000x16xf32, #tpu.memory_space<hbm>> -> memref<10000x16xf32, #tpu.memory_space<hbm>>
      tpu.wait_indirect_dma semaphore(%arg14 : memref<!tpu.dma_semaphore, #tpu.memory_space<semaphore_mem>>) src(%dma_wait3A_909 : memref<10000x16xf32, #tpu.memory_space<hbm>>) dst(%dma_wait3A_903 : memref<128x16xf32, #tpu.memory_space<vmem>>)
      %run_scoped3A_910 = arith.constant 1 : i32
      %run_scoped3A_911 = arith.constant 13 : i32
      "tpu.region"() ({
        %run_scoped3A_943 = tpu.sem_alloc : memref<!tpu.dma_semaphore, #tpu.memory_space<semaphore_mem>>
        %dma_start3A_944 = arith.constant 0 : i32
        %dma_start3A_945 = arith.constant 0 : i32
        %dma_start3A_946 = tpu.memref_slice %arg8[%run_scoped3A_910, %dma_start3A_944, %dma_start3A_945] : memref<6x128x16xf32, #tpu.memory_space<vmem>> -> memref<1x128x16xf32, #tpu.memory_space<vmem>>
        %dma_start3A_947 = tpu.memref_squeeze %dma_start3A_946 : memref<1x128x16xf32, #tpu.memory_space<vmem>> -> memref<128x16xf32, #tpu.memory_space<vmem>>
        %dma_start3A_948 = arith.constant 0 : i32
        %dma_start3A_949 = tpu.memref_slice %arg12[%run_scoped3A_911, %dma_start3A_948] : memref<16x128xi32, #tpu.memory_space<vmem>> -> memref<1x128xi32, #tpu.memory_space<vmem>>
        %dma_start3A_950 = tpu.memref_squeeze %dma_start3A_949 : memref<1x128xi32, #tpu.memory_space<vmem>> -> memref<128xi32, #tpu.memory_space<vmem>>
        %dma_start3A_951 = arith.constant 0 : i32
        %dma_start3A_952 = arith.constant 0 : i32
        %dma_start3A_953 = tpu.memref_slice %arg7[%dma_start3A_951, %dma_start3A_952] : memref<10112x16xf32, #tpu.memory_space<vmem_shared>> -> memref<10112x16xf32, #tpu.memory_space<vmem_shared>>
        tpu.enqueue_indirect_dma source(%dma_start3A_947 : memref<128x16xf32, #tpu.memory_space<vmem>>) target(%dma_start3A_953 : memref<10112x16xf32, #tpu.memory_space<vmem_shared>>) offsets(%dma_start3A_950 : memref<128xi32, #tpu.memory_space<vmem>>) semaphore(%run_scoped3A_943 : memref<!tpu.dma_semaphore, #tpu.memory_space<semaphore_mem>>) {add = true}
        %dma_wait3A_954 = arith.constant 0 : i32
        %dma_wait3A_955 = arith.constant 0 : i32
        %dma_wait3A_956 = tpu.memref_slice %arg8[%run_scoped3A_910, %dma_wait3A_954, %dma_wait3A_955] : memref<6x128x16xf32, #tpu.memory_space<vmem>> -> memref<1x128x16xf32, #tpu.memory_space<vmem>>
        %dma_wait3A_957 = tpu.memref_squeeze %dma_wait3A_956 : memref<1x128x16xf32, #tpu.memory_space<vmem>> -> memref<128x16xf32, #tpu.memory_space<vmem>>
        %dma_wait3A_958 = arith.constant 0 : i32
        %dma_wait3A_959 = tpu.memref_slice %arg12[%run_scoped3A_911, %dma_wait3A_958] : memref<16x128xi32, #tpu.memory_space<vmem>> -> memref<1x128xi32, #tpu.memory_space<vmem>>
        %dma_wait3A_960 = tpu.memref_squeeze %dma_wait3A_959 : memref<1x128xi32, #tpu.memory_space<vmem>> -> memref<128xi32, #tpu.memory_space<vmem>>
        %dma_wait3A_961 = arith.constant 0 : i32
        %dma_wait3A_962 = arith.constant 0 : i32
        %dma_wait3A_963 = tpu.memref_slice %arg7[%dma_wait3A_961, %dma_wait3A_962] : memref<10112x16xf32, #tpu.memory_space<vmem_shared>> -> memref<10112x16xf32, #tpu.memory_space<vmem_shared>>
        tpu.wait_indirect_dma semaphore(%run_scoped3A_943 : memref<!tpu.dma_semaphore, #tpu.memory_space<semaphore_mem>>) src(%dma_wait3A_957 : memref<128x16xf32, #tpu.memory_space<vmem>>) dst(%dma_wait3A_963 : memref<10112x16xf32, #tpu.memory_space<vmem_shared>>)
        tpu.yield
      }) : () -> ()
      %dma_wait3A_912 = arith.constant 14 : i32
      %dma_wait3A_913 = arith.constant 2 : i32
      %dma_wait3A_914 = arith.constant 0 : i32
      %dma_wait3A_915 = arith.constant 0 : i32
      %dma_wait3A_916 = tpu.memref_slice %arg8[%dma_wait3A_913, %dma_wait3A_914, %dma_wait3A_915] : memref<6x128x16xf32, #tpu.memory_space<vmem>> -> memref<1x128x16xf32, #tpu.memory_space<vmem>>
      %dma_wait3A_917 = tpu.memref_squeeze %dma_wait3A_916 : memref<1x128x16xf32, #tpu.memory_space<vmem>> -> memref<128x16xf32, #tpu.memory_space<vmem>>
      %dma_wait3A_918 = arith.constant 0 : i32
      %dma_wait3A_919 = tpu.memref_slice %arg11[%dma_wait3A_912, %dma_wait3A_918] : memref<16x128xi32, #tpu.memory_space<vmem>> -> memref<1x128xi32, #tpu.memory_space<vmem>>
      %dma_wait3A_920 = tpu.memref_squeeze %dma_wait3A_919 : memref<1x128xi32, #tpu.memory_space<vmem>> -> memref<128xi32, #tpu.memory_space<vmem>>
      %dma_wait3A_921 = arith.constant 0 : i32
      %dma_wait3A_922 = arith.constant 0 : i32
      %dma_wait3A_923 = tpu.memref_slice %arg2[%dma_wait3A_921, %dma_wait3A_922] : memref<10000x16xf32, #tpu.memory_space<hbm>> -> memref<10000x16xf32, #tpu.memory_space<hbm>>
      tpu.wait_indirect_dma semaphore(%arg15 : memref<!tpu.dma_semaphore, #tpu.memory_space<semaphore_mem>>) src(%dma_wait3A_923 : memref<10000x16xf32, #tpu.memory_space<hbm>>) dst(%dma_wait3A_917 : memref<128x16xf32, #tpu.memory_space<vmem>>)
      %run_scoped3A_924 = arith.constant 2 : i32
      %run_scoped3A_925 = arith.constant 14 : i32
      "tpu.region"() ({
        %run_scoped3A_943 = tpu.sem_alloc : memref<!tpu.dma_semaphore, #tpu.memory_space<semaphore_mem>>
        %dma_start3A_944 = arith.constant 0 : i32
        %dma_start3A_945 = arith.constant 0 : i32
        %dma_start3A_946 = tpu.memref_slice %arg8[%run_scoped3A_924, %dma_start3A_944, %dma_start3A_945] : memref<6x128x16xf32, #tpu.memory_space<vmem>> -> memref<1x128x16xf32, #tpu.memory_space<vmem>>
        %dma_start3A_947 = tpu.memref_squeeze %dma_start3A_946 : memref<1x128x16xf32, #tpu.memory_space<vmem>> -> memref<128x16xf32, #tpu.memory_space<vmem>>
        %dma_start3A_948 = arith.constant 0 : i32
        %dma_start3A_949 = tpu.memref_slice %arg12[%run_scoped3A_925, %dma_start3A_948] : memref<16x128xi32, #tpu.memory_space<vmem>> -> memref<1x128xi32, #tpu.memory_space<vmem>>
        %dma_start3A_950 = tpu.memref_squeeze %dma_start3A_949 : memref<1x128xi32, #tpu.memory_space<vmem>> -> memref<128xi32, #tpu.memory_space<vmem>>
        %dma_start3A_951 = arith.constant 0 : i32
        %dma_start3A_952 = arith.constant 0 : i32
        %dma_start3A_953 = tpu.memref_slice %arg7[%dma_start3A_951, %dma_start3A_952] : memref<10112x16xf32, #tpu.memory_space<vmem_shared>> -> memref<10112x16xf32, #tpu.memory_space<vmem_shared>>
        tpu.enqueue_indirect_dma source(%dma_start3A_947 : memref<128x16xf32, #tpu.memory_space<vmem>>) target(%dma_start3A_953 : memref<10112x16xf32, #tpu.memory_space<vmem_shared>>) offsets(%dma_start3A_950 : memref<128xi32, #tpu.memory_space<vmem>>) semaphore(%run_scoped3A_943 : memref<!tpu.dma_semaphore, #tpu.memory_space<semaphore_mem>>) {add = true}
        %dma_wait3A_954 = arith.constant 0 : i32
        %dma_wait3A_955 = arith.constant 0 : i32
        %dma_wait3A_956 = tpu.memref_slice %arg8[%run_scoped3A_924, %dma_wait3A_954, %dma_wait3A_955] : memref<6x128x16xf32, #tpu.memory_space<vmem>> -> memref<1x128x16xf32, #tpu.memory_space<vmem>>
        %dma_wait3A_957 = tpu.memref_squeeze %dma_wait3A_956 : memref<1x128x16xf32, #tpu.memory_space<vmem>> -> memref<128x16xf32, #tpu.memory_space<vmem>>
        %dma_wait3A_958 = arith.constant 0 : i32
        %dma_wait3A_959 = tpu.memref_slice %arg12[%run_scoped3A_925, %dma_wait3A_958] : memref<16x128xi32, #tpu.memory_space<vmem>> -> memref<1x128xi32, #tpu.memory_space<vmem>>
        %dma_wait3A_960 = tpu.memref_squeeze %dma_wait3A_959 : memref<1x128xi32, #tpu.memory_space<vmem>> -> memref<128xi32, #tpu.memory_space<vmem>>
        %dma_wait3A_961 = arith.constant 0 : i32
        %dma_wait3A_962 = arith.constant 0 : i32
        %dma_wait3A_963 = tpu.memref_slice %arg7[%dma_wait3A_961, %dma_wait3A_962] : memref<10112x16xf32, #tpu.memory_space<vmem_shared>> -> memref<10112x16xf32, #tpu.memory_space<vmem_shared>>
        tpu.wait_indirect_dma semaphore(%run_scoped3A_943 : memref<!tpu.dma_semaphore, #tpu.memory_space<semaphore_mem>>) src(%dma_wait3A_957 : memref<128x16xf32, #tpu.memory_space<vmem>>) dst(%dma_wait3A_963 : memref<10112x16xf32, #tpu.memory_space<vmem_shared>>)
        tpu.yield
      }) : () -> ()
      %dma_wait3A_926 = arith.constant 15 : i32
      %dma_wait3A_927 = arith.constant 3 : i32
      %dma_wait3A_928 = arith.constant 0 : i32
      %dma_wait3A_929 = arith.constant 0 : i32
      %dma_wait3A_930 = tpu.memref_slice %arg8[%dma_wait3A_927, %dma_wait3A_928, %dma_wait3A_929] : memref<6x128x16xf32, #tpu.memory_space<vmem>> -> memref<1x128x16xf32, #tpu.memory_space<vmem>>
      %dma_wait3A_931 = tpu.memref_squeeze %dma_wait3A_930 : memref<1x128x16xf32, #tpu.memory_space<vmem>> -> memref<128x16xf32, #tpu.memory_space<vmem>>
      %dma_wait3A_932 = arith.constant 0 : i32
      %dma_wait3A_933 = tpu.memref_slice %arg11[%dma_wait3A_926, %dma_wait3A_932] : memref<16x128xi32, #tpu.memory_space<vmem>> -> memref<1x128xi32, #tpu.memory_space<vmem>>
      %dma_wait3A_934 = tpu.memref_squeeze %dma_wait3A_933 : memref<1x128xi32, #tpu.memory_space<vmem>> -> memref<128xi32, #tpu.memory_space<vmem>>
      %dma_wait3A_935 = arith.constant 0 : i32
      %dma_wait3A_936 = arith.constant 0 : i32
      %dma_wait3A_937 = tpu.memref_slice %arg2[%dma_wait3A_935, %dma_wait3A_936] : memref<10000x16xf32, #tpu.memory_space<hbm>> -> memref<10000x16xf32, #tpu.memory_space<hbm>>
      tpu.wait_indirect_dma semaphore(%arg16 : memref<!tpu.dma_semaphore, #tpu.memory_space<semaphore_mem>>) src(%dma_wait3A_937 : memref<10000x16xf32, #tpu.memory_space<hbm>>) dst(%dma_wait3A_931 : memref<128x16xf32, #tpu.memory_space<vmem>>)
      %run_scoped3A_938 = arith.constant 3 : i32
      %run_scoped3A_939 = arith.constant 15 : i32
      "tpu.region"() ({
        %run_scoped3A_943 = tpu.sem_alloc : memref<!tpu.dma_semaphore, #tpu.memory_space<semaphore_mem>>
        %dma_start3A_944 = arith.constant 0 : i32
        %dma_start3A_945 = arith.constant 0 : i32
        %dma_start3A_946 = tpu.memref_slice %arg8[%run_scoped3A_938, %dma_start3A_944, %dma_start3A_945] : memref<6x128x16xf32, #tpu.memory_space<vmem>> -> memref<1x128x16xf32, #tpu.memory_space<vmem>>
        %dma_start3A_947 = tpu.memref_squeeze %dma_start3A_946 : memref<1x128x16xf32, #tpu.memory_space<vmem>> -> memref<128x16xf32, #tpu.memory_space<vmem>>
        %dma_start3A_948 = arith.constant 0 : i32
        %dma_start3A_949 = tpu.memref_slice %arg12[%run_scoped3A_939, %dma_start3A_948] : memref<16x128xi32, #tpu.memory_space<vmem>> -> memref<1x128xi32, #tpu.memory_space<vmem>>
        %dma_start3A_950 = tpu.memref_squeeze %dma_start3A_949 : memref<1x128xi32, #tpu.memory_space<vmem>> -> memref<128xi32, #tpu.memory_space<vmem>>
        %dma_start3A_951 = arith.constant 0 : i32
        %dma_start3A_952 = arith.constant 0 : i32
        %dma_start3A_953 = tpu.memref_slice %arg7[%dma_start3A_951, %dma_start3A_952] : memref<10112x16xf32, #tpu.memory_space<vmem_shared>> -> memref<10112x16xf32, #tpu.memory_space<vmem_shared>>
        tpu.enqueue_indirect_dma source(%dma_start3A_947 : memref<128x16xf32, #tpu.memory_space<vmem>>) target(%dma_start3A_953 : memref<10112x16xf32, #tpu.memory_space<vmem_shared>>) offsets(%dma_start3A_950 : memref<128xi32, #tpu.memory_space<vmem>>) semaphore(%run_scoped3A_943 : memref<!tpu.dma_semaphore, #tpu.memory_space<semaphore_mem>>) {add = true}
        %dma_wait3A_954 = arith.constant 0 : i32
        %dma_wait3A_955 = arith.constant 0 : i32
        %dma_wait3A_956 = tpu.memref_slice %arg8[%run_scoped3A_938, %dma_wait3A_954, %dma_wait3A_955] : memref<6x128x16xf32, #tpu.memory_space<vmem>> -> memref<1x128x16xf32, #tpu.memory_space<vmem>>
        %dma_wait3A_957 = tpu.memref_squeeze %dma_wait3A_956 : memref<1x128x16xf32, #tpu.memory_space<vmem>> -> memref<128x16xf32, #tpu.memory_space<vmem>>
        %dma_wait3A_958 = arith.constant 0 : i32
        %dma_wait3A_959 = tpu.memref_slice %arg12[%run_scoped3A_939, %dma_wait3A_958] : memref<16x128xi32, #tpu.memory_space<vmem>> -> memref<1x128xi32, #tpu.memory_space<vmem>>
        %dma_wait3A_960 = tpu.memref_squeeze %dma_wait3A_959 : memref<1x128xi32, #tpu.memory_space<vmem>> -> memref<128xi32, #tpu.memory_space<vmem>>
        %dma_wait3A_961 = arith.constant 0 : i32
        %dma_wait3A_962 = arith.constant 0 : i32
        %dma_wait3A_963 = tpu.memref_slice %arg7[%dma_wait3A_961, %dma_wait3A_962] : memref<10112x16xf32, #tpu.memory_space<vmem_shared>> -> memref<10112x16xf32, #tpu.memory_space<vmem_shared>>
        tpu.wait_indirect_dma semaphore(%run_scoped3A_943 : memref<!tpu.dma_semaphore, #tpu.memory_space<semaphore_mem>>) src(%dma_wait3A_957 : memref<128x16xf32, #tpu.memory_space<vmem>>) dst(%dma_wait3A_963 : memref<10112x16xf32, #tpu.memory_space<vmem_shared>>)
        tpu.yield
      }) : () -> ()
      %convert_element_type3A_940 = arith.extui %lt3A_507 : i1 to i32
      %cond3A_941 = arith.constant 0 : i32
      %cond3A_942 = arith.cmpi ne, %convert_element_type3A_940, %cond3A_941 : i32
      scf.if %cond3A_942 {
        %add3A_943 = arith.addi %add3A_7, %add3A_503 : i32
        %dma_start3A_944 = arith.constant 0 : i32
        %dma_start3A_945 = arith.constant 0 : i32
        %dma_start3A_946 = tpu.memref_slice %arg3[%add3A_943, %dma_start3A_944, %dma_start3A_945] : memref<320x16x128xi32, #tpu.memory_space<hbm>> -> memref<1x16x128xi32, #tpu.memory_space<hbm>>
        %dma_start3A_947 = tpu.memref_squeeze %dma_start3A_946 : memref<1x16x128xi32, #tpu.memory_space<hbm>> -> memref<16x128xi32, #tpu.memory_space<hbm>>
        %dma_start3A_948 = arith.constant 0 : i32
        %dma_start3A_949 = arith.constant 0 : i32
        %dma_start3A_950 = tpu.memref_slice %arg3[%add3A_943, %dma_start3A_948, %dma_start3A_949] : memref<320x16x128xi32, #tpu.memory_space<hbm>> -> memref<1x16x128xi32, #tpu.memory_space<hbm>>
        %dma_start3A_951 = tpu.memref_squeeze %dma_start3A_950 : memref<1x16x128xi32, #tpu.memory_space<hbm>> -> memref<16x128xi32, #tpu.memory_space<hbm>>
        tpu.enqueue_dma source(%dma_start3A_951 : memref<16x128xi32, #tpu.memory_space<hbm>>) target(%arg11 : memref<16x128xi32, #tpu.memory_space<vmem>>) target_semaphore(%arg20 : memref<!tpu.dma_semaphore, #tpu.memory_space<semaphore_mem>>)
        %add3A_952 = arith.addi %add3A_12, %add3A_503 : i32
        %dma_start3A_953 = arith.constant 0 : i32
        %dma_start3A_954 = arith.constant 0 : i32
        %dma_start3A_955 = tpu.memref_slice %arg4[%add3A_952, %dma_start3A_953, %dma_start3A_954] : memref<320x16x128xi32, #tpu.memory_space<hbm>> -> memref<1x16x128xi32, #tpu.memory_space<hbm>>
        %dma_start3A_956 = tpu.memref_squeeze %dma_start3A_955 : memref<1x16x128xi32, #tpu.memory_space<hbm>> -> memref<16x128xi32, #tpu.memory_space<hbm>>
        %dma_start3A_957 = arith.constant 0 : i32
        %dma_start3A_958 = arith.constant 0 : i32
        %dma_start3A_959 = tpu.memref_slice %arg4[%add3A_952, %dma_start3A_957, %dma_start3A_958] : memref<320x16x128xi32, #tpu.memory_space<hbm>> -> memref<1x16x128xi32, #tpu.memory_space<hbm>>
        %dma_start3A_960 = tpu.memref_squeeze %dma_start3A_959 : memref<1x16x128xi32, #tpu.memory_space<hbm>> -> memref<16x128xi32, #tpu.memory_space<hbm>>
        tpu.enqueue_dma source(%dma_start3A_960 : memref<16x128xi32, #tpu.memory_space<hbm>>) target(%arg12 : memref<16x128xi32, #tpu.memory_space<vmem>>) target_semaphore(%arg20 : memref<!tpu.dma_semaphore, #tpu.memory_space<semaphore_mem>>)
      } else {
      }
    }
    %scan3A_56 = arith.constant 5 : i32
    %barrier3A_57 = arith.constant 0 : index
    tpu.barrier barrier_id(%barrier3A_57)
    %mul3A_58 = arith.constant 10112 : i32
    %mul3A_59 = arith.muli %arg0, %mul3A_58 : i32
    %add3A_60 = arith.addi %mul3A_59, %mul3A_0 : i32
    "tpu.region"() ({
      %run_scoped3A = tpu.sem_alloc : memref<!tpu.dma_semaphore, #tpu.memory_space<semaphore_mem>>
      %dma_start3A_61 = arith.constant 0 : i32
      %dma_start3A_62 = tpu.memref_slice %arg6[%add3A_60, %dma_start3A_61] : memref<20224x16xf32, #tpu.memory_space<hbm>> -> memref<632x16xf32, #tpu.memory_space<hbm>>
      %dma_start3A_63 = arith.constant 0 : i32
      %dma_start3A_64 = tpu.memref_slice %arg7[%mul3A_0, %dma_start3A_63] : memref<10112x16xf32, #tpu.memory_space<vmem_shared>> -> memref<632x16xf32, #tpu.memory_space<vmem_shared>>
      tpu.enqueue_dma source(%dma_start3A_64 : memref<632x16xf32, #tpu.memory_space<vmem_shared>>) target(%dma_start3A_62 : memref<632x16xf32, #tpu.memory_space<hbm>>) target_semaphore(%run_scoped3A : memref<!tpu.dma_semaphore, #tpu.memory_space<semaphore_mem>>)
      %dma_wait3A = arith.constant 0 : i32
      %dma_wait3A_65 = tpu.memref_slice %arg6[%add3A_60, %dma_wait3A] : memref<20224x16xf32, #tpu.memory_space<hbm>> -> memref<632x16xf32, #tpu.memory_space<hbm>>
      %dma_wait3A_66 = arith.constant 0 : i32
      %dma_wait3A_67 = tpu.memref_slice %arg7[%mul3A_0, %dma_wait3A_66] : memref<10112x16xf32, #tpu.memory_space<vmem_shared>> -> memref<632x16xf32, #tpu.memory_space<vmem_shared>>
      tpu.wait_dma2 semaphore(%run_scoped3A : memref<!tpu.dma_semaphore, #tpu.memory_space<semaphore_mem>>) src(%dma_wait3A_67 : memref<632x16xf32, #tpu.memory_space<vmem_shared>>) dst(%dma_wait3A_65 : memref<632x16xf32, #tpu.memory_space<hbm>>)
      tpu.yield
    }) : () -> ()
    return
  }
}

module attributes {stable_mosaic.version = 14 : i64} {
  func.func @_mm1_body(%arg0: i32, %arg1: i32, %arg2: memref<1000x1433xf32, #tpu.memory_space<vmem>>, %arg3: memref<1433x256xf32, #tpu.memory_space<vmem>>, %arg4: memref<1000x128xf32, #tpu.memory_space<vmem>>) attributes {dimension_semantics = [#tpu.dimension_semantics<arbitrary>, #tpu.dimension_semantics<arbitrary>], iteration_bounds = array<i64: 10, 2>, scalar_prefetch = 0 : i64, scratch_operands = 0 : i64, tpu.core_type = #tpu.core_type<tc>, window_params = [{transform_indices = @transform_0, window_bounds = array<i64: 1000, 1433>}, {pipeline_mode = #tpu.pipeline_mode<synchronous>, transform_indices = @transform_1, window_bounds = array<i64: 1433, 256>}, {transform_indices = @transform_2, window_bounds = array<i64: 1000, 128>}]} {
    %mul3A = arith.constant 128 : i32
    %mul3A_0 = arith.muli %arg1, %mul3A : i32
    %get3A = arith.constant 0 : index
    %get3A_1 = arith.index_cast %mul3A_0 : i32 to index
    %get3A_2 = vector.load %arg3[%get3A, %get3A_1] : memref<1433x256xf32, #tpu.memory_space<vmem>>, vector<1433x128xf32>
    %get3A_3 = arith.constant 0 : index
    %get3A_4 = arith.constant 0 : index
    %get3A_5 = vector.load %arg2[%get3A_3, %get3A_4] : memref<1000x1433xf32, #tpu.memory_space<vmem>>, vector<1000x1433xf32>
    %dot_general3A = arith.constant dense<0.000000e+00> : vector<1000x128xf32>
    %dot_general3A_6 = tpu.matmul %get3A_5, %get3A_2, %dot_general3A {dimension_numbers = #tpu.dot_dimension_numbers<[1], [0], [0], [1], [0, 0, 1, 1], [], []>, transpose_lhs_hint = false} : vector<1000x1433xf32>, vector<1433x128xf32>, vector<1000x128xf32> -> vector<1000x128xf32>
    %swap3A = arith.constant 0 : index
    %swap3A_7 = arith.constant 0 : index
    %swap3A_8 = vector.load %arg4[%swap3A, %swap3A_7] : memref<1000x128xf32, #tpu.memory_space<vmem>>, vector<1000x128xf32>
    tpu.vector_store %arg4[%swap3A, %swap3A_7], %dot_general3A_6 {strides = array<i32>} : memref<1000x128xf32, #tpu.memory_space<vmem>>, vector<1000x128xf32>,
    return
  }
  func.func @transform_0(%arg0: i32, %arg1: i32) -> (i32, i32) {
    %c0_i32 = arith.constant 0 : i32
    %c0_i32_0 = arith.constant 0 : i32
    return %arg0, %c0_i32 : i32, i32
  }
  func.func @transform_1(%arg0: i32, %arg1: i32) -> (i32, i32) {
    %c0_i32 = arith.constant 0 : i32
    %c0_i32_0 = arith.constant 0 : i32
    %c0_i32_1 = arith.constant 0 : i32
    return %c0_i32, %c0_i32_0 : i32, i32
  }
  func.func @transform_2(%arg0: i32, %arg1: i32) -> (i32, i32) {
    %mul3A = arith.constant 10 : i32
    %mul3A_0 = arith.muli %arg1, %mul3A : i32
    %add3A = arith.addi %mul3A_0, %arg0 : i32
    %c0_i32 = arith.constant 0 : i32
    %c0_i32_1 = arith.constant 0 : i32
    return %add3A, %c0_i32 : i32, i32
  }
}

module attributes {stable_mosaic.version = 14 : i64} {
  func.func @_mm2_body(%arg0: i32, %arg1: memref<1000x256xf32, #tpu.memory_space<vmem>>, %arg2: memref<256x16xf32, #tpu.memory_space<vmem>>, %arg3: memref<1000x16xf32, #tpu.memory_space<vmem>>) attributes {dimension_semantics = [#tpu.dimension_semantics<arbitrary>], iteration_bounds = array<i64: 10>, scalar_prefetch = 0 : i64, scratch_operands = 0 : i64, tpu.core_type = #tpu.core_type<tc>, window_params = [{transform_indices = @transform_0, window_bounds = array<i64: 1000, 256>}, {pipeline_mode = #tpu.pipeline_mode<synchronous>, transform_indices = @transform_1, window_bounds = array<i64: 256, 16>}, {transform_indices = @transform_2, window_bounds = array<i64: 1000, 16>}]} {
    %get3A = arith.constant 0 : index
    %get3A_0 = arith.constant 0 : index
    %get3A_1 = vector.load %arg1[%get3A, %get3A_0] : memref<1000x256xf32, #tpu.memory_space<vmem>>, vector<1000x256xf32>
    %max3A = arith.constant 0.000000e+00 : f32
    %max3A_2 = vector.broadcast %max3A : f32 to vector<1000x256xf32>
    %max3A_3 = arith.maximumf %get3A_1, %max3A_2 : vector<1000x256xf32>
    %get3A_4 = arith.constant 0 : index
    %get3A_5 = arith.constant 0 : index
    %get3A_6 = vector.load %arg2[%get3A_4, %get3A_5] : memref<256x16xf32, #tpu.memory_space<vmem>>, vector<256x16xf32>
    %dot_general3A = arith.constant dense<0.000000e+00> : vector<1000x16xf32>
    %dot_general3A_7 = tpu.matmul %max3A_3, %get3A_6, %dot_general3A {dimension_numbers = #tpu.dot_dimension_numbers<[1], [0], [0], [1], [0, 0, 1, 1], [], []>, transpose_lhs_hint = false} : vector<1000x256xf32>, vector<256x16xf32>, vector<1000x16xf32> -> vector<1000x16xf32>
    %swap3A = arith.constant 0 : index
    %swap3A_8 = arith.constant 0 : index
    %swap3A_9 = vector.load %arg3[%swap3A, %swap3A_8] : memref<1000x16xf32, #tpu.memory_space<vmem>>, vector<1000x16xf32>
    tpu.vector_store %arg3[%swap3A, %swap3A_8], %dot_general3A_7 {strides = array<i32>} : memref<1000x16xf32, #tpu.memory_space<vmem>>, vector<1000x16xf32>,
    return
  }
  func.func @transform_0(%arg0: i32) -> (i32, i32) {
    %c0_i32 = arith.constant 0 : i32
    %c0_i32_0 = arith.constant 0 : i32
    return %arg0, %c0_i32 : i32, i32
  }
  func.func @transform_1(%arg0: i32) -> (i32, i32) {
    %c0_i32 = arith.constant 0 : i32
    %c0_i32_0 = arith.constant 0 : i32
    %c0_i32_1 = arith.constant 0 : i32
    return %c0_i32, %c0_i32_0 : i32, i32
  }
  func.func @transform_2(%arg0: i32) -> (i32, i32) {
    %c0_i32 = arith.constant 0 : i32
    %c0_i32_0 = arith.constant 0 : i32
    return %arg0, %c0_i32 : i32, i32
  }
}

module attributes {stable_mosaic.version = 14 : i64} {
  func.func @_final_body(%arg0: i32, %arg1: memref<1000x16xf32, #tpu.memory_space<vmem>>, %arg2: memref<1000x16xf32, #tpu.memory_space<vmem>>, %arg3: memref<1x16xf32, #tpu.memory_space<vmem>>, %arg4: memref<1000x16xf32, #tpu.memory_space<vmem>>) attributes {dimension_semantics = [#tpu.dimension_semantics<arbitrary>], iteration_bounds = array<i64: 10>, scalar_prefetch = 0 : i64, scratch_operands = 0 : i64, tpu.core_type = #tpu.core_type<tc>, window_params = [{transform_indices = @transform_0, window_bounds = array<i64: 1000, 16>}, {transform_indices = @transform_1, window_bounds = array<i64: 1000, 16>}, {pipeline_mode = #tpu.pipeline_mode<synchronous>, transform_indices = @transform_2, window_bounds = array<i64: 1, 16>}, {transform_indices = @transform_3, window_bounds = array<i64: 1000, 16>}]} {
    %get3A = arith.constant 0 : index
    %get3A_0 = arith.constant 0 : index
    %get3A_1 = vector.load %arg1[%get3A, %get3A_0] : memref<1000x16xf32, #tpu.memory_space<vmem>>, vector<1000x16xf32>
    %get3A_2 = arith.constant 0 : index
    %get3A_3 = arith.constant 0 : index
    %get3A_4 = vector.load %arg2[%get3A_2, %get3A_3] : memref<1000x16xf32, #tpu.memory_space<vmem>>, vector<1000x16xf32>
    %add3A = arith.addf %get3A_1, %get3A_4 : vector<1000x16xf32>
    %get3A_5 = arith.constant 0 : index
    %get3A_6 = arith.constant 0 : index
    %get3A_7 = vector.load %arg3[%get3A_5, %get3A_6] : memref<1x16xf32, #tpu.memory_space<vmem>>, vector<1x16xf32>
    %add3A_8 = vector.broadcast %get3A_7 : vector<1x16xf32> to vector<1000x16xf32>
    %add3A_9 = arith.addf %add3A, %add3A_8 : vector<1000x16xf32>
    %reduce_max3A = arith.constant dense<0xFF800000> : vector<1000xf32>
    %reduce_max3A_10 = vector.multi_reduction <maximumf>, %add3A_9, %reduce_max3A [1] : vector<1000x16xf32> to vector<1000xf32>
    %broadcast_in_dim3A = vector.shape_cast %reduce_max3A_10 : vector<1000xf32> to vector<1000x1xf32>
    %sub3A = vector.broadcast %broadcast_in_dim3A : vector<1000x1xf32> to vector<1000x16xf32>
    %sub3A_11 = arith.subf %add3A_9, %sub3A : vector<1000x16xf32>
    %exp3A = math.exp %sub3A_11 : vector<1000x16xf32>
    %reduce_sum3A = arith.constant dense<0.000000e+00> : vector<1000xf32>
    %reduce_sum3A_12 = vector.multi_reduction <add>, %exp3A, %reduce_sum3A [1] : vector<1000x16xf32> to vector<1000xf32>
    %broadcast_in_dim3A_13 = vector.shape_cast %reduce_sum3A_12 : vector<1000xf32> to vector<1000x1xf32>
    %log3A = math.log %broadcast_in_dim3A_13 : vector<1000x1xf32>
    %sub3A_14 = vector.broadcast %broadcast_in_dim3A : vector<1000x1xf32> to vector<1000x16xf32>
    %sub3A_15 = arith.subf %add3A_9, %sub3A_14 : vector<1000x16xf32>
    %sub3A_16 = vector.broadcast %log3A : vector<1000x1xf32> to vector<1000x16xf32>
    %sub3A_17 = arith.subf %sub3A_15, %sub3A_16 : vector<1000x16xf32>
    %swap3A = arith.constant 0 : index
    %swap3A_18 = arith.constant 0 : index
    %swap3A_19 = vector.load %arg4[%swap3A, %swap3A_18] : memref<1000x16xf32, #tpu.memory_space<vmem>>, vector<1000x16xf32>
    tpu.vector_store %arg4[%swap3A, %swap3A_18], %sub3A_17 {strides = array<i32>} : memref<1000x16xf32, #tpu.memory_space<vmem>>, vector<1000x16xf32>,
    return
  }
  func.func @transform_0(%arg0: i32) -> (i32, i32) {
    %c0_i32 = arith.constant 0 : i32
    %c0_i32_0 = arith.constant 0 : i32
    return %arg0, %c0_i32 : i32, i32
  }
  func.func @transform_1(%arg0: i32) -> (i32, i32) {
    %c0_i32 = arith.constant 0 : i32
    %c0_i32_0 = arith.constant 0 : i32
    return %arg0, %c0_i32 : i32, i32
  }
  func.func @transform_2(%arg0: i32) -> (i32, i32) {
    %c0_i32 = arith.constant 0 : i32
    %c0_i32_0 = arith.constant 0 : i32
    %c0_i32_1 = arith.constant 0 : i32
    return %c0_i32, %c0_i32_0 : i32, i32
  }
  func.func @transform_3(%arg0: i32) -> (i32, i32) {
    %c0_i32 = arith.constant 0 : i32
    %c0_i32_0 = arith.constant 0 : i32
    return %arg0, %c0_i32 : i32, i32
  }
}

</mosaic_0001>

<sc_bundles>
// kernel: kernel.10.cloned.1.call-start
scs
__scs_entry_jumppad:
0x0: {  	(pc) =	sbr.rel $0x88, $3  }
0x1: {  	(tag) =	ssettag $0x0;
	lr =	simm.s32 $0x1  }
0x2: {  	[smem:$0x3F9B] =	sst lr;
	_ =	strace $0xD0000000  }
0x3: {  	_ = 	snop  }
0x4: {  	_ = 	snop  }
0x5: {  	_ = 	snop  }
0x6: {  	_ = 	snop  }
0x7: {  	_ = 	snop  }
__scs_overlays_trampoline_lowered:
0x8: {  	[smem:$0x3FAA] =	sst s0  }
0x9: {  	[smem:$0x3FAB] =	sst s1  }
0xa: {  	[smem:$0x3FAC] =	sst s2  }
0xb: {  	[smem:$0x3FAD] =	sst s3  }
0xc: {  	[smem:$0x3FAE] =	sst s4  }
0xd: {  	[smem:$0x3FAF] =	sst s5  }
0xe: {  	[smem:$0x3FB0] =	sst s6  }
0xf: {  	[smem:$0x3FB1] =	sst s7  }
0x10: {  	[smem:$0x3FB2] =	sst s8  }
0x11: {  	[smem:$0x3FB3] =	sst s9;
	s0 =	simm.s32 @!p0 $0x0  }
0x12: {  	s1 =	sld [smem:$0x3F99];
	s0 =	simm.s32 @p0 $0x1  }
0x13: {  	[smem:$0x3FB4] =	sst s0;
	s0 =	simm.s32 @!p1 $0x0  }
0x14: {  	s2 =	sld [smem:$0x3F98];
	s0 =	simm.s32 @p1 $0x1  }
0x15: {  	[smem:$0x3FB5] =	sst s0;
	s0 =	simm.s32 @!p2 $0x0  }
0x16: {  	s3 =	sld [smem:$0x3FDB];
	s0 =	simm.s32 @p2 $0x1  }
0x17: {  	s4 =	simm.s32 $0x1BF5;
	[smem:$0x3FB7] =	sst s0  }
0x18: {  	s0 =	sld [smem:$0x3F9A];
	_ =	swait.ge [sflag:s4], $0x0  }
0x19: {  	s7 =	sld [smem:$0x3F9B]  }
0x1a: {  	s8 =	sadd.s32 $0xFFFFE003, lr  }
0x1b: {  	s9 =	sadd.s32 $0xFFFFFEF7, lr;
	s5 =	simm.s32 $0xFFFFFFFF;
	p2 =	slt.u32 s8, $0xFFFFF086  }
0x1c: {  	p1 =	slt.u32 s9, $0xF7A;
	s5 =	simm.s32 @!p2 $0x0  }
0x1d: {  	s5 =	simm.s32 @p1 $0x1;
	p0 =	seq.s32 s7, s2  }
0x1e: {  	s7 =	smul.u32 @!p0 $0xF7A, s2;
	p2 =	seq.s32 @!p0 s5, $0x0  }
0x1f: {  	s9 =	smul.u32 $0xF7A, s1;
	s8 =	simm.s32 @!p0 $0x1BF5;
	p2 =	por !p2, p0  }
0x20: {  	[sflag:s8] =	ssyncset.s32 @!p0 $0xFFFFF086;
	s6 =	sadd.s32 @!p0 s3, s7;
	s7 =	simm.s32 @!p0 $0x108  }
0x21: {  	s3 =	sadd.s32 s3, s9;
	s6 =	sadd.s32 @!p0 $0x88, s6;
	s7 =	simm.s32 @p2 $0x1082  }
0x22: {  	[simem:s7], [sflag:s8] =	dma.local @!p0 [hbm:s6], $0xF7A  }
0x23: {  	s9 =	sor.u32 $0xD0000000, s2;
	s6 =	simm.s32 $0x108;
	_ =	swait.ge @!p0 [sflag:s8], $0x0  }
0x24: {  	s3 =	sadd.s32 $0x88, s3;
	s6 =	simm.s32 @!p1 $0x1082;
	[sflag:s4] =	ssyncset.s32 $0xFFFFF086  }
0x25: {  	[simem:s6], [sflag:s4] =	dma.local [hbm:s3], $0xF7A  }
0x26: {  	[smem:$0x3F9B] =	sst s1;
	(tag) =	ssettag s2;
	_ =	strace s9  }
0x27: {  	s1 =	sld [smem:$0x3FAB]  }
0x28: {  	s2 =	sld [smem:$0x3FAC]  }
0x29: {  	s4 =	sld [smem:$0x3FAE]  }
0x2a: {  	p0 =	seq.s32 s5, $0x0;
	s5 =	sld [smem:$0x3FAF]  }
0x2b: {  	s6 =	sld [smem:$0x3FB0]  }
0x2c: {  	s7 =	sld [smem:$0x3FB1]  }
0x2d: {  	s3 =	simm.s32 $0x108;
	s8 =	sld [smem:$0x3FB2]  }
0x2e: {  	s3 =	simm.s32 @!p0 $0x1082;
	s9 =	sld [smem:$0x3FB3]  }
0x2f: {  	lr =	sadd.s32 s0, s3;
	s0 =	sld [smem:$0x3FAA]  }
0x30: {  	s3 =	sld [smem:$0x3FAD]  }
0x31: {  	[smem:$0x3FB6] =	sst s10  }
0x32: {  	s10 =	sld [smem:$0x3FB4];
	_ =	sdelay $0x3  }
0x33: {  	p0 =	seq.s32 s10, $0x1;
	s10 =	sld [smem:$0x3FB6];
	_ =	sdelay $0x3  }
0x34: {  	[smem:$0x3FB6] =	sst s10  }
0x35: {  	s10 =	sld [smem:$0x3FB5];
	_ =	sdelay $0x3  }
0x36: {  	p1 =	seq.s32 s10, $0x1;
	s10 =	sld [smem:$0x3FB6];
	_ =	sdelay $0x3  }
0x37: {  	[smem:$0x3FB6] =	sst s10  }
0x38: {  	s10 =	sld [smem:$0x3FB7]  }
0x39: {  	_ = 	snop;
	(pc) =	sbr.ind lr, $3  }
0x3a: {  	_ = 	snop  }
0x3b: {  	_ = 	snop  }
0x3c: {  	p2 =	seq.s32 s10, $0x1;
	s10 =	sld [smem:$0x3FB6]  }
0x3d: {  	_ =	shalt  }
0x3e: {  	_ =	shalt  }
0x3f: {  	_ =	shalt  }
0x40: {  	_ =	shalt  }
0x41: {  	_ =	shalt  }
0x42: {  	_ =	shalt  }
0x43: {  	_ =	shalt  }
0x44: {  	_ =	shalt  }
0x45: {  	_ =	shalt  }
0x46: {  	_ =	shalt  }
0x47: {  	_ =	shalt  }
0x48: {  	_ =	shalt  }
0x49: {  	_ =	shalt  }
0x4a: {  	_ =	shalt  }
0x4b: {  	_ =	shalt  }
0x4c: {  	_ =	shalt  }
0x4d: {  	_ =	shalt  }
0x4e: {  	_ =	shalt  }
0x4f: {  	_ =	shalt  }
0x50: {  	_ =	shalt  }
0x51: {  	_ =	shalt  }
0x52: {  	_ =	shalt  }
0x53: {  	_ =	shalt  }
0x54: {  	_ =	shalt  }
0x55: {  	_ =	shalt  }
0x56: {  	_ =	shalt  }
0x57: {  	_ =	shalt  }
0x58: {  	_ =	shalt  }
0x59: {  	_ =	shalt  }
0x5a: {  	_ =	shalt  }
0x5b: {  	_ =	shalt  }
0x5c: {  	_ =	shalt  }
0x5d: {  	_ =	shalt  }
0x5e: {  	_ =	shalt  }
0x5f: {  	_ =	shalt  }
0x60: {  	_ =	shalt  }
0x61: {  	_ =	shalt  }
0x62: {  	_ =	shalt  }
0x63: {  	_ =	shalt  }
0x64: {  	_ =	shalt  }
0x65: {  	_ =	shalt  }
0x66: {  	_ =	shalt  }
0x67: {  	_ =	shalt  }
0x68: {  	_ =	shalt  }
0x69: {  	_ =	shalt  }
0x6a: {  	_ =	shalt  }
0x6b: {  	_ =	shalt  }
0x6c: {  	_ =	shalt  }
0x6d: {  	_ =	shalt  }
0x6e: {  	_ =	shalt  }
0x6f: {  	_ =	shalt  }
0x70: {  	_ =	shalt  }
0x71: {  	_ =	shalt  }
0x72: {  	_ =	shalt  }
0x73: {  	_ =	shalt  }
0x74: {  	_ =	shalt  }
0x75: {  	_ =	shalt  }
0x76: {  	_ =	shalt  }
0x77: {  	_ =	shalt  }
0x78: {  	_ =	shalt  }
0x79: {  	_ =	shalt  }
0x7a: {  	_ =	shalt  }
0x7b: {  	_ =	shalt  }
0x7c: {  	_ =	shalt  }
0x7d: {  	_ =	shalt  }
0x7e: {  	_ =	shalt  }
0x7f: {  	_ =	shalt  }
0x80: {  	_ =	shalt  }
0x81: {  	_ =	shalt  }
0x82: {  	_ =	shalt  }
0x83: {  	_ =	shalt  }
0x84: {  	_ =	shalt  }
0x85: {  	_ =	shalt  }
0x86: {  	_ =	shalt  }
0x87: {  	_ =	shalt  }
.Lfunc_end0:
.L_simem_size_0:
called_computation.1_lowered:
.L_overlay_start_0:
0x88: {  	s2 =	sld [smem:$0x3FD9]  }
0x89: {  	s3 =	sld [smem:$0x3FFE];
	_ =	sdelay $0x1  }
0x8a: {  	s1 =	srdreg.scid  }
0x8b: {  	s0 =	sand.u32 $0x1, s1  }
0x8c: {  	s16 =	sshll.u32 s0, $0xA;
	s2 =	sadd.s32 s3, s2  }
0x8d: {  	s2 =	sadd.s32 s2, s16  }
0x8e: {  	[smem:$0x3FC2] =	sst s2  }
0x8f: {  	_ = 	snop  }
0x90: {  	(tm) =	ssettm $0x1  }
0x91: {  	s17 =	sld [smem:$0x3FFB];
	_ =	sdelay $0x3  }
0x92: {  	_ =	strace s17  }
0x93: {  	s2 =	sld [smem:$0x3FFC];
	_ =	sdelay $0x3  }
0x94: {  	_ =	strace s2  }
0x95: {  	s2 =	sld [smem:$0x3FFD];
	_ =	sdelay $0x3  }
0x96: {  	_ =	strace s2  }
0x97: {  	_ =	strace $0x8FFFFFFF  }
0x98: {  	s18 =	sld [smem:$0x3FDB];
	_ =	sdelay $0x1  }
0x99: {  	s19 =	simm.s32 $_scs_section_size  }
0x9a: {  	s4 =	simm.s32 $_size__tile_overlayer_lowered;
	s5 =	simm.s32 $_tile_overlayer_lowered  }
0x9b: {  	s22 =	simm.s32 $0x1BFF;
	s21 =	sshll.u32 s5, $0x1;
	s2 =	sadd.s32 s19, s18  }
0x9c: {  	s6 =	simm.s32 $0x0;
	s20 =	sshll.u32 s4, $0x1;
	s4 =	sadd.s32 s21, s2  }
0x9d: {  	[timem:s6], [sflag:s22] =	dma.local [hbm:s4], s20  }
0x9e: {  	_ =	swait.ge [sflag:s22], s20  }
0x9f: {  	s3 =	ssub.s32 $0x0, s20;
	[sflag:s22] =	ssyncset.done $0x0  }
0xa0: {  	[sflag:s22] =	ssyncadd.s32 s3;
	_ =	sdelay $0x1  }
0xa1: {  	s23 =	simm.s32 $0x1B8B  }
0xa2: {  	_ =	swait.ge [sflag:s23], $0x1  }
0xa3: {  	[sflag:s23] =	ssyncset.done $0x0  }
0xa4: {  	s25 =	simm.s32 $0x1B8E;
	s24 =	sld [smem:$0x3FFE];
	[sflag:s23] =	ssyncadd.s32 $0xFFFFFFFF  }
0xa5: {  	s26 =	simm.s32 $execute0_lowered;
	[smem:$0x3FD2] =	sst s25  }
0xa6: {  	s4 =	sshll.u32 s26, $0x1;
	_ =	strace $0x80000049;
	[dreg:$0x1] =	wrdreg $0xFFFFFFFF  }
0xa7: {  	s28 =	simm.s32 $_size_execute0_lowered;
	s2 =	sadd.s32 s2, s4;
	[dreg:$0x0] =	wrdreg $0x0  }
0xa8: {  	s4 =	sshll.u32 s28, $0x1;
	[dreg:$0x2] =	wrdreg s2  }
0xa9: {  	[dreg:$0x3] =	wrdreg s4  }
0xaa: {  	[dreg:$0x4] =	wrdreg $0xC0  }
0xab: {  	_ =	task [dreg:s6], $0x5FFFF  }
0xac: {  	[dreg:$0x1] =	wrdreg $0xFFFFFFFF  }
0xad: {  	[dreg:$0x0] =	wrdreg $0x60  }
0xae: {  	[dreg:$0x2] =	wrdreg s24  }
0xaf: {  	[dreg:$0x3] =	wrdreg $0x0  }
0xb0: {  	[dreg:$0x4] =	wrdreg $0x9  }
0xb1: {  	_ =	task.clear_ibuf [dreg:s6], $0x5FFFF;
	_ =	strace $0x90000049  }
0xb2: {  	s29 =	simm.s32 $0x9;
	_ =	strace $0x8000004B  }
0xb3: {  	_ =	swait.ge [sflag:s29], $0x1  }
0xb4: {  	[sflag:s29] =	ssyncadd.s32 $0xFFFFFFFF  }
0xb5: {  	_ =	strace $0x9000004B  }
0xb6: {  	_ =	sfence  }
0xb7: {  	s30 =	sld [smem:$0x0];
	_ =	sdelay $0x2  }
0xb8: {  	s31 =	sshll.u32 s1, $0xD;
	s1 =	sshrl.u32 s1, $0x2  }
0xb9: {  	s3 =	sand.u32 $0x4000, s31;
	s1 =	sadd.s32 s1, s30  }
0xba: {  	s0 =	sor.u32 s3, s0;
	s1 =	sshll.u32 s1, $0x11  }
0xbb: {  	s0 =	sor.u32 s1, s0  }
0xbc: {  	s0 =	sadd.s32 $0x8F2B, s0  }
0xbd: {  	[sflag:s0] =	ssyncadd.remote.s32 $0x1  }
0xbe: {  	_ =	sfence.sel $0xFFFF  }
0xbf: {  	[dreg:$0x0] =	wrdreg $0xFFFFFFFF;
	(pc) =	sbr.abs _section_cstart, $3  }
0xc0: {  	[dreg:$0x1] =	wrdreg $0xFFFFFFFF  }
0xc1: {  	_ =	task.clear_ibuf [dreg:s6], $0x2FFFF;
	_ =	strace $0x9FFFFFFF  }
0xc2: {  	(tm) =	ssettm $0x7FFFFFFF  }
0xc3: {  	_ =	shalt  }
tec
execute0_lowered:
.L_overlay_start_1:
0x0: {  	(tag) =	ssettag $0x1  }
0x1: {  	s0 =	rddreg [dreg:$0x0]  }
0x2: {  	s1 =	rddreg [dreg:$0x1];
	s3 =	simm.s32 $0x0;
	s2 =	srdreg.scid  }
0x3: {  	s12 =	stileid.u32;
	s16 =	simm.s32 $0x9;
	s28 =	simm.s32 $0x3780  }
0x4: {  	s30 =	simm.s32 $0x3F80;
	s31 =	simm.s32 $0x8;
	s6 =	smul.u32 $0x278, s12  }
0x5: {  	s15 =	simm.s32 $0x7700;
	s29 =	simm.s32 $0x0;
	s8 =	smul.u32 $0x9E00, s12  }
0x6: {  	[smem:$0x7FF] =	sst s3;
	s2 =	sand.u32 $0x1, s2;
	s11 =	smul.u32 $0xA, s12  }
0x7: {  	s4 =	sadd.s32 $0x1C00, s0;
	s7 =	sadd.s32 $0x1D6800, s0;
	s25 =	smul.u32 $0xA00, s12  }
0x8: {  	s9 =	sadd.s32 $0x4FE00, s0;
	s20 =	sshll.u32 s12, $0x6;
	s5 =	smul.u32 $0x2780, s2  }
0x9: {  	s12 =	simm.s32 $0x3;
	_ =	strace $0x8000004A;
	s17 =	smul.u32 $0xA0, s2  }
0xa: {  	s10 =	ssub.s32 $0x2, s2;
	s2 =	smul.u32 $0xA000, s2;
	s8 =	sshrl.u32 s8, $0x2  }
0xb: {  	s18 =	sshrl.u32 s10, $0x1;
	s5 =	sadd.s32 s6, s5;
	s8 =	sadd.s32 s8, s1  }
0xc: {  	s6 =	sadd.s32 s11, s17;
	s26 =	sadd.s32 s2, s9;
	s2 =	sadd.s32 s2, s7  }
0xd: {  	s17 =	simm.s32 $0x5;
	s11 =	simm.s32 $0x7600;
	s5 =	sshll.u32 s5, $0x1  }
0xe: {  	s6 =	sshll.u32 s6, $0x8;
	s13 =	sadd.s32 s25, s26;
	s14 =	sadd.s32 s25, s2  }
0xf: {  	s26 =	sshrl.u32 s8, $0x3;
	s25 =	simm.s32 $0x2F80;
	s2 =	simm.s32 $0x6  }
0x10: {  	s0 =	sadd.s32 s5, s0;
	s5 =	ssub.s32 s10, s18;
	s18 =	sor.u32 $0x1C09, s20  }
0x11: {  	s21 =	sadd.s32 s7, s6;
	s22 =	sor.u32 $0x100, s6;
	[dreg:$0xb] =	wrdreg s26  }
0x12: {  	s6 =	sadd.s32 s9, s6;
	s20 =	simm.s32 $0x6F80;
	[dreg:$0x5] =	wrdreg s21  }
0x13: {  	s10 =	simm.s32 $0x7580;
	s19 =	sadd.s32 $0x6C00, s0;
	[dreg:$0x6] =	wrdreg s6  }
0x14: {  	s23 =	sadd.s32 s7, s22;
	s24 =	sadd.s32 s9, s22;
	[dreg:$0x4] =	wrdreg s18  }
0x15: {  	s0 =	sadd.s32 $0x10A00, s0;
	s5 =	smax.u32 s5, $0x1;
	[dreg:$0x3] =	wrdreg s19  }
.Ltmp0:
0x16: {  	s21 =	simm.s32 $0x7;
	[dreg:$0x7] =	wrdreg s23;
	(pc) =	sbr.rel .LBB2_1-.Ltmp0, $4  }
0x17: {  	s22 =	simm.s32 $0x80;
	s7 =	simm.s32 $0x1;
	[dreg:$0x8] =	wrdreg s24  }
0x18: {  	s9 =	simm.s32 $0x2;
	s6 =	simm.s32 $0x7680;
	[dreg:$0x9] =	wrdreg s0  }
0x19: {  	[dreg:$0xa] =	wrdreg s5;
	s19 =	simm.s32 $0x6780;
	s23 =	simm.s32 $0x2780  }
0x1a: {  	s0 =	simm.s32 $0x4780;
	s5 =	simm.s32 $0x4F80;
	s24 =	simm.s32 $0x4  }
.LBB2_4:
0x1b: {  	[bflag:$0x0] =	sbarrier.arrive $0xFFFF  }
0x1c: {  	s18 =	rddreg [dreg:$0x4]  }
0x1d: {  	s8 =	rddreg [dreg:$0x9]  }
0x1e: {  	s26 =	rddreg [dreg:$0xb]  }
0x1f: {  	[hbm:s8], [sflag:s18] =	dma.local [spmem:s26], $0x4F0  }
0x20: {  	_ =	swait.ge [sflag:s16], $0x4F0  }
0x21: {  	s29 =	rddreg [dreg:$0xc]  }
0x22: {  	s8 =	rddreg [dreg:$0xa];
	s29 =	sadd.s32 $0x1, s29  }
0x23: {  	p0 =	sne.s32 s29, s8  }
.Ltmp1:
0x24: {  	_ = 	snop;
	(pc) =	sbr.rel @!p0 .LBB2_5-.Ltmp1, $3  }
0x25: {  	_ =	sdelay $0x1  }
0x26: {  	[sflag:s16] =	ssyncset.done $0x0  }
0x27: {  	[sflag:s16] =	ssyncadd.s32 $0xFFFFFB10  }
.LBB2_1:
0x28: {  	[dreg:$0xc] =	wrdreg s29  }
0x29: {  	s8 =	rddreg [dreg:$0x3]  }
0x2a: {  	[spmem:s26], [sflag:s18] =	dma.local [hbm:s8], $0x4F0  }
0x2b: {  	_ =	swait.ge [sflag:s16], $0x4F0  }
0x2c: {  	[sflag:s16] =	ssyncset.done $0x0  }
0x2d: {  	[sflag:s16] =	ssyncadd.s32 $0xFFFFFB10  }
0x2e: {  	[bflag:$0x0] =	sbarrier.arrive $0xFFFF  }
0x2f: {  	s29 =	simm.s32 $0x5780;
	s26 =	rddreg [dreg:$0x5]  }
0x30: {  	[tilespmem:s29], [sflag:$0x7] =	stream.linear.gather [hbm4b:s26+s3], $0x800, $0x38;
	[tilespmem:$0x7780] =	vst v63  }
0x31: {  	s26 =	rddreg [dreg:$0x6];
	s29 =	simm.s32 $0x5F80  }
0x32: {  	[tilespmem:s29], [sflag:$0x7] =	stream.linear.gather [hbm4b:s26+s3], $0x800, $0x38;
	[tilespmem:$0x7780] =	vst v63  }
0x33: {  	s26 =	rddreg [dreg:$0x7]  }
0x34: {  	[tilespmem:s19], [sflag:$0x8] =	stream.linear.gather [hbm4b:s26+s3], $0x800, $0x38;
	[tilespmem:$0x7780] =	vst v63  }
0x35: {  	s29 =	rddreg [dreg:$0x8];
	s26 =	simm.s32 $0x0  }
0x36: {  	[tilespmem:s20], [sflag:$0x8] =	stream.linear.gather [hbm4b:s29+s3], $0x800, $0x38;
	[tilespmem:$0x7780] =	vst v63  }
.LBB2_2:
0x37: {  	_ =	swait.ge [sflag:s21], $0x800  }
0x38: {  	[sflag:s21] =	ssyncset.done $0x0  }
0x39: {  	[sflag:s21] =	ssyncadd.s32 $0xFFFFF800  }
0x3a: {  	_ =	swait.ge [sflag:s21], $0x800  }
0x3b: {  	[sflag:s21] =	ssyncset.done $0x0  }
0x3c: {  	s8 =	simm.s32 $0x5780;
	[sflag:s21] =	ssyncadd.s32 $0xFFFFF800  }
0x3d: {  	[tilespmem:s23], [sflag:$0x1] =	stream.indirect.gather [hbm4b:s4+s22], $0x10, s8, s22, $0xb8;
	[tilespmem:$0x7780] =	vst v63  }
0x3e: {  	s29 =	simm.s32 $0x5800  }
0x3f: {  	[tilespmem:s25], [sflag:$0x2] =	stream.indirect.gather [hbm4b:s4+s22], $0x10, s29, s22, $0xb8;
	[tilespmem:$0x7780] =	vst v63  }
0x40: {  	s18 =	simm.s32 $0x5880  }
0x41: {  	[tilespmem:s28], [sflag:$0x3] =	stream.indirect.gather [hbm4b:s4+s22], $0x10, s18, s22, $0xb8;
	[tilespmem:$0x7780] =	vst v63  }
0x42: {  	s29 =	simm.s32 $0x5900  }
0x43: {  	[tilespmem:s30], [sflag:$0x4] =	stream.indirect.gather [hbm4b:s4+s22], $0x10, s29, s22, $0xb8;
	[tilespmem:$0x7780] =	vst v63  }
0x44: {  	s18 =	simm.s32 $0x5980  }
0x45: {  	[tilespmem:s0], [sflag:$0x5] =	stream.indirect.gather [hbm4b:s4+s22], $0x10, s18, s22, $0xb8;
	[tilespmem:$0x7780] =	vst v63  }
0x46: {  	s29 =	simm.s32 $0x5A00  }
0x47: {  	[tilespmem:s5], [sflag:$0x6] =	stream.indirect.gather [hbm4b:s4+s22], $0x10, s29, s22, $0xb8;
	[tilespmem:$0x7780] =	vst v63  }
0x48: {  	_ =	swait.ge [sflag:s7], $0x800  }
0x49: {  	[sflag:s7] =	ssyncset.done $0x0  }
0x4a: {  	s18 =	simm.s32 $0x5A80;
	[sflag:s7] =	ssyncadd.s32 $0xFFFFF800  }
0x4b: {  	[tilespmem:s23], [sflag:$0x1] =	stream.indirect.gather [hbm4b:s4+s22], $0x10, s18, s22, $0xb8;
	[tilespmem:$0x7780] =	vst v63  }
0x4c: {  	s29 =	simm.s32 $0x5F80  }
0x4d: {  	[spmem:s1] =	stream.indirect.scatter.add.f32 [tilespmem:s23], [sflag:$0x9], $0x10, s29, s22, $0xb8;
	[tilespmem:$0x7780] =	vst v63  }
0x4e: {  	_ =	swait.ge [sflag:s16], $0x800  }
0x4f: {  	[sflag:s16] =	ssyncset.done $0x0  }
0x50: {  	[sflag:s16] =	ssyncadd.s32 $0xFFFFF800  }
0x51: {  	_ =	swait.ge [sflag:s9], $0x800  }
0x52: {  	[sflag:s9] =	ssyncset.done $0x0  }
0x53: {  	s18 =	simm.s32 $0x5B00;
	[sflag:s9] =	ssyncadd.s32 $0xFFFFF800  }
0x54: {  	[tilespmem:s25], [sflag:$0x2] =	stream.indirect.gather [hbm4b:s4+s22], $0x10, s18, s22, $0xb8;
	[tilespmem:$0x7780] =	vst v63  }
0x55: {  	s29 =	simm.s32 $0x6000  }
0x56: {  	[spmem:s1] =	stream.indirect.scatter.add.f32 [tilespmem:s25], [sflag:$0x9], $0x10, s29, s22, $0xb8;
	[tilespmem:$0x7780] =	vst v63  }
0x57: {  	_ =	swait.ge [sflag:s16], $0x800  }
0x58: {  	[sflag:s16] =	ssyncset.done $0x0  }
0x59: {  	[sflag:s16] =	ssyncadd.s32 $0xFFFFF800  }
0x5a: {  	_ =	swait.ge [sflag:s12], $0x800  }
0x5b: {  	[sflag:s12] =	ssyncset.done $0x0  }
0x5c: {  	s18 =	simm.s32 $0x5B80;
	[sflag:s12] =	ssyncadd.s32 $0xFFFFF800  }
0x5d: {  	[tilespmem:s28], [sflag:$0x3] =	stream.indirect.gather [hbm4b:s4+s22], $0x10, s18, s22, $0xb8;
	[tilespmem:$0x7780] =	vst v63  }
0x5e: {  	s29 =	simm.s32 $0x6080  }
0x5f: {  	[spmem:s1] =	stream.indirect.scatter.add.f32 [tilespmem:s28], [sflag:$0x9], $0x10, s29, s22, $0xb8;
	[tilespmem:$0x7780] =	vst v63  }
0x60: {  	_ =	swait.ge [sflag:s16], $0x800  }
0x61: {  	[sflag:s16] =	ssyncset.done $0x0  }
0x62: {  	[sflag:s16] =	ssyncadd.s32 $0xFFFFF800  }
0x63: {  	_ =	swait.ge [sflag:s24], $0x800  }
0x64: {  	[sflag:s24] =	ssyncset.done $0x0  }
0x65: {  	s18 =	simm.s32 $0x5C00;
	[sflag:s24] =	ssyncadd.s32 $0xFFFFF800  }
0x66: {  	[tilespmem:s30], [sflag:$0x4] =	stream.indirect.gather [hbm4b:s4+s22], $0x10, s18, s22, $0xb8;
	[tilespmem:$0x7780] =	vst v63  }
0x67: {  	s29 =	simm.s32 $0x6100  }
0x68: {  	[spmem:s1] =	stream.indirect.scatter.add.f32 [tilespmem:s30], [sflag:$0x9], $0x10, s29, s22, $0xb8;
	[tilespmem:$0x7780] =	vst v63  }
0x69: {  	_ =	swait.ge [sflag:s16], $0x800  }
0x6a: {  	[sflag:s16] =	ssyncset.done $0x0  }
0x6b: {  	[sflag:s16] =	ssyncadd.s32 $0xFFFFF800  }
0x6c: {  	_ =	swait.ge [sflag:s17], $0x800  }
0x6d: {  	[sflag:s17] =	ssyncset.done $0x0  }
0x6e: {  	s18 =	simm.s32 $0x5C80;
	[sflag:s17] =	ssyncadd.s32 $0xFFFFF800  }
0x6f: {  	[tilespmem:s0], [sflag:$0x5] =	stream.indirect.gather [hbm4b:s4+s22], $0x10, s18, s22, $0xb8;
	[tilespmem:$0x7780] =	vst v63  }
0x70: {  	s29 =	simm.s32 $0x6180  }
0x71: {  	[spmem:s1] =	stream.indirect.scatter.add.f32 [tilespmem:s0], [sflag:$0x9], $0x10, s29, s22, $0xb8;
	[tilespmem:$0x7780] =	vst v63  }
0x72: {  	_ =	swait.ge [sflag:s16], $0x800  }
0x73: {  	[sflag:s16] =	ssyncset.done $0x0  }
0x74: {  	[sflag:s16] =	ssyncadd.s32 $0xFFFFF800  }
0x75: {  	_ =	swait.ge [sflag:s2], $0x800  }
0x76: {  	[sflag:s2] =	ssyncset.done $0x0  }
0x77: {  	s18 =	simm.s32 $0x5D00;
	[sflag:s2] =	ssyncadd.s32 $0xFFFFF800  }
0x78: {  	[tilespmem:s5], [sflag:$0x6] =	stream.indirect.gather [hbm4b:s4+s22], $0x10, s18, s22, $0xb8;
	[tilespmem:$0x7780] =	vst v63  }
0x79: {  	s29 =	simm.s32 $0x6200  }
0x7a: {  	[spmem:s1] =	stream.indirect.scatter.add.f32 [tilespmem:s5], [sflag:$0x9], $0x10, s29, s22, $0xb8;
	[tilespmem:$0x7780] =	vst v63  }
0x7b: {  	_ =	swait.ge [sflag:s16], $0x800  }
0x7c: {  	[sflag:s16] =	ssyncset.done $0x0  }
0x7d: {  	[sflag:s16] =	ssyncadd.s32 $0xFFFFF800  }
0x7e: {  	_ =	swait.ge [sflag:s7], $0x800  }
0x7f: {  	[sflag:s7] =	ssyncset.done $0x0  }
0x80: {  	s18 =	simm.s32 $0x5D80;
	[sflag:s7] =	ssyncadd.s32 $0xFFFFF800  }
0x81: {  	[tilespmem:s23], [sflag:$0x1] =	stream.indirect.gather [hbm4b:s4+s22], $0x10, s18, s22, $0xb8;
	[tilespmem:$0x7780] =	vst v63  }
0x82: {  	s29 =	simm.s32 $0x6280  }
0x83: {  	[spmem:s1] =	stream.indirect.scatter.add.f32 [tilespmem:s23], [sflag:$0x9], $0x10, s29, s22, $0xb8;
	[tilespmem:$0x7780] =	vst v63  }
0x84: {  	_ =	swait.ge [sflag:s16], $0x800  }
0x85: {  	[sflag:s16] =	ssyncset.done $0x0  }
0x86: {  	[sflag:s16] =	ssyncadd.s32 $0xFFFFF800  }
0x87: {  	_ =	swait.ge [sflag:s9], $0x800  }
0x88: {  	[sflag:s9] =	ssyncset.done $0x0  }
0x89: {  	s18 =	simm.s32 $0x5E00;
	[sflag:s9] =	ssyncadd.s32 $0xFFFFF800  }
0x8a: {  	[tilespmem:s25], [sflag:$0x2] =	stream.indirect.gather [hbm4b:s4+s22], $0x10, s18, s22, $0xb8;
	[tilespmem:$0x7780] =	vst v63  }
0x8b: {  	s29 =	simm.s32 $0x6300  }
0x8c: {  	[spmem:s1] =	stream.indirect.scatter.add.f32 [tilespmem:s25], [sflag:$0x9], $0x10, s29, s22, $0xb8;
	[tilespmem:$0x7780] =	vst v63  }
0x8d: {  	_ =	swait.ge [sflag:s16], $0x800  }
0x8e: {  	[sflag:s16] =	ssyncset.done $0x0  }
0x8f: {  	[sflag:s16] =	ssyncadd.s32 $0xFFFFF800  }
0x90: {  	_ =	swait.ge [sflag:s12], $0x800  }
0x91: {  	[sflag:s12] =	ssyncset.done $0x0  }
0x92: {  	s18 =	simm.s32 $0x5E80;
	[sflag:s12] =	ssyncadd.s32 $0xFFFFF800  }
0x93: {  	[tilespmem:s28], [sflag:$0x3] =	stream.indirect.gather [hbm4b:s4+s22], $0x10, s18, s22, $0xb8;
	[tilespmem:$0x7780] =	vst v63  }
0x94: {  	s29 =	simm.s32 $0x6380  }
0x95: {  	[spmem:s1] =	stream.indirect.scatter.add.f32 [tilespmem:s28], [sflag:$0x9], $0x10, s29, s22, $0xb8;
	[tilespmem:$0x7780] =	vst v63  }
0x96: {  	_ =	swait.ge [sflag:s16], $0x800  }
0x97: {  	[sflag:s16] =	ssyncset.done $0x0  }
0x98: {  	[sflag:s16] =	ssyncadd.s32 $0xFFFFF800  }
0x99: {  	_ =	swait.ge [sflag:s24], $0x800  }
0x9a: {  	[sflag:s24] =	ssyncset.done $0x0  }
0x9b: {  	s18 =	simm.s32 $0x5F00;
	[sflag:s24] =	ssyncadd.s32 $0xFFFFF800  }
0x9c: {  	[tilespmem:s30], [sflag:$0x4] =	stream.indirect.gather [hbm4b:s4+s22], $0x10, s18, s22, $0xb8;
	[tilespmem:$0x7780] =	vst v63  }
0x9d: {  	s29 =	simm.s32 $0x6400  }
0x9e: {  	[spmem:s1] =	stream.indirect.scatter.add.f32 [tilespmem:s30], [sflag:$0x9], $0x10, s29, s22, $0xb8;
	[tilespmem:$0x7780] =	vst v63  }
0x9f: {  	_ =	swait.ge [sflag:s16], $0x800  }
0xa0: {  	[sflag:s16] =	ssyncset.done $0x0  }
0xa1: {  	[sflag:s16] =	ssyncadd.s32 $0xFFFFF800  }
0xa2: {  	_ =	swait.ge [sflag:s17], $0x800  }
0xa3: {  	[sflag:s17] =	ssyncset.done $0x0  }
0xa4: {  	s18 =	simm.s32 $0x6480;
	[sflag:s17] =	ssyncadd.s32 $0xFFFFF800  }
0xa5: {  	[spmem:s1] =	stream.indirect.scatter.add.f32 [tilespmem:s0], [sflag:$0x9], $0x10, s18, s22, $0xb8;
	[tilespmem:$0x7780] =	vst v63  }
0xa6: {  	_ =	swait.ge [sflag:s16], $0x800  }
0xa7: {  	[sflag:s16] =	ssyncset.done $0x0  }
0xa8: {  	[sflag:s16] =	ssyncadd.s32 $0xFFFFF800  }
0xa9: {  	_ =	swait.ge [sflag:s2], $0x800  }
0xaa: {  	[sflag:s2] =	ssyncset.done $0x0  }
0xab: {  	s29 =	simm.s32 $0x6500;
	[sflag:s2] =	ssyncadd.s32 $0xFFFFF800  }
0xac: {  	[spmem:s1] =	stream.indirect.scatter.add.f32 [tilespmem:s5], [sflag:$0x9], $0x10, s29, s22, $0xb8;
	[tilespmem:$0x7780] =	vst v63  }
0xad: {  	_ =	swait.ge [sflag:s16], $0x800  }
0xae: {  	[sflag:s16] =	ssyncset.done $0x0  }
0xaf: {  	[sflag:s16] =	ssyncadd.s32 $0xFFFFF800  }
0xb0: {  	_ =	swait.ge [sflag:s7], $0x800  }
0xb1: {  	[sflag:s7] =	ssyncset.done $0x0  }
0xb2: {  	s18 =	simm.s32 $0x6580;
	[sflag:s7] =	ssyncadd.s32 $0xFFFFF800  }
0xb3: {  	[spmem:s1] =	stream.indirect.scatter.add.f32 [tilespmem:s23], [sflag:$0x9], $0x10, s18, s22, $0xb8;
	[tilespmem:$0x7780] =	vst v63  }
0xb4: {  	_ =	swait.ge [sflag:s16], $0x800  }
0xb5: {  	[sflag:s16] =	ssyncset.done $0x0  }
0xb6: {  	[sflag:s16] =	ssyncadd.s32 $0xFFFFF800  }
0xb7: {  	_ =	swait.ge [sflag:s9], $0x800  }
0xb8: {  	[sflag:s9] =	ssyncset.done $0x0  }
0xb9: {  	s29 =	simm.s32 $0x6600;
	[sflag:s9] =	ssyncadd.s32 $0xFFFFF800  }
0xba: {  	[spmem:s1] =	stream.indirect.scatter.add.f32 [tilespmem:s25], [sflag:$0x9], $0x10, s29, s22, $0xb8;
	[tilespmem:$0x7780] =	vst v63  }
0xbb: {  	_ =	swait.ge [sflag:s16], $0x800  }
0xbc: {  	[sflag:s16] =	ssyncset.done $0x0  }
0xbd: {  	[sflag:s16] =	ssyncadd.s32 $0xFFFFF800  }
0xbe: {  	_ =	swait.ge [sflag:s12], $0x800  }
0xbf: {  	[sflag:s12] =	ssyncset.done $0x0  }
0xc0: {  	s18 =	simm.s32 $0x6680;
	[sflag:s12] =	ssyncadd.s32 $0xFFFFF800  }
0xc1: {  	[spmem:s1] =	stream.indirect.scatter.add.f32 [tilespmem:s28], [sflag:$0x9], $0x10, s18, s22, $0xb8;
	[tilespmem:$0x7780] =	vst v63  }
0xc2: {  	_ =	swait.ge [sflag:s16], $0x800  }
0xc3: {  	[sflag:s16] =	ssyncset.done $0x0  }
0xc4: {  	[sflag:s16] =	ssyncadd.s32 $0xFFFFF800  }
0xc5: {  	_ =	swait.ge [sflag:s24], $0x800  }
0xc6: {  	[sflag:s24] =	ssyncset.done $0x0  }
0xc7: {  	s29 =	simm.s32 $0x6700;
	[sflag:s24] =	ssyncadd.s32 $0xFFFFF800  }
0xc8: {  	[spmem:s1] =	stream.indirect.scatter.add.f32 [tilespmem:s30], [sflag:$0x9], $0x10, s29, s22, $0xb8;
	[tilespmem:$0x7780] =	vst v63  }
0xc9: {  	p0 =	seq.s32 s26, $0x800;
	_ =	swait.ge [sflag:s16], $0x800  }
0xca: {  	s8 =	simm.s32 @!p0 $0x5780;
	s29 =	sadd.s32 @!p0 s26, s14;
	[sflag:s16] =	ssyncset.done $0x0  }
0xcb: {  	s18 =	simm.s32 @!p0 $0x0;
	s29 =	sadd.s32 @!p0 $0x200, s29;
	[sflag:s16] =	ssyncadd.s32 $0xFFFFF800  }
0xcc: {  	[tilespmem:s8], [sflag:$0x7] =	stream.linear.gather @!p0 [hbm4b:s29+s18], $0x800, $0x38;
	[tilespmem:$0x7780] =	vst v63  }
0xcd: {  	s8 =	sadd.s32 @!p0 s26, s13  }
0xce: {  	s29 =	simm.s32 @!p0 $0x5F80;
	s8 =	sadd.s32 @!p0 $0x200, s8  }
0xcf: {  	[tilespmem:s29], [sflag:$0x7] =	stream.linear.gather @!p0 [hbm4b:s8+s18], $0x800, $0x38;
	[tilespmem:$0x7780] =	vst v63  }
0xd0: {  	_ =	swait.ge [sflag:s31], $0x800  }
0xd1: {  	[sflag:s31] =	ssyncset.done $0x0  }
0xd2: {  	[sflag:s31] =	ssyncadd.s32 $0xFFFFF800  }
0xd3: {  	_ =	swait.ge [sflag:s31], $0x800  }
0xd4: {  	[sflag:s31] =	ssyncset.done $0x0  }
0xd5: {  	[sflag:s31] =	ssyncadd.s32 $0xFFFFF800  }
0xd6: {  	[tilespmem:s23], [sflag:$0x1] =	stream.indirect.gather [hbm4b:s4+s22], $0x10, s19, s22, $0xb8;
	[tilespmem:$0x7780] =	vst v63  }
0xd7: {  	s18 =	simm.s32 $0x6800  }
0xd8: {  	[tilespmem:s25], [sflag:$0x2] =	stream.indirect.gather [hbm4b:s4+s22], $0x10, s18, s22, $0xb8;
	[tilespmem:$0x7780] =	vst v63  }
0xd9: {  	s29 =	simm.s32 $0x6880  }
0xda: {  	[tilespmem:s28], [sflag:$0x3] =	stream.indirect.gather [hbm4b:s4+s22], $0x10, s29, s22, $0xb8;
	[tilespmem:$0x7780] =	vst v63  }
0xdb: {  	s18 =	simm.s32 $0x6900  }
0xdc: {  	[tilespmem:s30], [sflag:$0x4] =	stream.indirect.gather [hbm4b:s4+s22], $0x10, s18, s22, $0xb8;
	[tilespmem:$0x7780] =	vst v63  }
0xdd: {  	s29 =	simm.s32 $0x6980  }
0xde: {  	[tilespmem:s0], [sflag:$0x5] =	stream.indirect.gather [hbm4b:s4+s22], $0x10, s29, s22, $0xb8;
	[tilespmem:$0x7780] =	vst v63  }
0xdf: {  	s18 =	simm.s32 $0x6A00  }
0xe0: {  	[tilespmem:s5], [sflag:$0x6] =	stream.indirect.gather [hbm4b:s4+s22], $0x10, s18, s22, $0xb8;
	[tilespmem:$0x7780] =	vst v63  }
0xe1: {  	_ =	swait.ge [sflag:s7], $0x800  }
0xe2: {  	[sflag:s7] =	ssyncset.done $0x0  }
0xe3: {  	s29 =	simm.s32 $0x6A80;
	[sflag:s7] =	ssyncadd.s32 $0xFFFFF800  }
0xe4: {  	[tilespmem:s23], [sflag:$0x1] =	stream.indirect.gather [hbm4b:s4+s22], $0x10, s29, s22, $0xb8;
	[tilespmem:$0x7780] =	vst v63  }
0xe5: {  	_ = 	snop  }
0xe6: {  	[spmem:s1] =	stream.indirect.scatter.add.f32 [tilespmem:s23], [sflag:$0x9], $0x10, s20, s22, $0xb8;
	[tilespmem:$0x7780] =	vst v63  }
0xe7: {  	_ =	swait.ge [sflag:s16], $0x800  }
0xe8: {  	[sflag:s16] =	ssyncset.done $0x0  }
0xe9: {  	[sflag:s16] =	ssyncadd.s32 $0xFFFFF800  }
0xea: {  	_ =	swait.ge [sflag:s9], $0x800  }
0xeb: {  	[sflag:s9] =	ssyncset.done $0x0  }
0xec: {  	s18 =	simm.s32 $0x6B00;
	[sflag:s9] =	ssyncadd.s32 $0xFFFFF800  }
0xed: {  	[tilespmem:s25], [sflag:$0x2] =	stream.indirect.gather [hbm4b:s4+s22], $0x10, s18, s22, $0xb8;
	[tilespmem:$0x7780] =	vst v63  }
0xee: {  	s29 =	simm.s32 $0x7000  }
0xef: {  	[spmem:s1] =	stream.indirect.scatter.add.f32 [tilespmem:s25], [sflag:$0x9], $0x10, s29, s22, $0xb8;
	[tilespmem:$0x7780] =	vst v63  }
0xf0: {  	_ =	swait.ge [sflag:s16], $0x800  }
0xf1: {  	[sflag:s16] =	ssyncset.done $0x0  }
0xf2: {  	[sflag:s16] =	ssyncadd.s32 $0xFFFFF800  }
0xf3: {  	_ =	swait.ge [sflag:s12], $0x800  }
0xf4: {  	[sflag:s12] =	ssyncset.done $0x0  }
0xf5: {  	s18 =	simm.s32 $0x6B80;
	[sflag:s12] =	ssyncadd.s32 $0xFFFFF800  }
0xf6: {  	[tilespmem:s28], [sflag:$0x3] =	stream.indirect.gather [hbm4b:s4+s22], $0x10, s18, s22, $0xb8;
	[tilespmem:$0x7780] =	vst v63  }
0xf7: {  	s29 =	simm.s32 $0x7080  }
0xf8: {  	[spmem:s1] =	stream.indirect.scatter.add.f32 [tilespmem:s28], [sflag:$0x9], $0x10, s29, s22, $0xb8;
	[tilespmem:$0x7780] =	vst v63  }
0xf9: {  	_ =	swait.ge [sflag:s16], $0x800  }
0xfa: {  	[sflag:s16] =	ssyncset.done $0x0  }
0xfb: {  	[sflag:s16] =	ssyncadd.s32 $0xFFFFF800  }
0xfc: {  	_ =	swait.ge [sflag:s24], $0x800  }
0xfd: {  	[sflag:s24] =	ssyncset.done $0x0  }
0xfe: {  	s18 =	simm.s32 $0x6C00;
	[sflag:s24] =	ssyncadd.s32 $0xFFFFF800  }
0xff: {  	[tilespmem:s30], [sflag:$0x4] =	stream.indirect.gather [hbm4b:s4+s22], $0x10, s18, s22, $0xb8;
	[tilespmem:$0x7780] =	vst v63  }
0x100: {  	s29 =	simm.s32 $0x7100  }
0x101: {  	[spmem:s1] =	stream.indirect.scatter.add.f32 [tilespmem:s30], [sflag:$0x9], $0x10, s29, s22, $0xb8;
	[tilespmem:$0x7780] =	vst v63  }
0x102: {  	_ =	swait.ge [sflag:s16], $0x800  }
0x103: {  	[sflag:s16] =	ssyncset.done $0x0  }
0x104: {  	[sflag:s16] =	ssyncadd.s32 $0xFFFFF800  }
0x105: {  	_ =	swait.ge [sflag:s17], $0x800  }
0x106: {  	[sflag:s17] =	ssyncset.done $0x0  }
0x107: {  	s18 =	simm.s32 $0x6C80;
	[sflag:s17] =	ssyncadd.s32 $0xFFFFF800  }
0x108: {  	[tilespmem:s0], [sflag:$0x5] =	stream.indirect.gather [hbm4b:s4+s22], $0x10, s18, s22, $0xb8;
	[tilespmem:$0x7780] =	vst v63  }
0x109: {  	s29 =	simm.s32 $0x7180  }
0x10a: {  	[spmem:s1] =	stream.indirect.scatter.add.f32 [tilespmem:s0], [sflag:$0x9], $0x10, s29, s22, $0xb8;
	[tilespmem:$0x7780] =	vst v63  }
0x10b: {  	_ =	swait.ge [sflag:s16], $0x800  }
0x10c: {  	[sflag:s16] =	ssyncset.done $0x0  }
0x10d: {  	[sflag:s16] =	ssyncadd.s32 $0xFFFFF800  }
0x10e: {  	_ =	swait.ge [sflag:s2], $0x800  }
0x10f: {  	[sflag:s2] =	ssyncset.done $0x0  }
0x110: {  	s18 =	simm.s32 $0x6D00;
	[sflag:s2] =	ssyncadd.s32 $0xFFFFF800  }
0x111: {  	[tilespmem:s5], [sflag:$0x6] =	stream.indirect.gather [hbm4b:s4+s22], $0x10, s18, s22, $0xb8;
	[tilespmem:$0x7780] =	vst v63  }
0x112: {  	s29 =	simm.s32 $0x7200  }
0x113: {  	[spmem:s1] =	stream.indirect.scatter.add.f32 [tilespmem:s5], [sflag:$0x9], $0x10, s29, s22, $0xb8;
	[tilespmem:$0x7780] =	vst v63  }
0x114: {  	_ =	swait.ge [sflag:s16], $0x800  }
0x115: {  	[sflag:s16] =	ssyncset.done $0x0  }
0x116: {  	[sflag:s16] =	ssyncadd.s32 $0xFFFFF800  }
0x117: {  	_ =	swait.ge [sflag:s7], $0x800  }
0x118: {  	[sflag:s7] =	ssyncset.done $0x0  }
0x119: {  	s18 =	simm.s32 $0x6D80;
	[sflag:s7] =	ssyncadd.s32 $0xFFFFF800  }
0x11a: {  	[tilespmem:s23], [sflag:$0x1] =	stream.indirect.gather [hbm4b:s4+s22], $0x10, s18, s22, $0xb8;
	[tilespmem:$0x7780] =	vst v63  }
0x11b: {  	s29 =	simm.s32 $0x7280  }
0x11c: {  	[spmem:s1] =	stream.indirect.scatter.add.f32 [tilespmem:s23], [sflag:$0x9], $0x10, s29, s22, $0xb8;
	[tilespmem:$0x7780] =	vst v63  }
0x11d: {  	_ =	swait.ge [sflag:s16], $0x800  }
0x11e: {  	[sflag:s16] =	ssyncset.done $0x0  }
0x11f: {  	[sflag:s16] =	ssyncadd.s32 $0xFFFFF800  }
0x120: {  	_ =	swait.ge [sflag:s9], $0x800  }
0x121: {  	[sflag:s9] =	ssyncset.done $0x0  }
0x122: {  	s18 =	simm.s32 $0x6E00;
	[sflag:s9] =	ssyncadd.s32 $0xFFFFF800  }
0x123: {  	[tilespmem:s25], [sflag:$0x2] =	stream.indirect.gather [hbm4b:s4+s22], $0x10, s18, s22, $0xb8;
	[tilespmem:$0x7780] =	vst v63  }
0x124: {  	s29 =	simm.s32 $0x7300  }
0x125: {  	[spmem:s1] =	stream.indirect.scatter.add.f32 [tilespmem:s25], [sflag:$0x9], $0x10, s29, s22, $0xb8;
	[tilespmem:$0x7780] =	vst v63  }
0x126: {  	_ =	swait.ge [sflag:s16], $0x800  }
0x127: {  	[sflag:s16] =	ssyncset.done $0x0  }
0x128: {  	[sflag:s16] =	ssyncadd.s32 $0xFFFFF800  }
0x129: {  	_ =	swait.ge [sflag:s12], $0x800  }
0x12a: {  	[sflag:s12] =	ssyncset.done $0x0  }
0x12b: {  	s18 =	simm.s32 $0x6E80;
	[sflag:s12] =	ssyncadd.s32 $0xFFFFF800  }
0x12c: {  	[tilespmem:s28], [sflag:$0x3] =	stream.indirect.gather [hbm4b:s4+s22], $0x10, s18, s22, $0xb8;
	[tilespmem:$0x7780] =	vst v63  }
0x12d: {  	s29 =	simm.s32 $0x7380  }
0x12e: {  	[spmem:s1] =	stream.indirect.scatter.add.f32 [tilespmem:s28], [sflag:$0x9], $0x10, s29, s22, $0xb8;
	[tilespmem:$0x7780] =	vst v63  }
0x12f: {  	_ =	swait.ge [sflag:s16], $0x800  }
0x130: {  	[sflag:s16] =	ssyncset.done $0x0  }
0x131: {  	[sflag:s16] =	ssyncadd.s32 $0xFFFFF800  }
0x132: {  	_ =	swait.ge [sflag:s24], $0x800  }
0x133: {  	[sflag:s24] =	ssyncset.done $0x0  }
0x134: {  	s18 =	simm.s32 $0x6F00;
	[sflag:s24] =	ssyncadd.s32 $0xFFFFF800  }
0x135: {  	[tilespmem:s30], [sflag:$0x4] =	stream.indirect.gather [hbm4b:s4+s22], $0x10, s18, s22, $0xb8;
	[tilespmem:$0x7780] =	vst v63  }
0x136: {  	s29 =	simm.s32 $0x7400  }
0x137: {  	[spmem:s1] =	stream.indirect.scatter.add.f32 [tilespmem:s30], [sflag:$0x9], $0x10, s29, s22, $0xb8;
	[tilespmem:$0x7780] =	vst v63  }
0x138: {  	_ =	swait.ge [sflag:s16], $0x800  }
0x139: {  	[sflag:s16] =	ssyncset.done $0x0  }
0x13a: {  	[sflag:s16] =	ssyncadd.s32 $0xFFFFF800  }
0x13b: {  	_ =	swait.ge [sflag:s17], $0x800  }
0x13c: {  	[sflag:s17] =	ssyncset.done $0x0  }
0x13d: {  	s18 =	simm.s32 $0x7480;
	[sflag:s17] =	ssyncadd.s32 $0xFFFFF800  }
0x13e: {  	[spmem:s1] =	stream.indirect.scatter.add.f32 [tilespmem:s0], [sflag:$0x9], $0x10, s18, s22, $0xb8;
	[tilespmem:$0x7780] =	vst v63  }
0x13f: {  	_ =	swait.ge [sflag:s16], $0x800  }
0x140: {  	[sflag:s16] =	ssyncset.done $0x0  }
0x141: {  	[sflag:s16] =	ssyncadd.s32 $0xFFFFF800  }
0x142: {  	_ =	swait.ge [sflag:s2], $0x800  }
0x143: {  	[sflag:s2] =	ssyncset.done $0x0  }
0x144: {  	s29 =	simm.s32 $0x7500;
	[sflag:s2] =	ssyncadd.s32 $0xFFFFF800  }
0x145: {  	[spmem:s1] =	stream.indirect.scatter.add.f32 [tilespmem:s5], [sflag:$0x9], $0x10, s29, s22, $0xb8;
	[tilespmem:$0x7780] =	vst v63  }
0x146: {  	_ =	swait.ge [sflag:s16], $0x800  }
0x147: {  	[sflag:s16] =	ssyncset.done $0x0  }
0x148: {  	[sflag:s16] =	ssyncadd.s32 $0xFFFFF800  }
0x149: {  	_ =	swait.ge [sflag:s7], $0x800  }
0x14a: {  	[sflag:s7] =	ssyncset.done $0x0  }
0x14b: {  	[sflag:s7] =	ssyncadd.s32 $0xFFFFF800  }
0x14c: {  	[spmem:s1] =	stream.indirect.scatter.add.f32 [tilespmem:s23], [sflag:$0x9], $0x10, s10, s22, $0xb8;
	[tilespmem:$0x7780] =	vst v63  }
0x14d: {  	_ =	swait.ge [sflag:s16], $0x800  }
0x14e: {  	[sflag:s16] =	ssyncset.done $0x0  }
0x14f: {  	[sflag:s16] =	ssyncadd.s32 $0xFFFFF800  }
0x150: {  	_ =	swait.ge [sflag:s9], $0x800  }
0x151: {  	[sflag:s9] =	ssyncset.done $0x0  }
0x152: {  	[sflag:s9] =	ssyncadd.s32 $0xFFFFF800  }
0x153: {  	[spmem:s1] =	stream.indirect.scatter.add.f32 [tilespmem:s25], [sflag:$0x9], $0x10, s11, s22, $0xb8;
	[tilespmem:$0x7780] =	vst v63  }
0x154: {  	_ =	swait.ge [sflag:s16], $0x800  }
0x155: {  	[sflag:s16] =	ssyncset.done $0x0  }
0x156: {  	[sflag:s16] =	ssyncadd.s32 $0xFFFFF800  }
0x157: {  	_ =	swait.ge [sflag:s12], $0x800  }
0x158: {  	[sflag:s12] =	ssyncset.done $0x0  }
0x159: {  	[sflag:s12] =	ssyncadd.s32 $0xFFFFF800  }
0x15a: {  	[spmem:s1] =	stream.indirect.scatter.add.f32 [tilespmem:s28], [sflag:$0x9], $0x10, s6, s22, $0xb8;
	[tilespmem:$0x7780] =	vst v63  }
0x15b: {  	_ =	swait.ge [sflag:s16], $0x800  }
0x15c: {  	[sflag:s16] =	ssyncset.done $0x0  }
0x15d: {  	[sflag:s16] =	ssyncadd.s32 $0xFFFFF800  }
0x15e: {  	_ =	swait.ge [sflag:s24], $0x800  }
0x15f: {  	[sflag:s24] =	ssyncset.done $0x0  }
.Ltmp2:
0x160: {  	[sflag:s24] =	ssyncadd.s32 $0xFFFFF800;
	(pc) =	sbr.rel @p0 .LBB2_4-.Ltmp2, $4  }
0x161: {  	[spmem:s1] =	stream.indirect.scatter.add.f32 [tilespmem:s30], [sflag:$0x9], $0x10, s15, s22, $0xb8;
	[tilespmem:$0x7780] =	vst v63  }
0x162: {  	_ =	swait.ge [sflag:s16], $0x800  }
0x163: {  	[sflag:s16] =	ssyncset.done $0x0  }
0x164: {  	[sflag:s16] =	ssyncadd.s32 $0xFFFFF800  }
.Ltmp3:
0x165: {  	s8 =	sadd.s32 s26, s14;
	(pc) =	sbr.rel .LBB2_2-.Ltmp3, $4  }
0x166: {  	s29 =	sadd.s32 s26, s13;
	s8 =	sadd.s32 $0x300, s8  }
0x167: {  	[tilespmem:s19], [sflag:$0x8] =	stream.linear.gather [hbm4b:s8+s3], $0x800, $0x38;
	[tilespmem:$0x7780] =	vst v63  }
0x168: {  	s26 =	sadd.s32 $0x200, s26;
	s8 =	sadd.s32 $0x300, s29  }
0x169: {  	[tilespmem:s20], [sflag:$0x8] =	stream.linear.gather [hbm4b:s8+s3], $0x800, $0x38;
	[tilespmem:$0x7780] =	vst v63  }
.LBB2_5:
0x16a: {  	_ =	sfence.sel $0x180000  }
0x16b: {  	[bflag:$0x0] =	sbarrier.arrive $0xFFFF  }
0x16c: {  	_ =	strace $0x9000004A  }
0x16d: {  	s0 =	stileid.u32;
	[bflag:$0x2] =	sbarrier.arrive $0xFFFF  }
0x16e: {  	p0 =	sne.s32 s0, $0x0;
	s0 =	rddreg [dreg:$0x2]  }
0x16f: {  	s0 =	sadd.s32 @!p0 $0x100000, s0  }
0x170: {  	[sflag:s0] =	ssyncadd.tile.s32 @!p0 $0x1;
	_ =	shalt  }
.Lfunc_end2:
_tile_overlayer_lowered:
.L_overlay_start_2:
0x171: {  	(tag) =	ssettag $0x2  }
0x172: {  	s0 =	rddreg [dreg:$0x0];
	s2 =	stileid.u32  }
0x173: {  	s1 =	rddreg [dreg:$0x1];
	p0 =	sne.s32 s2, $0x0  }
0x174: {  	s3 =	rddreg [dreg:$0x2];
	[bflag:$0x3] =	sbarrier.arrive $0xFFFF;
	s2 =	simm.s32 @!p0 $0x1C09  }
0x175: {  	[timem:s3], [sflag:s2] =	dma.local @!p0 [hbm:s0], s1  }
0x176: {  	s0 =	simm.s32 @!p0 $0x9  }
0x177: {  	_ =	swait.ge @!p0 [sflag:s0], s1  }
0x178: {  	s1 =	ssub.s32 @!p0 $0x0, s1;
	[sflag:s0] =	ssyncset.done @!p0 $0x0  }
0x179: {  	[sflag:s0] =	ssyncadd.s32 @!p0 s1  }
0x17a: {  	[bflag:$0x3] =	sbarrier.arrive $0xFFFF  }
0x17b: {  	_ =	shalt  }

// kernel: kernel.7.cloned.1.call-start
scs
__scs_entry_jumppad:
0x0: {  	(pc) =	sbr.rel $0x88, $3  }
0x1: {  	(tag) =	ssettag $0x0;
	lr =	simm.s32 $0x1  }
0x2: {  	[smem:$0x3F9B] =	sst lr;
	_ =	strace $0xD0000000  }
0x3: {  	_ = 	snop  }
0x4: {  	_ = 	snop  }
0x5: {  	_ = 	snop  }
0x6: {  	_ = 	snop  }
0x7: {  	_ = 	snop  }
__scs_overlays_trampoline_lowered:
0x8: {  	[smem:$0x3FAA] =	sst s0  }
0x9: {  	[smem:$0x3FAB] =	sst s1  }
0xa: {  	[smem:$0x3FAC] =	sst s2  }
0xb: {  	[smem:$0x3FAD] =	sst s3  }
0xc: {  	[smem:$0x3FAE] =	sst s4  }
0xd: {  	[smem:$0x3FAF] =	sst s5  }
0xe: {  	[smem:$0x3FB0] =	sst s6  }
0xf: {  	[smem:$0x3FB1] =	sst s7  }
0x10: {  	[smem:$0x3FB2] =	sst s8  }
0x11: {  	[smem:$0x3FB3] =	sst s9;
	s0 =	simm.s32 @!p0 $0x0  }
0x12: {  	s1 =	sld [smem:$0x3F99];
	s0 =	simm.s32 @p0 $0x1  }
0x13: {  	[smem:$0x3FB4] =	sst s0;
	s0 =	simm.s32 @!p1 $0x0  }
0x14: {  	s2 =	sld [smem:$0x3F98];
	s0 =	simm.s32 @p1 $0x1  }
0x15: {  	[smem:$0x3FB5] =	sst s0;
	s0 =	simm.s32 @!p2 $0x0  }
0x16: {  	s3 =	sld [smem:$0x3FDB];
	s0 =	simm.s32 @p2 $0x1  }
0x17: {  	s4 =	simm.s32 $0x1BF5;
	[smem:$0x3FB7] =	sst s0  }
0x18: {  	s0 =	sld [smem:$0x3F9A];
	_ =	swait.ge [sflag:s4], $0x0  }
0x19: {  	s7 =	sld [smem:$0x3F9B]  }
0x1a: {  	s8 =	sadd.s32 $0xFFFFE003, lr  }
0x1b: {  	s9 =	sadd.s32 $0xFFFFFEF7, lr;
	s5 =	simm.s32 $0xFFFFFFFF;
	p2 =	slt.u32 s8, $0xFFFFF086  }
0x1c: {  	p1 =	slt.u32 s9, $0xF7A;
	s5 =	simm.s32 @!p2 $0x0  }
0x1d: {  	s5 =	simm.s32 @p1 $0x1;
	p0 =	seq.s32 s7, s2  }
0x1e: {  	s7 =	smul.u32 @!p0 $0xF7A, s2;
	p2 =	seq.s32 @!p0 s5, $0x0  }
0x1f: {  	s9 =	smul.u32 $0xF7A, s1;
	s8 =	simm.s32 @!p0 $0x1BF5;
	p2 =	por !p2, p0  }
0x20: {  	[sflag:s8] =	ssyncset.s32 @!p0 $0xFFFFF086;
	s6 =	sadd.s32 @!p0 s3, s7;
	s7 =	simm.s32 @!p0 $0x108  }
0x21: {  	s3 =	sadd.s32 s3, s9;
	s6 =	sadd.s32 @!p0 $0x88, s6;
	s7 =	simm.s32 @p2 $0x1082  }
0x22: {  	[simem:s7], [sflag:s8] =	dma.local @!p0 [hbm:s6], $0xF7A  }
0x23: {  	s9 =	sor.u32 $0xD0000000, s2;
	s6 =	simm.s32 $0x108;
	_ =	swait.ge @!p0 [sflag:s8], $0x0  }
0x24: {  	s3 =	sadd.s32 $0x88, s3;
	s6 =	simm.s32 @!p1 $0x1082;
	[sflag:s4] =	ssyncset.s32 $0xFFFFF086  }
0x25: {  	[simem:s6], [sflag:s4] =	dma.local [hbm:s3], $0xF7A  }
0x26: {  	[smem:$0x3F9B] =	sst s1;
	(tag) =	ssettag s2;
	_ =	strace s9  }
0x27: {  	s1 =	sld [smem:$0x3FAB]  }
0x28: {  	s2 =	sld [smem:$0x3FAC]  }
0x29: {  	s4 =	sld [smem:$0x3FAE]  }
0x2a: {  	p0 =	seq.s32 s5, $0x0;
	s5 =	sld [smem:$0x3FAF]  }
0x2b: {  	s6 =	sld [smem:$0x3FB0]  }
0x2c: {  	s7 =	sld [smem:$0x3FB1]  }
0x2d: {  	s3 =	simm.s32 $0x108;
	s8 =	sld [smem:$0x3FB2]  }
0x2e: {  	s3 =	simm.s32 @!p0 $0x1082;
	s9 =	sld [smem:$0x3FB3]  }
0x2f: {  	lr =	sadd.s32 s0, s3;
	s0 =	sld [smem:$0x3FAA]  }
0x30: {  	s3 =	sld [smem:$0x3FAD]  }
0x31: {  	[smem:$0x3FB6] =	sst s10  }
0x32: {  	s10 =	sld [smem:$0x3FB4];
	_ =	sdelay $0x3  }
0x33: {  	p0 =	seq.s32 s10, $0x1;
	s10 =	sld [smem:$0x3FB6];
	_ =	sdelay $0x3  }
0x34: {  	[smem:$0x3FB6] =	sst s10  }
0x35: {  	s10 =	sld [smem:$0x3FB5];
	_ =	sdelay $0x3  }
0x36: {  	p1 =	seq.s32 s10, $0x1;
	s10 =	sld [smem:$0x3FB6];
	_ =	sdelay $0x3  }
0x37: {  	[smem:$0x3FB6] =	sst s10  }
0x38: {  	s10 =	sld [smem:$0x3FB7]  }
0x39: {  	_ = 	snop;
	(pc) =	sbr.ind lr, $3  }
0x3a: {  	_ = 	snop  }
0x3b: {  	_ = 	snop  }
0x3c: {  	p2 =	seq.s32 s10, $0x1;
	s10 =	sld [smem:$0x3FB6]  }
0x3d: {  	_ =	shalt  }
0x3e: {  	_ =	shalt  }
0x3f: {  	_ =	shalt  }
0x40: {  	_ =	shalt  }
0x41: {  	_ =	shalt  }
0x42: {  	_ =	shalt  }
0x43: {  	_ =	shalt  }
0x44: {  	_ =	shalt  }
0x45: {  	_ =	shalt  }
0x46: {  	_ =	shalt  }
0x47: {  	_ =	shalt  }
0x48: {  	_ =	shalt  }
0x49: {  	_ =	shalt  }
0x4a: {  	_ =	shalt  }
0x4b: {  	_ =	shalt  }
0x4c: {  	_ =	shalt  }
0x4d: {  	_ =	shalt  }
0x4e: {  	_ =	shalt  }
0x4f: {  	_ =	shalt  }
0x50: {  	_ =	shalt  }
0x51: {  	_ =	shalt  }
0x52: {  	_ =	shalt  }
0x53: {  	_ =	shalt  }
0x54: {  	_ =	shalt  }
0x55: {  	_ =	shalt  }
0x56: {  	_ =	shalt  }
0x57: {  	_ =	shalt  }
0x58: {  	_ =	shalt  }
0x59: {  	_ =	shalt  }
0x5a: {  	_ =	shalt  }
0x5b: {  	_ =	shalt  }
0x5c: {  	_ =	shalt  }
0x5d: {  	_ =	shalt  }
0x5e: {  	_ =	shalt  }
0x5f: {  	_ =	shalt  }
0x60: {  	_ =	shalt  }
0x61: {  	_ =	shalt  }
0x62: {  	_ =	shalt  }
0x63: {  	_ =	shalt  }
0x64: {  	_ =	shalt  }
0x65: {  	_ =	shalt  }
0x66: {  	_ =	shalt  }
0x67: {  	_ =	shalt  }
0x68: {  	_ =	shalt  }
0x69: {  	_ =	shalt  }
0x6a: {  	_ =	shalt  }
0x6b: {  	_ =	shalt  }
0x6c: {  	_ =	shalt  }
0x6d: {  	_ =	shalt  }
0x6e: {  	_ =	shalt  }
0x6f: {  	_ =	shalt  }
0x70: {  	_ =	shalt  }
0x71: {  	_ =	shalt  }
0x72: {  	_ =	shalt  }
0x73: {  	_ =	shalt  }
0x74: {  	_ =	shalt  }
0x75: {  	_ =	shalt  }
0x76: {  	_ =	shalt  }
0x77: {  	_ =	shalt  }
0x78: {  	_ =	shalt  }
0x79: {  	_ =	shalt  }
0x7a: {  	_ =	shalt  }
0x7b: {  	_ =	shalt  }
0x7c: {  	_ =	shalt  }
0x7d: {  	_ =	shalt  }
0x7e: {  	_ =	shalt  }
0x7f: {  	_ =	shalt  }
0x80: {  	_ =	shalt  }
0x81: {  	_ =	shalt  }
0x82: {  	_ =	shalt  }
0x83: {  	_ =	shalt  }
0x84: {  	_ =	shalt  }
0x85: {  	_ =	shalt  }
0x86: {  	_ =	shalt  }
0x87: {  	_ =	shalt  }
.Lfunc_end0:
.L_simem_size_0:
called_computation_lowered:
.L_overlay_start_0:
0x88: {  	s2 =	sld [smem:$0x3FD9]  }
0x89: {  	s3 =	sld [smem:$0x3FFE];
	_ =	sdelay $0x1  }
0x8a: {  	s1 =	srdreg.scid  }
0x8b: {  	s0 =	sand.u32 $0x1, s1  }
0x8c: {  	s16 =	sshll.u32 s0, $0xA;
	s2 =	sadd.s32 s3, s2  }
0x8d: {  	s2 =	sadd.s32 s2, s16  }
0x8e: {  	[smem:$0x3FC2] =	sst s2  }
0x8f: {  	_ = 	snop  }
0x90: {  	(tm) =	ssettm $0x1  }
0x91: {  	s17 =	sld [smem:$0x3FFB];
	_ =	sdelay $0x3  }
0x92: {  	_ =	strace s17  }
0x93: {  	s2 =	sld [smem:$0x3FFC];
	_ =	sdelay $0x3  }
0x94: {  	_ =	strace s2  }
0x95: {  	s2 =	sld [smem:$0x3FFD];
	_ =	sdelay $0x3  }
0x96: {  	_ =	strace s2  }
0x97: {  	_ =	strace $0x8FFFFFFF  }
0x98: {  	s18 =	sld [smem:$0x3FDB];
	_ =	sdelay $0x1  }
0x99: {  	s19 =	simm.s32 $_scs_section_size  }
0x9a: {  	s4 =	simm.s32 $_size__tile_overlayer_lowered;
	s5 =	simm.s32 $_tile_overlayer_lowered  }
0x9b: {  	s22 =	simm.s32 $0x1BFF;
	s21 =	sshll.u32 s5, $0x1;
	s2 =	sadd.s32 s19, s18  }
0x9c: {  	s6 =	simm.s32 $0x0;
	s20 =	sshll.u32 s4, $0x1;
	s4 =	sadd.s32 s21, s2  }
0x9d: {  	[timem:s6], [sflag:s22] =	dma.local [hbm:s4], s20  }
0x9e: {  	_ =	swait.ge [sflag:s22], s20  }
0x9f: {  	s3 =	ssub.s32 $0x0, s20;
	[sflag:s22] =	ssyncset.done $0x0  }
0xa0: {  	[sflag:s22] =	ssyncadd.s32 s3;
	_ =	sdelay $0x1  }
0xa1: {  	s23 =	simm.s32 $0x1B8B  }
0xa2: {  	_ =	swait.ge [sflag:s23], $0x1  }
0xa3: {  	[sflag:s23] =	ssyncset.done $0x0  }
0xa4: {  	s25 =	simm.s32 $0x1B8E;
	s24 =	sld [smem:$0x3FFE];
	[sflag:s23] =	ssyncadd.s32 $0xFFFFFFFF  }
0xa5: {  	s26 =	simm.s32 $execute0_lowered;
	[smem:$0x3FD2] =	sst s25  }
0xa6: {  	s4 =	sshll.u32 s26, $0x1;
	_ =	strace $0x80000046;
	[dreg:$0x1] =	wrdreg $0xFFFFFFFF  }
0xa7: {  	s28 =	simm.s32 $_size_execute0_lowered;
	s2 =	sadd.s32 s2, s4;
	[dreg:$0x0] =	wrdreg $0x0  }
0xa8: {  	s4 =	sshll.u32 s28, $0x1;
	[dreg:$0x2] =	wrdreg s2  }
0xa9: {  	[dreg:$0x3] =	wrdreg s4  }
0xaa: {  	[dreg:$0x4] =	wrdreg $0xC0  }
0xab: {  	_ =	task [dreg:s6], $0x5FFFF  }
0xac: {  	[dreg:$0x1] =	wrdreg $0xFFFFFFFF  }
0xad: {  	[dreg:$0x0] =	wrdreg $0x60  }
0xae: {  	[dreg:$0x2] =	wrdreg s24  }
0xaf: {  	[dreg:$0x3] =	wrdreg $0x0  }
0xb0: {  	[dreg:$0x4] =	wrdreg $0x9  }
0xb1: {  	_ =	task.clear_ibuf [dreg:s6], $0x5FFFF;
	_ =	strace $0x90000046  }
0xb2: {  	s29 =	simm.s32 $0x9;
	_ =	strace $0x80000048  }
0xb3: {  	_ =	swait.ge [sflag:s29], $0x1  }
0xb4: {  	[sflag:s29] =	ssyncadd.s32 $0xFFFFFFFF  }
0xb5: {  	_ =	strace $0x90000048  }
0xb6: {  	_ =	sfence  }
0xb7: {  	s30 =	sld [smem:$0x0];
	_ =	sdelay $0x2  }
0xb8: {  	s31 =	sshll.u32 s1, $0xD;
	s1 =	sshrl.u32 s1, $0x2  }
0xb9: {  	s3 =	sand.u32 $0x4000, s31;
	s1 =	sadd.s32 s1, s30  }
0xba: {  	s0 =	sor.u32 s3, s0;
	s1 =	sshll.u32 s1, $0x11  }
0xbb: {  	s0 =	sor.u32 s1, s0  }
0xbc: {  	s0 =	sadd.s32 $0x8F2B, s0  }
0xbd: {  	[sflag:s0] =	ssyncadd.remote.s32 $0x1  }
0xbe: {  	_ =	sfence.sel $0xFFFF  }
0xbf: {  	[dreg:$0x0] =	wrdreg $0xFFFFFFFF;
	(pc) =	sbr.abs _section_cstart, $3  }
0xc0: {  	[dreg:$0x1] =	wrdreg $0xFFFFFFFF  }
0xc1: {  	_ =	task.clear_ibuf [dreg:s6], $0x2FFFF;
	_ =	strace $0x9FFFFFFF  }
0xc2: {  	(tm) =	ssettm $0x7FFFFFFF  }
0xc3: {  	_ =	shalt  }
tec
execute0_lowered:
.L_overlay_start_1:
0x0: {  	(tag) =	ssettag $0x1  }
0x1: {  	s0 =	rddreg [dreg:$0x0]  }
0x2: {  	s13 =	stileid.u32;
	s1 =	srdreg.scid  }
0x3: {  	s4 =	rddreg [dreg:$0x1];
	s2 =	simm.s32 $0x0;
	s31 =	simm.s32 $0x5  }
0x4: {  	s17 =	simm.s32 $0x1DC00;
	s16 =	simm.s32 $0x1E480;
	s5 =	smul.u32 $0x1400, s13  }
0x5: {  	s14 =	simm.s32 $0x1E880;
	s28 =	simm.s32 $0x1EA80;
	s7 =	smul.u32 $0x278, s13  }
0x6: {  	s15 =	simm.s32 $0x1EB00;
	s29 =	simm.s32 $0x1EB80;
	s8 =	smul.u32 $0x4F000, s13  }
0x7: {  	s1 =	sand.u32 $0x1, s1;
	[smem:$0x7FF] =	sst s2;
	s11 =	smul.u32 $0xA, s13  }
0x8: {  	s3 =	sadd.s32 $0x1C00, s0;
	s9 =	sadd.s32 $0x1EA800, s0;
	s6 =	smul.u32 $0x2780, s1  }
0x9: {  	s21 =	sshll.u32 s13, $0x6;
	s13 =	simm.s32 $0x1E800;
	s18 =	smul.u32 $0xA0, s1  }
0xa: {  	_ =	strace $0x80000047;
	s10 =	ssub.s32 $0x2, s1;
	s1 =	smul.u32 $0x14000, s1  }
0xb: {  	s30 =	sor.u32 $0x1C05, s21;
	s21 =	simm.s32 $0x13C00;
	s12 =	sadd.s32 s5, s0  }
0xc: {  	s19 =	sshrl.u32 s10, $0x1;
	s8 =	sshrl.u32 s8, $0x2;
	[dreg:$0x5] =	wrdreg s30  }
0xd: {  	s6 =	sadd.s32 s7, s6;
	s7 =	sadd.s32 s11, s18;
	s4 =	sadd.s32 s8, s4  }
0xe: {  	s24 =	sadd.s32 $0x50000, s12;
	s25 =	sadd.s32 s1, s9;
	s8 =	simm.s32 $0x1E580  }
0xf: {  	s11 =	simm.s32 $0x1E680;
	s18 =	simm.s32 $0x1E900;
	s6 =	sshll.u32 s6, $0x4  }
0x10: {  	s7 =	sshll.u32 s7, $0x9;
	[dreg:$0x7] =	wrdreg s24;
	s1 =	sshrl.u32 s4, $0x3  }
0x11: {  	s24 =	simm.s32 $0x1;
	s4 =	simm.s32 $0x1E500;
	s0 =	sadd.s32 s6, s0  }
0x12: {  	s6 =	ssub.s32 s10, s19;
	s22 =	sadd.s32 s9, s7;
	s7 =	sadd.s32 $0x4FE00, s12  }
0x13: {  	s12 =	sadd.s32 s5, s25;
	s19 =	simm.s32 $0x3;
	s9 =	simm.s32 $0x4  }
0x14: {  	s10 =	simm.s32 $0x1E600;
	s5 =	simm.s32 $0x1E700;
	[dreg:$0xa] =	wrdreg s1  }
0x15: {  	s25 =	simm.s32 $0x1EA00;
	s20 =	sadd.s32 $0x63E00, s0;
	[dreg:$0x4] =	wrdreg s22  }
.Ltmp0:
0x16: {  	s23 =	sadd.s32 $0x200, s22;
	[dreg:$0x3] =	wrdreg s20;
	(pc) =	sbr.rel .LBB2_1-.Ltmp0, $4  }
0x17: {  	s0 =	sadd.s32 $0xB2E00, s0;
	s26 =	smax.u32 s6, $0x1;
	[dreg:$0x6] =	wrdreg s23  }
0x18: {  	s6 =	simm.s32 $0x1E780;
	s22 =	simm.s32 $0x1E980;
	[dreg:$0x8] =	wrdreg s0  }
0x19: {  	[dreg:$0x9] =	wrdreg s26;
	s20 =	simm.s32 $0x80;
	s0 =	simm.s32 $0x0  }
0x1a: {  	s23 =	simm.s32 $0x17C00;
	s26 =	simm.s32 $0x2;
	[dreg:$0xb] =	wrdreg s0  }
.LBB2_4:
0x1b: {  	[bflag:$0x0] =	sbarrier.arrive $0xFFFF  }
0x1c: {  	s30 =	rddreg [dreg:$0x5]  }
0x1d: {  	s0 =	rddreg [dreg:$0x8]  }
0x1e: {  	s31 =	simm.s32 $0x5;
	s1 =	rddreg [dreg:$0xa]  }
0x1f: {  	[hbm:s0], [sflag:s30] =	dma.local [spmem:s1], $0x2780  }
0x20: {  	_ =	swait.ge [sflag:s31], $0x2780  }
0x21: {  	s16 =	rddreg [dreg:$0xb]  }
0x22: {  	s0 =	rddreg [dreg:$0x9];
	s16 =	sadd.s32 $0x1, s16  }
0x23: {  	p0 =	sne.s32 s16, s0  }
.Ltmp1:
0x24: {  	_ = 	snop;
	(pc) =	sbr.rel @!p0 .LBB2_5-.Ltmp1, $3  }
0x25: {  	_ =	sdelay $0x1  }
0x26: {  	[sflag:s31] =	ssyncset.done $0x0  }
0x27: {  	[sflag:s31] =	ssyncadd.s32 $0xFFFFD880;
	[dreg:$0xb] =	wrdreg s16;
	s16 =	simm.s32 $0x1E480  }
.LBB2_1:
0x28: {  	s0 =	rddreg [dreg:$0x3]  }
0x29: {  	[spmem:s1], [sflag:s30] =	dma.local [hbm:s0], $0x2780  }
0x2a: {  	_ =	swait.ge [sflag:s31], $0x2780  }
0x2b: {  	[sflag:s31] =	ssyncset.done $0x0  }
0x2c: {  	[sflag:s31] =	ssyncadd.s32 $0xFFFFD880  }
0x2d: {  	[bflag:$0x0] =	sbarrier.arrive $0xFFFF  }
0x2e: {  	s31 =	simm.s32 $0x1BC00;
	s1 =	rddreg [dreg:$0x4]  }
0x2f: {  	[tilespmem:s31], [sflag:$0x3] =	stream.linear.gather [hbm4b:s1+s2], $0x1000, $0x38;
	[tilespmem:$0x1FC00] =	vst v63  }
0x30: {  	s1 =	simm.s32 $0x1CC00  }
0x31: {  	[tilespmem:s1], [sflag:$0x3] =	stream.linear.gather [hbm4b:s7+s2], $0x1000, $0x38;
	[tilespmem:$0x1FC00] =	vst v63  }
0x32: {  	s31 =	rddreg [dreg:$0x6]  }
0x33: {  	[tilespmem:s17], [sflag:$0x4] =	stream.linear.gather [hbm4b:s31+s2], $0x1000, $0x38;
	[tilespmem:$0x1FC00] =	vst v63  }
0x34: {  	s30 =	simm.s32 $0x0;
	s1 =	rddreg [dreg:$0x7];
	s31 =	simm.s32 $0x1EC00  }
0x35: {  	[tilespmem:s31], [sflag:$0x4] =	stream.linear.gather [hbm4b:s1+s2], $0x1000, $0x38;
	[tilespmem:$0x1FC00] =	vst v63  }
.LBB2_2:
0x36: {  	_ =	swait.ge [sflag:s19], $0x1000  }
0x37: {  	[sflag:s19] =	ssyncset.done $0x0  }
0x38: {  	[sflag:s19] =	ssyncadd.s32 $0xFFFFF000  }
0x39: {  	_ =	swait.ge [sflag:s19], $0x1000  }
0x3a: {  	[sflag:s19] =	ssyncset.done $0x0  }
0x3b: {  	s0 =	simm.s32 $0x1BC00;
	[sflag:s19] =	ssyncadd.s32 $0xFFFFF000  }
0x3c: {  	[tilespmem:s21], [sflag:$0x1] =	stream.indirect.gather [hbm4b:s3+s20], $0x80, s0, s20, $0xb8;
	[tilespmem:$0x1FC00] =	vst v63  }
0x3d: {  	s31 =	simm.s32 $0x1BC80  }
0x3e: {  	[tilespmem:s23], [sflag:$0x2] =	stream.indirect.gather [hbm4b:s3+s20], $0x80, s31, s20, $0xb8;
	[tilespmem:$0x1FC00] =	vst v63  }
0x3f: {  	_ =	swait.ge [sflag:s24], $0x4000  }
0x40: {  	[sflag:s24] =	ssyncset.done $0x0  }
0x41: {  	s1 =	simm.s32 $0x1BD00;
	[sflag:s24] =	ssyncadd.s32 $0xFFFFC000  }
0x42: {  	[tilespmem:s21], [sflag:$0x1] =	stream.indirect.gather [hbm4b:s3+s20], $0x80, s1, s20, $0xb8;
	[tilespmem:$0x1FC00] =	vst v63  }
0x43: {  	_ =	swait.ge [sflag:s26], $0x4000  }
0x44: {  	[sflag:s26] =	ssyncset.done $0x0  }
0x45: {  	s31 =	simm.s32 $0x1BD80;
	[sflag:s26] =	ssyncadd.s32 $0xFFFFC000  }
0x46: {  	[tilespmem:s23], [sflag:$0x2] =	stream.indirect.gather [hbm4b:s3+s20], $0x80, s31, s20, $0xb8;
	[tilespmem:$0x1FC00] =	vst v63  }
0x47: {  	_ =	swait.ge [sflag:s24], $0x4000  }
0x48: {  	[sflag:s24] =	ssyncset.done $0x0  }
0x49: {  	s1 =	simm.s32 $0x1BE00;
	[sflag:s24] =	ssyncadd.s32 $0xFFFFC000  }
0x4a: {  	[tilespmem:s21], [sflag:$0x1] =	stream.indirect.gather [hbm4b:s3+s20], $0x80, s1, s20, $0xb8;
	[tilespmem:$0x1FC00] =	vst v63  }
0x4b: {  	_ =	swait.ge [sflag:s26], $0x4000  }
0x4c: {  	[sflag:s26] =	ssyncset.done $0x0  }
0x4d: {  	s31 =	simm.s32 $0x1BE80;
	[sflag:s26] =	ssyncadd.s32 $0xFFFFC000  }
0x4e: {  	[tilespmem:s23], [sflag:$0x2] =	stream.indirect.gather [hbm4b:s3+s20], $0x80, s31, s20, $0xb8;
	[tilespmem:$0x1FC00] =	vst v63  }
0x4f: {  	_ =	swait.ge [sflag:s24], $0x4000  }
0x50: {  	[sflag:s24] =	ssyncset.done $0x0  }
0x51: {  	s1 =	simm.s32 $0x1BF00;
	[sflag:s24] =	ssyncadd.s32 $0xFFFFC000  }
0x52: {  	[tilespmem:s21], [sflag:$0x1] =	stream.indirect.gather [hbm4b:s3+s20], $0x80, s1, s20, $0xb8;
	[tilespmem:$0x1FC00] =	vst v63  }
0x53: {  	_ =	swait.ge [sflag:s26], $0x4000  }
0x54: {  	[sflag:s26] =	ssyncset.done $0x0  }
0x55: {  	s31 =	simm.s32 $0x1BF80;
	[sflag:s26] =	ssyncadd.s32 $0xFFFFC000  }
0x56: {  	[tilespmem:s23], [sflag:$0x2] =	stream.indirect.gather [hbm4b:s3+s20], $0x80, s31, s20, $0xb8;
	[tilespmem:$0x1FC00] =	vst v63  }
0x57: {  	_ =	swait.ge [sflag:s24], $0x4000  }
0x58: {  	[sflag:s24] =	ssyncset.done $0x0  }
0x59: {  	s1 =	simm.s32 $0x1C000;
	[sflag:s24] =	ssyncadd.s32 $0xFFFFC000  }
0x5a: {  	[tilespmem:s21], [sflag:$0x1] =	stream.indirect.gather [hbm4b:s3+s20], $0x80, s1, s20, $0xb8;
	[tilespmem:$0x1FC00] =	vst v63  }
0x5b: {  	_ =	swait.ge [sflag:s26], $0x4000  }
0x5c: {  	[sflag:s26] =	ssyncset.done $0x0  }
0x5d: {  	s31 =	simm.s32 $0x1C080;
	[sflag:s26] =	ssyncadd.s32 $0xFFFFC000  }
0x5e: {  	[tilespmem:s23], [sflag:$0x2] =	stream.indirect.gather [hbm4b:s3+s20], $0x80, s31, s20, $0xb8;
	[tilespmem:$0x1FC00] =	vst v63  }
0x5f: {  	_ =	swait.ge [sflag:s24], $0x4000  }
0x60: {  	[sflag:s24] =	ssyncset.done $0x0  }
0x61: {  	s1 =	simm.s32 $0x1C100;
	[sflag:s24] =	ssyncadd.s32 $0xFFFFC000  }
0x62: {  	[tilespmem:s21], [sflag:$0x1] =	stream.indirect.gather [hbm4b:s3+s20], $0x80, s1, s20, $0xb8;
	[tilespmem:$0x1FC00] =	vst v63  }
0x63: {  	_ =	swait.ge [sflag:s26], $0x4000  }
0x64: {  	[sflag:s26] =	ssyncset.done $0x0  }
0x65: {  	s31 =	simm.s32 $0x1C180;
	[sflag:s26] =	ssyncadd.s32 $0xFFFFC000  }
0x66: {  	[tilespmem:s23], [sflag:$0x2] =	stream.indirect.gather [hbm4b:s3+s20], $0x80, s31, s20, $0xb8;
	[tilespmem:$0x1FC00] =	vst v63  }
0x67: {  	_ =	swait.ge [sflag:s24], $0x4000  }
0x68: {  	[sflag:s24] =	ssyncset.done $0x0  }
0x69: {  	s1 =	simm.s32 $0x1C200;
	[sflag:s24] =	ssyncadd.s32 $0xFFFFC000  }
0x6a: {  	[tilespmem:s21], [sflag:$0x1] =	stream.indirect.gather [hbm4b:s3+s20], $0x80, s1, s20, $0xb8;
	[tilespmem:$0x1FC00] =	vst v63  }
0x6b: {  	_ =	swait.ge [sflag:s26], $0x4000  }
0x6c: {  	[sflag:s26] =	ssyncset.done $0x0  }
0x6d: {  	s31 =	simm.s32 $0x1C280;
	[sflag:s26] =	ssyncadd.s32 $0xFFFFC000  }
0x6e: {  	[tilespmem:s23], [sflag:$0x2] =	stream.indirect.gather [hbm4b:s3+s20], $0x80, s31, s20, $0xb8;
	[tilespmem:$0x1FC00] =	vst v63  }
0x6f: {  	_ =	swait.ge [sflag:s24], $0x4000  }
0x70: {  	[sflag:s24] =	ssyncset.done $0x0  }
0x71: {  	s1 =	simm.s32 $0x1C300;
	[sflag:s24] =	ssyncadd.s32 $0xFFFFC000  }
0x72: {  	[tilespmem:s21], [sflag:$0x1] =	stream.indirect.gather [hbm4b:s3+s20], $0x80, s1, s20, $0xb8;
	[tilespmem:$0x1FC00] =	vst v63  }
0x73: {  	_ =	swait.ge [sflag:s26], $0x4000  }
0x74: {  	[sflag:s26] =	ssyncset.done $0x0  }
0x75: {  	s31 =	simm.s32 $0x1C380;
	[sflag:s26] =	ssyncadd.s32 $0xFFFFC000  }
0x76: {  	[tilespmem:s23], [sflag:$0x2] =	stream.indirect.gather [hbm4b:s3+s20], $0x80, s31, s20, $0xb8;
	[tilespmem:$0x1FC00] =	vst v63  }
0x77: {  	_ =	swait.ge [sflag:s24], $0x4000  }
0x78: {  	[sflag:s24] =	ssyncset.done $0x0  }
0x79: {  	s1 =	simm.s32 $0x1C400;
	[sflag:s24] =	ssyncadd.s32 $0xFFFFC000  }
0x7a: {  	[tilespmem:s21], [sflag:$0x1] =	stream.indirect.gather [hbm4b:s3+s20], $0x80, s1, s20, $0xb8;
	[tilespmem:$0x1FC00] =	vst v63  }
0x7b: {  	_ =	swait.ge [sflag:s26], $0x4000  }
0x7c: {  	[sflag:s26] =	ssyncset.done $0x0  }
0x7d: {  	s31 =	simm.s32 $0x1C480;
	[sflag:s26] =	ssyncadd.s32 $0xFFFFC000  }
0x7e: {  	[tilespmem:s23], [sflag:$0x2] =	stream.indirect.gather [hbm4b:s3+s20], $0x80, s31, s20, $0xb8;
	[tilespmem:$0x1FC00] =	vst v63  }
0x7f: {  	_ =	swait.ge [sflag:s24], $0x4000  }
0x80: {  	[sflag:s24] =	ssyncset.done $0x0  }
0x81: {  	s1 =	simm.s32 $0x1C500;
	[sflag:s24] =	ssyncadd.s32 $0xFFFFC000  }
0x82: {  	[tilespmem:s21], [sflag:$0x1] =	stream.indirect.gather [hbm4b:s3+s20], $0x80, s1, s20, $0xb8;
	[tilespmem:$0x1FC00] =	vst v63  }
0x83: {  	_ =	swait.ge [sflag:s26], $0x4000  }
0x84: {  	[sflag:s26] =	ssyncset.done $0x0  }
0x85: {  	s31 =	simm.s32 $0x1C580;
	[sflag:s26] =	ssyncadd.s32 $0xFFFFC000  }
0x86: {  	[tilespmem:s23], [sflag:$0x2] =	stream.indirect.gather [hbm4b:s3+s20], $0x80, s31, s20, $0xb8;
	[tilespmem:$0x1FC00] =	vst v63  }
0x87: {  	_ =	swait.ge [sflag:s24], $0x4000  }
0x88: {  	[sflag:s24] =	ssyncset.done $0x0  }
0x89: {  	s1 =	simm.s32 $0x1C600;
	[sflag:s24] =	ssyncadd.s32 $0xFFFFC000  }
0x8a: {  	[tilespmem:s21], [sflag:$0x1] =	stream.indirect.gather [hbm4b:s3+s20], $0x80, s1, s20, $0xb8;
	[tilespmem:$0x1FC00] =	vst v63  }
0x8b: {  	_ =	swait.ge [sflag:s26], $0x4000  }
0x8c: {  	[sflag:s26] =	ssyncset.done $0x0  }
0x8d: {  	s31 =	simm.s32 $0x1C680;
	[sflag:s26] =	ssyncadd.s32 $0xFFFFC000  }
0x8e: {  	[tilespmem:s23], [sflag:$0x2] =	stream.indirect.gather [hbm4b:s3+s20], $0x80, s31, s20, $0xb8;
	[tilespmem:$0x1FC00] =	vst v63  }
0x8f: {  	_ =	swait.ge [sflag:s24], $0x4000  }
0x90: {  	[sflag:s24] =	ssyncset.done $0x0  }
0x91: {  	s1 =	simm.s32 $0x1C700;
	[sflag:s24] =	ssyncadd.s32 $0xFFFFC000  }
0x92: {  	[tilespmem:s21], [sflag:$0x1] =	stream.indirect.gather [hbm4b:s3+s20], $0x80, s1, s20, $0xb8;
	[tilespmem:$0x1FC00] =	vst v63  }
0x93: {  	_ =	swait.ge [sflag:s26], $0x4000  }
0x94: {  	[sflag:s26] =	ssyncset.done $0x0  }
0x95: {  	s31 =	simm.s32 $0x1C780;
	[sflag:s26] =	ssyncadd.s32 $0xFFFFC000  }
0x96: {  	[tilespmem:s23], [sflag:$0x2] =	stream.indirect.gather [hbm4b:s3+s20], $0x80, s31, s20, $0xb8;
	[tilespmem:$0x1FC00] =	vst v63  }
0x97: {  	_ =	swait.ge [sflag:s24], $0x4000  }
0x98: {  	[sflag:s24] =	ssyncset.done $0x0  }
0x99: {  	s1 =	simm.s32 $0x1C800;
	[sflag:s24] =	ssyncadd.s32 $0xFFFFC000  }
0x9a: {  	[tilespmem:s21], [sflag:$0x1] =	stream.indirect.gather [hbm4b:s3+s20], $0x80, s1, s20, $0xb8;
	[tilespmem:$0x1FC00] =	vst v63  }
0x9b: {  	_ =	swait.ge [sflag:s26], $0x4000  }
0x9c: {  	[sflag:s26] =	ssyncset.done $0x0  }
0x9d: {  	s31 =	simm.s32 $0x1C880;
	[sflag:s26] =	ssyncadd.s32 $0xFFFFC000  }
0x9e: {  	[tilespmem:s23], [sflag:$0x2] =	stream.indirect.gather [hbm4b:s3+s20], $0x80, s31, s20, $0xb8;
	[tilespmem:$0x1FC00] =	vst v63  }
0x9f: {  	_ =	swait.ge [sflag:s24], $0x4000  }
0xa0: {  	[sflag:s24] =	ssyncset.done $0x0  }
0xa1: {  	s1 =	simm.s32 $0x1C900;
	[sflag:s24] =	ssyncadd.s32 $0xFFFFC000  }
0xa2: {  	[tilespmem:s21], [sflag:$0x1] =	stream.indirect.gather [hbm4b:s3+s20], $0x80, s1, s20, $0xb8;
	[tilespmem:$0x1FC00] =	vst v63  }
0xa3: {  	_ =	swait.ge [sflag:s26], $0x4000  }
0xa4: {  	[sflag:s26] =	ssyncset.done $0x0  }
0xa5: {  	s31 =	simm.s32 $0x1C980;
	[sflag:s26] =	ssyncadd.s32 $0xFFFFC000  }
0xa6: {  	[tilespmem:s23], [sflag:$0x2] =	stream.indirect.gather [hbm4b:s3+s20], $0x80, s31, s20, $0xb8;
	[tilespmem:$0x1FC00] =	vst v63  }
0xa7: {  	_ =	swait.ge [sflag:s24], $0x4000  }
0xa8: {  	[sflag:s24] =	ssyncset.done $0x0  }
0xa9: {  	s1 =	simm.s32 $0x1CA00;
	[sflag:s24] =	ssyncadd.s32 $0xFFFFC000  }
0xaa: {  	[tilespmem:s21], [sflag:$0x1] =	stream.indirect.gather [hbm4b:s3+s20], $0x80, s1, s20, $0xb8;
	[tilespmem:$0x1FC00] =	vst v63  }
0xab: {  	_ =	swait.ge [sflag:s26], $0x4000  }
0xac: {  	[sflag:s26] =	ssyncset.done $0x0  }
0xad: {  	s31 =	simm.s32 $0x1CA80;
	[sflag:s26] =	ssyncadd.s32 $0xFFFFC000  }
0xae: {  	[tilespmem:s23], [sflag:$0x2] =	stream.indirect.gather [hbm4b:s3+s20], $0x80, s31, s20, $0xb8;
	[tilespmem:$0x1FC00] =	vst v63  }
0xaf: {  	_ =	swait.ge [sflag:s24], $0x4000  }
0xb0: {  	[sflag:s24] =	ssyncset.done $0x0  }
0xb1: {  	s1 =	simm.s32 $0x1CB00;
	[sflag:s24] =	ssyncadd.s32 $0xFFFFC000  }
0xb2: {  	[tilespmem:s21], [sflag:$0x1] =	stream.indirect.gather [hbm4b:s3+s20], $0x80, s1, s20, $0xb8;
	[tilespmem:$0x1FC00] =	vst v63  }
0xb3: {  	_ =	swait.ge [sflag:s26], $0x4000  }
0xb4: {  	[sflag:s26] =	ssyncset.done $0x0  }
0xb5: {  	s31 =	simm.s32 $0x1CB80;
	[sflag:s26] =	ssyncadd.s32 $0xFFFFC000  }
0xb6: {  	[tilespmem:s23], [sflag:$0x2] =	stream.indirect.gather [hbm4b:s3+s20], $0x80, s31, s20, $0xb8;
	[tilespmem:$0x1FC00] =	vst v63  }
0xb7: {  	_ =	swait.ge [sflag:s24], $0x4000  }
0xb8: {  	[sflag:s24] =	ssyncset.done $0x0  }
0xb9: {  	[sflag:s24] =	ssyncadd.s32 $0xFFFFC000  }
0xba: {  	p0 =	seq.s32 s30, $0x1000;
	_ =	swait.ge [sflag:s26], $0x4000  }
0xbb: {  	s0 =	simm.s32 @!p0 $0x1BC00;
	s31 =	sadd.s32 @!p0 s30, s12;
	[sflag:s26] =	ssyncset.done $0x0  }
0xbc: {  	s1 =	simm.s32 @!p0 $0x0;
	s31 =	sadd.s32 @!p0 $0x400, s31;
	[sflag:s26] =	ssyncadd.s32 $0xFFFFC000  }
0xbd: {  	[tilespmem:s0], [sflag:$0x3] =	stream.linear.gather @!p0 [hbm4b:s31+s1], $0x1000, $0x38;
	[tilespmem:$0x1FC00] =	vst v63  }
0xbe: {  	s0 =	sadd.s32 @!p0 s30, s7  }
0xbf: {  	s31 =	simm.s32 @!p0 $0x1CC00;
	s0 =	sadd.s32 @!p0 $0x400, s0  }
0xc0: {  	[tilespmem:s31], [sflag:$0x3] =	stream.linear.gather @!p0 [hbm4b:s0+s1], $0x1000, $0x38;
	[tilespmem:$0x1FC00] =	vst v63  }
0xc1: {  	_ =	swait.ge [sflag:s9], $0x1000  }
0xc2: {  	[sflag:s9] =	ssyncset.done $0x0  }
0xc3: {  	[sflag:s9] =	ssyncadd.s32 $0xFFFFF000  }
0xc4: {  	_ =	swait.ge [sflag:s9], $0x1000  }
0xc5: {  	[sflag:s9] =	ssyncset.done $0x0  }
0xc6: {  	[sflag:s9] =	ssyncadd.s32 $0xFFFFF000  }
0xc7: {  	[tilespmem:s21], [sflag:$0x1] =	stream.indirect.gather [hbm4b:s3+s20], $0x80, s17, s20, $0xb8;
	[tilespmem:$0x1FC00] =	vst v63  }
0xc8: {  	s1 =	simm.s32 $0x1DC80  }
0xc9: {  	[tilespmem:s23], [sflag:$0x2] =	stream.indirect.gather [hbm4b:s3+s20], $0x80, s1, s20, $0xb8;
	[tilespmem:$0x1FC00] =	vst v63  }
0xca: {  	_ =	swait.ge [sflag:s24], $0x4000  }
0xcb: {  	[sflag:s24] =	ssyncset.done $0x0  }
0xcc: {  	s31 =	simm.s32 $0x1DD00;
	[sflag:s24] =	ssyncadd.s32 $0xFFFFC000  }
0xcd: {  	[tilespmem:s21], [sflag:$0x1] =	stream.indirect.gather [hbm4b:s3+s20], $0x80, s31, s20, $0xb8;
	[tilespmem:$0x1FC00] =	vst v63  }
0xce: {  	_ =	swait.ge [sflag:s26], $0x4000  }
0xcf: {  	[sflag:s26] =	ssyncset.done $0x0  }
0xd0: {  	s1 =	simm.s32 $0x1DD80;
	[sflag:s26] =	ssyncadd.s32 $0xFFFFC000  }
0xd1: {  	[tilespmem:s23], [sflag:$0x2] =	stream.indirect.gather [hbm4b:s3+s20], $0x80, s1, s20, $0xb8;
	[tilespmem:$0x1FC00] =	vst v63  }
0xd2: {  	_ =	swait.ge [sflag:s24], $0x4000  }
0xd3: {  	[sflag:s24] =	ssyncset.done $0x0  }
0xd4: {  	s31 =	simm.s32 $0x1DE00;
	[sflag:s24] =	ssyncadd.s32 $0xFFFFC000  }
0xd5: {  	[tilespmem:s21], [sflag:$0x1] =	stream.indirect.gather [hbm4b:s3+s20], $0x80, s31, s20, $0xb8;
	[tilespmem:$0x1FC00] =	vst v63  }
0xd6: {  	_ =	swait.ge [sflag:s26], $0x4000  }
0xd7: {  	[sflag:s26] =	ssyncset.done $0x0  }
0xd8: {  	s1 =	simm.s32 $0x1DE80;
	[sflag:s26] =	ssyncadd.s32 $0xFFFFC000  }
0xd9: {  	[tilespmem:s23], [sflag:$0x2] =	stream.indirect.gather [hbm4b:s3+s20], $0x80, s1, s20, $0xb8;
	[tilespmem:$0x1FC00] =	vst v63  }
0xda: {  	_ =	swait.ge [sflag:s24], $0x4000  }
0xdb: {  	[sflag:s24] =	ssyncset.done $0x0  }
0xdc: {  	s31 =	simm.s32 $0x1DF00;
	[sflag:s24] =	ssyncadd.s32 $0xFFFFC000  }
0xdd: {  	[tilespmem:s21], [sflag:$0x1] =	stream.indirect.gather [hbm4b:s3+s20], $0x80, s31, s20, $0xb8;
	[tilespmem:$0x1FC00] =	vst v63  }
0xde: {  	_ =	swait.ge [sflag:s26], $0x4000  }
0xdf: {  	[sflag:s26] =	ssyncset.done $0x0  }
0xe0: {  	s1 =	simm.s32 $0x1DF80;
	[sflag:s26] =	ssyncadd.s32 $0xFFFFC000  }
0xe1: {  	[tilespmem:s23], [sflag:$0x2] =	stream.indirect.gather [hbm4b:s3+s20], $0x80, s1, s20, $0xb8;
	[tilespmem:$0x1FC00] =	vst v63  }
0xe2: {  	_ =	swait.ge [sflag:s24], $0x4000  }
0xe3: {  	[sflag:s24] =	ssyncset.done $0x0  }
0xe4: {  	s31 =	simm.s32 $0x1E000;
	[sflag:s24] =	ssyncadd.s32 $0xFFFFC000  }
0xe5: {  	[tilespmem:s21], [sflag:$0x1] =	stream.indirect.gather [hbm4b:s3+s20], $0x80, s31, s20, $0xb8;
	[tilespmem:$0x1FC00] =	vst v63  }
0xe6: {  	_ =	swait.ge [sflag:s26], $0x4000  }
0xe7: {  	[sflag:s26] =	ssyncset.done $0x0  }
0xe8: {  	s1 =	simm.s32 $0x1E080;
	[sflag:s26] =	ssyncadd.s32 $0xFFFFC000  }
0xe9: {  	[tilespmem:s23], [sflag:$0x2] =	stream.indirect.gather [hbm4b:s3+s20], $0x80, s1, s20, $0xb8;
	[tilespmem:$0x1FC00] =	vst v63  }
0xea: {  	_ =	swait.ge [sflag:s24], $0x4000  }
0xeb: {  	[sflag:s24] =	ssyncset.done $0x0  }
0xec: {  	s31 =	simm.s32 $0x1E100;
	[sflag:s24] =	ssyncadd.s32 $0xFFFFC000  }
0xed: {  	[tilespmem:s21], [sflag:$0x1] =	stream.indirect.gather [hbm4b:s3+s20], $0x80, s31, s20, $0xb8;
	[tilespmem:$0x1FC00] =	vst v63  }
0xee: {  	_ =	swait.ge [sflag:s26], $0x4000  }
0xef: {  	[sflag:s26] =	ssyncset.done $0x0  }
0xf0: {  	s1 =	simm.s32 $0x1E180;
	[sflag:s26] =	ssyncadd.s32 $0xFFFFC000  }
0xf1: {  	[tilespmem:s23], [sflag:$0x2] =	stream.indirect.gather [hbm4b:s3+s20], $0x80, s1, s20, $0xb8;
	[tilespmem:$0x1FC00] =	vst v63  }
0xf2: {  	_ =	swait.ge [sflag:s24], $0x4000  }
0xf3: {  	[sflag:s24] =	ssyncset.done $0x0  }
0xf4: {  	s31 =	simm.s32 $0x1E200;
	[sflag:s24] =	ssyncadd.s32 $0xFFFFC000  }
0xf5: {  	[tilespmem:s21], [sflag:$0x1] =	stream.indirect.gather [hbm4b:s3+s20], $0x80, s31, s20, $0xb8;
	[tilespmem:$0x1FC00] =	vst v63  }
0xf6: {  	_ =	swait.ge [sflag:s26], $0x4000  }
0xf7: {  	[sflag:s26] =	ssyncset.done $0x0  }
0xf8: {  	s1 =	simm.s32 $0x1E280;
	[sflag:s26] =	ssyncadd.s32 $0xFFFFC000  }
0xf9: {  	[tilespmem:s23], [sflag:$0x2] =	stream.indirect.gather [hbm4b:s3+s20], $0x80, s1, s20, $0xb8;
	[tilespmem:$0x1FC00] =	vst v63  }
0xfa: {  	_ =	swait.ge [sflag:s24], $0x4000  }
0xfb: {  	[sflag:s24] =	ssyncset.done $0x0  }
0xfc: {  	s31 =	simm.s32 $0x1E300;
	[sflag:s24] =	ssyncadd.s32 $0xFFFFC000  }
0xfd: {  	[tilespmem:s21], [sflag:$0x1] =	stream.indirect.gather [hbm4b:s3+s20], $0x80, s31, s20, $0xb8;
	[tilespmem:$0x1FC00] =	vst v63  }
0xfe: {  	_ =	swait.ge [sflag:s26], $0x4000  }
0xff: {  	[sflag:s26] =	ssyncset.done $0x0  }
0x100: {  	s1 =	simm.s32 $0x1E380;
	[sflag:s26] =	ssyncadd.s32 $0xFFFFC000  }
0x101: {  	[tilespmem:s23], [sflag:$0x2] =	stream.indirect.gather [hbm4b:s3+s20], $0x80, s1, s20, $0xb8;
	[tilespmem:$0x1FC00] =	vst v63  }
0x102: {  	_ =	swait.ge [sflag:s24], $0x4000  }
0x103: {  	[sflag:s24] =	ssyncset.done $0x0  }
0x104: {  	s31 =	simm.s32 $0x1E400;
	[sflag:s24] =	ssyncadd.s32 $0xFFFFC000  }
0x105: {  	[tilespmem:s21], [sflag:$0x1] =	stream.indirect.gather [hbm4b:s3+s20], $0x80, s31, s20, $0xb8;
	[tilespmem:$0x1FC00] =	vst v63  }
0x106: {  	_ =	swait.ge [sflag:s26], $0x4000  }
0x107: {  	[sflag:s26] =	ssyncset.done $0x0  }
0x108: {  	[sflag:s26] =	ssyncadd.s32 $0xFFFFC000  }
0x109: {  	[tilespmem:s23], [sflag:$0x2] =	stream.indirect.gather [hbm4b:s3+s20], $0x80, s16, s20, $0xb8;
	[tilespmem:$0x1FC00] =	vst v63  }
0x10a: {  	_ =	swait.ge [sflag:s24], $0x4000  }
0x10b: {  	[sflag:s24] =	ssyncset.done $0x0  }
0x10c: {  	[sflag:s24] =	ssyncadd.s32 $0xFFFFC000  }
0x10d: {  	[tilespmem:s21], [sflag:$0x1] =	stream.indirect.gather [hbm4b:s3+s20], $0x80, s4, s20, $0xb8;
	[tilespmem:$0x1FC00] =	vst v63  }
0x10e: {  	_ =	swait.ge [sflag:s26], $0x4000  }
0x10f: {  	[sflag:s26] =	ssyncset.done $0x0  }
0x110: {  	[sflag:s26] =	ssyncadd.s32 $0xFFFFC000  }
0x111: {  	[tilespmem:s23], [sflag:$0x2] =	stream.indirect.gather [hbm4b:s3+s20], $0x80, s8, s20, $0xb8;
	[tilespmem:$0x1FC00] =	vst v63  }
0x112: {  	_ =	swait.ge [sflag:s24], $0x4000  }
0x113: {  	[sflag:s24] =	ssyncset.done $0x0  }
0x114: {  	[sflag:s24] =	ssyncadd.s32 $0xFFFFC000  }
0x115: {  	[tilespmem:s21], [sflag:$0x1] =	stream.indirect.gather [hbm4b:s3+s20], $0x80, s10, s20, $0xb8;
	[tilespmem:$0x1FC00] =	vst v63  }
0x116: {  	_ =	swait.ge [sflag:s26], $0x4000  }
0x117: {  	[sflag:s26] =	ssyncset.done $0x0  }
0x118: {  	[sflag:s26] =	ssyncadd.s32 $0xFFFFC000  }
0x119: {  	[tilespmem:s23], [sflag:$0x2] =	stream.indirect.gather [hbm4b:s3+s20], $0x80, s11, s20, $0xb8;
	[tilespmem:$0x1FC00] =	vst v63  }
0x11a: {  	_ =	swait.ge [sflag:s24], $0x4000  }
0x11b: {  	[sflag:s24] =	ssyncset.done $0x0  }
0x11c: {  	[sflag:s24] =	ssyncadd.s32 $0xFFFFC000  }
0x11d: {  	[tilespmem:s21], [sflag:$0x1] =	stream.indirect.gather [hbm4b:s3+s20], $0x80, s5, s20, $0xb8;
	[tilespmem:$0x1FC00] =	vst v63  }
0x11e: {  	_ =	swait.ge [sflag:s26], $0x4000  }
0x11f: {  	[sflag:s26] =	ssyncset.done $0x0  }
0x120: {  	[sflag:s26] =	ssyncadd.s32 $0xFFFFC000  }
0x121: {  	[tilespmem:s23], [sflag:$0x2] =	stream.indirect.gather [hbm4b:s3+s20], $0x80, s6, s20, $0xb8;
	[tilespmem:$0x1FC00] =	vst v63  }
0x122: {  	_ =	swait.ge [sflag:s24], $0x4000  }
0x123: {  	[sflag:s24] =	ssyncset.done $0x0  }
0x124: {  	[sflag:s24] =	ssyncadd.s32 $0xFFFFC000  }
0x125: {  	[tilespmem:s21], [sflag:$0x1] =	stream.indirect.gather [hbm4b:s3+s20], $0x80, s13, s20, $0xb8;
	[tilespmem:$0x1FC00] =	vst v63  }
0x126: {  	_ =	swait.ge [sflag:s26], $0x4000  }
0x127: {  	[sflag:s26] =	ssyncset.done $0x0  }
0x128: {  	[sflag:s26] =	ssyncadd.s32 $0xFFFFC000  }
0x129: {  	[tilespmem:s23], [sflag:$0x2] =	stream.indirect.gather [hbm4b:s3+s20], $0x80, s14, s20, $0xb8;
	[tilespmem:$0x1FC00] =	vst v63  }
0x12a: {  	_ =	swait.ge [sflag:s24], $0x4000  }
0x12b: {  	[sflag:s24] =	ssyncset.done $0x0  }
0x12c: {  	[sflag:s24] =	ssyncadd.s32 $0xFFFFC000  }
0x12d: {  	[tilespmem:s21], [sflag:$0x1] =	stream.indirect.gather [hbm4b:s3+s20], $0x80, s18, s20, $0xb8;
	[tilespmem:$0x1FC00] =	vst v63  }
0x12e: {  	_ =	swait.ge [sflag:s26], $0x4000  }
0x12f: {  	[sflag:s26] =	ssyncset.done $0x0  }
0x130: {  	[sflag:s26] =	ssyncadd.s32 $0xFFFFC000  }
0x131: {  	[tilespmem:s23], [sflag:$0x2] =	stream.indirect.gather [hbm4b:s3+s20], $0x80, s22, s20, $0xb8;
	[tilespmem:$0x1FC00] =	vst v63  }
0x132: {  	_ =	swait.ge [sflag:s24], $0x4000  }
0x133: {  	[sflag:s24] =	ssyncset.done $0x0  }
0x134: {  	[sflag:s24] =	ssyncadd.s32 $0xFFFFC000  }
0x135: {  	[tilespmem:s21], [sflag:$0x1] =	stream.indirect.gather [hbm4b:s3+s20], $0x80, s25, s20, $0xb8;
	[tilespmem:$0x1FC00] =	vst v63  }
0x136: {  	_ =	swait.ge [sflag:s26], $0x4000  }
0x137: {  	[sflag:s26] =	ssyncset.done $0x0  }
0x138: {  	[sflag:s26] =	ssyncadd.s32 $0xFFFFC000  }
0x139: {  	[tilespmem:s23], [sflag:$0x2] =	stream.indirect.gather [hbm4b:s3+s20], $0x80, s28, s20, $0xb8;
	[tilespmem:$0x1FC00] =	vst v63  }
0x13a: {  	_ =	swait.ge [sflag:s24], $0x4000  }
0x13b: {  	[sflag:s24] =	ssyncset.done $0x0  }
0x13c: {  	[sflag:s24] =	ssyncadd.s32 $0xFFFFC000  }
0x13d: {  	[tilespmem:s21], [sflag:$0x1] =	stream.indirect.gather [hbm4b:s3+s20], $0x80, s15, s20, $0xb8;
	[tilespmem:$0x1FC00] =	vst v63  }
0x13e: {  	_ =	swait.ge [sflag:s26], $0x4000  }
0x13f: {  	[sflag:s26] =	ssyncset.done $0x0  }
0x140: {  	[sflag:s26] =	ssyncadd.s32 $0xFFFFC000  }
0x141: {  	[tilespmem:s23], [sflag:$0x2] =	stream.indirect.gather [hbm4b:s3+s20], $0x80, s29, s20, $0xb8;
	[tilespmem:$0x1FC00] =	vst v63  }
0x142: {  	_ =	swait.ge [sflag:s24], $0x4000  }
.Ltmp2:
0x143: {  	[sflag:s24] =	ssyncset.done $0x0;
	(pc) =	sbr.rel @p0 .LBB2_4-.Ltmp2, $4  }
0x144: {  	[sflag:s24] =	ssyncadd.s32 $0xFFFFC000  }
0x145: {  	_ =	swait.ge [sflag:s26], $0x4000  }
0x146: {  	[sflag:s26] =	ssyncset.done $0x0  }
0x147: {  	[sflag:s26] =	ssyncadd.s32 $0xFFFFC000  }
.Ltmp3:
0x148: {  	s0 =	sadd.s32 s30, s12;
	(pc) =	sbr.rel .LBB2_2-.Ltmp3, $4  }
0x149: {  	s31 =	sadd.s32 s30, s7;
	s0 =	sadd.s32 $0x600, s0  }
0x14a: {  	[tilespmem:s17], [sflag:$0x4] =	stream.linear.gather [hbm4b:s0+s2], $0x1000, $0x38;
	[tilespmem:$0x1FC00] =	vst v63  }
0x14b: {  	s1 =	simm.s32 $0x1EC00;
	s30 =	sadd.s32 $0x400, s30;
	s0 =	sadd.s32 $0x600, s31  }
0x14c: {  	[tilespmem:s1], [sflag:$0x4] =	stream.linear.gather [hbm4b:s0+s2], $0x1000, $0x38;
	[tilespmem:$0x1FC00] =	vst v63  }
.LBB2_5:
0x14d: {  	_ =	sfence.sel $0x180000  }
0x14e: {  	[bflag:$0x0] =	sbarrier.arrive $0xFFFF  }
0x14f: {  	_ =	strace $0x90000047  }
0x150: {  	s0 =	stileid.u32;
	[bflag:$0x2] =	sbarrier.arrive $0xFFFF  }
0x151: {  	p0 =	sne.s32 s0, $0x0;
	s0 =	rddreg [dreg:$0x2]  }
0x152: {  	s0 =	sadd.s32 @!p0 $0x100000, s0  }
0x153: {  	[sflag:s0] =	ssyncadd.tile.s32 @!p0 $0x1;
	_ =	shalt  }
.Lfunc_end2:
_tile_overlayer_lowered:
.L_overlay_start_2:
0x154: {  	(tag) =	ssettag $0x2  }
0x155: {  	s0 =	rddreg [dreg:$0x0];
	s2 =	stileid.u32  }
0x156: {  	s1 =	rddreg [dreg:$0x1];
	p0 =	sne.s32 s2, $0x0  }
0x157: {  	s3 =	rddreg [dreg:$0x2];
	[bflag:$0x3] =	sbarrier.arrive $0xFFFF;
	s2 =	simm.s32 @!p0 $0x1C05  }
0x158: {  	[timem:s3], [sflag:s2] =	dma.local @!p0 [hbm:s0], s1  }
0x159: {  	s0 =	simm.s32 @!p0 $0x5  }
0x15a: {  	_ =	swait.ge @!p0 [sflag:s0], s1  }
0x15b: {  	s1 =	ssub.s32 @!p0 $0x0, s1;
	[sflag:s0] =	ssyncset.done @!p0 $0x0  }
0x15c: {  	[sflag:s0] =	ssyncadd.s32 @!p0 s1  }
0x15d: {  	[bflag:$0x3] =	sbarrier.arrive $0xFFFF  }
0x15e: {  	_ =	shalt  }

</sc_bundles>
